<compile_context>
chip_gen: v7x
topology: tpu7x:2x2x1
jax: 0.10.2.dev20260603
libtpu: 0.0.44.dev20260713+nightly
codegen_flags: <defaults>
</compile_context>

<pallas_src>
import functools

import jax
import jax.numpy as jnp
from jax import lax
from jax.experimental import pallas as pl
from jax.experimental.pallas import tpu as pltpu
from jax.experimental.pallas import tpu_sc as plsc

_N = 10000
_E = 320000
_D = 128
_G = 64

_NC = 2
_NS = 16
_NW = _NC * _NS
_EP = _E // _NW
_C = 40
_NCH = _EP // _C
_NBUF = 5
_CD = 80
_NCHD = _EP // _CD
_NBD = 5
_RT = 632
_NP = _NS * _RT
_RTD = 640
_NPD = _NS * _RTD

_BS = 2000
_NB = _N // _BS


def _sc_mesh():
    return plsc.VectorSubcoreMesh(
        core_axis_name="c", subcore_axis_name="s",
        num_cores=_NC, num_subcores=_NS)



def _sc_degree(dst3):

    @functools.partial(
        pl.kernel, mesh=_sc_mesh(),
        out_type=jax.ShapeDtypeStruct((_NC, _NS, _RTD), jnp.float32),
        scratch_types=[
            pltpu.VMEM((_NCHD, _CD), jnp.int32),
            pltpu.VMEM((_CD,), jnp.float32),
            pltpu.VMEM((_RTD,), jnp.float32),
            pltpu.VMEM_SHARED((_NPD,), jnp.float32),
        ] + [pltpu.SemaphoreType.DMA for _ in range(_NBD)],
    )
    def k(dst_hbm, out_hbm, didx, ones_v, zb, acc, *sems):
        cid = lax.axis_index("c")
        sid = lax.axis_index("s")
        wid = sid * _NC + cid
        pltpu.sync_copy(dst_hbm.at[wid], didx)

        def fill_ones(i, _):
            ones_v[pl.ds(i * 16, 16)] = jnp.ones((16,), jnp.float32)
            return 0
        lax.fori_loop(0, _CD // 16, fill_ones, 0)

        def fill_zeros(i, _):
            zb[pl.ds(i * 16, 16)] = jnp.zeros((16,), jnp.float32)
            return 0
        lax.fori_loop(0, _RTD // 16, fill_zeros, 0)

        base = sid * _RTD
        pltpu.sync_copy(zb, acc.at[pl.ds(base, _RTD)])
        plsc.subcore_barrier()

        def scat(j, b):
            return pltpu.make_async_copy(ones_v, acc.at[didx.at[j]], sems[b])

        for b in range(_NBD):
            scat(b, b).start(add=True)

        def step(t, _):
            for b in range(_NBD):
                scat(t * _NBD + b - _NBD, b).wait()
                scat(t * _NBD + b, b).start(add=True)
            return 0
        lax.fori_loop(1, _NCHD // _NBD, step, 0)
        for b in range(_NBD):
            scat(_NCHD - _NBD + b, b).wait()

        plsc.subcore_barrier()
        pltpu.sync_copy(acc.at[pl.ds(base, _RTD)], out_hbm.at[cid, sid])

    return k(dst3).reshape(_NC, _NPD)


def _sc_propagate(u, src2, dst2):

    @functools.partial(
        pl.kernel, mesh=_sc_mesh(),
        out_type=jax.ShapeDtypeStruct((_NC, _NS, _RT, _D), jnp.float32),
        scratch_types=[
            pltpu.VMEM((_EP,), jnp.int32),
            pltpu.VMEM((_EP,), jnp.int32),
            pltpu.VMEM_SHARED((_NP, _D), jnp.float32),
        ] + [pltpu.VMEM((_C, _D), jnp.float32) for _ in range(_NBUF)]
          + [pltpu.SemaphoreType.DMA for _ in range(2 * _NBUF)],
    )
    def k(u_hbm, src_hbm, dst_hbm, out_hbm, sidx, didx, acc, *bufs_sems):
        rows = bufs_sems[:_NBUF]
        sems = bufs_sems[_NBUF:2 * _NBUF]
        ssem = bufs_sems[2 * _NBUF:]
        cid = lax.axis_index("c")
        sid = lax.axis_index("s")
        wid = sid * _NC + cid
        pltpu.sync_copy(src_hbm.at[wid], sidx)
        pltpu.sync_copy(dst_hbm.at[wid], didx)

        def gather(j, b):
            return pltpu.make_async_copy(
                u_hbm.at[sidx.at[pl.ds(j * _C, _C)]], rows[b], sems[b])

        def scat(j, b):
            return pltpu.make_async_copy(
                rows[b], acc.at[didx.at[pl.ds(j * _C, _C)]], ssem[b])

        def zr(i, _):
            for kk in range(_D // 16):
                rows[0][i, pl.ds(kk * 16, 16)] = jnp.zeros((16,), jnp.float32)
            return 0
        lax.fori_loop(0, _C, zr, 0)

        base = sid * _RT
        _zc = (_C // 8) * 8

        def zslice(t, _):
            pltpu.sync_copy(rows[0].at[pl.ds(0, _zc)],
                            acc.at[pl.ds(base + t * _zc, _zc)])
            return 0
        lax.fori_loop(0, _RT // _zc, zslice, 0)
        _rem = _RT % _zc
        if _rem:
            pltpu.sync_copy(rows[0].at[pl.ds(0, _rem)],
                            acc.at[pl.ds(base + (_RT // _zc) * _zc, _rem)])
        plsc.subcore_barrier()

        for b in range(_NBUF - 1):
            gather(b, b).start()

        gather(0, 0).wait()
        scat(0, 0).start(add=True)
        gather(_NBUF - 1, _NBUF - 1).start()
        for j in range(1, _NBUF):
            gather(j, j).wait()
            scat(j, j).start(add=True)
            bp = (j - 1) % _NBUF
            scat(j - 1, bp).wait()
            gather(j + _NBUF - 1, bp).start()

        def step(t, _):
            j0 = t * _NBUF
            for b in range(_NBUF):
                j = j0 + b
                gather(j, b).wait()
                scat(j, b).start(add=True)
                bp = (b - 1) % _NBUF
                scat(j - 1, bp).wait()
                gather(j + _NBUF - 1, bp).start()
            return 0
        lax.fori_loop(1, _NCH // _NBUF - 1, step, 0)

        jl = _NCH - _NBUF
        gather(jl, jl % _NBUF).wait()
        scat(jl, jl % _NBUF).start(add=True)
        bp = (jl - 1) % _NBUF
        scat(jl - 1, bp).wait()
        gather(jl + _NBUF - 1, bp).start()
        for j in range(jl + 1, _NCH):
            b = j % _NBUF
            gather(j, b).wait()
            scat(j, b).start(add=True)
        for j in range(jl, _NCH):
            scat(j, j % _NBUF).wait()

        plsc.subcore_barrier()
        pltpu.sync_copy(acc.at[pl.ds(base, _RT)], out_hbm.at[cid, sid])

    return k(u, src2, dst2).reshape(_NC, _NP, _D)



def _prep_body(x_ref, w_ref, dp_ref, u_ref, inv_ref):
    deg = jnp.sum(dp_ref[...], axis=1, keepdims=True) + 1.0
    inv = lax.rsqrt(deg)
    inv_ref[...] = inv
    u_ref[...] = jnp.dot(x_ref[...], w_ref[...],
                         preferred_element_type=jnp.float32) * inv


def _tc_prep(x, W, degp_t):
    return pl.pallas_call(
        _prep_body,
        grid=(_NB,),
        in_specs=[
            pl.BlockSpec((_BS, _D), lambda i: (i, 0)),
            pl.BlockSpec((_D, _D), lambda i: (0, 0)),
            pl.BlockSpec((_BS, _NC), lambda i: (i, 0)),
        ],
        out_specs=[
            pl.BlockSpec((_BS, _D), lambda i: (i, 0)),
            pl.BlockSpec((_BS, 1), lambda i: (i, 0)),
        ],
        out_shape=[
            jax.ShapeDtypeStruct((_N, _D), jnp.float32),
            jax.ShapeDtypeStruct((_N, 1), jnp.float32),
        ],
    )(x, W, degp_t)


def _z_stats_phase(h_ref, u_ref, inv_ref, z_ref, st_ref, i):
    z = (h_ref[0] + h_ref[1] + u_ref[...]) * inv_ref[...]
    z_ref[pl.ds(i * _BS, _BS)] = z
    s1 = jnp.sum(z, axis=0, keepdims=True)
    s2 = jnp.sum(z * z, axis=0, keepdims=True)
    blk = jnp.concatenate([s1, s2], axis=0)

    @pl.when(i == 0)
    def _():
        st_ref[...] = blk

    @pl.when(i != 0)
    def _():
        st_ref[...] += blk


def _bn_relu_phase(z_ref, st_ref, g_ref, be_ref, i):
    z = z_ref[pl.ds(i * _BS, _BS)]
    mean = st_ref[0:1] * (1.0 / _N)
    var = st_ref[1:2] * (1.0 / _N) - mean * mean
    a = lax.rsqrt(var + 1e-5) * g_ref[...]
    return jnp.maximum((z - mean) * a + be_ref[...], 0.0)


def _layer_body(h_ref, u_ref, inv_ref, g_ref, be_ref, w_ref, out_ref,
                z_ref, st_ref):
    p = pl.program_id(0)
    i = pl.program_id(1)

    @pl.when(p == 0)
    def _():
        _z_stats_phase(h_ref, u_ref, inv_ref, z_ref, st_ref, i)

    @pl.when(p == 1)
    def _():
        y = _bn_relu_phase(z_ref, st_ref, g_ref, be_ref, i)
        out_ref[...] = jnp.dot(
            y, w_ref[...], preferred_element_type=jnp.float32) * inv_ref[...]


def _tc_layer(h, u, inv, gamma, beta, Wn):
    return pl.pallas_call(
        _layer_body,
        grid=(2, _NB),
        in_specs=[
            pl.BlockSpec((_NC, _BS, _D), lambda p, i: (0, i * (1 - p), 0)),
            pl.BlockSpec((_BS, _D), lambda p, i: (i * (1 - p), 0)),
            pl.BlockSpec((_BS, 1), lambda p, i: (i, 0)),
            pl.BlockSpec((1, _D), lambda p, i: (0, 0)),
            pl.BlockSpec((1, _D), lambda p, i: (0, 0)),
            pl.BlockSpec((_D, _D), lambda p, i: (0, 0)),
        ],
        out_specs=pl.BlockSpec((_BS, _D), lambda p, i: (i * p, 0)),
        out_shape=jax.ShapeDtypeStruct((_N, _D), jnp.float32),
        scratch_shapes=[
            pltpu.VMEM((_N, _D), jnp.float32),
            pltpu.VMEM((2, _D), jnp.float32),
        ],
    )(h, u, inv, gamma.reshape(1, _D), beta.reshape(1, _D), Wn)


def _poolf_body(h_ref, u_ref, inv_ref, g_ref, be_ref, b_ref, w_ref, bo_ref,
                out_ref, z_ref, st_ref, acc_ref):
    p = pl.program_id(0)
    i = pl.program_id(1)

    @pl.when(p == 0)
    def _():
        _z_stats_phase(h_ref, u_ref, inv_ref, z_ref, st_ref, i)

    @pl.when(p == 1)
    def _():
        y = _bn_relu_phase(z_ref, st_ref, g_ref, be_ref, i)
        seg = lax.broadcasted_iota(jnp.int32, (_BS, _G), 1)
        onehot = (b_ref[...] == seg).astype(jnp.float32)
        part = lax.dot_general(onehot, y, (((0,), (0,)), ((), ())),
                               preferred_element_type=jnp.float32)

        @pl.when(i == 0)
        def _():
            acc_ref[...] = part

        @pl.when(i != 0)
        def _():
            acc_ref[...] += part

        @pl.when(i == _NB - 1)
        def _():
            out_ref[...] = jnp.dot(
                acc_ref[...], w_ref[...],
                preferred_element_type=jnp.float32) + bo_ref[...]


def _tc_poolf(h, u, inv, gamma, beta, batch, Wout, bout):
    return pl.pallas_call(
        _poolf_body,
        grid=(2, _NB),
        in_specs=[
            pl.BlockSpec((_NC, _BS, _D), lambda p, i: (0, i * (1 - p), 0)),
            pl.BlockSpec((_BS, _D), lambda p, i: (i * (1 - p), 0)),
            pl.BlockSpec((_BS, 1), lambda p, i: (i, 0)),
            pl.BlockSpec((1, _D), lambda p, i: (0, 0)),
            pl.BlockSpec((1, _D), lambda p, i: (0, 0)),
            pl.BlockSpec((_BS, 1), lambda p, i: (i, 0)),
            pl.BlockSpec((_D, _D), lambda p, i: (0, 0)),
            pl.BlockSpec((1, _D), lambda p, i: (0, 0)),
        ],
        out_specs=pl.BlockSpec((_G, _D), lambda p, i: (0, 0)),
        out_shape=jax.ShapeDtypeStruct((_G, _D), jnp.float32),
        scratch_shapes=[
            pltpu.VMEM((_N, _D), jnp.float32),
            pltpu.VMEM((2, _D), jnp.float32),
            pltpu.VMEM((_G, _D), jnp.float32),
        ],
    )(h, u, inv, gamma.reshape(1, _D), beta.reshape(1, _D),
      batch, Wout, bout.reshape(1, _D))



def kernel(x, edge_index, batch, W1, b1, gamma1, beta1, W2, b2, gamma2,
           beta2, W3, b3, gamma3, beta3, Wout, bout):
    x = x.astype(jnp.float32)
    src2 = edge_index[0].reshape(_NW, _EP)
    dst2 = edge_index[1].reshape(_NW, _EP)
    dst3d = edge_index[1].reshape(_NW, _NCHD, _CD)

    degp = _sc_degree(dst3d)
    u, inv = _tc_prep(x, W1, degp.T)

    for gamma, beta, Wn in ((gamma1, beta1, W2), (gamma2, beta2, W3)):
        h = _sc_propagate(u, src2, dst2)
        u = _tc_layer(h, u, inv, gamma, beta, Wn)

    h = _sc_propagate(u, src2, dst2)
    return _tc_poolf(h, u, inv, gamma3, beta3, batch.reshape(_N, 1),
                     Wout, bout)

# --- scband reference (transcript-rebuilt; emitter-appended) ---
"""Pipeline reference for scband-gcnencoder-72284299592044 (READ-ONLY COPY).

The authoritative reference and input builder live on the scoring server;
editing this copy changes nothing except your own understanding.
"""

import jax, jax.numpy as jnp
import numpy as np

N = 10000
E = 320000
D = 128
G = 64

def setup_inputs(seed: int = 0):
    key = jax.random.key(seed)
    ks = jax.random.split(key, 12)
    inp = {}
    inp["x"] = jax.random.normal(ks[0], (N, D), dtype=jnp.float32)
    inp["edge_index"] = jax.random.randint(ks[1], (2, E), 0, N, dtype=jnp.int32)
    inp["batch"] = jnp.sort(jax.random.randint(ks[2], (N,), 0, G, dtype=jnp.int32))
    s = 1.0 / np.sqrt(D)
    for i in range(3):
        inp[f"W{i+1}"] = jax.random.normal(ks[3 + i], (D, D), dtype=jnp.float32) * s
        inp[f"b{i+1}"] = jnp.zeros((D,), dtype=jnp.float32)
        inp[f"gamma{i+1}"] = jnp.ones((D,), dtype=jnp.float32)
        inp[f"beta{i+1}"] = jnp.zeros((D,), dtype=jnp.float32)
    inp["Wout"] = jax.random.normal(ks[6], (D, D), dtype=jnp.float32) * s
    inp["bout"] = jnp.zeros((D,), dtype=jnp.float32)
    return inp

def _gcn_conv(x, src, dst, W, b, n):
    # PyG GCNConv: linear transform, symmetric deg^-1/2 normalization (self-loops already appended)
    xw = x @ W
    deg = jnp.zeros((n,), dtype=jnp.float32).at[dst].add(1.0)
    inv = jax.lax.rsqrt(deg)
    coeff = inv[src] * inv[dst]
    msg = jnp.take(xw, src, axis=0) * coeff[:, None]
    out = jnp.zeros((n, xw.shape[1]), dtype=xw.dtype).at[dst].add(msg)
    return out + b

def _batchnorm(x, gamma, beta):
    mean = jnp.mean(x, axis=0)
    var = jnp.var(x, axis=0)
    return (x - mean) * jax.lax.rsqrt(var + 1e-5) * gamma + beta

def reference(x, edge_index, batch, W1, b1, gamma1, beta1, W2, b2, gamma2, beta2, W3, b3, gamma3, beta3, Wout, bout):
    x = x.astype(jnp.float32)
    loop = jnp.arange(N, dtype=edge_index.dtype)
    src = jnp.concatenate([edge_index[0], loop])
    dst = jnp.concatenate([edge_index[1], loop])
    for (W, b, g, be) in ((W1, b1, gamma1, beta1), (W2, b2, gamma2, beta2), (W3, b3, gamma3, beta3)):
        x = _gcn_conv(x, src, dst, W, b, N)
        x = _batchnorm(x, g, be)
        x = jax.nn.relu(x)
        # dropout p=0.0 -> identity
    pooled = jax.ops.segment_sum(x, batch, num_segments=G)
    return pooled @ Wout + bout

if __name__ == "__main__":
    import jax
    _d = setup_inputs()
    print(jax.jit(kernel)(*tuple(_d.values())))

</pallas_src>

<mosaic_0001>
#map = affine_map<(d0, d1) -> (0, 0)>
#map1 = affine_map<(d0, d1) -> (0, 0, 0, 0)>
module attributes {stable_mosaic.version = 14 : i64} {
  func.func @k(%arg0: i32, %arg1: i32, %arg2: memref<10000x128xf32, #tpu.memory_space<hbm>>, %arg3: memref<32x10000xi32, #tpu.memory_space<hbm>>, %arg4: memref<32x10000xi32, #tpu.memory_space<hbm>>, %arg5: memref<2x16x632x128xf32, #tpu.memory_space<hbm>>, %arg6: memref<10000xi32, #tpu.memory_space<vmem>>, %arg7: memref<10000xi32, #tpu.memory_space<vmem>>, %arg8: memref<10112x128xf32, #tpu.memory_space<vmem_shared>>, %arg9: memref<40x128xf32, #tpu.memory_space<vmem>>, %arg10: memref<40x128xf32, #tpu.memory_space<vmem>>, %arg11: memref<40x128xf32, #tpu.memory_space<vmem>>, %arg12: memref<40x128xf32, #tpu.memory_space<vmem>>, %arg13: memref<40x128xf32, #tpu.memory_space<vmem>>, %arg14: memref<!tpu.dma_semaphore, #tpu.memory_space<semaphore_mem>>, %arg15: memref<!tpu.dma_semaphore, #tpu.memory_space<semaphore_mem>>, %arg16: memref<!tpu.dma_semaphore, #tpu.memory_space<semaphore_mem>>, %arg17: memref<!tpu.dma_semaphore, #tpu.memory_space<semaphore_mem>>, %arg18: memref<!tpu.dma_semaphore, #tpu.memory_space<semaphore_mem>>, %arg19: memref<!tpu.dma_semaphore, #tpu.memory_space<semaphore_mem>>, %arg20: memref<!tpu.dma_semaphore, #tpu.memory_space<semaphore_mem>>, %arg21: memref<!tpu.dma_semaphore, #tpu.memory_space<semaphore_mem>>, %arg22: memref<!tpu.dma_semaphore, #tpu.memory_space<semaphore_mem>>, %arg23: memref<!tpu.dma_semaphore, #tpu.memory_space<semaphore_mem>>) attributes {dimension_semantics = [#tpu.dimension_semantics<core_parallel>, #tpu.dimension_semantics<subcore_parallel>], iteration_bounds = array<i64: 2, 16>, scalar_prefetch = 0 : i64, scratch_operands = 18 : i64, tpu.core_type = #tpu.core_type<sc_vector_subcore>, window_params = [{transform_indices = #map}, {transform_indices = #map}, {transform_indices = #map}, {transform_indices = #map1}]} {
    %mul3A = arith.constant 2 : i32
    %mul3A_0 = arith.muli %arg1, %mul3A : i32
    %add3A = arith.addi %mul3A_0, %arg0 : i32
    "tpu.region"() ({
      %run_scoped3A = tpu.sem_alloc : memref<!tpu.dma_semaphore, #tpu.memory_space<semaphore_mem>>
      %dma_start3A_224 = arith.constant 0 : i32
      %dma_start3A_225 = tpu.memref_slice %arg3[%add3A, %dma_start3A_224] : memref<32x10000xi32, #tpu.memory_space<hbm>> -> memref<1x10000xi32, #tpu.memory_space<hbm>>
      %dma_start3A_226 = tpu.memref_squeeze %dma_start3A_225 : memref<1x10000xi32, #tpu.memory_space<hbm>> -> memref<10000xi32, #tpu.memory_space<hbm>>
      %dma_start3A_227 = arith.constant 0 : i32
      %dma_start3A_228 = tpu.memref_slice %arg3[%add3A, %dma_start3A_227] : memref<32x10000xi32, #tpu.memory_space<hbm>> -> memref<1x10000xi32, #tpu.memory_space<hbm>>
      %dma_start3A_229 = tpu.memref_squeeze %dma_start3A_228 : memref<1x10000xi32, #tpu.memory_space<hbm>> -> memref<10000xi32, #tpu.memory_space<hbm>>
      tpu.enqueue_dma source(%dma_start3A_229 : memref<10000xi32, #tpu.memory_space<hbm>>) target(%arg6 : memref<10000xi32, #tpu.memory_space<vmem>>) target_semaphore(%run_scoped3A : memref<!tpu.dma_semaphore, #tpu.memory_space<semaphore_mem>>)
      %dma_wait3A_230 = arith.constant 0 : i32
      %dma_wait3A_231 = tpu.memref_slice %arg3[%add3A, %dma_wait3A_230] : memref<32x10000xi32, #tpu.memory_space<hbm>> -> memref<1x10000xi32, #tpu.memory_space<hbm>>
      %dma_wait3A_232 = tpu.memref_squeeze %dma_wait3A_231 : memref<1x10000xi32, #tpu.memory_space<hbm>> -> memref<10000xi32, #tpu.memory_space<hbm>>
      %dma_wait3A_233 = arith.constant 0 : i32
      %dma_wait3A_234 = tpu.memref_slice %arg3[%add3A, %dma_wait3A_233] : memref<32x10000xi32, #tpu.memory_space<hbm>> -> memref<1x10000xi32, #tpu.memory_space<hbm>>
      %dma_wait3A_235 = tpu.memref_squeeze %dma_wait3A_234 : memref<1x10000xi32, #tpu.memory_space<hbm>> -> memref<10000xi32, #tpu.memory_space<hbm>>
      tpu.wait_dma2 semaphore(%run_scoped3A : memref<!tpu.dma_semaphore, #tpu.memory_space<semaphore_mem>>) src(%dma_wait3A_235 : memref<10000xi32, #tpu.memory_space<hbm>>) dst(%arg6 : memref<10000xi32, #tpu.memory_space<vmem>>)
      tpu.yield
    }) : () -> ()
    "tpu.region"() ({
      %run_scoped3A = tpu.sem_alloc : memref<!tpu.dma_semaphore, #tpu.memory_space<semaphore_mem>>
      %dma_start3A_224 = arith.constant 0 : i32
      %dma_start3A_225 = tpu.memref_slice %arg4[%add3A, %dma_start3A_224] : memref<32x10000xi32, #tpu.memory_space<hbm>> -> memref<1x10000xi32, #tpu.memory_space<hbm>>
      %dma_start3A_226 = tpu.memref_squeeze %dma_start3A_225 : memref<1x10000xi32, #tpu.memory_space<hbm>> -> memref<10000xi32, #tpu.memory_space<hbm>>
      %dma_start3A_227 = arith.constant 0 : i32
      %dma_start3A_228 = tpu.memref_slice %arg4[%add3A, %dma_start3A_227] : memref<32x10000xi32, #tpu.memory_space<hbm>> -> memref<1x10000xi32, #tpu.memory_space<hbm>>
      %dma_start3A_229 = tpu.memref_squeeze %dma_start3A_228 : memref<1x10000xi32, #tpu.memory_space<hbm>> -> memref<10000xi32, #tpu.memory_space<hbm>>
      tpu.enqueue_dma source(%dma_start3A_229 : memref<10000xi32, #tpu.memory_space<hbm>>) target(%arg7 : memref<10000xi32, #tpu.memory_space<vmem>>) target_semaphore(%run_scoped3A : memref<!tpu.dma_semaphore, #tpu.memory_space<semaphore_mem>>)
      %dma_wait3A_230 = arith.constant 0 : i32
      %dma_wait3A_231 = tpu.memref_slice %arg4[%add3A, %dma_wait3A_230] : memref<32x10000xi32, #tpu.memory_space<hbm>> -> memref<1x10000xi32, #tpu.memory_space<hbm>>
      %dma_wait3A_232 = tpu.memref_squeeze %dma_wait3A_231 : memref<1x10000xi32, #tpu.memory_space<hbm>> -> memref<10000xi32, #tpu.memory_space<hbm>>
      %dma_wait3A_233 = arith.constant 0 : i32
      %dma_wait3A_234 = tpu.memref_slice %arg4[%add3A, %dma_wait3A_233] : memref<32x10000xi32, #tpu.memory_space<hbm>> -> memref<1x10000xi32, #tpu.memory_space<hbm>>
      %dma_wait3A_235 = tpu.memref_squeeze %dma_wait3A_234 : memref<1x10000xi32, #tpu.memory_space<hbm>> -> memref<10000xi32, #tpu.memory_space<hbm>>
      tpu.wait_dma2 semaphore(%run_scoped3A : memref<!tpu.dma_semaphore, #tpu.memory_space<semaphore_mem>>) src(%dma_wait3A_235 : memref<10000xi32, #tpu.memory_space<hbm>>) dst(%arg7 : memref<10000xi32, #tpu.memory_space<vmem>>)
      tpu.yield
    }) : () -> ()
    %scan3A = arith.constant 0 : i32
    %scan3A_1 = arith.constant 0 : i32
    %scan3A_2 = arith.constant 40 : i32
    %scan3A_3 = arith.addi %scan3A_1, %scan3A_2 : i32
    %scan3A_4 = arith.constant 1 : i32
    %scan3A_5 = scf.for %scan3A_224 = %scan3A_1 to %scan3A_3 step %scan3A_4 iter_args(%scan3A_225 = %scan3A) -> (i32)  : i32 {
      %broadcast_in_dim3A = arith.constant 0.000000e+00 : f32
      %broadcast_in_dim3A_226 = vector.broadcast %broadcast_in_dim3A : f32 to vector<16xf32>
      %swap3A = arith.index_cast %scan3A_224 : i32 to index
      %swap3A_227 = arith.constant 0 : index
      %swap3A_228 = tpu.vector_load %arg9[%swap3A, %swap3A_227] {strides = array<i32>} : memref<40x128xf32, #tpu.memory_space<vmem>>, vector<1x16xf32>,
      %swap3A_229 = vector.shape_cast %swap3A_228 : vector<1x16xf32> to vector<16xf32>
      %swap3A_230 = vector.shape_cast %broadcast_in_dim3A_226 : vector<16xf32> to vector<1x16xf32>
      tpu.vector_store %arg9[%swap3A, %swap3A_227], %swap3A_230 {strides = array<i32>} : memref<40x128xf32, #tpu.memory_space<vmem>>, vector<1x16xf32>,
      %broadcast_in_dim3A_231 = arith.constant 0.000000e+00 : f32
      %broadcast_in_dim3A_232 = vector.broadcast %broadcast_in_dim3A_231 : f32 to vector<16xf32>
      %swap3A_233 = arith.index_cast %scan3A_224 : i32 to index
      %swap3A_234 = arith.constant 16 : index
      %swap3A_235 = tpu.vector_load %arg9[%swap3A_233, %swap3A_234] {strides = array<i32>} : memref<40x128xf32, #tpu.memory_space<vmem>>, vector<1x16xf32>,
      %swap3A_236 = vector.shape_cast %swap3A_235 : vector<1x16xf32> to vector<16xf32>
      %swap3A_237 = vector.shape_cast %broadcast_in_dim3A_232 : vector<16xf32> to vector<1x16xf32>
      tpu.vector_store %arg9[%swap3A_233, %swap3A_234], %swap3A_237 {strides = array<i32>} : memref<40x128xf32, #tpu.memory_space<vmem>>, vector<1x16xf32>,
      %broadcast_in_dim3A_238 = arith.constant 0.000000e+00 : f32
      %broadcast_in_dim3A_239 = vector.broadcast %broadcast_in_dim3A_238 : f32 to vector<16xf32>
      %swap3A_240 = arith.index_cast %scan3A_224 : i32 to index
      %swap3A_241 = arith.constant 32 : index
      %swap3A_242 = tpu.vector_load %arg9[%swap3A_240, %swap3A_241] {strides = array<i32>} : memref<40x128xf32, #tpu.memory_space<vmem>>, vector<1x16xf32>,
      %swap3A_243 = vector.shape_cast %swap3A_242 : vector<1x16xf32> to vector<16xf32>
      %swap3A_244 = vector.shape_cast %broadcast_in_dim3A_239 : vector<16xf32> to vector<1x16xf32>
      tpu.vector_store %arg9[%swap3A_240, %swap3A_241], %swap3A_244 {strides = array<i32>} : memref<40x128xf32, #tpu.memory_space<vmem>>, vector<1x16xf32>,
      %broadcast_in_dim3A_245 = arith.constant 0.000000e+00 : f32
      %broadcast_in_dim3A_246 = vector.broadcast %broadcast_in_dim3A_245 : f32 to vector<16xf32>
      %swap3A_247 = arith.index_cast %scan3A_224 : i32 to index
      %swap3A_248 = arith.constant 48 : index
      %swap3A_249 = tpu.vector_load %arg9[%swap3A_247, %swap3A_248] {strides = array<i32>} : memref<40x128xf32, #tpu.memory_space<vmem>>, vector<1x16xf32>,
      %swap3A_250 = vector.shape_cast %swap3A_249 : vector<1x16xf32> to vector<16xf32>
      %swap3A_251 = vector.shape_cast %broadcast_in_dim3A_246 : vector<16xf32> to vector<1x16xf32>
      tpu.vector_store %arg9[%swap3A_247, %swap3A_248], %swap3A_251 {strides = array<i32>} : memref<40x128xf32, #tpu.memory_space<vmem>>, vector<1x16xf32>,
      %broadcast_in_dim3A_252 = arith.constant 0.000000e+00 : f32
      %broadcast_in_dim3A_253 = vector.broadcast %broadcast_in_dim3A_252 : f32 to vector<16xf32>
      %swap3A_254 = arith.index_cast %scan3A_224 : i32 to index
      %swap3A_255 = arith.constant 64 : index
      %swap3A_256 = tpu.vector_load %arg9[%swap3A_254, %swap3A_255] {strides = array<i32>} : memref<40x128xf32, #tpu.memory_space<vmem>>, vector<1x16xf32>,
      %swap3A_257 = vector.shape_cast %swap3A_256 : vector<1x16xf32> to vector<16xf32>
      %swap3A_258 = vector.shape_cast %broadcast_in_dim3A_253 : vector<16xf32> to vector<1x16xf32>
      tpu.vector_store %arg9[%swap3A_254, %swap3A_255], %swap3A_258 {strides = array<i32>} : memref<40x128xf32, #tpu.memory_space<vmem>>, vector<1x16xf32>,
      %broadcast_in_dim3A_259 = arith.constant 0.000000e+00 : f32
      %broadcast_in_dim3A_260 = vector.broadcast %broadcast_in_dim3A_259 : f32 to vector<16xf32>
      %swap3A_261 = arith.index_cast %scan3A_224 : i32 to index
      %swap3A_262 = arith.constant 80 : index
      %swap3A_263 = tpu.vector_load %arg9[%swap3A_261, %swap3A_262] {strides = array<i32>} : memref<40x128xf32, #tpu.memory_space<vmem>>, vector<1x16xf32>,
      %swap3A_264 = vector.shape_cast %swap3A_263 : vector<1x16xf32> to vector<16xf32>
      %swap3A_265 = vector.shape_cast %broadcast_in_dim3A_260 : vector<16xf32> to vector<1x16xf32>
      tpu.vector_store %arg9[%swap3A_261, %swap3A_262], %swap3A_265 {strides = array<i32>} : memref<40x128xf32, #tpu.memory_space<vmem>>, vector<1x16xf32>,
      %broadcast_in_dim3A_266 = arith.constant 0.000000e+00 : f32
      %broadcast_in_dim3A_267 = vector.broadcast %broadcast_in_dim3A_266 : f32 to vector<16xf32>
      %swap3A_268 = arith.index_cast %scan3A_224 : i32 to index
      %swap3A_269 = arith.constant 96 : index
      %swap3A_270 = tpu.vector_load %arg9[%swap3A_268, %swap3A_269] {strides = array<i32>} : memref<40x128xf32, #tpu.memory_space<vmem>>, vector<1x16xf32>,
      %swap3A_271 = vector.shape_cast %swap3A_270 : vector<1x16xf32> to vector<16xf32>
      %swap3A_272 = vector.shape_cast %broadcast_in_dim3A_267 : vector<16xf32> to vector<1x16xf32>
      tpu.vector_store %arg9[%swap3A_268, %swap3A_269], %swap3A_272 {strides = array<i32>} : memref<40x128xf32, #tpu.memory_space<vmem>>, vector<1x16xf32>,
      %broadcast_in_dim3A_273 = arith.constant 0.000000e+00 : f32
      %broadcast_in_dim3A_274 = vector.broadcast %broadcast_in_dim3A_273 : f32 to vector<16xf32>
      %swap3A_275 = arith.index_cast %scan3A_224 : i32 to index
      %swap3A_276 = arith.constant 112 : index
      %swap3A_277 = tpu.vector_load %arg9[%swap3A_275, %swap3A_276] {strides = array<i32>} : memref<40x128xf32, #tpu.memory_space<vmem>>, vector<1x16xf32>,
      %swap3A_278 = vector.shape_cast %swap3A_277 : vector<1x16xf32> to vector<16xf32>
      %swap3A_279 = vector.shape_cast %broadcast_in_dim3A_274 : vector<16xf32> to vector<1x16xf32>
      tpu.vector_store %arg9[%swap3A_275, %swap3A_276], %swap3A_279 {strides = array<i32>} : memref<40x128xf32, #tpu.memory_space<vmem>>, vector<1x16xf32>,
      %scan3A_280 = arith.constant 0 : i32
      scf.yield %scan3A_280 : i32
    }
    %scan3A_6 = arith.constant 40 : i32
    %mul3A_7 = arith.constant 632 : i32
    %mul3A_8 = arith.muli %arg1, %mul3A_7 : i32
    %scan3A_9 = arith.constant 0 : i32
    %scan3A_10 = arith.constant 0 : i32
    %scan3A_11 = arith.constant 15 : i32
    %scan3A_12 = arith.addi %scan3A_10, %scan3A_11 : i32
    %scan3A_13 = arith.constant 1 : i32
    %scan3A_14 = scf.for %scan3A_224 = %scan3A_10 to %scan3A_12 step %scan3A_13 iter_args(%scan3A_225 = %scan3A_9) -> (i32)  : i32 {
      %mul3A_226 = arith.constant 40 : i32
      %mul3A_227 = arith.muli %scan3A_224, %mul3A_226 : i32
      %add3A_228 = arith.addi %mul3A_8, %mul3A_227 : i32
      "tpu.region"() ({
        %run_scoped3A = tpu.sem_alloc : memref<!tpu.dma_semaphore, #tpu.memory_space<semaphore_mem>>
        %dma_start3A_230 = arith.constant 0 : i32
        %dma_start3A_231 = arith.constant 0 : i32
        %dma_start3A_232 = tpu.memref_slice %arg9[%dma_start3A_230, %dma_start3A_231] : memref<40x128xf32, #tpu.memory_space<vmem>> -> memref<40x128xf32, #tpu.memory_space<vmem>>
        %dma_start3A_233 = arith.constant 0 : i32
        %dma_start3A_234 = tpu.memref_slice %arg8[%add3A_228, %dma_start3A_233] : memref<10112x128xf32, #tpu.memory_space<vmem_shared>> -> memref<40x128xf32, #tpu.memory_space<vmem_shared>>
        %dma_start3A_235 = arith.constant 0 : i32
        %dma_start3A_236 = tpu.memref_slice %arg8[%add3A_228, %dma_start3A_235] : memref<10112x128xf32, #tpu.memory_space<vmem_shared>> -> memref<40x128xf32, #tpu.memory_space<vmem_shared>>
        %dma_start3A_237 = arith.constant 0 : i32
        %dma_start3A_238 = arith.constant 0 : i32
        %dma_start3A_239 = tpu.memref_slice %arg9[%dma_start3A_237, %dma_start3A_238] : memref<40x128xf32, #tpu.memory_space<vmem>> -> memref<40x128xf32, #tpu.memory_space<vmem>>
        tpu.enqueue_dma source(%dma_start3A_239 : memref<40x128xf32, #tpu.memory_space<vmem>>) target(%dma_start3A_236 : memref<40x128xf32, #tpu.memory_space<vmem_shared>>) target_semaphore(%run_scoped3A : memref<!tpu.dma_semaphore, #tpu.memory_space<semaphore_mem>>)
        %dma_wait3A_240 = arith.constant 0 : i32
        %dma_wait3A_241 = arith.constant 0 : i32
        %dma_wait3A_242 = tpu.memref_slice %arg9[%dma_wait3A_240, %dma_wait3A_241] : memref<40x128xf32, #tpu.memory_space<vmem>> -> memref<40x128xf32, #tpu.memory_space<vmem>>
        %dma_wait3A_243 = arith.constant 0 : i32
        %dma_wait3A_244 = tpu.memref_slice %arg8[%add3A_228, %dma_wait3A_243] : memref<10112x128xf32, #tpu.memory_space<vmem_shared>> -> memref<40x128xf32, #tpu.memory_space<vmem_shared>>
        %dma_wait3A_245 = arith.constant 0 : i32
        %dma_wait3A_246 = tpu.memref_slice %arg8[%add3A_228, %dma_wait3A_245] : memref<10112x128xf32, #tpu.memory_space<vmem_shared>> -> memref<40x128xf32, #tpu.memory_space<vmem_shared>>
        %dma_wait3A_247 = arith.constant 0 : i32
        %dma_wait3A_248 = arith.constant 0 : i32
        %dma_wait3A_249 = tpu.memref_slice %arg9[%dma_wait3A_247, %dma_wait3A_248] : memref<40x128xf32, #tpu.memory_space<vmem>> -> memref<40x128xf32, #tpu.memory_space<vmem>>
        tpu.wait_dma2 semaphore(%run_scoped3A : memref<!tpu.dma_semaphore, #tpu.memory_space<semaphore_mem>>) src(%dma_wait3A_249 : memref<40x128xf32, #tpu.memory_space<vmem>>) dst(%dma_wait3A_246 : memref<40x128xf32, #tpu.memory_space<vmem_shared>>)
        tpu.yield
      }) : () -> ()
      %scan3A_229 = arith.constant 0 : i32
      scf.yield %scan3A_229 : i32
    }
    %scan3A_15 = arith.constant 15 : i32
    %add3A_16 = arith.constant 600 : i32
    %add3A_17 = arith.addi %mul3A_8, %add3A_16 : i32
    "tpu.region"() ({
      %run_scoped3A = tpu.sem_alloc : memref<!tpu.dma_semaphore, #tpu.memory_space<semaphore_mem>>
      %dma_start3A_224 = arith.constant 0 : i32
      %dma_start3A_225 = arith.constant 0 : i32
      %dma_start3A_226 = tpu.memref_slice %arg9[%dma_start3A_224, %dma_start3A_225] : memref<40x128xf32, #tpu.memory_space<vmem>> -> memref<32x128xf32, #tpu.memory_space<vmem>>
      %dma_start3A_227 = arith.constant 0 : i32
      %dma_start3A_228 = tpu.memref_slice %arg8[%add3A_17, %dma_start3A_227] : memref<10112x128xf32, #tpu.memory_space<vmem_shared>> -> memref<32x128xf32, #tpu.memory_space<vmem_shared>>
      %dma_start3A_229 = arith.constant 0 : i32
      %dma_start3A_230 = tpu.memref_slice %arg8[%add3A_17, %dma_start3A_229] : memref<10112x128xf32, #tpu.memory_space<vmem_shared>> -> memref<32x128xf32, #tpu.memory_space<vmem_shared>>
      %dma_start3A_231 = arith.constant 0 : i32
      %dma_start3A_232 = arith.constant 0 : i32
      %dma_start3A_233 = tpu.memref_slice %arg9[%dma_start3A_231, %dma_start3A_232] : memref<40x128xf32, #tpu.memory_space<vmem>> -> memref<32x128xf32, #tpu.memory_space<vmem>>
      tpu.enqueue_dma source(%dma_start3A_233 : memref<32x128xf32, #tpu.memory_space<vmem>>) target(%dma_start3A_230 : memref<32x128xf32, #tpu.memory_space<vmem_shared>>) target_semaphore(%run_scoped3A : memref<!tpu.dma_semaphore, #tpu.memory_space<semaphore_mem>>)
      %dma_wait3A_234 = arith.constant 0 : i32
      %dma_wait3A_235 = arith.constant 0 : i32
      %dma_wait3A_236 = tpu.memref_slice %arg9[%dma_wait3A_234, %dma_wait3A_235] : memref<40x128xf32, #tpu.memory_space<vmem>> -> memref<32x128xf32, #tpu.memory_space<vmem>>
      %dma_wait3A_237 = arith.constant 0 : i32
      %dma_wait3A_238 = tpu.memref_slice %arg8[%add3A_17, %dma_wait3A_237] : memref<10112x128xf32, #tpu.memory_space<vmem_shared>> -> memref<32x128xf32, #tpu.memory_space<vmem_shared>>
      %dma_wait3A_239 = arith.constant 0 : i32
      %dma_wait3A_240 = tpu.memref_slice %arg8[%add3A_17, %dma_wait3A_239] : memref<10112x128xf32, #tpu.memory_space<vmem_shared>> -> memref<32x128xf32, #tpu.memory_space<vmem_shared>>
      %dma_wait3A_241 = arith.constant 0 : i32
      %dma_wait3A_242 = arith.constant 0 : i32
      %dma_wait3A_243 = tpu.memref_slice %arg9[%dma_wait3A_241, %dma_wait3A_242] : memref<40x128xf32, #tpu.memory_space<vmem>> -> memref<32x128xf32, #tpu.memory_space<vmem>>
      tpu.wait_dma2 semaphore(%run_scoped3A : memref<!tpu.dma_semaphore, #tpu.memory_space<semaphore_mem>>) src(%dma_wait3A_243 : memref<32x128xf32, #tpu.memory_space<vmem>>) dst(%dma_wait3A_240 : memref<32x128xf32, #tpu.memory_space<vmem_shared>>)
      tpu.yield
    }) : () -> ()
    %barrier3A = arith.constant 0 : index
    tpu.barrier barrier_id(%barrier3A)
    %dma_start3A = arith.constant 0 : i32
    %dma_start3A_18 = tpu.memref_slice %arg6[%dma_start3A] : memref<10000xi32, #tpu.memory_space<vmem>> -> memref<40xi32, #tpu.memory_space<vmem>>
    %dma_start3A_19 = arith.constant 0 : i32
    %dma_start3A_20 = arith.constant 0 : i32
    %dma_start3A_21 = tpu.memref_slice %arg2[%dma_start3A_19, %dma_start3A_20] : memref<10000x128xf32, #tpu.memory_space<hbm>> -> memref<10000x128xf32, #tpu.memory_space<hbm>>
    tpu.enqueue_indirect_dma source(%dma_start3A_21 : memref<10000x128xf32, #tpu.memory_space<hbm>>) target(%arg9 : memref<40x128xf32, #tpu.memory_space<vmem>>) offsets(%dma_start3A_18 : memref<40xi32, #tpu.memory_space<vmem>>) semaphore(%arg14 : memref<!tpu.dma_semaphore, #tpu.memory_space<semaphore_mem>>)
    %dma_start3A_22 = arith.constant 40 : i32
    %dma_start3A_23 = tpu.memref_slice %arg6[%dma_start3A_22] : memref<10000xi32, #tpu.memory_space<vmem>> -> memref<40xi32, #tpu.memory_space<vmem>>
    %dma_start3A_24 = arith.constant 0 : i32
    %dma_start3A_25 = arith.constant 0 : i32
    %dma_start3A_26 = tpu.memref_slice %arg2[%dma_start3A_24, %dma_start3A_25] : memref<10000x128xf32, #tpu.memory_space<hbm>> -> memref<10000x128xf32, #tpu.memory_space<hbm>>
    tpu.enqueue_indirect_dma source(%dma_start3A_26 : memref<10000x128xf32, #tpu.memory_space<hbm>>) target(%arg10 : memref<40x128xf32, #tpu.memory_space<vmem>>) offsets(%dma_start3A_23 : memref<40xi32, #tpu.memory_space<vmem>>) semaphore(%arg15 : memref<!tpu.dma_semaphore, #tpu.memory_space<semaphore_mem>>)
    %dma_start3A_27 = arith.constant 80 : i32
    %dma_start3A_28 = tpu.memref_slice %arg6[%dma_start3A_27] : memref<10000xi32, #tpu.memory_space<vmem>> -> memref<40xi32, #tpu.memory_space<vmem>>
    %dma_start3A_29 = arith.constant 0 : i32
    %dma_start3A_30 = arith.constant 0 : i32
    %dma_start3A_31 = tpu.memref_slice %arg2[%dma_start3A_29, %dma_start3A_30] : memref<10000x128xf32, #tpu.memory_space<hbm>> -> memref<10000x128xf32, #tpu.memory_space<hbm>>
    tpu.enqueue_indirect_dma source(%dma_start3A_31 : memref<10000x128xf32, #tpu.memory_space<hbm>>) target(%arg11 : memref<40x128xf32, #tpu.memory_space<vmem>>) offsets(%dma_start3A_28 : memref<40xi32, #tpu.memory_space<vmem>>) semaphore(%arg16 : memref<!tpu.dma_semaphore, #tpu.memory_space<semaphore_mem>>)
    %dma_start3A_32 = arith.constant 120 : i32
    %dma_start3A_33 = tpu.memref_slice %arg6[%dma_start3A_32] : memref<10000xi32, #tpu.memory_space<vmem>> -> memref<40xi32, #tpu.memory_space<vmem>>
    %dma_start3A_34 = arith.constant 0 : i32
    %dma_start3A_35 = arith.constant 0 : i32
    %dma_start3A_36 = tpu.memref_slice %arg2[%dma_start3A_34, %dma_start3A_35] : memref<10000x128xf32, #tpu.memory_space<hbm>> -> memref<10000x128xf32, #tpu.memory_space<hbm>>
    tpu.enqueue_indirect_dma source(%dma_start3A_36 : memref<10000x128xf32, #tpu.memory_space<hbm>>) target(%arg12 : memref<40x128xf32, #tpu.memory_space<vmem>>) offsets(%dma_start3A_33 : memref<40xi32, #tpu.memory_space<vmem>>) semaphore(%arg17 : memref<!tpu.dma_semaphore, #tpu.memory_space<semaphore_mem>>)
    %dma_wait3A = arith.constant 0 : i32
    %dma_wait3A_37 = tpu.memref_slice %arg6[%dma_wait3A] : memref<10000xi32, #tpu.memory_space<vmem>> -> memref<40xi32, #tpu.memory_space<vmem>>
    %dma_wait3A_38 = arith.constant 0 : i32
    %dma_wait3A_39 = arith.constant 0 : i32
    %dma_wait3A_40 = tpu.memref_slice %arg2[%dma_wait3A_38, %dma_wait3A_39] : memref<10000x128xf32, #tpu.memory_space<hbm>> -> memref<10000x128xf32, #tpu.memory_space<hbm>>
    tpu.wait_indirect_dma semaphore(%arg14 : memref<!tpu.dma_semaphore, #tpu.memory_space<semaphore_mem>>) src(%dma_wait3A_40 : memref<10000x128xf32, #tpu.memory_space<hbm>>) dst(%arg9 : memref<40x128xf32, #tpu.memory_space<vmem>>)
    %dma_start3A_41 = arith.constant 0 : i32
    %dma_start3A_42 = tpu.memref_slice %arg7[%dma_start3A_41] : memref<10000xi32, #tpu.memory_space<vmem>> -> memref<40xi32, #tpu.memory_space<vmem>>
    %dma_start3A_43 = arith.constant 0 : i32
    %dma_start3A_44 = arith.constant 0 : i32
    %dma_start3A_45 = tpu.memref_slice %arg8[%dma_start3A_43, %dma_start3A_44] : memref<10112x128xf32, #tpu.memory_space<vmem_shared>> -> memref<10112x128xf32, #tpu.memory_space<vmem_shared>>
    tpu.enqueue_indirect_dma source(%arg9 : memref<40x128xf32, #tpu.memory_space<vmem>>) target(%dma_start3A_45 : memref<10112x128xf32, #tpu.memory_space<vmem_shared>>) offsets(%dma_start3A_42 : memref<40xi32, #tpu.memory_space<vmem>>) semaphore(%arg19 : memref<!tpu.dma_semaphore, #tpu.memory_space<semaphore_mem>>) {add = true}
    %dma_start3A_46 = arith.constant 160 : i32
    %dma_start3A_47 = tpu.memref_slice %arg6[%dma_start3A_46] : memref<10000xi32, #tpu.memory_space<vmem>> -> memref<40xi32, #tpu.memory_space<vmem>>
    %dma_start3A_48 = arith.constant 0 : i32
    %dma_start3A_49 = arith.constant 0 : i32
    %dma_start3A_50 = tpu.memref_slice %arg2[%dma_start3A_48, %dma_start3A_49] : memref<10000x128xf32, #tpu.memory_space<hbm>> -> memref<10000x128xf32, #tpu.memory_space<hbm>>
    tpu.enqueue_indirect_dma source(%dma_start3A_50 : memref<10000x128xf32, #tpu.memory_space<hbm>>) target(%arg13 : memref<40x128xf32, #tpu.memory_space<vmem>>) offsets(%dma_start3A_47 : memref<40xi32, #tpu.memory_space<vmem>>) semaphore(%arg18 : memref<!tpu.dma_semaphore, #tpu.memory_space<semaphore_mem>>)
    %dma_wait3A_51 = arith.constant 40 : i32
    %dma_wait3A_52 = tpu.memref_slice %arg6[%dma_wait3A_51] : memref<10000xi32, #tpu.memory_space<vmem>> -> memref<40xi32, #tpu.memory_space<vmem>>
    %dma_wait3A_53 = arith.constant 0 : i32
    %dma_wait3A_54 = arith.constant 0 : i32
    %dma_wait3A_55 = tpu.memref_slice %arg2[%dma_wait3A_53, %dma_wait3A_54] : memref<10000x128xf32, #tpu.memory_space<hbm>> -> memref<10000x128xf32, #tpu.memory_space<hbm>>
    tpu.wait_indirect_dma semaphore(%arg15 : memref<!tpu.dma_semaphore, #tpu.memory_space<semaphore_mem>>) src(%dma_wait3A_55 : memref<10000x128xf32, #tpu.memory_space<hbm>>) dst(%arg10 : memref<40x128xf32, #tpu.memory_space<vmem>>)
    %dma_start3A_56 = arith.constant 40 : i32
    %dma_start3A_57 = tpu.memref_slice %arg7[%dma_start3A_56] : memref<10000xi32, #tpu.memory_space<vmem>> -> memref<40xi32, #tpu.memory_space<vmem>>
    %dma_start3A_58 = arith.constant 0 : i32
    %dma_start3A_59 = arith.constant 0 : i32
    %dma_start3A_60 = tpu.memref_slice %arg8[%dma_start3A_58, %dma_start3A_59] : memref<10112x128xf32, #tpu.memory_space<vmem_shared>> -> memref<10112x128xf32, #tpu.memory_space<vmem_shared>>
    tpu.enqueue_indirect_dma source(%arg10 : memref<40x128xf32, #tpu.memory_space<vmem>>) target(%dma_start3A_60 : memref<10112x128xf32, #tpu.memory_space<vmem_shared>>) offsets(%dma_start3A_57 : memref<40xi32, #tpu.memory_space<vmem>>) semaphore(%arg20 : memref<!tpu.dma_semaphore, #tpu.memory_space<semaphore_mem>>) {add = true}
    %dma_wait3A_61 = arith.constant 0 : i32
    %dma_wait3A_62 = tpu.memref_slice %arg7[%dma_wait3A_61] : memref<10000xi32, #tpu.memory_space<vmem>> -> memref<40xi32, #tpu.memory_space<vmem>>
    %dma_wait3A_63 = arith.constant 0 : i32
    %dma_wait3A_64 = arith.constant 0 : i32
    %dma_wait3A_65 = tpu.memref_slice %arg8[%dma_wait3A_63, %dma_wait3A_64] : memref<10112x128xf32, #tpu.memory_space<vmem_shared>> -> memref<10112x128xf32, #tpu.memory_space<vmem_shared>>
    tpu.wait_indirect_dma semaphore(%arg19 : memref<!tpu.dma_semaphore, #tpu.memory_space<semaphore_mem>>) src(%arg9 : memref<40x128xf32, #tpu.memory_space<vmem>>) dst(%dma_wait3A_65 : memref<10112x128xf32, #tpu.memory_space<vmem_shared>>)
    %dma_start3A_66 = arith.constant 200 : i32
    %dma_start3A_67 = tpu.memref_slice %arg6[%dma_start3A_66] : memref<10000xi32, #tpu.memory_space<vmem>> -> memref<40xi32, #tpu.memory_space<vmem>>
    %dma_start3A_68 = arith.constant 0 : i32
    %dma_start3A_69 = arith.constant 0 : i32
    %dma_start3A_70 = tpu.memref_slice %arg2[%dma_start3A_68, %dma_start3A_69] : memref<10000x128xf32, #tpu.memory_space<hbm>> -> memref<10000x128xf32, #tpu.memory_space<hbm>>
    tpu.enqueue_indirect_dma source(%dma_start3A_70 : memref<10000x128xf32, #tpu.memory_space<hbm>>) target(%arg9 : memref<40x128xf32, #tpu.memory_space<vmem>>) offsets(%dma_start3A_67 : memref<40xi32, #tpu.memory_space<vmem>>) semaphore(%arg14 : memref<!tpu.dma_semaphore, #tpu.memory_space<semaphore_mem>>)
    %dma_wait3A_71 = arith.constant 80 : i32
    %dma_wait3A_72 = tpu.memref_slice %arg6[%dma_wait3A_71] : memref<10000xi32, #tpu.memory_space<vmem>> -> memref<40xi32, #tpu.memory_space<vmem>>
    %dma_wait3A_73 = arith.constant 0 : i32
    %dma_wait3A_74 = arith.constant 0 : i32
    %dma_wait3A_75 = tpu.memref_slice %arg2[%dma_wait3A_73, %dma_wait3A_74] : memref<10000x128xf32, #tpu.memory_space<hbm>> -> memref<10000x128xf32, #tpu.memory_space<hbm>>
    tpu.wait_indirect_dma semaphore(%arg16 : memref<!tpu.dma_semaphore, #tpu.memory_space<semaphore_mem>>) src(%dma_wait3A_75 : memref<10000x128xf32, #tpu.memory_space<hbm>>) dst(%arg11 : memref<40x128xf32, #tpu.memory_space<vmem>>)
    %dma_start3A_76 = arith.constant 80 : i32
    %dma_start3A_77 = tpu.memref_slice %arg7[%dma_start3A_76] : memref<10000xi32, #tpu.memory_space<vmem>> -> memref<40xi32, #tpu.memory_space<vmem>>
    %dma_start3A_78 = arith.constant 0 : i32
    %dma_start3A_79 = arith.constant 0 : i32
    %dma_start3A_80 = tpu.memref_slice %arg8[%dma_start3A_78, %dma_start3A_79] : memref<10112x128xf32, #tpu.memory_space<vmem_shared>> -> memref<10112x128xf32, #tpu.memory_space<vmem_shared>>
    tpu.enqueue_indirect_dma source(%arg11 : memref<40x128xf32, #tpu.memory_space<vmem>>) target(%dma_start3A_80 : memref<10112x128xf32, #tpu.memory_space<vmem_shared>>) offsets(%dma_start3A_77 : memref<40xi32, #tpu.memory_space<vmem>>) semaphore(%arg21 : memref<!tpu.dma_semaphore, #tpu.memory_space<semaphore_mem>>) {add = true}
    %dma_wait3A_81 = arith.constant 40 : i32
    %dma_wait3A_82 = tpu.memref_slice %arg7[%dma_wait3A_81] : memref<10000xi32, #tpu.memory_space<vmem>> -> memref<40xi32, #tpu.memory_space<vmem>>
    %dma_wait3A_83 = arith.constant 0 : i32
    %dma_wait3A_84 = arith.constant 0 : i32
    %dma_wait3A_85 = tpu.memref_slice %arg8[%dma_wait3A_83, %dma_wait3A_84] : memref<10112x128xf32, #tpu.memory_space<vmem_shared>> -> memref<10112x128xf32, #tpu.memory_space<vmem_shared>>
    tpu.wait_indirect_dma semaphore(%arg20 : memref<!tpu.dma_semaphore, #tpu.memory_space<semaphore_mem>>) src(%arg10 : memref<40x128xf32, #tpu.memory_space<vmem>>) dst(%dma_wait3A_85 : memref<10112x128xf32, #tpu.memory_space<vmem_shared>>)
    %dma_start3A_86 = arith.constant 240 : i32
    %dma_start3A_87 = tpu.memref_slice %arg6[%dma_start3A_86] : memref<10000xi32, #tpu.memory_space<vmem>> -> memref<40xi32, #tpu.memory_space<vmem>>
    %dma_start3A_88 = arith.constant 0 : i32
    %dma_start3A_89 = arith.constant 0 : i32
    %dma_start3A_90 = tpu.memref_slice %arg2[%dma_start3A_88, %dma_start3A_89] : memref<10000x128xf32, #tpu.memory_space<hbm>> -> memref<10000x128xf32, #tpu.memory_space<hbm>>
    tpu.enqueue_indirect_dma source(%dma_start3A_90 : memref<10000x128xf32, #tpu.memory_space<hbm>>) target(%arg10 : memref<40x128xf32, #tpu.memory_space<vmem>>) offsets(%dma_start3A_87 : memref<40xi32, #tpu.memory_space<vmem>>) semaphore(%arg15 : memref<!tpu.dma_semaphore, #tpu.memory_space<semaphore_mem>>)
    %dma_wait3A_91 = arith.constant 120 : i32
    %dma_wait3A_92 = tpu.memref_slice %arg6[%dma_wait3A_91] : memref<10000xi32, #tpu.memory_space<vmem>> -> memref<40xi32, #tpu.memory_space<vmem>>
    %dma_wait3A_93 = arith.constant 0 : i32
    %dma_wait3A_94 = arith.constant 0 : i32
    %dma_wait3A_95 = tpu.memref_slice %arg2[%dma_wait3A_93, %dma_wait3A_94] : memref<10000x128xf32, #tpu.memory_space<hbm>> -> memref<10000x128xf32, #tpu.memory_space<hbm>>
    tpu.wait_indirect_dma semaphore(%arg17 : memref<!tpu.dma_semaphore, #tpu.memory_space<semaphore_mem>>) src(%dma_wait3A_95 : memref<10000x128xf32, #tpu.memory_space<hbm>>) dst(%arg12 : memref<40x128xf32, #tpu.memory_space<vmem>>)
    %dma_start3A_96 = arith.constant 120 : i32
    %dma_start3A_97 = tpu.memref_slice %arg7[%dma_start3A_96] : memref<10000xi32, #tpu.memory_space<vmem>> -> memref<40xi32, #tpu.memory_space<vmem>>
    %dma_start3A_98 = arith.constant 0 : i32
    %dma_start3A_99 = arith.constant 0 : i32
    %dma_start3A_100 = tpu.memref_slice %arg8[%dma_start3A_98, %dma_start3A_99] : memref<10112x128xf32, #tpu.memory_space<vmem_shared>> -> memref<10112x128xf32, #tpu.memory_space<vmem_shared>>
    tpu.enqueue_indirect_dma source(%arg12 : memref<40x128xf32, #tpu.memory_space<vmem>>) target(%dma_start3A_100 : memref<10112x128xf32, #tpu.memory_space<vmem_shared>>) offsets(%dma_start3A_97 : memref<40xi32, #tpu.memory_space<vmem>>) semaphore(%arg22 : memref<!tpu.dma_semaphore, #tpu.memory_space<semaphore_mem>>) {add = true}
    %dma_wait3A_101 = arith.constant 80 : i32
    %dma_wait3A_102 = tpu.memref_slice %arg7[%dma_wait3A_101] : memref<10000xi32, #tpu.memory_space<vmem>> -> memref<40xi32, #tpu.memory_space<vmem>>
    %dma_wait3A_103 = arith.constant 0 : i32
    %dma_wait3A_104 = arith.constant 0 : i32
    %dma_wait3A_105 = tpu.memref_slice %arg8[%dma_wait3A_103, %dma_wait3A_104] : memref<10112x128xf32, #tpu.memory_space<vmem_shared>> -> memref<10112x128xf32, #tpu.memory_space<vmem_shared>>
    tpu.wait_indirect_dma semaphore(%arg21 : memref<!tpu.dma_semaphore, #tpu.memory_space<semaphore_mem>>) src(%arg11 : memref<40x128xf32, #tpu.memory_space<vmem>>) dst(%dma_wait3A_105 : memref<10112x128xf32, #tpu.memory_space<vmem_shared>>)
    %dma_start3A_106 = arith.constant 280 : i32
    %dma_start3A_107 = tpu.memref_slice %arg6[%dma_start3A_106] : memref<10000xi32, #tpu.memory_space<vmem>> -> memref<40xi32, #tpu.memory_space<vmem>>
    %dma_start3A_108 = arith.constant 0 : i32
    %dma_start3A_109 = arith.constant 0 : i32
    %dma_start3A_110 = tpu.memref_slice %arg2[%dma_start3A_108, %dma_start3A_109] : memref<10000x128xf32, #tpu.memory_space<hbm>> -> memref<10000x128xf32, #tpu.memory_space<hbm>>
    tpu.enqueue_indirect_dma source(%dma_start3A_110 : memref<10000x128xf32, #tpu.memory_space<hbm>>) target(%arg11 : memref<40x128xf32, #tpu.memory_space<vmem>>) offsets(%dma_start3A_107 : memref<40xi32, #tpu.memory_space<vmem>>) semaphore(%arg16 : memref<!tpu.dma_semaphore, #tpu.memory_space<semaphore_mem>>)
    %dma_wait3A_111 = arith.constant 160 : i32
    %dma_wait3A_112 = tpu.memref_slice %arg6[%dma_wait3A_111] : memref<10000xi32, #tpu.memory_space<vmem>> -> memref<40xi32, #tpu.memory_space<vmem>>
    %dma_wait3A_113 = arith.constant 0 : i32
    %dma_wait3A_114 = arith.constant 0 : i32
    %dma_wait3A_115 = tpu.memref_slice %arg2[%dma_wait3A_113, %dma_wait3A_114] : memref<10000x128xf32, #tpu.memory_space<hbm>> -> memref<10000x128xf32, #tpu.memory_space<hbm>>
    tpu.wait_indirect_dma semaphore(%arg18 : memref<!tpu.dma_semaphore, #tpu.memory_space<semaphore_mem>>) src(%dma_wait3A_115 : memref<10000x128xf32, #tpu.memory_space<hbm>>) dst(%arg13 : memref<40x128xf32, #tpu.memory_space<vmem>>)
    %dma_start3A_116 = arith.constant 160 : i32
    %dma_start3A_117 = tpu.memref_slice %arg7[%dma_start3A_116] : memref<10000xi32, #tpu.memory_space<vmem>> -> memref<40xi32, #tpu.memory_space<vmem>>
    %dma_start3A_118 = arith.constant 0 : i32
    %dma_start3A_119 = arith.constant 0 : i32
    %dma_start3A_120 = tpu.memref_slice %arg8[%dma_start3A_118, %dma_start3A_119] : memref<10112x128xf32, #tpu.memory_space<vmem_shared>> -> memref<10112x128xf32, #tpu.memory_space<vmem_shared>>
    tpu.enqueue_indirect_dma source(%arg13 : memref<40x128xf32, #tpu.memory_space<vmem>>) target(%dma_start3A_120 : memref<10112x128xf32, #tpu.memory_space<vmem_shared>>) offsets(%dma_start3A_117 : memref<40xi32, #tpu.memory_space<vmem>>) semaphore(%arg23 : memref<!tpu.dma_semaphore, #tpu.memory_space<semaphore_mem>>) {add = true}
    %dma_wait3A_121 = arith.constant 120 : i32
    %dma_wait3A_122 = tpu.memref_slice %arg7[%dma_wait3A_121] : memref<10000xi32, #tpu.memory_space<vmem>> -> memref<40xi32, #tpu.memory_space<vmem>>
    %dma_wait3A_123 = arith.constant 0 : i32
    %dma_wait3A_124 = arith.constant 0 : i32
    %dma_wait3A_125 = tpu.memref_slice %arg8[%dma_wait3A_123, %dma_wait3A_124] : memref<10112x128xf32, #tpu.memory_space<vmem_shared>> -> memref<10112x128xf32, #tpu.memory_space<vmem_shared>>
    tpu.wait_indirect_dma semaphore(%arg22 : memref<!tpu.dma_semaphore, #tpu.memory_space<semaphore_mem>>) src(%arg12 : memref<40x128xf32, #tpu.memory_space<vmem>>) dst(%dma_wait3A_125 : memref<10112x128xf32, #tpu.memory_space<vmem_shared>>)
    %dma_start3A_126 = arith.constant 320 : i32
    %dma_start3A_127 = tpu.memref_slice %arg6[%dma_start3A_126] : memref<10000xi32, #tpu.memory_space<vmem>> -> memref<40xi32, #tpu.memory_space<vmem>>
    %dma_start3A_128 = arith.constant 0 : i32
    %dma_start3A_129 = arith.constant 0 : i32
    %dma_start3A_130 = tpu.memref_slice %arg2[%dma_start3A_128, %dma_start3A_129] : memref<10000x128xf32, #tpu.memory_space<hbm>> -> memref<10000x128xf32, #tpu.memory_space<hbm>>
    tpu.enqueue_indirect_dma source(%dma_start3A_130 : memref<10000x128xf32, #tpu.memory_space<hbm>>) target(%arg12 : memref<40x128xf32, #tpu.memory_space<vmem>>) offsets(%dma_start3A_127 : memref<40xi32, #tpu.memory_space<vmem>>) semaphore(%arg17 : memref<!tpu.dma_semaphore, #tpu.memory_space<semaphore_mem>>)
    %scan3A_131 = arith.constant 0 : i32
    %scan3A_132 = arith.constant 1 : i32
    %scan3A_133 = arith.constant 48 : i32
    %scan3A_134 = arith.addi %scan3A_132, %scan3A_133 : i32
    %scan3A_135 = arith.constant 1 : i32
    %scan3A_136 = scf.for %scan3A_224 = %scan3A_132 to %scan3A_134 step %scan3A_135 iter_args(%scan3A_225 = %scan3A_131) -> (i32)  : i32 {
      %mul3A_226 = arith.constant 5 : i32
      %mul3A_227 = arith.muli %scan3A_224, %mul3A_226 : i32
      %add3A_228 = arith.constant 0 : i32
      %add3A_229 = arith.addi %mul3A_227, %add3A_228 : i32
      %mul3A_230 = arith.constant 40 : i32
      %mul3A_231 = arith.muli %add3A_229, %mul3A_230 : i32
      %dma_wait3A_232 = tpu.memref_slice %arg6[%mul3A_231] : memref<10000xi32, #tpu.memory_space<vmem>> -> memref<40xi32, #tpu.memory_space<vmem>>
      %dma_wait3A_233 = arith.constant 0 : i32
      %dma_wait3A_234 = arith.constant 0 : i32
      %dma_wait3A_235 = tpu.memref_slice %arg2[%dma_wait3A_233, %dma_wait3A_234] : memref<10000x128xf32, #tpu.memory_space<hbm>> -> memref<10000x128xf32, #tpu.memory_space<hbm>>
      tpu.wait_indirect_dma semaphore(%arg14 : memref<!tpu.dma_semaphore, #tpu.memory_space<semaphore_mem>>) src(%dma_wait3A_235 : memref<10000x128xf32, #tpu.memory_space<hbm>>) dst(%arg9 : memref<40x128xf32, #tpu.memory_space<vmem>>)
      %mul3A_236 = arith.constant 40 : i32
      %mul3A_237 = arith.muli %add3A_229, %mul3A_236 : i32
      %dma_start3A_238 = tpu.memref_slice %arg7[%mul3A_237] : memref<10000xi32, #tpu.memory_space<vmem>> -> memref<40xi32, #tpu.memory_space<vmem>>
      %dma_start3A_239 = arith.constant 0 : i32
      %dma_start3A_240 = arith.constant 0 : i32
      %dma_start3A_241 = tpu.memref_slice %arg8[%dma_start3A_239, %dma_start3A_240] : memref<10112x128xf32, #tpu.memory_space<vmem_shared>> -> memref<10112x128xf32, #tpu.memory_space<vmem_shared>>
      tpu.enqueue_indirect_dma source(%arg9 : memref<40x128xf32, #tpu.memory_space<vmem>>) target(%dma_start3A_241 : memref<10112x128xf32, #tpu.memory_space<vmem_shared>>) offsets(%dma_start3A_238 : memref<40xi32, #tpu.memory_space<vmem>>) semaphore(%arg19 : memref<!tpu.dma_semaphore, #tpu.memory_space<semaphore_mem>>) {add = true}
      %sub3A = arith.constant 1 : i32
      %sub3A_242 = arith.subi %add3A_229, %sub3A : i32
      %mul3A_243 = arith.constant 40 : i32
      %mul3A_244 = arith.muli %sub3A_242, %mul3A_243 : i32
      %dma_wait3A_245 = tpu.memref_slice %arg7[%mul3A_244] : memref<10000xi32, #tpu.memory_space<vmem>> -> memref<40xi32, #tpu.memory_space<vmem>>
      %dma_wait3A_246 = arith.constant 0 : i32
      %dma_wait3A_247 = arith.constant 0 : i32
      %dma_wait3A_248 = tpu.memref_slice %arg8[%dma_wait3A_246, %dma_wait3A_247] : memref<10112x128xf32, #tpu.memory_space<vmem_shared>> -> memref<10112x128xf32, #tpu.memory_space<vmem_shared>>
      tpu.wait_indirect_dma semaphore(%arg23 : memref<!tpu.dma_semaphore, #tpu.memory_space<semaphore_mem>>) src(%arg13 : memref<40x128xf32, #tpu.memory_space<vmem>>) dst(%dma_wait3A_248 : memref<10112x128xf32, #tpu.memory_space<vmem_shared>>)
      %add3A_249 = arith.constant 5 : i32
      %add3A_250 = arith.addi %add3A_229, %add3A_249 : i32
      %sub3A_251 = arith.constant 1 : i32
      %sub3A_252 = arith.subi %add3A_250, %sub3A_251 : i32
      %mul3A_253 = arith.constant 40 : i32
      %mul3A_254 = arith.muli %sub3A_252, %mul3A_253 : i32
      %dma_start3A_255 = tpu.memref_slice %arg6[%mul3A_254] : memref<10000xi32, #tpu.memory_space<vmem>> -> memref<40xi32, #tpu.memory_space<vmem>>
      %dma_start3A_256 = arith.constant 0 : i32
      %dma_start3A_257 = arith.constant 0 : i32
      %dma_start3A_258 = tpu.memref_slice %arg2[%dma_start3A_256, %dma_start3A_257] : memref<10000x128xf32, #tpu.memory_space<hbm>> -> memref<10000x128xf32, #tpu.memory_space<hbm>>
      tpu.enqueue_indirect_dma source(%dma_start3A_258 : memref<10000x128xf32, #tpu.memory_space<hbm>>) target(%arg13 : memref<40x128xf32, #tpu.memory_space<vmem>>) offsets(%dma_start3A_255 : memref<40xi32, #tpu.memory_space<vmem>>) semaphore(%arg18 : memref<!tpu.dma_semaphore, #tpu.memory_space<semaphore_mem>>)
      %add3A_259 = arith.constant 1 : i32
      %add3A_260 = arith.addi %mul3A_227, %add3A_259 : i32
      %mul3A_261 = arith.constant 40 : i32
      %mul3A_262 = arith.muli %add3A_260, %mul3A_261 : i32
      %dma_wait3A_263 = tpu.memref_slice %arg6[%mul3A_262] : memref<10000xi32, #tpu.memory_space<vmem>> -> memref<40xi32, #tpu.memory_space<vmem>>
      %dma_wait3A_264 = arith.constant 0 : i32
      %dma_wait3A_265 = arith.constant 0 : i32
      %dma_wait3A_266 = tpu.memref_slice %arg2[%dma_wait3A_264, %dma_wait3A_265] : memref<10000x128xf32, #tpu.memory_space<hbm>> -> memref<10000x128xf32, #tpu.memory_space<hbm>>
      tpu.wait_indirect_dma semaphore(%arg15 : memref<!tpu.dma_semaphore, #tpu.memory_space<semaphore_mem>>) src(%dma_wait3A_266 : memref<10000x128xf32, #tpu.memory_space<hbm>>) dst(%arg10 : memref<40x128xf32, #tpu.memory_space<vmem>>)
      %mul3A_267 = arith.constant 40 : i32
      %mul3A_268 = arith.muli %add3A_260, %mul3A_267 : i32
      %dma_start3A_269 = tpu.memref_slice %arg7[%mul3A_268] : memref<10000xi32, #tpu.memory_space<vmem>> -> memref<40xi32, #tpu.memory_space<vmem>>
      %dma_start3A_270 = arith.constant 0 : i32
      %dma_start3A_271 = arith.constant 0 : i32
      %dma_start3A_272 = tpu.memref_slice %arg8[%dma_start3A_270, %dma_start3A_271] : memref<10112x128xf32, #tpu.memory_space<vmem_shared>> -> memref<10112x128xf32, #tpu.memory_space<vmem_shared>>
      tpu.enqueue_indirect_dma source(%arg10 : memref<40x128xf32, #tpu.memory_space<vmem>>) target(%dma_start3A_272 : memref<10112x128xf32, #tpu.memory_space<vmem_shared>>) offsets(%dma_start3A_269 : memref<40xi32, #tpu.memory_space<vmem>>) semaphore(%arg20 : memref<!tpu.dma_semaphore, #tpu.memory_space<semaphore_mem>>) {add = true}
      %sub3A_273 = arith.constant 1 : i32
      %sub3A_274 = arith.subi %add3A_260, %sub3A_273 : i32
      %mul3A_275 = arith.constant 40 : i32
      %mul3A_276 = arith.muli %sub3A_274, %mul3A_275 : i32
      %dma_wait3A_277 = tpu.memref_slice %arg7[%mul3A_276] : memref<10000xi32, #tpu.memory_space<vmem>> -> memref<40xi32, #tpu.memory_space<vmem>>
      %dma_wait3A_278 = arith.constant 0 : i32
      %dma_wait3A_279 = arith.constant 0 : i32
      %dma_wait3A_280 = tpu.memref_slice %arg8[%dma_wait3A_278, %dma_wait3A_279] : memref<10112x128xf32, #tpu.memory_space<vmem_shared>> -> memref<10112x128xf32, #tpu.memory_space<vmem_shared>>
      tpu.wait_indirect_dma semaphore(%arg19 : memref<!tpu.dma_semaphore, #tpu.memory_space<semaphore_mem>>) src(%arg9 : memref<40x128xf32, #tpu.memory_space<vmem>>) dst(%dma_wait3A_280 : memref<10112x128xf32, #tpu.memory_space<vmem_shared>>)
      %add3A_281 = arith.constant 5 : i32
      %add3A_282 = arith.addi %add3A_260, %add3A_281 : i32
      %sub3A_283 = arith.constant 1 : i32
      %sub3A_284 = arith.subi %add3A_282, %sub3A_283 : i32
      %mul3A_285 = arith.constant 40 : i32
      %mul3A_286 = arith.muli %sub3A_284, %mul3A_285 : i32
      %dma_start3A_287 = tpu.memref_slice %arg6[%mul3A_286] : memref<10000xi32, #tpu.memory_space<vmem>> -> memref<40xi32, #tpu.memory_space<vmem>>
      %dma_start3A_288 = arith.constant 0 : i32
      %dma_start3A_289 = arith.constant 0 : i32
      %dma_start3A_290 = tpu.memref_slice %arg2[%dma_start3A_288, %dma_start3A_289] : memref<10000x128xf32, #tpu.memory_space<hbm>> -> memref<10000x128xf32, #tpu.memory_space<hbm>>
      tpu.enqueue_indirect_dma source(%dma_start3A_290 : memref<10000x128xf32, #tpu.memory_space<hbm>>) target(%arg9 : memref<40x128xf32, #tpu.memory_space<vmem>>) offsets(%dma_start3A_287 : memref<40xi32, #tpu.memory_space<vmem>>) semaphore(%arg14 : memref<!tpu.dma_semaphore, #tpu.memory_space<semaphore_mem>>)
      %add3A_291 = arith.constant 2 : i32
      %add3A_292 = arith.addi %mul3A_227, %add3A_291 : i32
      %mul3A_293 = arith.constant 40 : i32
      %mul3A_294 = arith.muli %add3A_292, %mul3A_293 : i32
      %dma_wait3A_295 = tpu.memref_slice %arg6[%mul3A_294] : memref<10000xi32, #tpu.memory_space<vmem>> -> memref<40xi32, #tpu.memory_space<vmem>>
      %dma_wait3A_296 = arith.constant 0 : i32
      %dma_wait3A_297 = arith.constant 0 : i32
      %dma_wait3A_298 = tpu.memref_slice %arg2[%dma_wait3A_296, %dma_wait3A_297] : memref<10000x128xf32, #tpu.memory_space<hbm>> -> memref<10000x128xf32, #tpu.memory_space<hbm>>
      tpu.wait_indirect_dma semaphore(%arg16 : memref<!tpu.dma_semaphore, #tpu.memory_space<semaphore_mem>>) src(%dma_wait3A_298 : memref<10000x128xf32, #tpu.memory_space<hbm>>) dst(%arg11 : memref<40x128xf32, #tpu.memory_space<vmem>>)
      %mul3A_299 = arith.constant 40 : i32
      %mul3A_300 = arith.muli %add3A_292, %mul3A_299 : i32
      %dma_start3A_301 = tpu.memref_slice %arg7[%mul3A_300] : memref<10000xi32, #tpu.memory_space<vmem>> -> memref<40xi32, #tpu.memory_space<vmem>>
      %dma_start3A_302 = arith.constant 0 : i32
      %dma_start3A_303 = arith.constant 0 : i32
      %dma_start3A_304 = tpu.memref_slice %arg8[%dma_start3A_302, %dma_start3A_303] : memref<10112x128xf32, #tpu.memory_space<vmem_shared>> -> memref<10112x128xf32, #tpu.memory_space<vmem_shared>>
      tpu.enqueue_indirect_dma source(%arg11 : memref<40x128xf32, #tpu.memory_space<vmem>>) target(%dma_start3A_304 : memref<10112x128xf32, #tpu.memory_space<vmem_shared>>) offsets(%dma_start3A_301 : memref<40xi32, #tpu.memory_space<vmem>>) semaphore(%arg21 : memref<!tpu.dma_semaphore, #tpu.memory_space<semaphore_mem>>) {add = true}
      %sub3A_305 = arith.constant 1 : i32
      %sub3A_306 = arith.subi %add3A_292, %sub3A_305 : i32
      %mul3A_307 = arith.constant 40 : i32
      %mul3A_308 = arith.muli %sub3A_306, %mul3A_307 : i32
      %dma_wait3A_309 = tpu.memref_slice %arg7[%mul3A_308] : memref<10000xi32, #tpu.memory_space<vmem>> -> memref<40xi32, #tpu.memory_space<vmem>>
      %dma_wait3A_310 = arith.constant 0 : i32
      %dma_wait3A_311 = arith.constant 0 : i32
      %dma_wait3A_312 = tpu.memref_slice %arg8[%dma_wait3A_310, %dma_wait3A_311] : memref<10112x128xf32, #tpu.memory_space<vmem_shared>> -> memref<10112x128xf32, #tpu.memory_space<vmem_shared>>
      tpu.wait_indirect_dma semaphore(%arg20 : memref<!tpu.dma_semaphore, #tpu.memory_space<semaphore_mem>>) src(%arg10 : memref<40x128xf32, #tpu.memory_space<vmem>>) dst(%dma_wait3A_312 : memref<10112x128xf32, #tpu.memory_space<vmem_shared>>)
      %add3A_313 = arith.constant 5 : i32
      %add3A_314 = arith.addi %add3A_292, %add3A_313 : i32
      %sub3A_315 = arith.constant 1 : i32
      %sub3A_316 = arith.subi %add3A_314, %sub3A_315 : i32
      %mul3A_317 = arith.constant 40 : i32
      %mul3A_318 = arith.muli %sub3A_316, %mul3A_317 : i32
      %dma_start3A_319 = tpu.memref_slice %arg6[%mul3A_318] : memref<10000xi32, #tpu.memory_space<vmem>> -> memref<40xi32, #tpu.memory_space<vmem>>
      %dma_start3A_320 = arith.constant 0 : i32
      %dma_start3A_321 = arith.constant 0 : i32
      %dma_start3A_322 = tpu.memref_slice %arg2[%dma_start3A_320, %dma_start3A_321] : memref<10000x128xf32, #tpu.memory_space<hbm>> -> memref<10000x128xf32, #tpu.memory_space<hbm>>
      tpu.enqueue_indirect_dma source(%dma_start3A_322 : memref<10000x128xf32, #tpu.memory_space<hbm>>) target(%arg10 : memref<40x128xf32, #tpu.memory_space<vmem>>) offsets(%dma_start3A_319 : memref<40xi32, #tpu.memory_space<vmem>>) semaphore(%arg15 : memref<!tpu.dma_semaphore, #tpu.memory_space<semaphore_mem>>)
      %add3A_323 = arith.constant 3 : i32
      %add3A_324 = arith.addi %mul3A_227, %add3A_323 : i32
      %mul3A_325 = arith.constant 40 : i32
      %mul3A_326 = arith.muli %add3A_324, %mul3A_325 : i32
      %dma_wait3A_327 = tpu.memref_slice %arg6[%mul3A_326] : memref<10000xi32, #tpu.memory_space<vmem>> -> memref<40xi32, #tpu.memory_space<vmem>>
      %dma_wait3A_328 = arith.constant 0 : i32
      %dma_wait3A_329 = arith.constant 0 : i32
      %dma_wait3A_330 = tpu.memref_slice %arg2[%dma_wait3A_328, %dma_wait3A_329] : memref<10000x128xf32, #tpu.memory_space<hbm>> -> memref<10000x128xf32, #tpu.memory_space<hbm>>
      tpu.wait_indirect_dma semaphore(%arg17 : memref<!tpu.dma_semaphore, #tpu.memory_space<semaphore_mem>>) src(%dma_wait3A_330 : memref<10000x128xf32, #tpu.memory_space<hbm>>) dst(%arg12 : memref<40x128xf32, #tpu.memory_space<vmem>>)
      %mul3A_331 = arith.constant 40 : i32
      %mul3A_332 = arith.muli %add3A_324, %mul3A_331 : i32
      %dma_start3A_333 = tpu.memref_slice %arg7[%mul3A_332] : memref<10000xi32, #tpu.memory_space<vmem>> -> memref<40xi32, #tpu.memory_space<vmem>>
      %dma_start3A_334 = arith.constant 0 : i32
      %dma_start3A_335 = arith.constant 0 : i32
      %dma_start3A_336 = tpu.memref_slice %arg8[%dma_start3A_334, %dma_start3A_335] : memref<10112x128xf32, #tpu.memory_space<vmem_shared>> -> memref<10112x128xf32, #tpu.memory_space<vmem_shared>>
      tpu.enqueue_indirect_dma source(%arg12 : memref<40x128xf32, #tpu.memory_space<vmem>>) target(%dma_start3A_336 : memref<10112x128xf32, #tpu.memory_space<vmem_shared>>) offsets(%dma_start3A_333 : memref<40xi32, #tpu.memory_space<vmem>>) semaphore(%arg22 : memref<!tpu.dma_semaphore, #tpu.memory_space<semaphore_mem>>) {add = true}
      %sub3A_337 = arith.constant 1 : i32
      %sub3A_338 = arith.subi %add3A_324, %sub3A_337 : i32
      %mul3A_339 = arith.constant 40 : i32
      %mul3A_340 = arith.muli %sub3A_338, %mul3A_339 : i32
      %dma_wait3A_341 = tpu.memref_slice %arg7[%mul3A_340] : memref<10000xi32, #tpu.memory_space<vmem>> -> memref<40xi32, #tpu.memory_space<vmem>>
      %dma_wait3A_342 = arith.constant 0 : i32
      %dma_wait3A_343 = arith.constant 0 : i32
      %dma_wait3A_344 = tpu.memref_slice %arg8[%dma_wait3A_342, %dma_wait3A_343] : memref<10112x128xf32, #tpu.memory_space<vmem_shared>> -> memref<10112x128xf32, #tpu.memory_space<vmem_shared>>
      tpu.wait_indirect_dma semaphore(%arg21 : memref<!tpu.dma_semaphore, #tpu.memory_space<semaphore_mem>>) src(%arg11 : memref<40x128xf32, #tpu.memory_space<vmem>>) dst(%dma_wait3A_344 : memref<10112x128xf32, #tpu.memory_space<vmem_shared>>)
      %add3A_345 = arith.constant 5 : i32
      %add3A_346 = arith.addi %add3A_324, %add3A_345 : i32
      %sub3A_347 = arith.constant 1 : i32
      %sub3A_348 = arith.subi %add3A_346, %sub3A_347 : i32
      %mul3A_349 = arith.constant 40 : i32
      %mul3A_350 = arith.muli %sub3A_348, %mul3A_349 : i32
      %dma_start3A_351 = tpu.memref_slice %arg6[%mul3A_350] : memref<10000xi32, #tpu.memory_space<vmem>> -> memref<40xi32, #tpu.memory_space<vmem>>
      %dma_start3A_352 = arith.constant 0 : i32
      %dma_start3A_353 = arith.constant 0 : i32
      %dma_start3A_354 = tpu.memref_slice %arg2[%dma_start3A_352, %dma_start3A_353] : memref<10000x128xf32, #tpu.memory_space<hbm>> -> memref<10000x128xf32, #tpu.memory_space<hbm>>
      tpu.enqueue_indirect_dma source(%dma_start3A_354 : memref<10000x128xf32, #tpu.memory_space<hbm>>) target(%arg11 : memref<40x128xf32, #tpu.memory_space<vmem>>) offsets(%dma_start3A_351 : memref<40xi32, #tpu.memory_space<vmem>>) semaphore(%arg16 : memref<!tpu.dma_semaphore, #tpu.memory_space<semaphore_mem>>)
      %add3A_355 = arith.constant 4 : i32
      %add3A_356 = arith.addi %mul3A_227, %add3A_355 : i32
      %mul3A_357 = arith.constant 40 : i32
      %mul3A_358 = arith.muli %add3A_356, %mul3A_357 : i32
      %dma_wait3A_359 = tpu.memref_slice %arg6[%mul3A_358] : memref<10000xi32, #tpu.memory_space<vmem>> -> memref<40xi32, #tpu.memory_space<vmem>>
      %dma_wait3A_360 = arith.constant 0 : i32
      %dma_wait3A_361 = arith.constant 0 : i32
      %dma_wait3A_362 = tpu.memref_slice %arg2[%dma_wait3A_360, %dma_wait3A_361] : memref<10000x128xf32, #tpu.memory_space<hbm>> -> memref<10000x128xf32, #tpu.memory_space<hbm>>
      tpu.wait_indirect_dma semaphore(%arg18 : memref<!tpu.dma_semaphore, #tpu.memory_space<semaphore_mem>>) src(%dma_wait3A_362 : memref<10000x128xf32, #tpu.memory_space<hbm>>) dst(%arg13 : memref<40x128xf32, #tpu.memory_space<vmem>>)
      %mul3A_363 = arith.constant 40 : i32
      %mul3A_364 = arith.muli %add3A_356, %mul3A_363 : i32
      %dma_start3A_365 = tpu.memref_slice %arg7[%mul3A_364] : memref<10000xi32, #tpu.memory_space<vmem>> -> memref<40xi32, #tpu.memory_space<vmem>>
      %dma_start3A_366 = arith.constant 0 : i32
      %dma_start3A_367 = arith.constant 0 : i32
      %dma_start3A_368 = tpu.memref_slice %arg8[%dma_start3A_366, %dma_start3A_367] : memref<10112x128xf32, #tpu.memory_space<vmem_shared>> -> memref<10112x128xf32, #tpu.memory_space<vmem_shared>>
      tpu.enqueue_indirect_dma source(%arg13 : memref<40x128xf32, #tpu.memory_space<vmem>>) target(%dma_start3A_368 : memref<10112x128xf32, #tpu.memory_space<vmem_shared>>) offsets(%dma_start3A_365 : memref<40xi32, #tpu.memory_space<vmem>>) semaphore(%arg23 : memref<!tpu.dma_semaphore, #tpu.memory_space<semaphore_mem>>) {add = true}
      %sub3A_369 = arith.constant 1 : i32
      %sub3A_370 = arith.subi %add3A_356, %sub3A_369 : i32
      %mul3A_371 = arith.constant 40 : i32
      %mul3A_372 = arith.muli %sub3A_370, %mul3A_371 : i32
      %dma_wait3A_373 = tpu.memref_slice %arg7[%mul3A_372] : memref<10000xi32, #tpu.memory_space<vmem>> -> memref<40xi32, #tpu.memory_space<vmem>>
      %dma_wait3A_374 = arith.constant 0 : i32
      %dma_wait3A_375 = arith.constant 0 : i32
      %dma_wait3A_376 = tpu.memref_slice %arg8[%dma_wait3A_374, %dma_wait3A_375] : memref<10112x128xf32, #tpu.memory_space<vmem_shared>> -> memref<10112x128xf32, #tpu.memory_space<vmem_shared>>
      tpu.wait_indirect_dma semaphore(%arg22 : memref<!tpu.dma_semaphore, #tpu.memory_space<semaphore_mem>>) src(%arg12 : memref<40x128xf32, #tpu.memory_space<vmem>>) dst(%dma_wait3A_376 : memref<10112x128xf32, #tpu.memory_space<vmem_shared>>)
      %add3A_377 = arith.constant 5 : i32
      %add3A_378 = arith.addi %add3A_356, %add3A_377 : i32
      %sub3A_379 = arith.constant 1 : i32
      %sub3A_380 = arith.subi %add3A_378, %sub3A_379 : i32
      %mul3A_381 = arith.constant 40 : i32
      %mul3A_382 = arith.muli %sub3A_380, %mul3A_381 : i32
      %dma_start3A_383 = tpu.memref_slice %arg6[%mul3A_382] : memref<10000xi32, #tpu.memory_space<vmem>> -> memref<40xi32, #tpu.memory_space<vmem>>
      %dma_start3A_384 = arith.constant 0 : i32
      %dma_start3A_385 = arith.constant 0 : i32
      %dma_start3A_386 = tpu.memref_slice %arg2[%dma_start3A_384, %dma_start3A_385] : memref<10000x128xf32, #tpu.memory_space<hbm>> -> memref<10000x128xf32, #tpu.memory_space<hbm>>
      tpu.enqueue_indirect_dma source(%dma_start3A_386 : memref<10000x128xf32, #tpu.memory_space<hbm>>) target(%arg12 : memref<40x128xf32, #tpu.memory_space<vmem>>) offsets(%dma_start3A_383 : memref<40xi32, #tpu.memory_space<vmem>>) semaphore(%arg17 : memref<!tpu.dma_semaphore, #tpu.memory_space<semaphore_mem>>)
      %scan3A_387 = arith.constant 0 : i32
      scf.yield %scan3A_387 : i32
    }
    %scan3A_137 = arith.constant 48 : i32
    %dma_wait3A_138 = arith.constant 9800 : i32
    %dma_wait3A_139 = tpu.memref_slice %arg6[%dma_wait3A_138] : memref<10000xi32, #tpu.memory_space<vmem>> -> memref<40xi32, #tpu.memory_space<vmem>>
    %dma_wait3A_140 = arith.constant 0 : i32
    %dma_wait3A_141 = arith.constant 0 : i32
    %dma_wait3A_142 = tpu.memref_slice %arg2[%dma_wait3A_140, %dma_wait3A_141] : memref<10000x128xf32, #tpu.memory_space<hbm>> -> memref<10000x128xf32, #tpu.memory_space<hbm>>
    tpu.wait_indirect_dma semaphore(%arg14 : memref<!tpu.dma_semaphore, #tpu.memory_space<semaphore_mem>>) src(%dma_wait3A_142 : memref<10000x128xf32, #tpu.memory_space<hbm>>) dst(%arg9 : memref<40x128xf32, #tpu.memory_space<vmem>>)
    %dma_start3A_143 = arith.constant 9800 : i32
    %dma_start3A_144 = tpu.memref_slice %arg7[%dma_start3A_143] : memref<10000xi32, #tpu.memory_space<vmem>> -> memref<40xi32, #tpu.memory_space<vmem>>
    %dma_start3A_145 = arith.constant 0 : i32
    %dma_start3A_146 = arith.constant 0 : i32
    %dma_start3A_147 = tpu.memref_slice %arg8[%dma_start3A_145, %dma_start3A_146] : memref<10112x128xf32, #tpu.memory_space<vmem_shared>> -> memref<10112x128xf32, #tpu.memory_space<vmem_shared>>
    tpu.enqueue_indirect_dma source(%arg9 : memref<40x128xf32, #tpu.memory_space<vmem>>) target(%dma_start3A_147 : memref<10112x128xf32, #tpu.memory_space<vmem_shared>>) offsets(%dma_start3A_144 : memref<40xi32, #tpu.memory_space<vmem>>) semaphore(%arg19 : memref<!tpu.dma_semaphore, #tpu.memory_space<semaphore_mem>>) {add = true}
    %dma_wait3A_148 = arith.constant 9760 : i32
    %dma_wait3A_149 = tpu.memref_slice %arg7[%dma_wait3A_148] : memref<10000xi32, #tpu.memory_space<vmem>> -> memref<40xi32, #tpu.memory_space<vmem>>
    %dma_wait3A_150 = arith.constant 0 : i32
    %dma_wait3A_151 = arith.constant 0 : i32
    %dma_wait3A_152 = tpu.memref_slice %arg8[%dma_wait3A_150, %dma_wait3A_151] : memref<10112x128xf32, #tpu.memory_space<vmem_shared>> -> memref<10112x128xf32, #tpu.memory_space<vmem_shared>>
    tpu.wait_indirect_dma semaphore(%arg23 : memref<!tpu.dma_semaphore, #tpu.memory_space<semaphore_mem>>) src(%arg13 : memref<40x128xf32, #tpu.memory_space<vmem>>) dst(%dma_wait3A_152 : memref<10112x128xf32, #tpu.memory_space<vmem_shared>>)
    %dma_start3A_153 = arith.constant 9960 : i32
    %dma_start3A_154 = tpu.memref_slice %arg6[%dma_start3A_153] : memref<10000xi32, #tpu.memory_space<vmem>> -> memref<40xi32, #tpu.memory_space<vmem>>
    %dma_start3A_155 = arith.constant 0 : i32
    %dma_start3A_156 = arith.constant 0 : i32
    %dma_start3A_157 = tpu.memref_slice %arg2[%dma_start3A_155, %dma_start3A_156] : memref<10000x128xf32, #tpu.memory_space<hbm>> -> memref<10000x128xf32, #tpu.memory_space<hbm>>
    tpu.enqueue_indirect_dma source(%dma_start3A_157 : memref<10000x128xf32, #tpu.memory_space<hbm>>) target(%arg13 : memref<40x128xf32, #tpu.memory_space<vmem>>) offsets(%dma_start3A_154 : memref<40xi32, #tpu.memory_space<vmem>>) semaphore(%arg18 : memref<!tpu.dma_semaphore, #tpu.memory_space<semaphore_mem>>)
    %dma_wait3A_158 = arith.constant 9840 : i32
    %dma_wait3A_159 = tpu.memref_slice %arg6[%dma_wait3A_158] : memref<10000xi32, #tpu.memory_space<vmem>> -> memref<40xi32, #tpu.memory_space<vmem>>
    %dma_wait3A_160 = arith.constant 0 : i32
    %dma_wait3A_161 = arith.constant 0 : i32
    %dma_wait3A_162 = tpu.memref_slice %arg2[%dma_wait3A_160, %dma_wait3A_161] : memref<10000x128xf32, #tpu.memory_space<hbm>> -> memref<10000x128xf32, #tpu.memory_space<hbm>>
    tpu.wait_indirect_dma semaphore(%arg15 : memref<!tpu.dma_semaphore, #tpu.memory_space<semaphore_mem>>) src(%dma_wait3A_162 : memref<10000x128xf32, #tpu.memory_space<hbm>>) dst(%arg10 : memref<40x128xf32, #tpu.memory_space<vmem>>)
    %dma_start3A_163 = arith.constant 9840 : i32
    %dma_start3A_164 = tpu.memref_slice %arg7[%dma_start3A_163] : memref<10000xi32, #tpu.memory_space<vmem>> -> memref<40xi32, #tpu.memory_space<vmem>>
    %dma_start3A_165 = arith.constant 0 : i32
    %dma_start3A_166 = arith.constant 0 : i32
    %dma_start3A_167 = tpu.memref_slice %arg8[%dma_start3A_165, %dma_start3A_166] : memref<10112x128xf32, #tpu.memory_space<vmem_shared>> -> memref<10112x128xf32, #tpu.memory_space<vmem_shared>>
    tpu.enqueue_indirect_dma source(%arg10 : memref<40x128xf32, #tpu.memory_space<vmem>>) target(%dma_start3A_167 : memref<10112x128xf32, #tpu.memory_space<vmem_shared>>) offsets(%dma_start3A_164 : memref<40xi32, #tpu.memory_space<vmem>>) semaphore(%arg20 : memref<!tpu.dma_semaphore, #tpu.memory_space<semaphore_mem>>) {add = true}
    %dma_wait3A_168 = arith.constant 9880 : i32
    %dma_wait3A_169 = tpu.memref_slice %arg6[%dma_wait3A_168] : memref<10000xi32, #tpu.memory_space<vmem>> -> memref<40xi32, #tpu.memory_space<vmem>>
    %dma_wait3A_170 = arith.constant 0 : i32
    %dma_wait3A_171 = arith.constant 0 : i32
    %dma_wait3A_172 = tpu.memref_slice %arg2[%dma_wait3A_170, %dma_wait3A_171] : memref<10000x128xf32, #tpu.memory_space<hbm>> -> memref<10000x128xf32, #tpu.memory_space<hbm>>
    tpu.wait_indirect_dma semaphore(%arg16 : memref<!tpu.dma_semaphore, #tpu.memory_space<semaphore_mem>>) src(%dma_wait3A_172 : memref<10000x128xf32, #tpu.memory_space<hbm>>) dst(%arg11 : memref<40x128xf32, #tpu.memory_space<vmem>>)
    %dma_start3A_173 = arith.constant 9880 : i32
    %dma_start3A_174 = tpu.memref_slice %arg7[%dma_start3A_173] : memref<10000xi32, #tpu.memory_space<vmem>> -> memref<40xi32, #tpu.memory_space<vmem>>
    %dma_start3A_175 = arith.constant 0 : i32
    %dma_start3A_176 = arith.constant 0 : i32
    %dma_start3A_177 = tpu.memref_slice %arg8[%dma_start3A_175, %dma_start3A_176] : memref<10112x128xf32, #tpu.memory_space<vmem_shared>> -> memref<10112x128xf32, #tpu.memory_space<vmem_shared>>
    tpu.enqueue_indirect_dma source(%arg11 : memref<40x128xf32, #tpu.memory_space<vmem>>) target(%dma_start3A_177 : memref<10112x128xf32, #tpu.memory_space<vmem_shared>>) offsets(%dma_start3A_174 : memref<40xi32, #tpu.memory_space<vmem>>) semaphore(%arg21 : memref<!tpu.dma_semaphore, #tpu.memory_space<semaphore_mem>>) {add = true}
    %dma_wait3A_178 = arith.constant 9920 : i32
    %dma_wait3A_179 = tpu.memref_slice %arg6[%dma_wait3A_178] : memref<10000xi32, #tpu.memory_space<vmem>> -> memref<40xi32, #tpu.memory_space<vmem>>
    %dma_wait3A_180 = arith.constant 0 : i32
    %dma_wait3A_181 = arith.constant 0 : i32
    %dma_wait3A_182 = tpu.memref_slice %arg2[%dma_wait3A_180, %dma_wait3A_181] : memref<10000x128xf32, #tpu.memory_space<hbm>> -> memref<10000x128xf32, #tpu.memory_space<hbm>>
    tpu.wait_indirect_dma semaphore(%arg17 : memref<!tpu.dma_semaphore, #tpu.memory_space<semaphore_mem>>) src(%dma_wait3A_182 : memref<10000x128xf32, #tpu.memory_space<hbm>>) dst(%arg12 : memref<40x128xf32, #tpu.memory_space<vmem>>)
    %dma_start3A_183 = arith.constant 9920 : i32
    %dma_start3A_184 = tpu.memref_slice %arg7[%dma_start3A_183] : memref<10000xi32, #tpu.memory_space<vmem>> -> memref<40xi32, #tpu.memory_space<vmem>>
    %dma_start3A_185 = arith.constant 0 : i32
    %dma_start3A_186 = arith.constant 0 : i32
    %dma_start3A_187 = tpu.memref_slice %arg8[%dma_start3A_185, %dma_start3A_186] : memref<10112x128xf32, #tpu.memory_space<vmem_shared>> -> memref<10112x128xf32, #tpu.memory_space<vmem_shared>>
    tpu.enqueue_indirect_dma source(%arg12 : memref<40x128xf32, #tpu.memory_space<vmem>>) target(%dma_start3A_187 : memref<10112x128xf32, #tpu.memory_space<vmem_shared>>) offsets(%dma_start3A_184 : memref<40xi32, #tpu.memory_space<vmem>>) semaphore(%arg22 : memref<!tpu.dma_semaphore, #tpu.memory_space<semaphore_mem>>) {add = true}
    %dma_wait3A_188 = arith.constant 9960 : i32
    %dma_wait3A_189 = tpu.memref_slice %arg6[%dma_wait3A_188] : memref<10000xi32, #tpu.memory_space<vmem>> -> memref<40xi32, #tpu.memory_space<vmem>>
    %dma_wait3A_190 = arith.constant 0 : i32
    %dma_wait3A_191 = arith.constant 0 : i32
    %dma_wait3A_192 = tpu.memref_slice %arg2[%dma_wait3A_190, %dma_wait3A_191] : memref<10000x128xf32, #tpu.memory_space<hbm>> -> memref<10000x128xf32, #tpu.memory_space<hbm>>
    tpu.wait_indirect_dma semaphore(%arg18 : memref<!tpu.dma_semaphore, #tpu.memory_space<semaphore_mem>>) src(%dma_wait3A_192 : memref<10000x128xf32, #tpu.memory_space<hbm>>) dst(%arg13 : memref<40x128xf32, #tpu.memory_space<vmem>>)
    %dma_start3A_193 = arith.constant 9960 : i32
    %dma_start3A_194 = tpu.memref_slice %arg7[%dma_start3A_193] : memref<10000xi32, #tpu.memory_space<vmem>> -> memref<40xi32, #tpu.memory_space<vmem>>
    %dma_start3A_195 = arith.constant 0 : i32
    %dma_start3A_196 = arith.constant 0 : i32
    %dma_start3A_197 = tpu.memref_slice %arg8[%dma_start3A_195, %dma_start3A_196] : memref<10112x128xf32, #tpu.memory_space<vmem_shared>> -> memref<10112x128xf32, #tpu.memory_space<vmem_shared>>
    tpu.enqueue_indirect_dma source(%arg13 : memref<40x128xf32, #tpu.memory_space<vmem>>) target(%dma_start3A_197 : memref<10112x128xf32, #tpu.memory_space<vmem_shared>>) offsets(%dma_start3A_194 : memref<40xi32, #tpu.memory_space<vmem>>) semaphore(%arg23 : memref<!tpu.dma_semaphore, #tpu.memory_space<semaphore_mem>>) {add = true}
    %dma_wait3A_198 = arith.constant 9800 : i32
    %dma_wait3A_199 = tpu.memref_slice %arg7[%dma_wait3A_198] : memref<10000xi32, #tpu.memory_space<vmem>> -> memref<40xi32, #tpu.memory_space<vmem>>
    %dma_wait3A_200 = arith.constant 0 : i32
    %dma_wait3A_201 = arith.constant 0 : i32
    %dma_wait3A_202 = tpu.memref_slice %arg8[%dma_wait3A_200, %dma_wait3A_201] : memref<10112x128xf32, #tpu.memory_space<vmem_shared>> -> memref<10112x128xf32, #tpu.memory_space<vmem_shared>>
    tpu.wait_indirect_dma semaphore(%arg19 : memref<!tpu.dma_semaphore, #tpu.memory_space<semaphore_mem>>) src(%arg9 : memref<40x128xf32, #tpu.memory_space<vmem>>) dst(%dma_wait3A_202 : memref<10112x128xf32, #tpu.memory_space<vmem_shared>>)
    %dma_wait3A_203 = arith.constant 9840 : i32
    %dma_wait3A_204 = tpu.memref_slice %arg7[%dma_wait3A_203] : memref<10000xi32, #tpu.memory_space<vmem>> -> memref<40xi32, #tpu.memory_space<vmem>>
    %dma_wait3A_205 = arith.constant 0 : i32
    %dma_wait3A_206 = arith.constant 0 : i32
    %dma_wait3A_207 = tpu.memref_slice %arg8[%dma_wait3A_205, %dma_wait3A_206] : memref<10112x128xf32, #tpu.memory_space<vmem_shared>> -> memref<10112x128xf32, #tpu.memory_space<vmem_shared>>
    tpu.wait_indirect_dma semaphore(%arg20 : memref<!tpu.dma_semaphore, #tpu.memory_space<semaphore_mem>>) src(%arg10 : memref<40x128xf32, #tpu.memory_space<vmem>>) dst(%dma_wait3A_207 : memref<10112x128xf32, #tpu.memory_space<vmem_shared>>)
    %dma_wait3A_208 = arith.constant 9880 : i32
    %dma_wait3A_209 = tpu.memref_slice %arg7[%dma_wait3A_208] : memref<10000xi32, #tpu.memory_space<vmem>> -> memref<40xi32, #tpu.memory_space<vmem>>
    %dma_wait3A_210 = arith.constant 0 : i32
    %dma_wait3A_211 = arith.constant 0 : i32
    %dma_wait3A_212 = tpu.memref_slice %arg8[%dma_wait3A_210, %dma_wait3A_211] : memref<10112x128xf32, #tpu.memory_space<vmem_shared>> -> memref<10112x128xf32, #tpu.memory_space<vmem_shared>>
    tpu.wait_indirect_dma semaphore(%arg21 : memref<!tpu.dma_semaphore, #tpu.memory_space<semaphore_mem>>) src(%arg11 : memref<40x128xf32, #tpu.memory_space<vmem>>) dst(%dma_wait3A_212 : memref<10112x128xf32, #tpu.memory_space<vmem_shared>>)
    %dma_wait3A_213 = arith.constant 9920 : i32
    %dma_wait3A_214 = tpu.memref_slice %arg7[%dma_wait3A_213] : memref<10000xi32, #tpu.memory_space<vmem>> -> memref<40xi32, #tpu.memory_space<vmem>>
    %dma_wait3A_215 = arith.constant 0 : i32
    %dma_wait3A_216 = arith.constant 0 : i32
    %dma_wait3A_217 = tpu.memref_slice %arg8[%dma_wait3A_215, %dma_wait3A_216] : memref<10112x128xf32, #tpu.memory_space<vmem_shared>> -> memref<10112x128xf32, #tpu.memory_space<vmem_shared>>
    tpu.wait_indirect_dma semaphore(%arg22 : memref<!tpu.dma_semaphore, #tpu.memory_space<semaphore_mem>>) src(%arg12 : memref<40x128xf32, #tpu.memory_space<vmem>>) dst(%dma_wait3A_217 : memref<10112x128xf32, #tpu.memory_space<vmem_shared>>)
    %dma_wait3A_218 = arith.constant 9960 : i32
    %dma_wait3A_219 = tpu.memref_slice %arg7[%dma_wait3A_218] : memref<10000xi32, #tpu.memory_space<vmem>> -> memref<40xi32, #tpu.memory_space<vmem>>
    %dma_wait3A_220 = arith.constant 0 : i32
    %dma_wait3A_221 = arith.constant 0 : i32
    %dma_wait3A_222 = tpu.memref_slice %arg8[%dma_wait3A_220, %dma_wait3A_221] : memref<10112x128xf32, #tpu.memory_space<vmem_shared>> -> memref<10112x128xf32, #tpu.memory_space<vmem_shared>>
    tpu.wait_indirect_dma semaphore(%arg23 : memref<!tpu.dma_semaphore, #tpu.memory_space<semaphore_mem>>) src(%arg13 : memref<40x128xf32, #tpu.memory_space<vmem>>) dst(%dma_wait3A_222 : memref<10112x128xf32, #tpu.memory_space<vmem_shared>>)
    %barrier3A_223 = arith.constant 0 : index
    tpu.barrier barrier_id(%barrier3A_223)
    "tpu.region"() ({
      %run_scoped3A = tpu.sem_alloc : memref<!tpu.dma_semaphore, #tpu.memory_space<semaphore_mem>>
      %dma_start3A_224 = arith.constant 0 : i32
      %dma_start3A_225 = arith.constant 0 : i32
      %dma_start3A_226 = tpu.memref_slice %arg5[%arg0, %arg1, %dma_start3A_224, %dma_start3A_225] : memref<2x16x632x128xf32, #tpu.memory_space<hbm>> -> memref<1x1x632x128xf32, #tpu.memory_space<hbm>>
      %dma_start3A_227 = tpu.memref_squeeze %dma_start3A_226 : memref<1x1x632x128xf32, #tpu.memory_space<hbm>> -> memref<632x128xf32, #tpu.memory_space<hbm>>
      %dma_start3A_228 = arith.constant 0 : i32
      %dma_start3A_229 = tpu.memref_slice %arg8[%mul3A_8, %dma_start3A_228] : memref<10112x128xf32, #tpu.memory_space<vmem_shared>> -> memref<632x128xf32, #tpu.memory_space<vmem_shared>>
      tpu.enqueue_dma source(%dma_start3A_229 : memref<632x128xf32, #tpu.memory_space<vmem_shared>>) target(%dma_start3A_227 : memref<632x128xf32, #tpu.memory_space<hbm>>) target_semaphore(%run_scoped3A : memref<!tpu.dma_semaphore, #tpu.memory_space<semaphore_mem>>)
      %dma_wait3A_230 = arith.constant 0 : i32
      %dma_wait3A_231 = arith.constant 0 : i32
      %dma_wait3A_232 = tpu.memref_slice %arg5[%arg0, %arg1, %dma_wait3A_230, %dma_wait3A_231] : memref<2x16x632x128xf32, #tpu.memory_space<hbm>> -> memref<1x1x632x128xf32, #tpu.memory_space<hbm>>
      %dma_wait3A_233 = tpu.memref_squeeze %dma_wait3A_232 : memref<1x1x632x128xf32, #tpu.memory_space<hbm>> -> memref<632x128xf32, #tpu.memory_space<hbm>>
      %dma_wait3A_234 = arith.constant 0 : i32
      %dma_wait3A_235 = tpu.memref_slice %arg8[%mul3A_8, %dma_wait3A_234] : memref<10112x128xf32, #tpu.memory_space<vmem_shared>> -> memref<632x128xf32, #tpu.memory_space<vmem_shared>>
      tpu.wait_dma2 semaphore(%run_scoped3A : memref<!tpu.dma_semaphore, #tpu.memory_space<semaphore_mem>>) src(%dma_wait3A_235 : memref<632x128xf32, #tpu.memory_space<vmem_shared>>) dst(%dma_wait3A_233 : memref<632x128xf32, #tpu.memory_space<hbm>>)
      tpu.yield
    }) : () -> ()
    return
  }
}

#map = affine_map<(d0, d1) -> (0, 0, 0)>
module attributes {stable_mosaic.version = 14 : i64} {
  func.func @k(%arg0: i32, %arg1: i32, %arg2: memref<32x125x80xi32, #tpu.memory_space<hbm>>, %arg3: memref<2x16x640xf32, #tpu.memory_space<hbm>>, %arg4: memref<125x80xi32, #tpu.memory_space<vmem>>, %arg5: memref<80xf32, #tpu.memory_space<vmem>>, %arg6: memref<640xf32, #tpu.memory_space<vmem>>, %arg7: memref<10240xf32, #tpu.memory_space<vmem_shared>>, %arg8: memref<!tpu.dma_semaphore, #tpu.memory_space<semaphore_mem>>, %arg9: memref<!tpu.dma_semaphore, #tpu.memory_space<semaphore_mem>>, %arg10: memref<!tpu.dma_semaphore, #tpu.memory_space<semaphore_mem>>, %arg11: memref<!tpu.dma_semaphore, #tpu.memory_space<semaphore_mem>>, %arg12: memref<!tpu.dma_semaphore, #tpu.memory_space<semaphore_mem>>) attributes {dimension_semantics = [#tpu.dimension_semantics<core_parallel>, #tpu.dimension_semantics<subcore_parallel>], iteration_bounds = array<i64: 2, 16>, scalar_prefetch = 0 : i64, scratch_operands = 9 : i64, tpu.core_type = #tpu.core_type<sc_vector_subcore>, window_params = [{transform_indices = #map}, {transform_indices = #map}]} {
    %mul3A = arith.constant 2 : i32
    %mul3A_0 = arith.muli %arg1, %mul3A : i32
    %add3A = arith.addi %mul3A_0, %arg0 : i32
    "tpu.region"() ({
      %run_scoped3A = tpu.sem_alloc : memref<!tpu.dma_semaphore, #tpu.memory_space<semaphore_mem>>
      %dma_start3A_82 = arith.constant 0 : i32
      %dma_start3A_83 = arith.constant 0 : i32
      %dma_start3A_84 = tpu.memref_slice %arg2[%add3A, %dma_start3A_82, %dma_start3A_83] : memref<32x125x80xi32, #tpu.memory_space<hbm>> -> memref<1x125x80xi32, #tpu.memory_space<hbm>>
      %dma_start3A_85 = tpu.memref_squeeze %dma_start3A_84 : memref<1x125x80xi32, #tpu.memory_space<hbm>> -> memref<125x80xi32, #tpu.memory_space<hbm>>
      %dma_start3A_86 = arith.constant 0 : i32
      %dma_start3A_87 = arith.constant 0 : i32
      %dma_start3A_88 = tpu.memref_slice %arg2[%add3A, %dma_start3A_86, %dma_start3A_87] : memref<32x125x80xi32, #tpu.memory_space<hbm>> -> memref<1x125x80xi32, #tpu.memory_space<hbm>>
      %dma_start3A_89 = tpu.memref_squeeze %dma_start3A_88 : memref<1x125x80xi32, #tpu.memory_space<hbm>> -> memref<125x80xi32, #tpu.memory_space<hbm>>
      tpu.enqueue_dma source(%dma_start3A_89 : memref<125x80xi32, #tpu.memory_space<hbm>>) target(%arg4 : memref<125x80xi32, #tpu.memory_space<vmem>>) target_semaphore(%run_scoped3A : memref<!tpu.dma_semaphore, #tpu.memory_space<semaphore_mem>>)
      %dma_wait3A_90 = arith.constant 0 : i32
      %dma_wait3A_91 = arith.constant 0 : i32
      %dma_wait3A_92 = tpu.memref_slice %arg2[%add3A, %dma_wait3A_90, %dma_wait3A_91] : memref<32x125x80xi32, #tpu.memory_space<hbm>> -> memref<1x125x80xi32, #tpu.memory_space<hbm>>
      %dma_wait3A_93 = tpu.memref_squeeze %dma_wait3A_92 : memref<1x125x80xi32, #tpu.memory_space<hbm>> -> memref<125x80xi32, #tpu.memory_space<hbm>>
      %dma_wait3A_94 = arith.constant 0 : i32
      %dma_wait3A_95 = arith.constant 0 : i32
      %dma_wait3A_96 = tpu.memref_slice %arg2[%add3A, %dma_wait3A_94, %dma_wait3A_95] : memref<32x125x80xi32, #tpu.memory_space<hbm>> -> memref<1x125x80xi32, #tpu.memory_space<hbm>>
      %dma_wait3A_97 = tpu.memref_squeeze %dma_wait3A_96 : memref<1x125x80xi32, #tpu.memory_space<hbm>> -> memref<125x80xi32, #tpu.memory_space<hbm>>
      tpu.wait_dma2 semaphore(%run_scoped3A : memref<!tpu.dma_semaphore, #tpu.memory_space<semaphore_mem>>) src(%dma_wait3A_97 : memref<125x80xi32, #tpu.memory_space<hbm>>) dst(%arg4 : memref<125x80xi32, #tpu.memory_space<vmem>>)
      tpu.yield
    }) : () -> ()
    %scan3A = arith.constant 0 : i32
    %scan3A_1 = arith.constant 0 : i32
    %scan3A_2 = arith.constant 5 : i32
    %scan3A_3 = arith.addi %scan3A_1, %scan3A_2 : i32
    %scan3A_4 = arith.constant 1 : i32
    %scan3A_5 = scf.for %scan3A_82 = %scan3A_1 to %scan3A_3 step %scan3A_4 iter_args(%scan3A_83 = %scan3A) -> (i32)  : i32 {
      %broadcast_in_dim3A = arith.constant 1.000000e+00 : f32
      %broadcast_in_dim3A_84 = vector.broadcast %broadcast_in_dim3A : f32 to vector<16xf32>
      %mul3A_85 = arith.constant 16 : i32
      %mul3A_86 = arith.muli %scan3A_82, %mul3A_85 : i32
      %swap3A = arith.index_cast %mul3A_86 : i32 to index
      %swap3A_87 = tpu.vector_load %arg5[%swap3A] {strides = array<i32>} : memref<80xf32, #tpu.memory_space<vmem>>, vector<16xf32>,
      %swap3A_88 = vector.shape_cast %swap3A_87 : vector<16xf32> to vector<16xf32>
      %swap3A_89 = vector.shape_cast %broadcast_in_dim3A_84 : vector<16xf32> to vector<16xf32>
      tpu.vector_store %arg5[%swap3A], %swap3A_89 {strides = array<i32>} : memref<80xf32, #tpu.memory_space<vmem>>, vector<16xf32>,
      %scan3A_90 = arith.constant 0 : i32
      scf.yield %scan3A_90 : i32
    }
    %scan3A_6 = arith.constant 5 : i32
    %scan3A_7 = arith.constant 0 : i32
    %scan3A_8 = arith.constant 0 : i32
    %scan3A_9 = arith.constant 40 : i32
    %scan3A_10 = arith.addi %scan3A_8, %scan3A_9 : i32
    %scan3A_11 = arith.constant 1 : i32
    %scan3A_12 = scf.for %scan3A_82 = %scan3A_8 to %scan3A_10 step %scan3A_11 iter_args(%scan3A_83 = %scan3A_7) -> (i32)  : i32 {
      %broadcast_in_dim3A = arith.constant 0.000000e+00 : f32
      %broadcast_in_dim3A_84 = vector.broadcast %broadcast_in_dim3A : f32 to vector<16xf32>
      %mul3A_85 = arith.constant 16 : i32
      %mul3A_86 = arith.muli %scan3A_82, %mul3A_85 : i32
      %swap3A = arith.index_cast %mul3A_86 : i32 to index
      %swap3A_87 = tpu.vector_load %arg6[%swap3A] {strides = array<i32>} : memref<640xf32, #tpu.memory_space<vmem>>, vector<16xf32>,
      %swap3A_88 = vector.shape_cast %swap3A_87 : vector<16xf32> to vector<16xf32>
      %swap3A_89 = vector.shape_cast %broadcast_in_dim3A_84 : vector<16xf32> to vector<16xf32>
      tpu.vector_store %arg6[%swap3A], %swap3A_89 {strides = array<i32>} : memref<640xf32, #tpu.memory_space<vmem>>, vector<16xf32>,
      %scan3A_90 = arith.constant 0 : i32
      scf.yield %scan3A_90 : i32
    }
    %scan3A_13 = arith.constant 40 : i32
    %mul3A_14 = arith.constant 640 : i32
    %mul3A_15 = arith.muli %arg1, %mul3A_14 : i32
    "tpu.region"() ({
      %run_scoped3A = tpu.sem_alloc : memref<!tpu.dma_semaphore, #tpu.memory_space<semaphore_mem>>
      %dma_start3A_82 = tpu.memref_slice %arg7[%mul3A_15] : memref<10240xf32, #tpu.memory_space<vmem_shared>> -> memref<640xf32, #tpu.memory_space<vmem_shared>>
      %dma_start3A_83 = tpu.memref_slice %arg7[%mul3A_15] : memref<10240xf32, #tpu.memory_space<vmem_shared>> -> memref<640xf32, #tpu.memory_space<vmem_shared>>
      tpu.enqueue_dma source(%arg6 : memref<640xf32, #tpu.memory_space<vmem>>) target(%dma_start3A_83 : memref<640xf32, #tpu.memory_space<vmem_shared>>) target_semaphore(%run_scoped3A : memref<!tpu.dma_semaphore, #tpu.memory_space<semaphore_mem>>)
      %dma_wait3A_84 = tpu.memref_slice %arg7[%mul3A_15] : memref<10240xf32, #tpu.memory_space<vmem_shared>> -> memref<640xf32, #tpu.memory_space<vmem_shared>>
      %dma_wait3A_85 = tpu.memref_slice %arg7[%mul3A_15] : memref<10240xf32, #tpu.memory_space<vmem_shared>> -> memref<640xf32, #tpu.memory_space<vmem_shared>>
      tpu.wait_dma2 semaphore(%run_scoped3A : memref<!tpu.dma_semaphore, #tpu.memory_space<semaphore_mem>>) src(%arg6 : memref<640xf32, #tpu.memory_space<vmem>>) dst(%dma_wait3A_85 : memref<640xf32, #tpu.memory_space<vmem_shared>>)
      tpu.yield
    }) : () -> ()
    %barrier3A = arith.constant 0 : index
    tpu.barrier barrier_id(%barrier3A)
    %dma_start3A = arith.constant 0 : i32
    %dma_start3A_16 = arith.constant 0 : i32
    %dma_start3A_17 = tpu.memref_slice %arg4[%dma_start3A, %dma_start3A_16] : memref<125x80xi32, #tpu.memory_space<vmem>> -> memref<1x80xi32, #tpu.memory_space<vmem>>
    %dma_start3A_18 = tpu.memref_squeeze %dma_start3A_17 : memref<1x80xi32, #tpu.memory_space<vmem>> -> memref<80xi32, #tpu.memory_space<vmem>>
    %dma_start3A_19 = arith.constant 0 : i32
    %dma_start3A_20 = tpu.memref_slice %arg7[%dma_start3A_19] : memref<10240xf32, #tpu.memory_space<vmem_shared>> -> memref<10240xf32, #tpu.memory_space<vmem_shared>>
    tpu.enqueue_indirect_dma source(%arg5 : memref<80xf32, #tpu.memory_space<vmem>>) target(%dma_start3A_20 : memref<10240xf32, #tpu.memory_space<vmem_shared>>) offsets(%dma_start3A_18 : memref<80xi32, #tpu.memory_space<vmem>>) semaphore(%arg8 : memref<!tpu.dma_semaphore, #tpu.memory_space<semaphore_mem>>) {add = true}
    %dma_start3A_21 = arith.constant 1 : i32
    %dma_start3A_22 = arith.constant 0 : i32
    %dma_start3A_23 = tpu.memref_slice %arg4[%dma_start3A_21, %dma_start3A_22] : memref<125x80xi32, #tpu.memory_space<vmem>> -> memref<1x80xi32, #tpu.memory_space<vmem>>
    %dma_start3A_24 = tpu.memref_squeeze %dma_start3A_23 : memref<1x80xi32, #tpu.memory_space<vmem>> -> memref<80xi32, #tpu.memory_space<vmem>>
    %dma_start3A_25 = arith.constant 0 : i32
    %dma_start3A_26 = tpu.memref_slice %arg7[%dma_start3A_25] : memref<10240xf32, #tpu.memory_space<vmem_shared>> -> memref<10240xf32, #tpu.memory_space<vmem_shared>>
    tpu.enqueue_indirect_dma source(%arg5 : memref<80xf32, #tpu.memory_space<vmem>>) target(%dma_start3A_26 : memref<10240xf32, #tpu.memory_space<vmem_shared>>) offsets(%dma_start3A_24 : memref<80xi32, #tpu.memory_space<vmem>>) semaphore(%arg9 : memref<!tpu.dma_semaphore, #tpu.memory_space<semaphore_mem>>) {add = true}
    %dma_start3A_27 = arith.constant 2 : i32
    %dma_start3A_28 = arith.constant 0 : i32
    %dma_start3A_29 = tpu.memref_slice %arg4[%dma_start3A_27, %dma_start3A_28] : memref<125x80xi32, #tpu.memory_space<vmem>> -> memref<1x80xi32, #tpu.memory_space<vmem>>
    %dma_start3A_30 = tpu.memref_squeeze %dma_start3A_29 : memref<1x80xi32, #tpu.memory_space<vmem>> -> memref<80xi32, #tpu.memory_space<vmem>>
    %dma_start3A_31 = arith.constant 0 : i32
    %dma_start3A_32 = tpu.memref_slice %arg7[%dma_start3A_31] : memref<10240xf32, #tpu.memory_space<vmem_shared>> -> memref<10240xf32, #tpu.memory_space<vmem_shared>>
    tpu.enqueue_indirect_dma source(%arg5 : memref<80xf32, #tpu.memory_space<vmem>>) target(%dma_start3A_32 : memref<10240xf32, #tpu.memory_space<vmem_shared>>) offsets(%dma_start3A_30 : memref<80xi32, #tpu.memory_space<vmem>>) semaphore(%arg10 : memref<!tpu.dma_semaphore, #tpu.memory_space<semaphore_mem>>) {add = true}
    %dma_start3A_33 = arith.constant 3 : i32
    %dma_start3A_34 = arith.constant 0 : i32
    %dma_start3A_35 = tpu.memref_slice %arg4[%dma_start3A_33, %dma_start3A_34] : memref<125x80xi32, #tpu.memory_space<vmem>> -> memref<1x80xi32, #tpu.memory_space<vmem>>
    %dma_start3A_36 = tpu.memref_squeeze %dma_start3A_35 : memref<1x80xi32, #tpu.memory_space<vmem>> -> memref<80xi32, #tpu.memory_space<vmem>>
    %dma_start3A_37 = arith.constant 0 : i32
    %dma_start3A_38 = tpu.memref_slice %arg7[%dma_start3A_37] : memref<10240xf32, #tpu.memory_space<vmem_shared>> -> memref<10240xf32, #tpu.memory_space<vmem_shared>>
    tpu.enqueue_indirect_dma source(%arg5 : memref<80xf32, #tpu.memory_space<vmem>>) target(%dma_start3A_38 : memref<10240xf32, #tpu.memory_space<vmem_shared>>) offsets(%dma_start3A_36 : memref<80xi32, #tpu.memory_space<vmem>>) semaphore(%arg11 : memref<!tpu.dma_semaphore, #tpu.memory_space<semaphore_mem>>) {add = true}
    %dma_start3A_39 = arith.constant 4 : i32
    %dma_start3A_40 = arith.constant 0 : i32
    %dma_start3A_41 = tpu.memref_slice %arg4[%dma_start3A_39, %dma_start3A_40] : memref<125x80xi32, #tpu.memory_space<vmem>> -> memref<1x80xi32, #tpu.memory_space<vmem>>
    %dma_start3A_42 = tpu.memref_squeeze %dma_start3A_41 : memref<1x80xi32, #tpu.memory_space<vmem>> -> memref<80xi32, #tpu.memory_space<vmem>>
    %dma_start3A_43 = arith.constant 0 : i32
    %dma_start3A_44 = tpu.memref_slice %arg7[%dma_start3A_43] : memref<10240xf32, #tpu.memory_space<vmem_shared>> -> memref<10240xf32, #tpu.memory_space<vmem_shared>>
    tpu.enqueue_indirect_dma source(%arg5 : memref<80xf32, #tpu.memory_space<vmem>>) target(%dma_start3A_44 : memref<10240xf32, #tpu.memory_space<vmem_shared>>) offsets(%dma_start3A_42 : memref<80xi32, #tpu.memory_space<vmem>>) semaphore(%arg12 : memref<!tpu.dma_semaphore, #tpu.memory_space<semaphore_mem>>) {add = true}
    %scan3A_45 = arith.constant 0 : i32
    %scan3A_46 = arith.constant 1 : i32
    %scan3A_47 = arith.constant 24 : i32
    %scan3A_48 = arith.addi %scan3A_46, %scan3A_47 : i32
    %scan3A_49 = arith.constant 1 : i32
    %scan3A_50 = scf.for %scan3A_82 = %scan3A_46 to %scan3A_48 step %scan3A_49 iter_args(%scan3A_83 = %scan3A_45) -> (i32)  : i32 {
      %mul3A_84 = arith.constant 5 : i32
      %mul3A_85 = arith.muli %scan3A_82, %mul3A_84 : i32
      %add3A_86 = arith.constant 0 : i32
      %add3A_87 = arith.addi %mul3A_85, %add3A_86 : i32
      %sub3A = arith.constant 5 : i32
      %sub3A_88 = arith.subi %add3A_87, %sub3A : i32
      %dma_wait3A_89 = arith.constant 0 : i32
      %dma_wait3A_90 = tpu.memref_slice %arg4[%sub3A_88, %dma_wait3A_89] : memref<125x80xi32, #tpu.memory_space<vmem>> -> memref<1x80xi32, #tpu.memory_space<vmem>>
      %dma_wait3A_91 = tpu.memref_squeeze %dma_wait3A_90 : memref<1x80xi32, #tpu.memory_space<vmem>> -> memref<80xi32, #tpu.memory_space<vmem>>
      %dma_wait3A_92 = arith.constant 0 : i32
      %dma_wait3A_93 = tpu.memref_slice %arg7[%dma_wait3A_92] : memref<10240xf32, #tpu.memory_space<vmem_shared>> -> memref<10240xf32, #tpu.memory_space<vmem_shared>>
      tpu.wait_indirect_dma semaphore(%arg8 : memref<!tpu.dma_semaphore, #tpu.memory_space<semaphore_mem>>) src(%arg5 : memref<80xf32, #tpu.memory_space<vmem>>) dst(%dma_wait3A_93 : memref<10240xf32, #tpu.memory_space<vmem_shared>>)
      %mul3A_94 = arith.constant 5 : i32
      %mul3A_95 = arith.muli %scan3A_82, %mul3A_94 : i32
      %add3A_96 = arith.constant 0 : i32
      %add3A_97 = arith.addi %mul3A_95, %add3A_96 : i32
      %dma_start3A_98 = arith.constant 0 : i32
      %dma_start3A_99 = tpu.memref_slice %arg4[%add3A_97, %dma_start3A_98] : memref<125x80xi32, #tpu.memory_space<vmem>> -> memref<1x80xi32, #tpu.memory_space<vmem>>
      %dma_start3A_100 = tpu.memref_squeeze %dma_start3A_99 : memref<1x80xi32, #tpu.memory_space<vmem>> -> memref<80xi32, #tpu.memory_space<vmem>>
      %dma_start3A_101 = arith.constant 0 : i32
      %dma_start3A_102 = tpu.memref_slice %arg7[%dma_start3A_101] : memref<10240xf32, #tpu.memory_space<vmem_shared>> -> memref<10240xf32, #tpu.memory_space<vmem_shared>>
      tpu.enqueue_indirect_dma source(%arg5 : memref<80xf32, #tpu.memory_space<vmem>>) target(%dma_start3A_102 : memref<10240xf32, #tpu.memory_space<vmem_shared>>) offsets(%dma_start3A_100 : memref<80xi32, #tpu.memory_space<vmem>>) semaphore(%arg8 : memref<!tpu.dma_semaphore, #tpu.memory_space<semaphore_mem>>) {add = true}
      %mul3A_103 = arith.constant 5 : i32
      %mul3A_104 = arith.muli %scan3A_82, %mul3A_103 : i32
      %add3A_105 = arith.constant 1 : i32
      %add3A_106 = arith.addi %mul3A_104, %add3A_105 : i32
      %sub3A_107 = arith.constant 5 : i32
      %sub3A_108 = arith.subi %add3A_106, %sub3A_107 : i32
      %dma_wait3A_109 = arith.constant 0 : i32
      %dma_wait3A_110 = tpu.memref_slice %arg4[%sub3A_108, %dma_wait3A_109] : memref<125x80xi32, #tpu.memory_space<vmem>> -> memref<1x80xi32, #tpu.memory_space<vmem>>
      %dma_wait3A_111 = tpu.memref_squeeze %dma_wait3A_110 : memref<1x80xi32, #tpu.memory_space<vmem>> -> memref<80xi32, #tpu.memory_space<vmem>>
      %dma_wait3A_112 = arith.constant 0 : i32
      %dma_wait3A_113 = tpu.memref_slice %arg7[%dma_wait3A_112] : memref<10240xf32, #tpu.memory_space<vmem_shared>> -> memref<10240xf32, #tpu.memory_space<vmem_shared>>
      tpu.wait_indirect_dma semaphore(%arg9 : memref<!tpu.dma_semaphore, #tpu.memory_space<semaphore_mem>>) src(%arg5 : memref<80xf32, #tpu.memory_space<vmem>>) dst(%dma_wait3A_113 : memref<10240xf32, #tpu.memory_space<vmem_shared>>)
      %mul3A_114 = arith.constant 5 : i32
      %mul3A_115 = arith.muli %scan3A_82, %mul3A_114 : i32
      %add3A_116 = arith.constant 1 : i32
      %add3A_117 = arith.addi %mul3A_115, %add3A_116 : i32
      %dma_start3A_118 = arith.constant 0 : i32
      %dma_start3A_119 = tpu.memref_slice %arg4[%add3A_117, %dma_start3A_118] : memref<125x80xi32, #tpu.memory_space<vmem>> -> memref<1x80xi32, #tpu.memory_space<vmem>>
      %dma_start3A_120 = tpu.memref_squeeze %dma_start3A_119 : memref<1x80xi32, #tpu.memory_space<vmem>> -> memref<80xi32, #tpu.memory_space<vmem>>
      %dma_start3A_121 = arith.constant 0 : i32
      %dma_start3A_122 = tpu.memref_slice %arg7[%dma_start3A_121] : memref<10240xf32, #tpu.memory_space<vmem_shared>> -> memref<10240xf32, #tpu.memory_space<vmem_shared>>
      tpu.enqueue_indirect_dma source(%arg5 : memref<80xf32, #tpu.memory_space<vmem>>) target(%dma_start3A_122 : memref<10240xf32, #tpu.memory_space<vmem_shared>>) offsets(%dma_start3A_120 : memref<80xi32, #tpu.memory_space<vmem>>) semaphore(%arg9 : memref<!tpu.dma_semaphore, #tpu.memory_space<semaphore_mem>>) {add = true}
      %mul3A_123 = arith.constant 5 : i32
      %mul3A_124 = arith.muli %scan3A_82, %mul3A_123 : i32
      %add3A_125 = arith.constant 2 : i32
      %add3A_126 = arith.addi %mul3A_124, %add3A_125 : i32
      %sub3A_127 = arith.constant 5 : i32
      %sub3A_128 = arith.subi %add3A_126, %sub3A_127 : i32
      %dma_wait3A_129 = arith.constant 0 : i32
      %dma_wait3A_130 = tpu.memref_slice %arg4[%sub3A_128, %dma_wait3A_129] : memref<125x80xi32, #tpu.memory_space<vmem>> -> memref<1x80xi32, #tpu.memory_space<vmem>>
      %dma_wait3A_131 = tpu.memref_squeeze %dma_wait3A_130 : memref<1x80xi32, #tpu.memory_space<vmem>> -> memref<80xi32, #tpu.memory_space<vmem>>
      %dma_wait3A_132 = arith.constant 0 : i32
      %dma_wait3A_133 = tpu.memref_slice %arg7[%dma_wait3A_132] : memref<10240xf32, #tpu.memory_space<vmem_shared>> -> memref<10240xf32, #tpu.memory_space<vmem_shared>>
      tpu.wait_indirect_dma semaphore(%arg10 : memref<!tpu.dma_semaphore, #tpu.memory_space<semaphore_mem>>) src(%arg5 : memref<80xf32, #tpu.memory_space<vmem>>) dst(%dma_wait3A_133 : memref<10240xf32, #tpu.memory_space<vmem_shared>>)
      %mul3A_134 = arith.constant 5 : i32
      %mul3A_135 = arith.muli %scan3A_82, %mul3A_134 : i32
      %add3A_136 = arith.constant 2 : i32
      %add3A_137 = arith.addi %mul3A_135, %add3A_136 : i32
      %dma_start3A_138 = arith.constant 0 : i32
      %dma_start3A_139 = tpu.memref_slice %arg4[%add3A_137, %dma_start3A_138] : memref<125x80xi32, #tpu.memory_space<vmem>> -> memref<1x80xi32, #tpu.memory_space<vmem>>
      %dma_start3A_140 = tpu.memref_squeeze %dma_start3A_139 : memref<1x80xi32, #tpu.memory_space<vmem>> -> memref<80xi32, #tpu.memory_space<vmem>>
      %dma_start3A_141 = arith.constant 0 : i32
      %dma_start3A_142 = tpu.memref_slice %arg7[%dma_start3A_141] : memref<10240xf32, #tpu.memory_space<vmem_shared>> -> memref<10240xf32, #tpu.memory_space<vmem_shared>>
      tpu.enqueue_indirect_dma source(%arg5 : memref<80xf32, #tpu.memory_space<vmem>>) target(%dma_start3A_142 : memref<10240xf32, #tpu.memory_space<vmem_shared>>) offsets(%dma_start3A_140 : memref<80xi32, #tpu.memory_space<vmem>>) semaphore(%arg10 : memref<!tpu.dma_semaphore, #tpu.memory_space<semaphore_mem>>) {add = true}
      %mul3A_143 = arith.constant 5 : i32
      %mul3A_144 = arith.muli %scan3A_82, %mul3A_143 : i32
      %add3A_145 = arith.constant 3 : i32
      %add3A_146 = arith.addi %mul3A_144, %add3A_145 : i32
      %sub3A_147 = arith.constant 5 : i32
      %sub3A_148 = arith.subi %add3A_146, %sub3A_147 : i32
      %dma_wait3A_149 = arith.constant 0 : i32
      %dma_wait3A_150 = tpu.memref_slice %arg4[%sub3A_148, %dma_wait3A_149] : memref<125x80xi32, #tpu.memory_space<vmem>> -> memref<1x80xi32, #tpu.memory_space<vmem>>
      %dma_wait3A_151 = tpu.memref_squeeze %dma_wait3A_150 : memref<1x80xi32, #tpu.memory_space<vmem>> -> memref<80xi32, #tpu.memory_space<vmem>>
      %dma_wait3A_152 = arith.constant 0 : i32
      %dma_wait3A_153 = tpu.memref_slice %arg7[%dma_wait3A_152] : memref<10240xf32, #tpu.memory_space<vmem_shared>> -> memref<10240xf32, #tpu.memory_space<vmem_shared>>
      tpu.wait_indirect_dma semaphore(%arg11 : memref<!tpu.dma_semaphore, #tpu.memory_space<semaphore_mem>>) src(%arg5 : memref<80xf32, #tpu.memory_space<vmem>>) dst(%dma_wait3A_153 : memref<10240xf32, #tpu.memory_space<vmem_shared>>)
      %mul3A_154 = arith.constant 5 : i32
      %mul3A_155 = arith.muli %scan3A_82, %mul3A_154 : i32
      %add3A_156 = arith.constant 3 : i32
      %add3A_157 = arith.addi %mul3A_155, %add3A_156 : i32
      %dma_start3A_158 = arith.constant 0 : i32
      %dma_start3A_159 = tpu.memref_slice %arg4[%add3A_157, %dma_start3A_158] : memref<125x80xi32, #tpu.memory_space<vmem>> -> memref<1x80xi32, #tpu.memory_space<vmem>>
      %dma_start3A_160 = tpu.memref_squeeze %dma_start3A_159 : memref<1x80xi32, #tpu.memory_space<vmem>> -> memref<80xi32, #tpu.memory_space<vmem>>
      %dma_start3A_161 = arith.constant 0 : i32
      %dma_start3A_162 = tpu.memref_slice %arg7[%dma_start3A_161] : memref<10240xf32, #tpu.memory_space<vmem_shared>> -> memref<10240xf32, #tpu.memory_space<vmem_shared>>
      tpu.enqueue_indirect_dma source(%arg5 : memref<80xf32, #tpu.memory_space<vmem>>) target(%dma_start3A_162 : memref<10240xf32, #tpu.memory_space<vmem_shared>>) offsets(%dma_start3A_160 : memref<80xi32, #tpu.memory_space<vmem>>) semaphore(%arg11 : memref<!tpu.dma_semaphore, #tpu.memory_space<semaphore_mem>>) {add = true}
      %mul3A_163 = arith.constant 5 : i32
      %mul3A_164 = arith.muli %scan3A_82, %mul3A_163 : i32
      %add3A_165 = arith.constant 4 : i32
      %add3A_166 = arith.addi %mul3A_164, %add3A_165 : i32
      %sub3A_167 = arith.constant 5 : i32
      %sub3A_168 = arith.subi %add3A_166, %sub3A_167 : i32
      %dma_wait3A_169 = arith.constant 0 : i32
      %dma_wait3A_170 = tpu.memref_slice %arg4[%sub3A_168, %dma_wait3A_169] : memref<125x80xi32, #tpu.memory_space<vmem>> -> memref<1x80xi32, #tpu.memory_space<vmem>>
      %dma_wait3A_171 = tpu.memref_squeeze %dma_wait3A_170 : memref<1x80xi32, #tpu.memory_space<vmem>> -> memref<80xi32, #tpu.memory_space<vmem>>
      %dma_wait3A_172 = arith.constant 0 : i32
      %dma_wait3A_173 = tpu.memref_slice %arg7[%dma_wait3A_172] : memref<10240xf32, #tpu.memory_space<vmem_shared>> -> memref<10240xf32, #tpu.memory_space<vmem_shared>>
      tpu.wait_indirect_dma semaphore(%arg12 : memref<!tpu.dma_semaphore, #tpu.memory_space<semaphore_mem>>) src(%arg5 : memref<80xf32, #tpu.memory_space<vmem>>) dst(%dma_wait3A_173 : memref<10240xf32, #tpu.memory_space<vmem_shared>>)
      %mul3A_174 = arith.constant 5 : i32
      %mul3A_175 = arith.muli %scan3A_82, %mul3A_174 : i32
      %add3A_176 = arith.constant 4 : i32
      %add3A_177 = arith.addi %mul3A_175, %add3A_176 : i32
      %dma_start3A_178 = arith.constant 0 : i32
      %dma_start3A_179 = tpu.memref_slice %arg4[%add3A_177, %dma_start3A_178] : memref<125x80xi32, #tpu.memory_space<vmem>> -> memref<1x80xi32, #tpu.memory_space<vmem>>
      %dma_start3A_180 = tpu.memref_squeeze %dma_start3A_179 : memref<1x80xi32, #tpu.memory_space<vmem>> -> memref<80xi32, #tpu.memory_space<vmem>>
      %dma_start3A_181 = arith.constant 0 : i32
      %dma_start3A_182 = tpu.memref_slice %arg7[%dma_start3A_181] : memref<10240xf32, #tpu.memory_space<vmem_shared>> -> memref<10240xf32, #tpu.memory_space<vmem_shared>>
      tpu.enqueue_indirect_dma source(%arg5 : memref<80xf32, #tpu.memory_space<vmem>>) target(%dma_start3A_182 : memref<10240xf32, #tpu.memory_space<vmem_shared>>) offsets(%dma_start3A_180 : memref<80xi32, #tpu.memory_space<vmem>>) semaphore(%arg12 : memref<!tpu.dma_semaphore, #tpu.memory_space<semaphore_mem>>) {add = true}
      %scan3A_183 = arith.constant 0 : i32
      scf.yield %scan3A_183 : i32
    }
    %scan3A_51 = arith.constant 24 : i32
    %dma_wait3A = arith.constant 120 : i32
    %dma_wait3A_52 = arith.constant 0 : i32
    %dma_wait3A_53 = tpu.memref_slice %arg4[%dma_wait3A, %dma_wait3A_52] : memref<125x80xi32, #tpu.memory_space<vmem>> -> memref<1x80xi32, #tpu.memory_space<vmem>>
    %dma_wait3A_54 = tpu.memref_squeeze %dma_wait3A_53 : memref<1x80xi32, #tpu.memory_space<vmem>> -> memref<80xi32, #tpu.memory_space<vmem>>
    %dma_wait3A_55 = arith.constant 0 : i32
    %dma_wait3A_56 = tpu.memref_slice %arg7[%dma_wait3A_55] : memref<10240xf32, #tpu.memory_space<vmem_shared>> -> memref<10240xf32, #tpu.memory_space<vmem_shared>>
    tpu.wait_indirect_dma semaphore(%arg8 : memref<!tpu.dma_semaphore, #tpu.memory_space<semaphore_mem>>) src(%arg5 : memref<80xf32, #tpu.memory_space<vmem>>) dst(%dma_wait3A_56 : memref<10240xf32, #tpu.memory_space<vmem_shared>>)
    %dma_wait3A_57 = arith.constant 121 : i32
    %dma_wait3A_58 = arith.constant 0 : i32
    %dma_wait3A_59 = tpu.memref_slice %arg4[%dma_wait3A_57, %dma_wait3A_58] : memref<125x80xi32, #tpu.memory_space<vmem>> -> memref<1x80xi32, #tpu.memory_space<vmem>>
    %dma_wait3A_60 = tpu.memref_squeeze %dma_wait3A_59 : memref<1x80xi32, #tpu.memory_space<vmem>> -> memref<80xi32, #tpu.memory_space<vmem>>
    %dma_wait3A_61 = arith.constant 0 : i32
    %dma_wait3A_62 = tpu.memref_slice %arg7[%dma_wait3A_61] : memref<10240xf32, #tpu.memory_space<vmem_shared>> -> memref<10240xf32, #tpu.memory_space<vmem_shared>>
    tpu.wait_indirect_dma semaphore(%arg9 : memref<!tpu.dma_semaphore, #tpu.memory_space<semaphore_mem>>) src(%arg5 : memref<80xf32, #tpu.memory_space<vmem>>) dst(%dma_wait3A_62 : memref<10240xf32, #tpu.memory_space<vmem_shared>>)
    %dma_wait3A_63 = arith.constant 122 : i32
    %dma_wait3A_64 = arith.constant 0 : i32
    %dma_wait3A_65 = tpu.memref_slice %arg4[%dma_wait3A_63, %dma_wait3A_64] : memref<125x80xi32, #tpu.memory_space<vmem>> -> memref<1x80xi32, #tpu.memory_space<vmem>>
    %dma_wait3A_66 = tpu.memref_squeeze %dma_wait3A_65 : memref<1x80xi32, #tpu.memory_space<vmem>> -> memref<80xi32, #tpu.memory_space<vmem>>
    %dma_wait3A_67 = arith.constant 0 : i32
    %dma_wait3A_68 = tpu.memref_slice %arg7[%dma_wait3A_67] : memref<10240xf32, #tpu.memory_space<vmem_shared>> -> memref<10240xf32, #tpu.memory_space<vmem_shared>>
    tpu.wait_indirect_dma semaphore(%arg10 : memref<!tpu.dma_semaphore, #tpu.memory_space<semaphore_mem>>) src(%arg5 : memref<80xf32, #tpu.memory_space<vmem>>) dst(%dma_wait3A_68 : memref<10240xf32, #tpu.memory_space<vmem_shared>>)
    %dma_wait3A_69 = arith.constant 123 : i32
    %dma_wait3A_70 = arith.constant 0 : i32
    %dma_wait3A_71 = tpu.memref_slice %arg4[%dma_wait3A_69, %dma_wait3A_70] : memref<125x80xi32, #tpu.memory_space<vmem>> -> memref<1x80xi32, #tpu.memory_space<vmem>>
    %dma_wait3A_72 = tpu.memref_squeeze %dma_wait3A_71 : memref<1x80xi32, #tpu.memory_space<vmem>> -> memref<80xi32, #tpu.memory_space<vmem>>
    %dma_wait3A_73 = arith.constant 0 : i32
    %dma_wait3A_74 = tpu.memref_slice %arg7[%dma_wait3A_73] : memref<10240xf32, #tpu.memory_space<vmem_shared>> -> memref<10240xf32, #tpu.memory_space<vmem_shared>>
    tpu.wait_indirect_dma semaphore(%arg11 : memref<!tpu.dma_semaphore, #tpu.memory_space<semaphore_mem>>) src(%arg5 : memref<80xf32, #tpu.memory_space<vmem>>) dst(%dma_wait3A_74 : memref<10240xf32, #tpu.memory_space<vmem_shared>>)
    %dma_wait3A_75 = arith.constant 124 : i32
    %dma_wait3A_76 = arith.constant 0 : i32
    %dma_wait3A_77 = tpu.memref_slice %arg4[%dma_wait3A_75, %dma_wait3A_76] : memref<125x80xi32, #tpu.memory_space<vmem>> -> memref<1x80xi32, #tpu.memory_space<vmem>>
    %dma_wait3A_78 = tpu.memref_squeeze %dma_wait3A_77 : memref<1x80xi32, #tpu.memory_space<vmem>> -> memref<80xi32, #tpu.memory_space<vmem>>
    %dma_wait3A_79 = arith.constant 0 : i32
    %dma_wait3A_80 = tpu.memref_slice %arg7[%dma_wait3A_79] : memref<10240xf32, #tpu.memory_space<vmem_shared>> -> memref<10240xf32, #tpu.memory_space<vmem_shared>>
    tpu.wait_indirect_dma semaphore(%arg12 : memref<!tpu.dma_semaphore, #tpu.memory_space<semaphore_mem>>) src(%arg5 : memref<80xf32, #tpu.memory_space<vmem>>) dst(%dma_wait3A_80 : memref<10240xf32, #tpu.memory_space<vmem_shared>>)
    %barrier3A_81 = arith.constant 0 : index
    tpu.barrier barrier_id(%barrier3A_81)
    "tpu.region"() ({
      %run_scoped3A = tpu.sem_alloc : memref<!tpu.dma_semaphore, #tpu.memory_space<semaphore_mem>>
      %dma_start3A_82 = arith.constant 0 : i32
      %dma_start3A_83 = tpu.memref_slice %arg3[%arg0, %arg1, %dma_start3A_82] : memref<2x16x640xf32, #tpu.memory_space<hbm>> -> memref<1x1x640xf32, #tpu.memory_space<hbm>>
      %dma_start3A_84 = tpu.memref_squeeze %dma_start3A_83 : memref<1x1x640xf32, #tpu.memory_space<hbm>> -> memref<640xf32, #tpu.memory_space<hbm>>
      %dma_start3A_85 = tpu.memref_slice %arg7[%mul3A_15] : memref<10240xf32, #tpu.memory_space<vmem_shared>> -> memref<640xf32, #tpu.memory_space<vmem_shared>>
      tpu.enqueue_dma source(%dma_start3A_85 : memref<640xf32, #tpu.memory_space<vmem_shared>>) target(%dma_start3A_84 : memref<640xf32, #tpu.memory_space<hbm>>) target_semaphore(%run_scoped3A : memref<!tpu.dma_semaphore, #tpu.memory_space<semaphore_mem>>)
      %dma_wait3A_86 = arith.constant 0 : i32
      %dma_wait3A_87 = tpu.memref_slice %arg3[%arg0, %arg1, %dma_wait3A_86] : memref<2x16x640xf32, #tpu.memory_space<hbm>> -> memref<1x1x640xf32, #tpu.memory_space<hbm>>
      %dma_wait3A_88 = tpu.memref_squeeze %dma_wait3A_87 : memref<1x1x640xf32, #tpu.memory_space<hbm>> -> memref<640xf32, #tpu.memory_space<hbm>>
      %dma_wait3A_89 = tpu.memref_slice %arg7[%mul3A_15] : memref<10240xf32, #tpu.memory_space<vmem_shared>> -> memref<640xf32, #tpu.memory_space<vmem_shared>>
      tpu.wait_dma2 semaphore(%run_scoped3A : memref<!tpu.dma_semaphore, #tpu.memory_space<semaphore_mem>>) src(%dma_wait3A_89 : memref<640xf32, #tpu.memory_space<vmem_shared>>) dst(%dma_wait3A_88 : memref<640xf32, #tpu.memory_space<hbm>>)
      tpu.yield
    }) : () -> ()
    return
  }
}

#map = affine_map<(d0, d1) -> (0, 0)>
#map1 = affine_map<(d0, d1) -> (0, 0, 0, 0)>
module attributes {stable_mosaic.version = 14 : i64} {
  func.func @k(%arg0: i32, %arg1: i32, %arg2: memref<10000x128xf32, #tpu.memory_space<hbm>>, %arg3: memref<32x10000xi32, #tpu.memory_space<hbm>>, %arg4: memref<32x10000xi32, #tpu.memory_space<hbm>>, %arg5: memref<2x16x632x128xf32, #tpu.memory_space<hbm>>, %arg6: memref<10000xi32, #tpu.memory_space<vmem>>, %arg7: memref<10000xi32, #tpu.memory_space<vmem>>, %arg8: memref<10112x128xf32, #tpu.memory_space<vmem_shared>>, %arg9: memref<40x128xf32, #tpu.memory_space<vmem>>, %arg10: memref<40x128xf32, #tpu.memory_space<vmem>>, %arg11: memref<40x128xf32, #tpu.memory_space<vmem>>, %arg12: memref<40x128xf32, #tpu.memory_space<vmem>>, %arg13: memref<40x128xf32, #tpu.memory_space<vmem>>, %arg14: memref<!tpu.dma_semaphore, #tpu.memory_space<semaphore_mem>>, %arg15: memref<!tpu.dma_semaphore, #tpu.memory_space<semaphore_mem>>, %arg16: memref<!tpu.dma_semaphore, #tpu.memory_space<semaphore_mem>>, %arg17: memref<!tpu.dma_semaphore, #tpu.memory_space<semaphore_mem>>, %arg18: memref<!tpu.dma_semaphore, #tpu.memory_space<semaphore_mem>>, %arg19: memref<!tpu.dma_semaphore, #tpu.memory_space<semaphore_mem>>, %arg20: memref<!tpu.dma_semaphore, #tpu.memory_space<semaphore_mem>>, %arg21: memref<!tpu.dma_semaphore, #tpu.memory_space<semaphore_mem>>, %arg22: memref<!tpu.dma_semaphore, #tpu.memory_space<semaphore_mem>>, %arg23: memref<!tpu.dma_semaphore, #tpu.memory_space<semaphore_mem>>) attributes {dimension_semantics = [#tpu.dimension_semantics<core_parallel>, #tpu.dimension_semantics<subcore_parallel>], iteration_bounds = array<i64: 2, 16>, scalar_prefetch = 0 : i64, scratch_operands = 18 : i64, tpu.core_type = #tpu.core_type<sc_vector_subcore>, window_params = [{transform_indices = #map}, {transform_indices = #map}, {transform_indices = #map}, {transform_indices = #map1}]} {
    %mul3A = arith.constant 2 : i32
    %mul3A_0 = arith.muli %arg1, %mul3A : i32
    %add3A = arith.addi %mul3A_0, %arg0 : i32
    "tpu.region"() ({
      %run_scoped3A = tpu.sem_alloc : memref<!tpu.dma_semaphore, #tpu.memory_space<semaphore_mem>>
      %dma_start3A_224 = arith.constant 0 : i32
      %dma_start3A_225 = tpu.memref_slice %arg3[%add3A, %dma_start3A_224] : memref<32x10000xi32, #tpu.memory_space<hbm>> -> memref<1x10000xi32, #tpu.memory_space<hbm>>
      %dma_start3A_226 = tpu.memref_squeeze %dma_start3A_225 : memref<1x10000xi32, #tpu.memory_space<hbm>> -> memref<10000xi32, #tpu.memory_space<hbm>>
      %dma_start3A_227 = arith.constant 0 : i32
      %dma_start3A_228 = tpu.memref_slice %arg3[%add3A, %dma_start3A_227] : memref<32x10000xi32, #tpu.memory_space<hbm>> -> memref<1x10000xi32, #tpu.memory_space<hbm>>
      %dma_start3A_229 = tpu.memref_squeeze %dma_start3A_228 : memref<1x10000xi32, #tpu.memory_space<hbm>> -> memref<10000xi32, #tpu.memory_space<hbm>>
      tpu.enqueue_dma source(%dma_start3A_229 : memref<10000xi32, #tpu.memory_space<hbm>>) target(%arg6 : memref<10000xi32, #tpu.memory_space<vmem>>) target_semaphore(%run_scoped3A : memref<!tpu.dma_semaphore, #tpu.memory_space<semaphore_mem>>)
      %dma_wait3A_230 = arith.constant 0 : i32
      %dma_wait3A_231 = tpu.memref_slice %arg3[%add3A, %dma_wait3A_230] : memref<32x10000xi32, #tpu.memory_space<hbm>> -> memref<1x10000xi32, #tpu.memory_space<hbm>>
      %dma_wait3A_232 = tpu.memref_squeeze %dma_wait3A_231 : memref<1x10000xi32, #tpu.memory_space<hbm>> -> memref<10000xi32, #tpu.memory_space<hbm>>
      %dma_wait3A_233 = arith.constant 0 : i32
      %dma_wait3A_234 = tpu.memref_slice %arg3[%add3A, %dma_wait3A_233] : memref<32x10000xi32, #tpu.memory_space<hbm>> -> memref<1x10000xi32, #tpu.memory_space<hbm>>
      %dma_wait3A_235 = tpu.memref_squeeze %dma_wait3A_234 : memref<1x10000xi32, #tpu.memory_space<hbm>> -> memref<10000xi32, #tpu.memory_space<hbm>>
      tpu.wait_dma2 semaphore(%run_scoped3A : memref<!tpu.dma_semaphore, #tpu.memory_space<semaphore_mem>>) src(%dma_wait3A_235 : memref<10000xi32, #tpu.memory_space<hbm>>) dst(%arg6 : memref<10000xi32, #tpu.memory_space<vmem>>)
      tpu.yield
    }) : () -> ()
    "tpu.region"() ({
      %run_scoped3A = tpu.sem_alloc : memref<!tpu.dma_semaphore, #tpu.memory_space<semaphore_mem>>
      %dma_start3A_224 = arith.constant 0 : i32
      %dma_start3A_225 = tpu.memref_slice %arg4[%add3A, %dma_start3A_224] : memref<32x10000xi32, #tpu.memory_space<hbm>> -> memref<1x10000xi32, #tpu.memory_space<hbm>>
      %dma_start3A_226 = tpu.memref_squeeze %dma_start3A_225 : memref<1x10000xi32, #tpu.memory_space<hbm>> -> memref<10000xi32, #tpu.memory_space<hbm>>
      %dma_start3A_227 = arith.constant 0 : i32
      %dma_start3A_228 = tpu.memref_slice %arg4[%add3A, %dma_start3A_227] : memref<32x10000xi32, #tpu.memory_space<hbm>> -> memref<1x10000xi32, #tpu.memory_space<hbm>>
      %dma_start3A_229 = tpu.memref_squeeze %dma_start3A_228 : memref<1x10000xi32, #tpu.memory_space<hbm>> -> memref<10000xi32, #tpu.memory_space<hbm>>
      tpu.enqueue_dma source(%dma_start3A_229 : memref<10000xi32, #tpu.memory_space<hbm>>) target(%arg7 : memref<10000xi32, #tpu.memory_space<vmem>>) target_semaphore(%run_scoped3A : memref<!tpu.dma_semaphore, #tpu.memory_space<semaphore_mem>>)
      %dma_wait3A_230 = arith.constant 0 : i32
      %dma_wait3A_231 = tpu.memref_slice %arg4[%add3A, %dma_wait3A_230] : memref<32x10000xi32, #tpu.memory_space<hbm>> -> memref<1x10000xi32, #tpu.memory_space<hbm>>
      %dma_wait3A_232 = tpu.memref_squeeze %dma_wait3A_231 : memref<1x10000xi32, #tpu.memory_space<hbm>> -> memref<10000xi32, #tpu.memory_space<hbm>>
      %dma_wait3A_233 = arith.constant 0 : i32
      %dma_wait3A_234 = tpu.memref_slice %arg4[%add3A, %dma_wait3A_233] : memref<32x10000xi32, #tpu.memory_space<hbm>> -> memref<1x10000xi32, #tpu.memory_space<hbm>>
      %dma_wait3A_235 = tpu.memref_squeeze %dma_wait3A_234 : memref<1x10000xi32, #tpu.memory_space<hbm>> -> memref<10000xi32, #tpu.memory_space<hbm>>
      tpu.wait_dma2 semaphore(%run_scoped3A : memref<!tpu.dma_semaphore, #tpu.memory_space<semaphore_mem>>) src(%dma_wait3A_235 : memref<10000xi32, #tpu.memory_space<hbm>>) dst(%arg7 : memref<10000xi32, #tpu.memory_space<vmem>>)
      tpu.yield
    }) : () -> ()
    %scan3A = arith.constant 0 : i32
    %scan3A_1 = arith.constant 0 : i32
    %scan3A_2 = arith.constant 40 : i32
    %scan3A_3 = arith.addi %scan3A_1, %scan3A_2 : i32
    %scan3A_4 = arith.constant 1 : i32
    %scan3A_5 = scf.for %scan3A_224 = %scan3A_1 to %scan3A_3 step %scan3A_4 iter_args(%scan3A_225 = %scan3A) -> (i32)  : i32 {
      %broadcast_in_dim3A = arith.constant 0.000000e+00 : f32
      %broadcast_in_dim3A_226 = vector.broadcast %broadcast_in_dim3A : f32 to vector<16xf32>
      %swap3A = arith.index_cast %scan3A_224 : i32 to index
      %swap3A_227 = arith.constant 0 : index
      %swap3A_228 = tpu.vector_load %arg9[%swap3A, %swap3A_227] {strides = array<i32>} : memref<40x128xf32, #tpu.memory_space<vmem>>, vector<1x16xf32>,
      %swap3A_229 = vector.shape_cast %swap3A_228 : vector<1x16xf32> to vector<16xf32>
      %swap3A_230 = vector.shape_cast %broadcast_in_dim3A_226 : vector<16xf32> to vector<1x16xf32>
      tpu.vector_store %arg9[%swap3A, %swap3A_227], %swap3A_230 {strides = array<i32>} : memref<40x128xf32, #tpu.memory_space<vmem>>, vector<1x16xf32>,
      %broadcast_in_dim3A_231 = arith.constant 0.000000e+00 : f32
      %broadcast_in_dim3A_232 = vector.broadcast %broadcast_in_dim3A_231 : f32 to vector<16xf32>
      %swap3A_233 = arith.index_cast %scan3A_224 : i32 to index
      %swap3A_234 = arith.constant 16 : index
      %swap3A_235 = tpu.vector_load %arg9[%swap3A_233, %swap3A_234] {strides = array<i32>} : memref<40x128xf32, #tpu.memory_space<vmem>>, vector<1x16xf32>,
      %swap3A_236 = vector.shape_cast %swap3A_235 : vector<1x16xf32> to vector<16xf32>
      %swap3A_237 = vector.shape_cast %broadcast_in_dim3A_232 : vector<16xf32> to vector<1x16xf32>
      tpu.vector_store %arg9[%swap3A_233, %swap3A_234], %swap3A_237 {strides = array<i32>} : memref<40x128xf32, #tpu.memory_space<vmem>>, vector<1x16xf32>,
      %broadcast_in_dim3A_238 = arith.constant 0.000000e+00 : f32
      %broadcast_in_dim3A_239 = vector.broadcast %broadcast_in_dim3A_238 : f32 to vector<16xf32>
      %swap3A_240 = arith.index_cast %scan3A_224 : i32 to index
      %swap3A_241 = arith.constant 32 : index
      %swap3A_242 = tpu.vector_load %arg9[%swap3A_240, %swap3A_241] {strides = array<i32>} : memref<40x128xf32, #tpu.memory_space<vmem>>, vector<1x16xf32>,
      %swap3A_243 = vector.shape_cast %swap3A_242 : vector<1x16xf32> to vector<16xf32>
      %swap3A_244 = vector.shape_cast %broadcast_in_dim3A_239 : vector<16xf32> to vector<1x16xf32>
      tpu.vector_store %arg9[%swap3A_240, %swap3A_241], %swap3A_244 {strides = array<i32>} : memref<40x128xf32, #tpu.memory_space<vmem>>, vector<1x16xf32>,
      %broadcast_in_dim3A_245 = arith.constant 0.000000e+00 : f32
      %broadcast_in_dim3A_246 = vector.broadcast %broadcast_in_dim3A_245 : f32 to vector<16xf32>
      %swap3A_247 = arith.index_cast %scan3A_224 : i32 to index
      %swap3A_248 = arith.constant 48 : index
      %swap3A_249 = tpu.vector_load %arg9[%swap3A_247, %swap3A_248] {strides = array<i32>} : memref<40x128xf32, #tpu.memory_space<vmem>>, vector<1x16xf32>,
      %swap3A_250 = vector.shape_cast %swap3A_249 : vector<1x16xf32> to vector<16xf32>
      %swap3A_251 = vector.shape_cast %broadcast_in_dim3A_246 : vector<16xf32> to vector<1x16xf32>
      tpu.vector_store %arg9[%swap3A_247, %swap3A_248], %swap3A_251 {strides = array<i32>} : memref<40x128xf32, #tpu.memory_space<vmem>>, vector<1x16xf32>,
      %broadcast_in_dim3A_252 = arith.constant 0.000000e+00 : f32
      %broadcast_in_dim3A_253 = vector.broadcast %broadcast_in_dim3A_252 : f32 to vector<16xf32>
      %swap3A_254 = arith.index_cast %scan3A_224 : i32 to index
      %swap3A_255 = arith.constant 64 : index
      %swap3A_256 = tpu.vector_load %arg9[%swap3A_254, %swap3A_255] {strides = array<i32>} : memref<40x128xf32, #tpu.memory_space<vmem>>, vector<1x16xf32>,
      %swap3A_257 = vector.shape_cast %swap3A_256 : vector<1x16xf32> to vector<16xf32>
      %swap3A_258 = vector.shape_cast %broadcast_in_dim3A_253 : vector<16xf32> to vector<1x16xf32>
      tpu.vector_store %arg9[%swap3A_254, %swap3A_255], %swap3A_258 {strides = array<i32>} : memref<40x128xf32, #tpu.memory_space<vmem>>, vector<1x16xf32>,
      %broadcast_in_dim3A_259 = arith.constant 0.000000e+00 : f32
      %broadcast_in_dim3A_260 = vector.broadcast %broadcast_in_dim3A_259 : f32 to vector<16xf32>
      %swap3A_261 = arith.index_cast %scan3A_224 : i32 to index
      %swap3A_262 = arith.constant 80 : index
      %swap3A_263 = tpu.vector_load %arg9[%swap3A_261, %swap3A_262] {strides = array<i32>} : memref<40x128xf32, #tpu.memory_space<vmem>>, vector<1x16xf32>,
      %swap3A_264 = vector.shape_cast %swap3A_263 : vector<1x16xf32> to vector<16xf32>
      %swap3A_265 = vector.shape_cast %broadcast_in_dim3A_260 : vector<16xf32> to vector<1x16xf32>
      tpu.vector_store %arg9[%swap3A_261, %swap3A_262], %swap3A_265 {strides = array<i32>} : memref<40x128xf32, #tpu.memory_space<vmem>>, vector<1x16xf32>,
      %broadcast_in_dim3A_266 = arith.constant 0.000000e+00 : f32
      %broadcast_in_dim3A_267 = vector.broadcast %broadcast_in_dim3A_266 : f32 to vector<16xf32>
      %swap3A_268 = arith.index_cast %scan3A_224 : i32 to index
      %swap3A_269 = arith.constant 96 : index
      %swap3A_270 = tpu.vector_load %arg9[%swap3A_268, %swap3A_269] {strides = array<i32>} : memref<40x128xf32, #tpu.memory_space<vmem>>, vector<1x16xf32>,
      %swap3A_271 = vector.shape_cast %swap3A_270 : vector<1x16xf32> to vector<16xf32>
      %swap3A_272 = vector.shape_cast %broadcast_in_dim3A_267 : vector<16xf32> to vector<1x16xf32>
      tpu.vector_store %arg9[%swap3A_268, %swap3A_269], %swap3A_272 {strides = array<i32>} : memref<40x128xf32, #tpu.memory_space<vmem>>, vector<1x16xf32>,
      %broadcast_in_dim3A_273 = arith.constant 0.000000e+00 : f32
      %broadcast_in_dim3A_274 = vector.broadcast %broadcast_in_dim3A_273 : f32 to vector<16xf32>
      %swap3A_275 = arith.index_cast %scan3A_224 : i32 to index
      %swap3A_276 = arith.constant 112 : index
      %swap3A_277 = tpu.vector_load %arg9[%swap3A_275, %swap3A_276] {strides = array<i32>} : memref<40x128xf32, #tpu.memory_space<vmem>>, vector<1x16xf32>,
      %swap3A_278 = vector.shape_cast %swap3A_277 : vector<1x16xf32> to vector<16xf32>
      %swap3A_279 = vector.shape_cast %broadcast_in_dim3A_274 : vector<16xf32> to vector<1x16xf32>
      tpu.vector_store %arg9[%swap3A_275, %swap3A_276], %swap3A_279 {strides = array<i32>} : memref<40x128xf32, #tpu.memory_space<vmem>>, vector<1x16xf32>,
      %scan3A_280 = arith.constant 0 : i32
      scf.yield %scan3A_280 : i32
    }
    %scan3A_6 = arith.constant 40 : i32
    %mul3A_7 = arith.constant 632 : i32
    %mul3A_8 = arith.muli %arg1, %mul3A_7 : i32
    %scan3A_9 = arith.constant 0 : i32
    %scan3A_10 = arith.constant 0 : i32
    %scan3A_11 = arith.constant 15 : i32
    %scan3A_12 = arith.addi %scan3A_10, %scan3A_11 : i32
    %scan3A_13 = arith.constant 1 : i32
    %scan3A_14 = scf.for %scan3A_224 = %scan3A_10 to %scan3A_12 step %scan3A_13 iter_args(%scan3A_225 = %scan3A_9) -> (i32)  : i32 {
      %mul3A_226 = arith.constant 40 : i32
      %mul3A_227 = arith.muli %scan3A_224, %mul3A_226 : i32
      %add3A_228 = arith.addi %mul3A_8, %mul3A_227 : i32
      "tpu.region"() ({
        %run_scoped3A = tpu.sem_alloc : memref<!tpu.dma_semaphore, #tpu.memory_space<semaphore_mem>>
        %dma_start3A_230 = arith.constant 0 : i32
        %dma_start3A_231 = arith.constant 0 : i32
        %dma_start3A_232 = tpu.memref_slice %arg9[%dma_start3A_230, %dma_start3A_231] : memref<40x128xf32, #tpu.memory_space<vmem>> -> memref<40x128xf32, #tpu.memory_space<vmem>>
        %dma_start3A_233 = arith.constant 0 : i32
        %dma_start3A_234 = tpu.memref_slice %arg8[%add3A_228, %dma_start3A_233] : memref<10112x128xf32, #tpu.memory_space<vmem_shared>> -> memref<40x128xf32, #tpu.memory_space<vmem_shared>>
        %dma_start3A_235 = arith.constant 0 : i32
        %dma_start3A_236 = tpu.memref_slice %arg8[%add3A_228, %dma_start3A_235] : memref<10112x128xf32, #tpu.memory_space<vmem_shared>> -> memref<40x128xf32, #tpu.memory_space<vmem_shared>>
        %dma_start3A_237 = arith.constant 0 : i32
        %dma_start3A_238 = arith.constant 0 : i32
        %dma_start3A_239 = tpu.memref_slice %arg9[%dma_start3A_237, %dma_start3A_238] : memref<40x128xf32, #tpu.memory_space<vmem>> -> memref<40x128xf32, #tpu.memory_space<vmem>>
        tpu.enqueue_dma source(%dma_start3A_239 : memref<40x128xf32, #tpu.memory_space<vmem>>) target(%dma_start3A_236 : memref<40x128xf32, #tpu.memory_space<vmem_shared>>) target_semaphore(%run_scoped3A : memref<!tpu.dma_semaphore, #tpu.memory_space<semaphore_mem>>)
        %dma_wait3A_240 = arith.constant 0 : i32
        %dma_wait3A_241 = arith.constant 0 : i32
        %dma_wait3A_242 = tpu.memref_slice %arg9[%dma_wait3A_240, %dma_wait3A_241] : memref<40x128xf32, #tpu.memory_space<vmem>> -> memref<40x128xf32, #tpu.memory_space<vmem>>
        %dma_wait3A_243 = arith.constant 0 : i32
        %dma_wait3A_244 = tpu.memref_slice %arg8[%add3A_228, %dma_wait3A_243] : memref<10112x128xf32, #tpu.memory_space<vmem_shared>> -> memref<40x128xf32, #tpu.memory_space<vmem_shared>>
        %dma_wait3A_245 = arith.constant 0 : i32
        %dma_wait3A_246 = tpu.memref_slice %arg8[%add3A_228, %dma_wait3A_245] : memref<10112x128xf32, #tpu.memory_space<vmem_shared>> -> memref<40x128xf32, #tpu.memory_space<vmem_shared>>
        %dma_wait3A_247 = arith.constant 0 : i32
        %dma_wait3A_248 = arith.constant 0 : i32
        %dma_wait3A_249 = tpu.memref_slice %arg9[%dma_wait3A_247, %dma_wait3A_248] : memref<40x128xf32, #tpu.memory_space<vmem>> -> memref<40x128xf32, #tpu.memory_space<vmem>>
        tpu.wait_dma2 semaphore(%run_scoped3A : memref<!tpu.dma_semaphore, #tpu.memory_space<semaphore_mem>>) src(%dma_wait3A_249 : memref<40x128xf32, #tpu.memory_space<vmem>>) dst(%dma_wait3A_246 : memref<40x128xf32, #tpu.memory_space<vmem_shared>>)
        tpu.yield
      }) : () -> ()
      %scan3A_229 = arith.constant 0 : i32
      scf.yield %scan3A_229 : i32
    }
    %scan3A_15 = arith.constant 15 : i32
    %add3A_16 = arith.constant 600 : i32
    %add3A_17 = arith.addi %mul3A_8, %add3A_16 : i32
    "tpu.region"() ({
      %run_scoped3A = tpu.sem_alloc : memref<!tpu.dma_semaphore, #tpu.memory_space<semaphore_mem>>
      %dma_start3A_224 = arith.constant 0 : i32
      %dma_start3A_225 = arith.constant 0 : i32
      %dma_start3A_226 = tpu.memref_slice %arg9[%dma_start3A_224, %dma_start3A_225] : memref<40x128xf32, #tpu.memory_space<vmem>> -> memref<32x128xf32, #tpu.memory_space<vmem>>
      %dma_start3A_227 = arith.constant 0 : i32
      %dma_start3A_228 = tpu.memref_slice %arg8[%add3A_17, %dma_start3A_227] : memref<10112x128xf32, #tpu.memory_space<vmem_shared>> -> memref<32x128xf32, #tpu.memory_space<vmem_shared>>
      %dma_start3A_229 = arith.constant 0 : i32
      %dma_start3A_230 = tpu.memref_slice %arg8[%add3A_17, %dma_start3A_229] : memref<10112x128xf32, #tpu.memory_space<vmem_shared>> -> memref<32x128xf32, #tpu.memory_space<vmem_shared>>
      %dma_start3A_231 = arith.constant 0 : i32
      %dma_start3A_232 = arith.constant 0 : i32
      %dma_start3A_233 = tpu.memref_slice %arg9[%dma_start3A_231, %dma_start3A_232] : memref<40x128xf32, #tpu.memory_space<vmem>> -> memref<32x128xf32, #tpu.memory_space<vmem>>
      tpu.enqueue_dma source(%dma_start3A_233 : memref<32x128xf32, #tpu.memory_space<vmem>>) target(%dma_start3A_230 : memref<32x128xf32, #tpu.memory_space<vmem_shared>>) target_semaphore(%run_scoped3A : memref<!tpu.dma_semaphore, #tpu.memory_space<semaphore_mem>>)
      %dma_wait3A_234 = arith.constant 0 : i32
      %dma_wait3A_235 = arith.constant 0 : i32
      %dma_wait3A_236 = tpu.memref_slice %arg9[%dma_wait3A_234, %dma_wait3A_235] : memref<40x128xf32, #tpu.memory_space<vmem>> -> memref<32x128xf32, #tpu.memory_space<vmem>>
      %dma_wait3A_237 = arith.constant 0 : i32
      %dma_wait3A_238 = tpu.memref_slice %arg8[%add3A_17, %dma_wait3A_237] : memref<10112x128xf32, #tpu.memory_space<vmem_shared>> -> memref<32x128xf32, #tpu.memory_space<vmem_shared>>
      %dma_wait3A_239 = arith.constant 0 : i32
      %dma_wait3A_240 = tpu.memref_slice %arg8[%add3A_17, %dma_wait3A_239] : memref<10112x128xf32, #tpu.memory_space<vmem_shared>> -> memref<32x128xf32, #tpu.memory_space<vmem_shared>>
      %dma_wait3A_241 = arith.constant 0 : i32
      %dma_wait3A_242 = arith.constant 0 : i32
      %dma_wait3A_243 = tpu.memref_slice %arg9[%dma_wait3A_241, %dma_wait3A_242] : memref<40x128xf32, #tpu.memory_space<vmem>> -> memref<32x128xf32, #tpu.memory_space<vmem>>
      tpu.wait_dma2 semaphore(%run_scoped3A : memref<!tpu.dma_semaphore, #tpu.memory_space<semaphore_mem>>) src(%dma_wait3A_243 : memref<32x128xf32, #tpu.memory_space<vmem>>) dst(%dma_wait3A_240 : memref<32x128xf32, #tpu.memory_space<vmem_shared>>)
      tpu.yield
    }) : () -> ()
    %barrier3A = arith.constant 0 : index
    tpu.barrier barrier_id(%barrier3A)
    %dma_start3A = arith.constant 0 : i32
    %dma_start3A_18 = tpu.memref_slice %arg6[%dma_start3A] : memref<10000xi32, #tpu.memory_space<vmem>> -> memref<40xi32, #tpu.memory_space<vmem>>
    %dma_start3A_19 = arith.constant 0 : i32
    %dma_start3A_20 = arith.constant 0 : i32
    %dma_start3A_21 = tpu.memref_slice %arg2[%dma_start3A_19, %dma_start3A_20] : memref<10000x128xf32, #tpu.memory_space<hbm>> -> memref<10000x128xf32, #tpu.memory_space<hbm>>
    tpu.enqueue_indirect_dma source(%dma_start3A_21 : memref<10000x128xf32, #tpu.memory_space<hbm>>) target(%arg9 : memref<40x128xf32, #tpu.memory_space<vmem>>) offsets(%dma_start3A_18 : memref<40xi32, #tpu.memory_space<vmem>>) semaphore(%arg14 : memref<!tpu.dma_semaphore, #tpu.memory_space<semaphore_mem>>)
    %dma_start3A_22 = arith.constant 40 : i32
    %dma_start3A_23 = tpu.memref_slice %arg6[%dma_start3A_22] : memref<10000xi32, #tpu.memory_space<vmem>> -> memref<40xi32, #tpu.memory_space<vmem>>
    %dma_start3A_24 = arith.constant 0 : i32
    %dma_start3A_25 = arith.constant 0 : i32
    %dma_start3A_26 = tpu.memref_slice %arg2[%dma_start3A_24, %dma_start3A_25] : memref<10000x128xf32, #tpu.memory_space<hbm>> -> memref<10000x128xf32, #tpu.memory_space<hbm>>
    tpu.enqueue_indirect_dma source(%dma_start3A_26 : memref<10000x128xf32, #tpu.memory_space<hbm>>) target(%arg10 : memref<40x128xf32, #tpu.memory_space<vmem>>) offsets(%dma_start3A_23 : memref<40xi32, #tpu.memory_space<vmem>>) semaphore(%arg15 : memref<!tpu.dma_semaphore, #tpu.memory_space<semaphore_mem>>)
    %dma_start3A_27 = arith.constant 80 : i32
    %dma_start3A_28 = tpu.memref_slice %arg6[%dma_start3A_27] : memref<10000xi32, #tpu.memory_space<vmem>> -> memref<40xi32, #tpu.memory_space<vmem>>
    %dma_start3A_29 = arith.constant 0 : i32
    %dma_start3A_30 = arith.constant 0 : i32
    %dma_start3A_31 = tpu.memref_slice %arg2[%dma_start3A_29, %dma_start3A_30] : memref<10000x128xf32, #tpu.memory_space<hbm>> -> memref<10000x128xf32, #tpu.memory_space<hbm>>
    tpu.enqueue_indirect_dma source(%dma_start3A_31 : memref<10000x128xf32, #tpu.memory_space<hbm>>) target(%arg11 : memref<40x128xf32, #tpu.memory_space<vmem>>) offsets(%dma_start3A_28 : memref<40xi32, #tpu.memory_space<vmem>>) semaphore(%arg16 : memref<!tpu.dma_semaphore, #tpu.memory_space<semaphore_mem>>)
    %dma_start3A_32 = arith.constant 120 : i32
    %dma_start3A_33 = tpu.memref_slice %arg6[%dma_start3A_32] : memref<10000xi32, #tpu.memory_space<vmem>> -> memref<40xi32, #tpu.memory_space<vmem>>
    %dma_start3A_34 = arith.constant 0 : i32
    %dma_start3A_35 = arith.constant 0 : i32
    %dma_start3A_36 = tpu.memref_slice %arg2[%dma_start3A_34, %dma_start3A_35] : memref<10000x128xf32, #tpu.memory_space<hbm>> -> memref<10000x128xf32, #tpu.memory_space<hbm>>
    tpu.enqueue_indirect_dma source(%dma_start3A_36 : memref<10000x128xf32, #tpu.memory_space<hbm>>) target(%arg12 : memref<40x128xf32, #tpu.memory_space<vmem>>) offsets(%dma_start3A_33 : memref<40xi32, #tpu.memory_space<vmem>>) semaphore(%arg17 : memref<!tpu.dma_semaphore, #tpu.memory_space<semaphore_mem>>)
    %dma_wait3A = arith.constant 0 : i32
    %dma_wait3A_37 = tpu.memref_slice %arg6[%dma_wait3A] : memref<10000xi32, #tpu.memory_space<vmem>> -> memref<40xi32, #tpu.memory_space<vmem>>
    %dma_wait3A_38 = arith.constant 0 : i32
    %dma_wait3A_39 = arith.constant 0 : i32
    %dma_wait3A_40 = tpu.memref_slice %arg2[%dma_wait3A_38, %dma_wait3A_39] : memref<10000x128xf32, #tpu.memory_space<hbm>> -> memref<10000x128xf32, #tpu.memory_space<hbm>>
    tpu.wait_indirect_dma semaphore(%arg14 : memref<!tpu.dma_semaphore, #tpu.memory_space<semaphore_mem>>) src(%dma_wait3A_40 : memref<10000x128xf32, #tpu.memory_space<hbm>>) dst(%arg9 : memref<40x128xf32, #tpu.memory_space<vmem>>)
    %dma_start3A_41 = arith.constant 0 : i32
    %dma_start3A_42 = tpu.memref_slice %arg7[%dma_start3A_41] : memref<10000xi32, #tpu.memory_space<vmem>> -> memref<40xi32, #tpu.memory_space<vmem>>
    %dma_start3A_43 = arith.constant 0 : i32
    %dma_start3A_44 = arith.constant 0 : i32
    %dma_start3A_45 = tpu.memref_slice %arg8[%dma_start3A_43, %dma_start3A_44] : memref<10112x128xf32, #tpu.memory_space<vmem_shared>> -> memref<10112x128xf32, #tpu.memory_space<vmem_shared>>
    tpu.enqueue_indirect_dma source(%arg9 : memref<40x128xf32, #tpu.memory_space<vmem>>) target(%dma_start3A_45 : memref<10112x128xf32, #tpu.memory_space<vmem_shared>>) offsets(%dma_start3A_42 : memref<40xi32, #tpu.memory_space<vmem>>) semaphore(%arg19 : memref<!tpu.dma_semaphore, #tpu.memory_space<semaphore_mem>>) {add = true}
    %dma_start3A_46 = arith.constant 160 : i32
    %dma_start3A_47 = tpu.memref_slice %arg6[%dma_start3A_46] : memref<10000xi32, #tpu.memory_space<vmem>> -> memref<40xi32, #tpu.memory_space<vmem>>
    %dma_start3A_48 = arith.constant 0 : i32
    %dma_start3A_49 = arith.constant 0 : i32
    %dma_start3A_50 = tpu.memref_slice %arg2[%dma_start3A_48, %dma_start3A_49] : memref<10000x128xf32, #tpu.memory_space<hbm>> -> memref<10000x128xf32, #tpu.memory_space<hbm>>
    tpu.enqueue_indirect_dma source(%dma_start3A_50 : memref<10000x128xf32, #tpu.memory_space<hbm>>) target(%arg13 : memref<40x128xf32, #tpu.memory_space<vmem>>) offsets(%dma_start3A_47 : memref<40xi32, #tpu.memory_space<vmem>>) semaphore(%arg18 : memref<!tpu.dma_semaphore, #tpu.memory_space<semaphore_mem>>)
    %dma_wait3A_51 = arith.constant 40 : i32
    %dma_wait3A_52 = tpu.memref_slice %arg6[%dma_wait3A_51] : memref<10000xi32, #tpu.memory_space<vmem>> -> memref<40xi32, #tpu.memory_space<vmem>>
    %dma_wait3A_53 = arith.constant 0 : i32
    %dma_wait3A_54 = arith.constant 0 : i32
    %dma_wait3A_55 = tpu.memref_slice %arg2[%dma_wait3A_53, %dma_wait3A_54] : memref<10000x128xf32, #tpu.memory_space<hbm>> -> memref<10000x128xf32, #tpu.memory_space<hbm>>
    tpu.wait_indirect_dma semaphore(%arg15 : memref<!tpu.dma_semaphore, #tpu.memory_space<semaphore_mem>>) src(%dma_wait3A_55 : memref<10000x128xf32, #tpu.memory_space<hbm>>) dst(%arg10 : memref<40x128xf32, #tpu.memory_space<vmem>>)
    %dma_start3A_56 = arith.constant 40 : i32
    %dma_start3A_57 = tpu.memref_slice %arg7[%dma_start3A_56] : memref<10000xi32, #tpu.memory_space<vmem>> -> memref<40xi32, #tpu.memory_space<vmem>>
    %dma_start3A_58 = arith.constant 0 : i32
    %dma_start3A_59 = arith.constant 0 : i32
    %dma_start3A_60 = tpu.memref_slice %arg8[%dma_start3A_58, %dma_start3A_59] : memref<10112x128xf32, #tpu.memory_space<vmem_shared>> -> memref<10112x128xf32, #tpu.memory_space<vmem_shared>>
    tpu.enqueue_indirect_dma source(%arg10 : memref<40x128xf32, #tpu.memory_space<vmem>>) target(%dma_start3A_60 : memref<10112x128xf32, #tpu.memory_space<vmem_shared>>) offsets(%dma_start3A_57 : memref<40xi32, #tpu.memory_space<vmem>>) semaphore(%arg20 : memref<!tpu.dma_semaphore, #tpu.memory_space<semaphore_mem>>) {add = true}
    %dma_wait3A_61 = arith.constant 0 : i32
    %dma_wait3A_62 = tpu.memref_slice %arg7[%dma_wait3A_61] : memref<10000xi32, #tpu.memory_space<vmem>> -> memref<40xi32, #tpu.memory_space<vmem>>
    %dma_wait3A_63 = arith.constant 0 : i32
    %dma_wait3A_64 = arith.constant 0 : i32
    %dma_wait3A_65 = tpu.memref_slice %arg8[%dma_wait3A_63, %dma_wait3A_64] : memref<10112x128xf32, #tpu.memory_space<vmem_shared>> -> memref<10112x128xf32, #tpu.memory_space<vmem_shared>>
    tpu.wait_indirect_dma semaphore(%arg19 : memref<!tpu.dma_semaphore, #tpu.memory_space<semaphore_mem>>) src(%arg9 : memref<40x128xf32, #tpu.memory_space<vmem>>) dst(%dma_wait3A_65 : memref<10112x128xf32, #tpu.memory_space<vmem_shared>>)
    %dma_start3A_66 = arith.constant 200 : i32
    %dma_start3A_67 = tpu.memref_slice %arg6[%dma_start3A_66] : memref<10000xi32, #tpu.memory_space<vmem>> -> memref<40xi32, #tpu.memory_space<vmem>>
    %dma_start3A_68 = arith.constant 0 : i32
    %dma_start3A_69 = arith.constant 0 : i32
    %dma_start3A_70 = tpu.memref_slice %arg2[%dma_start3A_68, %dma_start3A_69] : memref<10000x128xf32, #tpu.memory_space<hbm>> -> memref<10000x128xf32, #tpu.memory_space<hbm>>
    tpu.enqueue_indirect_dma source(%dma_start3A_70 : memref<10000x128xf32, #tpu.memory_space<hbm>>) target(%arg9 : memref<40x128xf32, #tpu.memory_space<vmem>>) offsets(%dma_start3A_67 : memref<40xi32, #tpu.memory_space<vmem>>) semaphore(%arg14 : memref<!tpu.dma_semaphore, #tpu.memory_space<semaphore_mem>>)
    %dma_wait3A_71 = arith.constant 80 : i32
    %dma_wait3A_72 = tpu.memref_slice %arg6[%dma_wait3A_71] : memref<10000xi32, #tpu.memory_space<vmem>> -> memref<40xi32, #tpu.memory_space<vmem>>
    %dma_wait3A_73 = arith.constant 0 : i32
    %dma_wait3A_74 = arith.constant 0 : i32
    %dma_wait3A_75 = tpu.memref_slice %arg2[%dma_wait3A_73, %dma_wait3A_74] : memref<10000x128xf32, #tpu.memory_space<hbm>> -> memref<10000x128xf32, #tpu.memory_space<hbm>>
    tpu.wait_indirect_dma semaphore(%arg16 : memref<!tpu.dma_semaphore, #tpu.memory_space<semaphore_mem>>) src(%dma_wait3A_75 : memref<10000x128xf32, #tpu.memory_space<hbm>>) dst(%arg11 : memref<40x128xf32, #tpu.memory_space<vmem>>)
    %dma_start3A_76 = arith.constant 80 : i32
    %dma_start3A_77 = tpu.memref_slice %arg7[%dma_start3A_76] : memref<10000xi32, #tpu.memory_space<vmem>> -> memref<40xi32, #tpu.memory_space<vmem>>
    %dma_start3A_78 = arith.constant 0 : i32
    %dma_start3A_79 = arith.constant 0 : i32
    %dma_start3A_80 = tpu.memref_slice %arg8[%dma_start3A_78, %dma_start3A_79] : memref<10112x128xf32, #tpu.memory_space<vmem_shared>> -> memref<10112x128xf32, #tpu.memory_space<vmem_shared>>
    tpu.enqueue_indirect_dma source(%arg11 : memref<40x128xf32, #tpu.memory_space<vmem>>) target(%dma_start3A_80 : memref<10112x128xf32, #tpu.memory_space<vmem_shared>>) offsets(%dma_start3A_77 : memref<40xi32, #tpu.memory_space<vmem>>) semaphore(%arg21 : memref<!tpu.dma_semaphore, #tpu.memory_space<semaphore_mem>>) {add = true}
    %dma_wait3A_81 = arith.constant 40 : i32
    %dma_wait3A_82 = tpu.memref_slice %arg7[%dma_wait3A_81] : memref<10000xi32, #tpu.memory_space<vmem>> -> memref<40xi32, #tpu.memory_space<vmem>>
    %dma_wait3A_83 = arith.constant 0 : i32
    %dma_wait3A_84 = arith.constant 0 : i32
    %dma_wait3A_85 = tpu.memref_slice %arg8[%dma_wait3A_83, %dma_wait3A_84] : memref<10112x128xf32, #tpu.memory_space<vmem_shared>> -> memref<10112x128xf32, #tpu.memory_space<vmem_shared>>
    tpu.wait_indirect_dma semaphore(%arg20 : memref<!tpu.dma_semaphore, #tpu.memory_space<semaphore_mem>>) src(%arg10 : memref<40x128xf32, #tpu.memory_space<vmem>>) dst(%dma_wait3A_85 : memref<10112x128xf32, #tpu.memory_space<vmem_shared>>)
    %dma_start3A_86 = arith.constant 240 : i32
    %dma_start3A_87 = tpu.memref_slice %arg6[%dma_start3A_86] : memref<10000xi32, #tpu.memory_space<vmem>> -> memref<40xi32, #tpu.memory_space<vmem>>
    %dma_start3A_88 = arith.constant 0 : i32
    %dma_start3A_89 = arith.constant 0 : i32
    %dma_start3A_90 = tpu.memref_slice %arg2[%dma_start3A_88, %dma_start3A_89] : memref<10000x128xf32, #tpu.memory_space<hbm>> -> memref<10000x128xf32, #tpu.memory_space<hbm>>
    tpu.enqueue_indirect_dma source(%dma_start3A_90 : memref<10000x128xf32, #tpu.memory_space<hbm>>) target(%arg10 : memref<40x128xf32, #tpu.memory_space<vmem>>) offsets(%dma_start3A_87 : memref<40xi32, #tpu.memory_space<vmem>>) semaphore(%arg15 : memref<!tpu.dma_semaphore, #tpu.memory_space<semaphore_mem>>)
    %dma_wait3A_91 = arith.constant 120 : i32
    %dma_wait3A_92 = tpu.memref_slice %arg6[%dma_wait3A_91] : memref<10000xi32, #tpu.memory_space<vmem>> -> memref<40xi32, #tpu.memory_space<vmem>>
    %dma_wait3A_93 = arith.constant 0 : i32
    %dma_wait3A_94 = arith.constant 0 : i32
    %dma_wait3A_95 = tpu.memref_slice %arg2[%dma_wait3A_93, %dma_wait3A_94] : memref<10000x128xf32, #tpu.memory_space<hbm>> -> memref<10000x128xf32, #tpu.memory_space<hbm>>
    tpu.wait_indirect_dma semaphore(%arg17 : memref<!tpu.dma_semaphore, #tpu.memory_space<semaphore_mem>>) src(%dma_wait3A_95 : memref<10000x128xf32, #tpu.memory_space<hbm>>) dst(%arg12 : memref<40x128xf32, #tpu.memory_space<vmem>>)
    %dma_start3A_96 = arith.constant 120 : i32
    %dma_start3A_97 = tpu.memref_slice %arg7[%dma_start3A_96] : memref<10000xi32, #tpu.memory_space<vmem>> -> memref<40xi32, #tpu.memory_space<vmem>>
    %dma_start3A_98 = arith.constant 0 : i32
    %dma_start3A_99 = arith.constant 0 : i32
    %dma_start3A_100 = tpu.memref_slice %arg8[%dma_start3A_98, %dma_start3A_99] : memref<10112x128xf32, #tpu.memory_space<vmem_shared>> -> memref<10112x128xf32, #tpu.memory_space<vmem_shared>>
    tpu.enqueue_indirect_dma source(%arg12 : memref<40x128xf32, #tpu.memory_space<vmem>>) target(%dma_start3A_100 : memref<10112x128xf32, #tpu.memory_space<vmem_shared>>) offsets(%dma_start3A_97 : memref<40xi32, #tpu.memory_space<vmem>>) semaphore(%arg22 : memref<!tpu.dma_semaphore, #tpu.memory_space<semaphore_mem>>) {add = true}
    %dma_wait3A_101 = arith.constant 80 : i32
    %dma_wait3A_102 = tpu.memref_slice %arg7[%dma_wait3A_101] : memref<10000xi32, #tpu.memory_space<vmem>> -> memref<40xi32, #tpu.memory_space<vmem>>
    %dma_wait3A_103 = arith.constant 0 : i32
    %dma_wait3A_104 = arith.constant 0 : i32
    %dma_wait3A_105 = tpu.memref_slice %arg8[%dma_wait3A_103, %dma_wait3A_104] : memref<10112x128xf32, #tpu.memory_space<vmem_shared>> -> memref<10112x128xf32, #tpu.memory_space<vmem_shared>>
    tpu.wait_indirect_dma semaphore(%arg21 : memref<!tpu.dma_semaphore, #tpu.memory_space<semaphore_mem>>) src(%arg11 : memref<40x128xf32, #tpu.memory_space<vmem>>) dst(%dma_wait3A_105 : memref<10112x128xf32, #tpu.memory_space<vmem_shared>>)
    %dma_start3A_106 = arith.constant 280 : i32
    %dma_start3A_107 = tpu.memref_slice %arg6[%dma_start3A_106] : memref<10000xi32, #tpu.memory_space<vmem>> -> memref<40xi32, #tpu.memory_space<vmem>>
    %dma_start3A_108 = arith.constant 0 : i32
    %dma_start3A_109 = arith.constant 0 : i32
    %dma_start3A_110 = tpu.memref_slice %arg2[%dma_start3A_108, %dma_start3A_109] : memref<10000x128xf32, #tpu.memory_space<hbm>> -> memref<10000x128xf32, #tpu.memory_space<hbm>>
    tpu.enqueue_indirect_dma source(%dma_start3A_110 : memref<10000x128xf32, #tpu.memory_space<hbm>>) target(%arg11 : memref<40x128xf32, #tpu.memory_space<vmem>>) offsets(%dma_start3A_107 : memref<40xi32, #tpu.memory_space<vmem>>) semaphore(%arg16 : memref<!tpu.dma_semaphore, #tpu.memory_space<semaphore_mem>>)
    %dma_wait3A_111 = arith.constant 160 : i32
    %dma_wait3A_112 = tpu.memref_slice %arg6[%dma_wait3A_111] : memref<10000xi32, #tpu.memory_space<vmem>> -> memref<40xi32, #tpu.memory_space<vmem>>
    %dma_wait3A_113 = arith.constant 0 : i32
    %dma_wait3A_114 = arith.constant 0 : i32
    %dma_wait3A_115 = tpu.memref_slice %arg2[%dma_wait3A_113, %dma_wait3A_114] : memref<10000x128xf32, #tpu.memory_space<hbm>> -> memref<10000x128xf32, #tpu.memory_space<hbm>>
    tpu.wait_indirect_dma semaphore(%arg18 : memref<!tpu.dma_semaphore, #tpu.memory_space<semaphore_mem>>) src(%dma_wait3A_115 : memref<10000x128xf32, #tpu.memory_space<hbm>>) dst(%arg13 : memref<40x128xf32, #tpu.memory_space<vmem>>)
    %dma_start3A_116 = arith.constant 160 : i32
    %dma_start3A_117 = tpu.memref_slice %arg7[%dma_start3A_116] : memref<10000xi32, #tpu.memory_space<vmem>> -> memref<40xi32, #tpu.memory_space<vmem>>
    %dma_start3A_118 = arith.constant 0 : i32
    %dma_start3A_119 = arith.constant 0 : i32
    %dma_start3A_120 = tpu.memref_slice %arg8[%dma_start3A_118, %dma_start3A_119] : memref<10112x128xf32, #tpu.memory_space<vmem_shared>> -> memref<10112x128xf32, #tpu.memory_space<vmem_shared>>
    tpu.enqueue_indirect_dma source(%arg13 : memref<40x128xf32, #tpu.memory_space<vmem>>) target(%dma_start3A_120 : memref<10112x128xf32, #tpu.memory_space<vmem_shared>>) offsets(%dma_start3A_117 : memref<40xi32, #tpu.memory_space<vmem>>) semaphore(%arg23 : memref<!tpu.dma_semaphore, #tpu.memory_space<semaphore_mem>>) {add = true}
    %dma_wait3A_121 = arith.constant 120 : i32
    %dma_wait3A_122 = tpu.memref_slice %arg7[%dma_wait3A_121] : memref<10000xi32, #tpu.memory_space<vmem>> -> memref<40xi32, #tpu.memory_space<vmem>>
    %dma_wait3A_123 = arith.constant 0 : i32
    %dma_wait3A_124 = arith.constant 0 : i32
    %dma_wait3A_125 = tpu.memref_slice %arg8[%dma_wait3A_123, %dma_wait3A_124] : memref<10112x128xf32, #tpu.memory_space<vmem_shared>> -> memref<10112x128xf32, #tpu.memory_space<vmem_shared>>
    tpu.wait_indirect_dma semaphore(%arg22 : memref<!tpu.dma_semaphore, #tpu.memory_space<semaphore_mem>>) src(%arg12 : memref<40x128xf32, #tpu.memory_space<vmem>>) dst(%dma_wait3A_125 : memref<10112x128xf32, #tpu.memory_space<vmem_shared>>)
    %dma_start3A_126 = arith.constant 320 : i32
    %dma_start3A_127 = tpu.memref_slice %arg6[%dma_start3A_126] : memref<10000xi32, #tpu.memory_space<vmem>> -> memref<40xi32, #tpu.memory_space<vmem>>
    %dma_start3A_128 = arith.constant 0 : i32
    %dma_start3A_129 = arith.constant 0 : i32
    %dma_start3A_130 = tpu.memref_slice %arg2[%dma_start3A_128, %dma_start3A_129] : memref<10000x128xf32, #tpu.memory_space<hbm>> -> memref<10000x128xf32, #tpu.memory_space<hbm>>
    tpu.enqueue_indirect_dma source(%dma_start3A_130 : memref<10000x128xf32, #tpu.memory_space<hbm>>) target(%arg12 : memref<40x128xf32, #tpu.memory_space<vmem>>) offsets(%dma_start3A_127 : memref<40xi32, #tpu.memory_space<vmem>>) semaphore(%arg17 : memref<!tpu.dma_semaphore, #tpu.memory_space<semaphore_mem>>)
    %scan3A_131 = arith.constant 0 : i32
    %scan3A_132 = arith.constant 1 : i32
    %scan3A_133 = arith.constant 48 : i32
    %scan3A_134 = arith.addi %scan3A_132, %scan3A_133 : i32
    %scan3A_135 = arith.constant 1 : i32
    %scan3A_136 = scf.for %scan3A_224 = %scan3A_132 to %scan3A_134 step %scan3A_135 iter_args(%scan3A_225 = %scan3A_131) -> (i32)  : i32 {
      %mul3A_226 = arith.constant 5 : i32
      %mul3A_227 = arith.muli %scan3A_224, %mul3A_226 : i32
      %add3A_228 = arith.constant 0 : i32
      %add3A_229 = arith.addi %mul3A_227, %add3A_228 : i32
      %mul3A_230 = arith.constant 40 : i32
      %mul3A_231 = arith.muli %add3A_229, %mul3A_230 : i32
      %dma_wait3A_232 = tpu.memref_slice %arg6[%mul3A_231] : memref<10000xi32, #tpu.memory_space<vmem>> -> memref<40xi32, #tpu.memory_space<vmem>>
      %dma_wait3A_233 = arith.constant 0 : i32
      %dma_wait3A_234 = arith.constant 0 : i32
      %dma_wait3A_235 = tpu.memref_slice %arg2[%dma_wait3A_233, %dma_wait3A_234] : memref<10000x128xf32, #tpu.memory_space<hbm>> -> memref<10000x128xf32, #tpu.memory_space<hbm>>
      tpu.wait_indirect_dma semaphore(%arg14 : memref<!tpu.dma_semaphore, #tpu.memory_space<semaphore_mem>>) src(%dma_wait3A_235 : memref<10000x128xf32, #tpu.memory_space<hbm>>) dst(%arg9 : memref<40x128xf32, #tpu.memory_space<vmem>>)
      %mul3A_236 = arith.constant 40 : i32
      %mul3A_237 = arith.muli %add3A_229, %mul3A_236 : i32
      %dma_start3A_238 = tpu.memref_slice %arg7[%mul3A_237] : memref<10000xi32, #tpu.memory_space<vmem>> -> memref<40xi32, #tpu.memory_space<vmem>>
      %dma_start3A_239 = arith.constant 0 : i32
      %dma_start3A_240 = arith.constant 0 : i32
      %dma_start3A_241 = tpu.memref_slice %arg8[%dma_start3A_239, %dma_start3A_240] : memref<10112x128xf32, #tpu.memory_space<vmem_shared>> -> memref<10112x128xf32, #tpu.memory_space<vmem_shared>>
      tpu.enqueue_indirect_dma source(%arg9 : memref<40x128xf32, #tpu.memory_space<vmem>>) target(%dma_start3A_241 : memref<10112x128xf32, #tpu.memory_space<vmem_shared>>) offsets(%dma_start3A_238 : memref<40xi32, #tpu.memory_space<vmem>>) semaphore(%arg19 : memref<!tpu.dma_semaphore, #tpu.memory_space<semaphore_mem>>) {add = true}
      %sub3A = arith.constant 1 : i32
      %sub3A_242 = arith.subi %add3A_229, %sub3A : i32
      %mul3A_243 = arith.constant 40 : i32
      %mul3A_244 = arith.muli %sub3A_242, %mul3A_243 : i32
      %dma_wait3A_245 = tpu.memref_slice %arg7[%mul3A_244] : memref<10000xi32, #tpu.memory_space<vmem>> -> memref<40xi32, #tpu.memory_space<vmem>>
      %dma_wait3A_246 = arith.constant 0 : i32
      %dma_wait3A_247 = arith.constant 0 : i32
      %dma_wait3A_248 = tpu.memref_slice %arg8[%dma_wait3A_246, %dma_wait3A_247] : memref<10112x128xf32, #tpu.memory_space<vmem_shared>> -> memref<10112x128xf32, #tpu.memory_space<vmem_shared>>
      tpu.wait_indirect_dma semaphore(%arg23 : memref<!tpu.dma_semaphore, #tpu.memory_space<semaphore_mem>>) src(%arg13 : memref<40x128xf32, #tpu.memory_space<vmem>>) dst(%dma_wait3A_248 : memref<10112x128xf32, #tpu.memory_space<vmem_shared>>)
      %add3A_249 = arith.constant 5 : i32
      %add3A_250 = arith.addi %add3A_229, %add3A_249 : i32
      %sub3A_251 = arith.constant 1 : i32
      %sub3A_252 = arith.subi %add3A_250, %sub3A_251 : i32
      %mul3A_253 = arith.constant 40 : i32
      %mul3A_254 = arith.muli %sub3A_252, %mul3A_253 : i32
      %dma_start3A_255 = tpu.memref_slice %arg6[%mul3A_254] : memref<10000xi32, #tpu.memory_space<vmem>> -> memref<40xi32, #tpu.memory_space<vmem>>
      %dma_start3A_256 = arith.constant 0 : i32
      %dma_start3A_257 = arith.constant 0 : i32
      %dma_start3A_258 = tpu.memref_slice %arg2[%dma_start3A_256, %dma_start3A_257] : memref<10000x128xf32, #tpu.memory_space<hbm>> -> memref<10000x128xf32, #tpu.memory_space<hbm>>
      tpu.enqueue_indirect_dma source(%dma_start3A_258 : memref<10000x128xf32, #tpu.memory_space<hbm>>) target(%arg13 : memref<40x128xf32, #tpu.memory_space<vmem>>) offsets(%dma_start3A_255 : memref<40xi32, #tpu.memory_space<vmem>>) semaphore(%arg18 : memref<!tpu.dma_semaphore, #tpu.memory_space<semaphore_mem>>)
      %add3A_259 = arith.constant 1 : i32
      %add3A_260 = arith.addi %mul3A_227, %add3A_259 : i32
      %mul3A_261 = arith.constant 40 : i32
      %mul3A_262 = arith.muli %add3A_260, %mul3A_261 : i32
      %dma_wait3A_263 = tpu.memref_slice %arg6[%mul3A_262] : memref<10000xi32, #tpu.memory_space<vmem>> -> memref<40xi32, #tpu.memory_space<vmem>>
      %dma_wait3A_264 = arith.constant 0 : i32
      %dma_wait3A_265 = arith.constant 0 : i32
      %dma_wait3A_266 = tpu.memref_slice %arg2[%dma_wait3A_264, %dma_wait3A_265] : memref<10000x128xf32, #tpu.memory_space<hbm>> -> memref<10000x128xf32, #tpu.memory_space<hbm>>
      tpu.wait_indirect_dma semaphore(%arg15 : memref<!tpu.dma_semaphore, #tpu.memory_space<semaphore_mem>>) src(%dma_wait3A_266 : memref<10000x128xf32, #tpu.memory_space<hbm>>) dst(%arg10 : memref<40x128xf32, #tpu.memory_space<vmem>>)
      %mul3A_267 = arith.constant 40 : i32
      %mul3A_268 = arith.muli %add3A_260, %mul3A_267 : i32
      %dma_start3A_269 = tpu.memref_slice %arg7[%mul3A_268] : memref<10000xi32, #tpu.memory_space<vmem>> -> memref<40xi32, #tpu.memory_space<vmem>>
      %dma_start3A_270 = arith.constant 0 : i32
      %dma_start3A_271 = arith.constant 0 : i32
      %dma_start3A_272 = tpu.memref_slice %arg8[%dma_start3A_270, %dma_start3A_271] : memref<10112x128xf32, #tpu.memory_space<vmem_shared>> -> memref<10112x128xf32, #tpu.memory_space<vmem_shared>>
      tpu.enqueue_indirect_dma source(%arg10 : memref<40x128xf32, #tpu.memory_space<vmem>>) target(%dma_start3A_272 : memref<10112x128xf32, #tpu.memory_space<vmem_shared>>) offsets(%dma_start3A_269 : memref<40xi32, #tpu.memory_space<vmem>>) semaphore(%arg20 : memref<!tpu.dma_semaphore, #tpu.memory_space<semaphore_mem>>) {add = true}
      %sub3A_273 = arith.constant 1 : i32
      %sub3A_274 = arith.subi %add3A_260, %sub3A_273 : i32
      %mul3A_275 = arith.constant 40 : i32
      %mul3A_276 = arith.muli %sub3A_274, %mul3A_275 : i32
      %dma_wait3A_277 = tpu.memref_slice %arg7[%mul3A_276] : memref<10000xi32, #tpu.memory_space<vmem>> -> memref<40xi32, #tpu.memory_space<vmem>>
      %dma_wait3A_278 = arith.constant 0 : i32
      %dma_wait3A_279 = arith.constant 0 : i32
      %dma_wait3A_280 = tpu.memref_slice %arg8[%dma_wait3A_278, %dma_wait3A_279] : memref<10112x128xf32, #tpu.memory_space<vmem_shared>> -> memref<10112x128xf32, #tpu.memory_space<vmem_shared>>
      tpu.wait_indirect_dma semaphore(%arg19 : memref<!tpu.dma_semaphore, #tpu.memory_space<semaphore_mem>>) src(%arg9 : memref<40x128xf32, #tpu.memory_space<vmem>>) dst(%dma_wait3A_280 : memref<10112x128xf32, #tpu.memory_space<vmem_shared>>)
      %add3A_281 = arith.constant 5 : i32
      %add3A_282 = arith.addi %add3A_260, %add3A_281 : i32
      %sub3A_283 = arith.constant 1 : i32
      %sub3A_284 = arith.subi %add3A_282, %sub3A_283 : i32
      %mul3A_285 = arith.constant 40 : i32
      %mul3A_286 = arith.muli %sub3A_284, %mul3A_285 : i32
      %dma_start3A_287 = tpu.memref_slice %arg6[%mul3A_286] : memref<10000xi32, #tpu.memory_space<vmem>> -> memref<40xi32, #tpu.memory_space<vmem>>
      %dma_start3A_288 = arith.constant 0 : i32
      %dma_start3A_289 = arith.constant 0 : i32
      %dma_start3A_290 = tpu.memref_slice %arg2[%dma_start3A_288, %dma_start3A_289] : memref<10000x128xf32, #tpu.memory_space<hbm>> -> memref<10000x128xf32, #tpu.memory_space<hbm>>
      tpu.enqueue_indirect_dma source(%dma_start3A_290 : memref<10000x128xf32, #tpu.memory_space<hbm>>) target(%arg9 : memref<40x128xf32, #tpu.memory_space<vmem>>) offsets(%dma_start3A_287 : memref<40xi32, #tpu.memory_space<vmem>>) semaphore(%arg14 : memref<!tpu.dma_semaphore, #tpu.memory_space<semaphore_mem>>)
      %add3A_291 = arith.constant 2 : i32
      %add3A_292 = arith.addi %mul3A_227, %add3A_291 : i32
      %mul3A_293 = arith.constant 40 : i32
      %mul3A_294 = arith.muli %add3A_292, %mul3A_293 : i32
      %dma_wait3A_295 = tpu.memref_slice %arg6[%mul3A_294] : memref<10000xi32, #tpu.memory_space<vmem>> -> memref<40xi32, #tpu.memory_space<vmem>>
      %dma_wait3A_296 = arith.constant 0 : i32
      %dma_wait3A_297 = arith.constant 0 : i32
      %dma_wait3A_298 = tpu.memref_slice %arg2[%dma_wait3A_296, %dma_wait3A_297] : memref<10000x128xf32, #tpu.memory_space<hbm>> -> memref<10000x128xf32, #tpu.memory_space<hbm>>
      tpu.wait_indirect_dma semaphore(%arg16 : memref<!tpu.dma_semaphore, #tpu.memory_space<semaphore_mem>>) src(%dma_wait3A_298 : memref<10000x128xf32, #tpu.memory_space<hbm>>) dst(%arg11 : memref<40x128xf32, #tpu.memory_space<vmem>>)
      %mul3A_299 = arith.constant 40 : i32
      %mul3A_300 = arith.muli %add3A_292, %mul3A_299 : i32
      %dma_start3A_301 = tpu.memref_slice %arg7[%mul3A_300] : memref<10000xi32, #tpu.memory_space<vmem>> -> memref<40xi32, #tpu.memory_space<vmem>>
      %dma_start3A_302 = arith.constant 0 : i32
      %dma_start3A_303 = arith.constant 0 : i32
      %dma_start3A_304 = tpu.memref_slice %arg8[%dma_start3A_302, %dma_start3A_303] : memref<10112x128xf32, #tpu.memory_space<vmem_shared>> -> memref<10112x128xf32, #tpu.memory_space<vmem_shared>>
      tpu.enqueue_indirect_dma source(%arg11 : memref<40x128xf32, #tpu.memory_space<vmem>>) target(%dma_start3A_304 : memref<10112x128xf32, #tpu.memory_space<vmem_shared>>) offsets(%dma_start3A_301 : memref<40xi32, #tpu.memory_space<vmem>>) semaphore(%arg21 : memref<!tpu.dma_semaphore, #tpu.memory_space<semaphore_mem>>) {add = true}
      %sub3A_305 = arith.constant 1 : i32
      %sub3A_306 = arith.subi %add3A_292, %sub3A_305 : i32
      %mul3A_307 = arith.constant 40 : i32
      %mul3A_308 = arith.muli %sub3A_306, %mul3A_307 : i32
      %dma_wait3A_309 = tpu.memref_slice %arg7[%mul3A_308] : memref<10000xi32, #tpu.memory_space<vmem>> -> memref<40xi32, #tpu.memory_space<vmem>>
      %dma_wait3A_310 = arith.constant 0 : i32
      %dma_wait3A_311 = arith.constant 0 : i32
      %dma_wait3A_312 = tpu.memref_slice %arg8[%dma_wait3A_310, %dma_wait3A_311] : memref<10112x128xf32, #tpu.memory_space<vmem_shared>> -> memref<10112x128xf32, #tpu.memory_space<vmem_shared>>
      tpu.wait_indirect_dma semaphore(%arg20 : memref<!tpu.dma_semaphore, #tpu.memory_space<semaphore_mem>>) src(%arg10 : memref<40x128xf32, #tpu.memory_space<vmem>>) dst(%dma_wait3A_312 : memref<10112x128xf32, #tpu.memory_space<vmem_shared>>)
      %add3A_313 = arith.constant 5 : i32
      %add3A_314 = arith.addi %add3A_292, %add3A_313 : i32
      %sub3A_315 = arith.constant 1 : i32
      %sub3A_316 = arith.subi %add3A_314, %sub3A_315 : i32
      %mul3A_317 = arith.constant 40 : i32
      %mul3A_318 = arith.muli %sub3A_316, %mul3A_317 : i32
      %dma_start3A_319 = tpu.memref_slice %arg6[%mul3A_318] : memref<10000xi32, #tpu.memory_space<vmem>> -> memref<40xi32, #tpu.memory_space<vmem>>
      %dma_start3A_320 = arith.constant 0 : i32
      %dma_start3A_321 = arith.constant 0 : i32
      %dma_start3A_322 = tpu.memref_slice %arg2[%dma_start3A_320, %dma_start3A_321] : memref<10000x128xf32, #tpu.memory_space<hbm>> -> memref<10000x128xf32, #tpu.memory_space<hbm>>
      tpu.enqueue_indirect_dma source(%dma_start3A_322 : memref<10000x128xf32, #tpu.memory_space<hbm>>) target(%arg10 : memref<40x128xf32, #tpu.memory_space<vmem>>) offsets(%dma_start3A_319 : memref<40xi32, #tpu.memory_space<vmem>>) semaphore(%arg15 : memref<!tpu.dma_semaphore, #tpu.memory_space<semaphore_mem>>)
      %add3A_323 = arith.constant 3 : i32
      %add3A_324 = arith.addi %mul3A_227, %add3A_323 : i32
      %mul3A_325 = arith.constant 40 : i32
      %mul3A_326 = arith.muli %add3A_324, %mul3A_325 : i32
      %dma_wait3A_327 = tpu.memref_slice %arg6[%mul3A_326] : memref<10000xi32, #tpu.memory_space<vmem>> -> memref<40xi32, #tpu.memory_space<vmem>>
      %dma_wait3A_328 = arith.constant 0 : i32
      %dma_wait3A_329 = arith.constant 0 : i32
      %dma_wait3A_330 = tpu.memref_slice %arg2[%dma_wait3A_328, %dma_wait3A_329] : memref<10000x128xf32, #tpu.memory_space<hbm>> -> memref<10000x128xf32, #tpu.memory_space<hbm>>
      tpu.wait_indirect_dma semaphore(%arg17 : memref<!tpu.dma_semaphore, #tpu.memory_space<semaphore_mem>>) src(%dma_wait3A_330 : memref<10000x128xf32, #tpu.memory_space<hbm>>) dst(%arg12 : memref<40x128xf32, #tpu.memory_space<vmem>>)
      %mul3A_331 = arith.constant 40 : i32
      %mul3A_332 = arith.muli %add3A_324, %mul3A_331 : i32
      %dma_start3A_333 = tpu.memref_slice %arg7[%mul3A_332] : memref<10000xi32, #tpu.memory_space<vmem>> -> memref<40xi32, #tpu.memory_space<vmem>>
      %dma_start3A_334 = arith.constant 0 : i32
      %dma_start3A_335 = arith.constant 0 : i32
      %dma_start3A_336 = tpu.memref_slice %arg8[%dma_start3A_334, %dma_start3A_335] : memref<10112x128xf32, #tpu.memory_space<vmem_shared>> -> memref<10112x128xf32, #tpu.memory_space<vmem_shared>>
      tpu.enqueue_indirect_dma source(%arg12 : memref<40x128xf32, #tpu.memory_space<vmem>>) target(%dma_start3A_336 : memref<10112x128xf32, #tpu.memory_space<vmem_shared>>) offsets(%dma_start3A_333 : memref<40xi32, #tpu.memory_space<vmem>>) semaphore(%arg22 : memref<!tpu.dma_semaphore, #tpu.memory_space<semaphore_mem>>) {add = true}
      %sub3A_337 = arith.constant 1 : i32
      %sub3A_338 = arith.subi %add3A_324, %sub3A_337 : i32
      %mul3A_339 = arith.constant 40 : i32
      %mul3A_340 = arith.muli %sub3A_338, %mul3A_339 : i32
      %dma_wait3A_341 = tpu.memref_slice %arg7[%mul3A_340] : memref<10000xi32, #tpu.memory_space<vmem>> -> memref<40xi32, #tpu.memory_space<vmem>>
      %dma_wait3A_342 = arith.constant 0 : i32
      %dma_wait3A_343 = arith.constant 0 : i32
      %dma_wait3A_344 = tpu.memref_slice %arg8[%dma_wait3A_342, %dma_wait3A_343] : memref<10112x128xf32, #tpu.memory_space<vmem_shared>> -> memref<10112x128xf32, #tpu.memory_space<vmem_shared>>
      tpu.wait_indirect_dma semaphore(%arg21 : memref<!tpu.dma_semaphore, #tpu.memory_space<semaphore_mem>>) src(%arg11 : memref<40x128xf32, #tpu.memory_space<vmem>>) dst(%dma_wait3A_344 : memref<10112x128xf32, #tpu.memory_space<vmem_shared>>)
      %add3A_345 = arith.constant 5 : i32
      %add3A_346 = arith.addi %add3A_324, %add3A_345 : i32
      %sub3A_347 = arith.constant 1 : i32
      %sub3A_348 = arith.subi %add3A_346, %sub3A_347 : i32
      %mul3A_349 = arith.constant 40 : i32
      %mul3A_350 = arith.muli %sub3A_348, %mul3A_349 : i32
      %dma_start3A_351 = tpu.memref_slice %arg6[%mul3A_350] : memref<10000xi32, #tpu.memory_space<vmem>> -> memref<40xi32, #tpu.memory_space<vmem>>
      %dma_start3A_352 = arith.constant 0 : i32
      %dma_start3A_353 = arith.constant 0 : i32
      %dma_start3A_354 = tpu.memref_slice %arg2[%dma_start3A_352, %dma_start3A_353] : memref<10000x128xf32, #tpu.memory_space<hbm>> -> memref<10000x128xf32, #tpu.memory_space<hbm>>
      tpu.enqueue_indirect_dma source(%dma_start3A_354 : memref<10000x128xf32, #tpu.memory_space<hbm>>) target(%arg11 : memref<40x128xf32, #tpu.memory_space<vmem>>) offsets(%dma_start3A_351 : memref<40xi32, #tpu.memory_space<vmem>>) semaphore(%arg16 : memref<!tpu.dma_semaphore, #tpu.memory_space<semaphore_mem>>)
      %add3A_355 = arith.constant 4 : i32
      %add3A_356 = arith.addi %mul3A_227, %add3A_355 : i32
      %mul3A_357 = arith.constant 40 : i32
      %mul3A_358 = arith.muli %add3A_356, %mul3A_357 : i32
      %dma_wait3A_359 = tpu.memref_slice %arg6[%mul3A_358] : memref<10000xi32, #tpu.memory_space<vmem>> -> memref<40xi32, #tpu.memory_space<vmem>>
      %dma_wait3A_360 = arith.constant 0 : i32
      %dma_wait3A_361 = arith.constant 0 : i32
      %dma_wait3A_362 = tpu.memref_slice %arg2[%dma_wait3A_360, %dma_wait3A_361] : memref<10000x128xf32, #tpu.memory_space<hbm>> -> memref<10000x128xf32, #tpu.memory_space<hbm>>
      tpu.wait_indirect_dma semaphore(%arg18 : memref<!tpu.dma_semaphore, #tpu.memory_space<semaphore_mem>>) src(%dma_wait3A_362 : memref<10000x128xf32, #tpu.memory_space<hbm>>) dst(%arg13 : memref<40x128xf32, #tpu.memory_space<vmem>>)
      %mul3A_363 = arith.constant 40 : i32
      %mul3A_364 = arith.muli %add3A_356, %mul3A_363 : i32
      %dma_start3A_365 = tpu.memref_slice %arg7[%mul3A_364] : memref<10000xi32, #tpu.memory_space<vmem>> -> memref<40xi32, #tpu.memory_space<vmem>>
      %dma_start3A_366 = arith.constant 0 : i32
      %dma_start3A_367 = arith.constant 0 : i32
      %dma_start3A_368 = tpu.memref_slice %arg8[%dma_start3A_366, %dma_start3A_367] : memref<10112x128xf32, #tpu.memory_space<vmem_shared>> -> memref<10112x128xf32, #tpu.memory_space<vmem_shared>>
      tpu.enqueue_indirect_dma source(%arg13 : memref<40x128xf32, #tpu.memory_space<vmem>>) target(%dma_start3A_368 : memref<10112x128xf32, #tpu.memory_space<vmem_shared>>) offsets(%dma_start3A_365 : memref<40xi32, #tpu.memory_space<vmem>>) semaphore(%arg23 : memref<!tpu.dma_semaphore, #tpu.memory_space<semaphore_mem>>) {add = true}
      %sub3A_369 = arith.constant 1 : i32
      %sub3A_370 = arith.subi %add3A_356, %sub3A_369 : i32
      %mul3A_371 = arith.constant 40 : i32
      %mul3A_372 = arith.muli %sub3A_370, %mul3A_371 : i32
      %dma_wait3A_373 = tpu.memref_slice %arg7[%mul3A_372] : memref<10000xi32, #tpu.memory_space<vmem>> -> memref<40xi32, #tpu.memory_space<vmem>>
      %dma_wait3A_374 = arith.constant 0 : i32
      %dma_wait3A_375 = arith.constant 0 : i32
      %dma_wait3A_376 = tpu.memref_slice %arg8[%dma_wait3A_374, %dma_wait3A_375] : memref<10112x128xf32, #tpu.memory_space<vmem_shared>> -> memref<10112x128xf32, #tpu.memory_space<vmem_shared>>
      tpu.wait_indirect_dma semaphore(%arg22 : memref<!tpu.dma_semaphore, #tpu.memory_space<semaphore_mem>>) src(%arg12 : memref<40x128xf32, #tpu.memory_space<vmem>>) dst(%dma_wait3A_376 : memref<10112x128xf32, #tpu.memory_space<vmem_shared>>)
      %add3A_377 = arith.constant 5 : i32
      %add3A_378 = arith.addi %add3A_356, %add3A_377 : i32
      %sub3A_379 = arith.constant 1 : i32
      %sub3A_380 = arith.subi %add3A_378, %sub3A_379 : i32
      %mul3A_381 = arith.constant 40 : i32
      %mul3A_382 = arith.muli %sub3A_380, %mul3A_381 : i32
      %dma_start3A_383 = tpu.memref_slice %arg6[%mul3A_382] : memref<10000xi32, #tpu.memory_space<vmem>> -> memref<40xi32, #tpu.memory_space<vmem>>
      %dma_start3A_384 = arith.constant 0 : i32
      %dma_start3A_385 = arith.constant 0 : i32
      %dma_start3A_386 = tpu.memref_slice %arg2[%dma_start3A_384, %dma_start3A_385] : memref<10000x128xf32, #tpu.memory_space<hbm>> -> memref<10000x128xf32, #tpu.memory_space<hbm>>
      tpu.enqueue_indirect_dma source(%dma_start3A_386 : memref<10000x128xf32, #tpu.memory_space<hbm>>) target(%arg12 : memref<40x128xf32, #tpu.memory_space<vmem>>) offsets(%dma_start3A_383 : memref<40xi32, #tpu.memory_space<vmem>>) semaphore(%arg17 : memref<!tpu.dma_semaphore, #tpu.memory_space<semaphore_mem>>)
      %scan3A_387 = arith.constant 0 : i32
      scf.yield %scan3A_387 : i32
    }
    %scan3A_137 = arith.constant 48 : i32
    %dma_wait3A_138 = arith.constant 9800 : i32
    %dma_wait3A_139 = tpu.memref_slice %arg6[%dma_wait3A_138] : memref<10000xi32, #tpu.memory_space<vmem>> -> memref<40xi32, #tpu.memory_space<vmem>>
    %dma_wait3A_140 = arith.constant 0 : i32
    %dma_wait3A_141 = arith.constant 0 : i32
    %dma_wait3A_142 = tpu.memref_slice %arg2[%dma_wait3A_140, %dma_wait3A_141] : memref<10000x128xf32, #tpu.memory_space<hbm>> -> memref<10000x128xf32, #tpu.memory_space<hbm>>
    tpu.wait_indirect_dma semaphore(%arg14 : memref<!tpu.dma_semaphore, #tpu.memory_space<semaphore_mem>>) src(%dma_wait3A_142 : memref<10000x128xf32, #tpu.memory_space<hbm>>) dst(%arg9 : memref<40x128xf32, #tpu.memory_space<vmem>>)
    %dma_start3A_143 = arith.constant 9800 : i32
    %dma_start3A_144 = tpu.memref_slice %arg7[%dma_start3A_143] : memref<10000xi32, #tpu.memory_space<vmem>> -> memref<40xi32, #tpu.memory_space<vmem>>
    %dma_start3A_145 = arith.constant 0 : i32
    %dma_start3A_146 = arith.constant 0 : i32
    %dma_start3A_147 = tpu.memref_slice %arg8[%dma_start3A_145, %dma_start3A_146] : memref<10112x128xf32, #tpu.memory_space<vmem_shared>> -> memref<10112x128xf32, #tpu.memory_space<vmem_shared>>
    tpu.enqueue_indirect_dma source(%arg9 : memref<40x128xf32, #tpu.memory_space<vmem>>) target(%dma_start3A_147 : memref<10112x128xf32, #tpu.memory_space<vmem_shared>>) offsets(%dma_start3A_144 : memref<40xi32, #tpu.memory_space<vmem>>) semaphore(%arg19 : memref<!tpu.dma_semaphore, #tpu.memory_space<semaphore_mem>>) {add = true}
    %dma_wait3A_148 = arith.constant 9760 : i32
    %dma_wait3A_149 = tpu.memref_slice %arg7[%dma_wait3A_148] : memref<10000xi32, #tpu.memory_space<vmem>> -> memref<40xi32, #tpu.memory_space<vmem>>
    %dma_wait3A_150 = arith.constant 0 : i32
    %dma_wait3A_151 = arith.constant 0 : i32
    %dma_wait3A_152 = tpu.memref_slice %arg8[%dma_wait3A_150, %dma_wait3A_151] : memref<10112x128xf32, #tpu.memory_space<vmem_shared>> -> memref<10112x128xf32, #tpu.memory_space<vmem_shared>>
    tpu.wait_indirect_dma semaphore(%arg23 : memref<!tpu.dma_semaphore, #tpu.memory_space<semaphore_mem>>) src(%arg13 : memref<40x128xf32, #tpu.memory_space<vmem>>) dst(%dma_wait3A_152 : memref<10112x128xf32, #tpu.memory_space<vmem_shared>>)
    %dma_start3A_153 = arith.constant 9960 : i32
    %dma_start3A_154 = tpu.memref_slice %arg6[%dma_start3A_153] : memref<10000xi32, #tpu.memory_space<vmem>> -> memref<40xi32, #tpu.memory_space<vmem>>
    %dma_start3A_155 = arith.constant 0 : i32
    %dma_start3A_156 = arith.constant 0 : i32
    %dma_start3A_157 = tpu.memref_slice %arg2[%dma_start3A_155, %dma_start3A_156] : memref<10000x128xf32, #tpu.memory_space<hbm>> -> memref<10000x128xf32, #tpu.memory_space<hbm>>
    tpu.enqueue_indirect_dma source(%dma_start3A_157 : memref<10000x128xf32, #tpu.memory_space<hbm>>) target(%arg13 : memref<40x128xf32, #tpu.memory_space<vmem>>) offsets(%dma_start3A_154 : memref<40xi32, #tpu.memory_space<vmem>>) semaphore(%arg18 : memref<!tpu.dma_semaphore, #tpu.memory_space<semaphore_mem>>)
    %dma_wait3A_158 = arith.constant 9840 : i32
    %dma_wait3A_159 = tpu.memref_slice %arg6[%dma_wait3A_158] : memref<10000xi32, #tpu.memory_space<vmem>> -> memref<40xi32, #tpu.memory_space<vmem>>
    %dma_wait3A_160 = arith.constant 0 : i32
    %dma_wait3A_161 = arith.constant 0 : i32
    %dma_wait3A_162 = tpu.memref_slice %arg2[%dma_wait3A_160, %dma_wait3A_161] : memref<10000x128xf32, #tpu.memory_space<hbm>> -> memref<10000x128xf32, #tpu.memory_space<hbm>>
    tpu.wait_indirect_dma semaphore(%arg15 : memref<!tpu.dma_semaphore, #tpu.memory_space<semaphore_mem>>) src(%dma_wait3A_162 : memref<10000x128xf32, #tpu.memory_space<hbm>>) dst(%arg10 : memref<40x128xf32, #tpu.memory_space<vmem>>)
    %dma_start3A_163 = arith.constant 9840 : i32
    %dma_start3A_164 = tpu.memref_slice %arg7[%dma_start3A_163] : memref<10000xi32, #tpu.memory_space<vmem>> -> memref<40xi32, #tpu.memory_space<vmem>>
    %dma_start3A_165 = arith.constant 0 : i32
    %dma_start3A_166 = arith.constant 0 : i32
    %dma_start3A_167 = tpu.memref_slice %arg8[%dma_start3A_165, %dma_start3A_166] : memref<10112x128xf32, #tpu.memory_space<vmem_shared>> -> memref<10112x128xf32, #tpu.memory_space<vmem_shared>>
    tpu.enqueue_indirect_dma source(%arg10 : memref<40x128xf32, #tpu.memory_space<vmem>>) target(%dma_start3A_167 : memref<10112x128xf32, #tpu.memory_space<vmem_shared>>) offsets(%dma_start3A_164 : memref<40xi32, #tpu.memory_space<vmem>>) semaphore(%arg20 : memref<!tpu.dma_semaphore, #tpu.memory_space<semaphore_mem>>) {add = true}
    %dma_wait3A_168 = arith.constant 9880 : i32
    %dma_wait3A_169 = tpu.memref_slice %arg6[%dma_wait3A_168] : memref<10000xi32, #tpu.memory_space<vmem>> -> memref<40xi32, #tpu.memory_space<vmem>>
    %dma_wait3A_170 = arith.constant 0 : i32
    %dma_wait3A_171 = arith.constant 0 : i32
    %dma_wait3A_172 = tpu.memref_slice %arg2[%dma_wait3A_170, %dma_wait3A_171] : memref<10000x128xf32, #tpu.memory_space<hbm>> -> memref<10000x128xf32, #tpu.memory_space<hbm>>
    tpu.wait_indirect_dma semaphore(%arg16 : memref<!tpu.dma_semaphore, #tpu.memory_space<semaphore_mem>>) src(%dma_wait3A_172 : memref<10000x128xf32, #tpu.memory_space<hbm>>) dst(%arg11 : memref<40x128xf32, #tpu.memory_space<vmem>>)
    %dma_start3A_173 = arith.constant 9880 : i32
    %dma_start3A_174 = tpu.memref_slice %arg7[%dma_start3A_173] : memref<10000xi32, #tpu.memory_space<vmem>> -> memref<40xi32, #tpu.memory_space<vmem>>
    %dma_start3A_175 = arith.constant 0 : i32
    %dma_start3A_176 = arith.constant 0 : i32
    %dma_start3A_177 = tpu.memref_slice %arg8[%dma_start3A_175, %dma_start3A_176] : memref<10112x128xf32, #tpu.memory_space<vmem_shared>> -> memref<10112x128xf32, #tpu.memory_space<vmem_shared>>
    tpu.enqueue_indirect_dma source(%arg11 : memref<40x128xf32, #tpu.memory_space<vmem>>) target(%dma_start3A_177 : memref<10112x128xf32, #tpu.memory_space<vmem_shared>>) offsets(%dma_start3A_174 : memref<40xi32, #tpu.memory_space<vmem>>) semaphore(%arg21 : memref<!tpu.dma_semaphore, #tpu.memory_space<semaphore_mem>>) {add = true}
    %dma_wait3A_178 = arith.constant 9920 : i32
    %dma_wait3A_179 = tpu.memref_slice %arg6[%dma_wait3A_178] : memref<10000xi32, #tpu.memory_space<vmem>> -> memref<40xi32, #tpu.memory_space<vmem>>
    %dma_wait3A_180 = arith.constant 0 : i32
    %dma_wait3A_181 = arith.constant 0 : i32
    %dma_wait3A_182 = tpu.memref_slice %arg2[%dma_wait3A_180, %dma_wait3A_181] : memref<10000x128xf32, #tpu.memory_space<hbm>> -> memref<10000x128xf32, #tpu.memory_space<hbm>>
    tpu.wait_indirect_dma semaphore(%arg17 : memref<!tpu.dma_semaphore, #tpu.memory_space<semaphore_mem>>) src(%dma_wait3A_182 : memref<10000x128xf32, #tpu.memory_space<hbm>>) dst(%arg12 : memref<40x128xf32, #tpu.memory_space<vmem>>)
    %dma_start3A_183 = arith.constant 9920 : i32
    %dma_start3A_184 = tpu.memref_slice %arg7[%dma_start3A_183] : memref<10000xi32, #tpu.memory_space<vmem>> -> memref<40xi32, #tpu.memory_space<vmem>>
    %dma_start3A_185 = arith.constant 0 : i32
    %dma_start3A_186 = arith.constant 0 : i32
    %dma_start3A_187 = tpu.memref_slice %arg8[%dma_start3A_185, %dma_start3A_186] : memref<10112x128xf32, #tpu.memory_space<vmem_shared>> -> memref<10112x128xf32, #tpu.memory_space<vmem_shared>>
    tpu.enqueue_indirect_dma source(%arg12 : memref<40x128xf32, #tpu.memory_space<vmem>>) target(%dma_start3A_187 : memref<10112x128xf32, #tpu.memory_space<vmem_shared>>) offsets(%dma_start3A_184 : memref<40xi32, #tpu.memory_space<vmem>>) semaphore(%arg22 : memref<!tpu.dma_semaphore, #tpu.memory_space<semaphore_mem>>) {add = true}
    %dma_wait3A_188 = arith.constant 9960 : i32
    %dma_wait3A_189 = tpu.memref_slice %arg6[%dma_wait3A_188] : memref<10000xi32, #tpu.memory_space<vmem>> -> memref<40xi32, #tpu.memory_space<vmem>>
    %dma_wait3A_190 = arith.constant 0 : i32
    %dma_wait3A_191 = arith.constant 0 : i32
    %dma_wait3A_192 = tpu.memref_slice %arg2[%dma_wait3A_190, %dma_wait3A_191] : memref<10000x128xf32, #tpu.memory_space<hbm>> -> memref<10000x128xf32, #tpu.memory_space<hbm>>
    tpu.wait_indirect_dma semaphore(%arg18 : memref<!tpu.dma_semaphore, #tpu.memory_space<semaphore_mem>>) src(%dma_wait3A_192 : memref<10000x128xf32, #tpu.memory_space<hbm>>) dst(%arg13 : memref<40x128xf32, #tpu.memory_space<vmem>>)
    %dma_start3A_193 = arith.constant 9960 : i32
    %dma_start3A_194 = tpu.memref_slice %arg7[%dma_start3A_193] : memref<10000xi32, #tpu.memory_space<vmem>> -> memref<40xi32, #tpu.memory_space<vmem>>
    %dma_start3A_195 = arith.constant 0 : i32
    %dma_start3A_196 = arith.constant 0 : i32
    %dma_start3A_197 = tpu.memref_slice %arg8[%dma_start3A_195, %dma_start3A_196] : memref<10112x128xf32, #tpu.memory_space<vmem_shared>> -> memref<10112x128xf32, #tpu.memory_space<vmem_shared>>
    tpu.enqueue_indirect_dma source(%arg13 : memref<40x128xf32, #tpu.memory_space<vmem>>) target(%dma_start3A_197 : memref<10112x128xf32, #tpu.memory_space<vmem_shared>>) offsets(%dma_start3A_194 : memref<40xi32, #tpu.memory_space<vmem>>) semaphore(%arg23 : memref<!tpu.dma_semaphore, #tpu.memory_space<semaphore_mem>>) {add = true}
    %dma_wait3A_198 = arith.constant 9800 : i32
    %dma_wait3A_199 = tpu.memref_slice %arg7[%dma_wait3A_198] : memref<10000xi32, #tpu.memory_space<vmem>> -> memref<40xi32, #tpu.memory_space<vmem>>
    %dma_wait3A_200 = arith.constant 0 : i32
    %dma_wait3A_201 = arith.constant 0 : i32
    %dma_wait3A_202 = tpu.memref_slice %arg8[%dma_wait3A_200, %dma_wait3A_201] : memref<10112x128xf32, #tpu.memory_space<vmem_shared>> -> memref<10112x128xf32, #tpu.memory_space<vmem_shared>>
    tpu.wait_indirect_dma semaphore(%arg19 : memref<!tpu.dma_semaphore, #tpu.memory_space<semaphore_mem>>) src(%arg9 : memref<40x128xf32, #tpu.memory_space<vmem>>) dst(%dma_wait3A_202 : memref<10112x128xf32, #tpu.memory_space<vmem_shared>>)
    %dma_wait3A_203 = arith.constant 9840 : i32
    %dma_wait3A_204 = tpu.memref_slice %arg7[%dma_wait3A_203] : memref<10000xi32, #tpu.memory_space<vmem>> -> memref<40xi32, #tpu.memory_space<vmem>>
    %dma_wait3A_205 = arith.constant 0 : i32
    %dma_wait3A_206 = arith.constant 0 : i32
    %dma_wait3A_207 = tpu.memref_slice %arg8[%dma_wait3A_205, %dma_wait3A_206] : memref<10112x128xf32, #tpu.memory_space<vmem_shared>> -> memref<10112x128xf32, #tpu.memory_space<vmem_shared>>
    tpu.wait_indirect_dma semaphore(%arg20 : memref<!tpu.dma_semaphore, #tpu.memory_space<semaphore_mem>>) src(%arg10 : memref<40x128xf32, #tpu.memory_space<vmem>>) dst(%dma_wait3A_207 : memref<10112x128xf32, #tpu.memory_space<vmem_shared>>)
    %dma_wait3A_208 = arith.constant 9880 : i32
    %dma_wait3A_209 = tpu.memref_slice %arg7[%dma_wait3A_208] : memref<10000xi32, #tpu.memory_space<vmem>> -> memref<40xi32, #tpu.memory_space<vmem>>
    %dma_wait3A_210 = arith.constant 0 : i32
    %dma_wait3A_211 = arith.constant 0 : i32
    %dma_wait3A_212 = tpu.memref_slice %arg8[%dma_wait3A_210, %dma_wait3A_211] : memref<10112x128xf32, #tpu.memory_space<vmem_shared>> -> memref<10112x128xf32, #tpu.memory_space<vmem_shared>>
    tpu.wait_indirect_dma semaphore(%arg21 : memref<!tpu.dma_semaphore, #tpu.memory_space<semaphore_mem>>) src(%arg11 : memref<40x128xf32, #tpu.memory_space<vmem>>) dst(%dma_wait3A_212 : memref<10112x128xf32, #tpu.memory_space<vmem_shared>>)
    %dma_wait3A_213 = arith.constant 9920 : i32
    %dma_wait3A_214 = tpu.memref_slice %arg7[%dma_wait3A_213] : memref<10000xi32, #tpu.memory_space<vmem>> -> memref<40xi32, #tpu.memory_space<vmem>>
    %dma_wait3A_215 = arith.constant 0 : i32
    %dma_wait3A_216 = arith.constant 0 : i32
    %dma_wait3A_217 = tpu.memref_slice %arg8[%dma_wait3A_215, %dma_wait3A_216] : memref<10112x128xf32, #tpu.memory_space<vmem_shared>> -> memref<10112x128xf32, #tpu.memory_space<vmem_shared>>
    tpu.wait_indirect_dma semaphore(%arg22 : memref<!tpu.dma_semaphore, #tpu.memory_space<semaphore_mem>>) src(%arg12 : memref<40x128xf32, #tpu.memory_space<vmem>>) dst(%dma_wait3A_217 : memref<10112x128xf32, #tpu.memory_space<vmem_shared>>)
    %dma_wait3A_218 = arith.constant 9960 : i32
    %dma_wait3A_219 = tpu.memref_slice %arg7[%dma_wait3A_218] : memref<10000xi32, #tpu.memory_space<vmem>> -> memref<40xi32, #tpu.memory_space<vmem>>
    %dma_wait3A_220 = arith.constant 0 : i32
    %dma_wait3A_221 = arith.constant 0 : i32
    %dma_wait3A_222 = tpu.memref_slice %arg8[%dma_wait3A_220, %dma_wait3A_221] : memref<10112x128xf32, #tpu.memory_space<vmem_shared>> -> memref<10112x128xf32, #tpu.memory_space<vmem_shared>>
    tpu.wait_indirect_dma semaphore(%arg23 : memref<!tpu.dma_semaphore, #tpu.memory_space<semaphore_mem>>) src(%arg13 : memref<40x128xf32, #tpu.memory_space<vmem>>) dst(%dma_wait3A_222 : memref<10112x128xf32, #tpu.memory_space<vmem_shared>>)
    %barrier3A_223 = arith.constant 0 : index
    tpu.barrier barrier_id(%barrier3A_223)
    "tpu.region"() ({
      %run_scoped3A = tpu.sem_alloc : memref<!tpu.dma_semaphore, #tpu.memory_space<semaphore_mem>>
      %dma_start3A_224 = arith.constant 0 : i32
      %dma_start3A_225 = arith.constant 0 : i32
      %dma_start3A_226 = tpu.memref_slice %arg5[%arg0, %arg1, %dma_start3A_224, %dma_start3A_225] : memref<2x16x632x128xf32, #tpu.memory_space<hbm>> -> memref<1x1x632x128xf32, #tpu.memory_space<hbm>>
      %dma_start3A_227 = tpu.memref_squeeze %dma_start3A_226 : memref<1x1x632x128xf32, #tpu.memory_space<hbm>> -> memref<632x128xf32, #tpu.memory_space<hbm>>
      %dma_start3A_228 = arith.constant 0 : i32
      %dma_start3A_229 = tpu.memref_slice %arg8[%mul3A_8, %dma_start3A_228] : memref<10112x128xf32, #tpu.memory_space<vmem_shared>> -> memref<632x128xf32, #tpu.memory_space<vmem_shared>>
      tpu.enqueue_dma source(%dma_start3A_229 : memref<632x128xf32, #tpu.memory_space<vmem_shared>>) target(%dma_start3A_227 : memref<632x128xf32, #tpu.memory_space<hbm>>) target_semaphore(%run_scoped3A : memref<!tpu.dma_semaphore, #tpu.memory_space<semaphore_mem>>)
      %dma_wait3A_230 = arith.constant 0 : i32
      %dma_wait3A_231 = arith.constant 0 : i32
      %dma_wait3A_232 = tpu.memref_slice %arg5[%arg0, %arg1, %dma_wait3A_230, %dma_wait3A_231] : memref<2x16x632x128xf32, #tpu.memory_space<hbm>> -> memref<1x1x632x128xf32, #tpu.memory_space<hbm>>
      %dma_wait3A_233 = tpu.memref_squeeze %dma_wait3A_232 : memref<1x1x632x128xf32, #tpu.memory_space<hbm>> -> memref<632x128xf32, #tpu.memory_space<hbm>>
      %dma_wait3A_234 = arith.constant 0 : i32
      %dma_wait3A_235 = tpu.memref_slice %arg8[%mul3A_8, %dma_wait3A_234] : memref<10112x128xf32, #tpu.memory_space<vmem_shared>> -> memref<632x128xf32, #tpu.memory_space<vmem_shared>>
      tpu.wait_dma2 semaphore(%run_scoped3A : memref<!tpu.dma_semaphore, #tpu.memory_space<semaphore_mem>>) src(%dma_wait3A_235 : memref<632x128xf32, #tpu.memory_space<vmem_shared>>) dst(%dma_wait3A_233 : memref<632x128xf32, #tpu.memory_space<hbm>>)
      tpu.yield
    }) : () -> ()
    return
  }
}

#map = affine_map<(d0, d1) -> (0, 0)>
#map1 = affine_map<(d0, d1) -> (0, 0, 0, 0)>
module attributes {stable_mosaic.version = 14 : i64} {
  func.func @k(%arg0: i32, %arg1: i32, %arg2: memref<10000x128xf32, #tpu.memory_space<hbm>>, %arg3: memref<32x10000xi32, #tpu.memory_space<hbm>>, %arg4: memref<32x10000xi32, #tpu.memory_space<hbm>>, %arg5: memref<2x16x632x128xf32, #tpu.memory_space<hbm>>, %arg6: memref<10000xi32, #tpu.memory_space<vmem>>, %arg7: memref<10000xi32, #tpu.memory_space<vmem>>, %arg8: memref<10112x128xf32, #tpu.memory_space<vmem_shared>>, %arg9: memref<40x128xf32, #tpu.memory_space<vmem>>, %arg10: memref<40x128xf32, #tpu.memory_space<vmem>>, %arg11: memref<40x128xf32, #tpu.memory_space<vmem>>, %arg12: memref<40x128xf32, #tpu.memory_space<vmem>>, %arg13: memref<40x128xf32, #tpu.memory_space<vmem>>, %arg14: memref<!tpu.dma_semaphore, #tpu.memory_space<semaphore_mem>>, %arg15: memref<!tpu.dma_semaphore, #tpu.memory_space<semaphore_mem>>, %arg16: memref<!tpu.dma_semaphore, #tpu.memory_space<semaphore_mem>>, %arg17: memref<!tpu.dma_semaphore, #tpu.memory_space<semaphore_mem>>, %arg18: memref<!tpu.dma_semaphore, #tpu.memory_space<semaphore_mem>>, %arg19: memref<!tpu.dma_semaphore, #tpu.memory_space<semaphore_mem>>, %arg20: memref<!tpu.dma_semaphore, #tpu.memory_space<semaphore_mem>>, %arg21: memref<!tpu.dma_semaphore, #tpu.memory_space<semaphore_mem>>, %arg22: memref<!tpu.dma_semaphore, #tpu.memory_space<semaphore_mem>>, %arg23: memref<!tpu.dma_semaphore, #tpu.memory_space<semaphore_mem>>) attributes {dimension_semantics = [#tpu.dimension_semantics<core_parallel>, #tpu.dimension_semantics<subcore_parallel>], iteration_bounds = array<i64: 2, 16>, scalar_prefetch = 0 : i64, scratch_operands = 18 : i64, tpu.core_type = #tpu.core_type<sc_vector_subcore>, window_params = [{transform_indices = #map}, {transform_indices = #map}, {transform_indices = #map}, {transform_indices = #map1}]} {
    %mul3A = arith.constant 2 : i32
    %mul3A_0 = arith.muli %arg1, %mul3A : i32
    %add3A = arith.addi %mul3A_0, %arg0 : i32
    "tpu.region"() ({
      %run_scoped3A = tpu.sem_alloc : memref<!tpu.dma_semaphore, #tpu.memory_space<semaphore_mem>>
      %dma_start3A_224 = arith.constant 0 : i32
      %dma_start3A_225 = tpu.memref_slice %arg3[%add3A, %dma_start3A_224] : memref<32x10000xi32, #tpu.memory_space<hbm>> -> memref<1x10000xi32, #tpu.memory_space<hbm>>
      %dma_start3A_226 = tpu.memref_squeeze %dma_start3A_225 : memref<1x10000xi32, #tpu.memory_space<hbm>> -> memref<10000xi32, #tpu.memory_space<hbm>>
      %dma_start3A_227 = arith.constant 0 : i32
      %dma_start3A_228 = tpu.memref_slice %arg3[%add3A, %dma_start3A_227] : memref<32x10000xi32, #tpu.memory_space<hbm>> -> memref<1x10000xi32, #tpu.memory_space<hbm>>
      %dma_start3A_229 = tpu.memref_squeeze %dma_start3A_228 : memref<1x10000xi32, #tpu.memory_space<hbm>> -> memref<10000xi32, #tpu.memory_space<hbm>>
      tpu.enqueue_dma source(%dma_start3A_229 : memref<10000xi32, #tpu.memory_space<hbm>>) target(%arg6 : memref<10000xi32, #tpu.memory_space<vmem>>) target_semaphore(%run_scoped3A : memref<!tpu.dma_semaphore, #tpu.memory_space<semaphore_mem>>)
      %dma_wait3A_230 = arith.constant 0 : i32
      %dma_wait3A_231 = tpu.memref_slice %arg3[%add3A, %dma_wait3A_230] : memref<32x10000xi32, #tpu.memory_space<hbm>> -> memref<1x10000xi32, #tpu.memory_space<hbm>>
      %dma_wait3A_232 = tpu.memref_squeeze %dma_wait3A_231 : memref<1x10000xi32, #tpu.memory_space<hbm>> -> memref<10000xi32, #tpu.memory_space<hbm>>
      %dma_wait3A_233 = arith.constant 0 : i32
      %dma_wait3A_234 = tpu.memref_slice %arg3[%add3A, %dma_wait3A_233] : memref<32x10000xi32, #tpu.memory_space<hbm>> -> memref<1x10000xi32, #tpu.memory_space<hbm>>
      %dma_wait3A_235 = tpu.memref_squeeze %dma_wait3A_234 : memref<1x10000xi32, #tpu.memory_space<hbm>> -> memref<10000xi32, #tpu.memory_space<hbm>>
      tpu.wait_dma2 semaphore(%run_scoped3A : memref<!tpu.dma_semaphore, #tpu.memory_space<semaphore_mem>>) src(%dma_wait3A_235 : memref<10000xi32, #tpu.memory_space<hbm>>) dst(%arg6 : memref<10000xi32, #tpu.memory_space<vmem>>)
      tpu.yield
    }) : () -> ()
    "tpu.region"() ({
      %run_scoped3A = tpu.sem_alloc : memref<!tpu.dma_semaphore, #tpu.memory_space<semaphore_mem>>
      %dma_start3A_224 = arith.constant 0 : i32
      %dma_start3A_225 = tpu.memref_slice %arg4[%add3A, %dma_start3A_224] : memref<32x10000xi32, #tpu.memory_space<hbm>> -> memref<1x10000xi32, #tpu.memory_space<hbm>>
      %dma_start3A_226 = tpu.memref_squeeze %dma_start3A_225 : memref<1x10000xi32, #tpu.memory_space<hbm>> -> memref<10000xi32, #tpu.memory_space<hbm>>
      %dma_start3A_227 = arith.constant 0 : i32
      %dma_start3A_228 = tpu.memref_slice %arg4[%add3A, %dma_start3A_227] : memref<32x10000xi32, #tpu.memory_space<hbm>> -> memref<1x10000xi32, #tpu.memory_space<hbm>>
      %dma_start3A_229 = tpu.memref_squeeze %dma_start3A_228 : memref<1x10000xi32, #tpu.memory_space<hbm>> -> memref<10000xi32, #tpu.memory_space<hbm>>
      tpu.enqueue_dma source(%dma_start3A_229 : memref<10000xi32, #tpu.memory_space<hbm>>) target(%arg7 : memref<10000xi32, #tpu.memory_space<vmem>>) target_semaphore(%run_scoped3A : memref<!tpu.dma_semaphore, #tpu.memory_space<semaphore_mem>>)
      %dma_wait3A_230 = arith.constant 0 : i32
      %dma_wait3A_231 = tpu.memref_slice %arg4[%add3A, %dma_wait3A_230] : memref<32x10000xi32, #tpu.memory_space<hbm>> -> memref<1x10000xi32, #tpu.memory_space<hbm>>
      %dma_wait3A_232 = tpu.memref_squeeze %dma_wait3A_231 : memref<1x10000xi32, #tpu.memory_space<hbm>> -> memref<10000xi32, #tpu.memory_space<hbm>>
      %dma_wait3A_233 = arith.constant 0 : i32
      %dma_wait3A_234 = tpu.memref_slice %arg4[%add3A, %dma_wait3A_233] : memref<32x10000xi32, #tpu.memory_space<hbm>> -> memref<1x10000xi32, #tpu.memory_space<hbm>>
      %dma_wait3A_235 = tpu.memref_squeeze %dma_wait3A_234 : memref<1x10000xi32, #tpu.memory_space<hbm>> -> memref<10000xi32, #tpu.memory_space<hbm>>
      tpu.wait_dma2 semaphore(%run_scoped3A : memref<!tpu.dma_semaphore, #tpu.memory_space<semaphore_mem>>) src(%dma_wait3A_235 : memref<10000xi32, #tpu.memory_space<hbm>>) dst(%arg7 : memref<10000xi32, #tpu.memory_space<vmem>>)
      tpu.yield
    }) : () -> ()
    %scan3A = arith.constant 0 : i32
    %scan3A_1 = arith.constant 0 : i32
    %scan3A_2 = arith.constant 40 : i32
    %scan3A_3 = arith.addi %scan3A_1, %scan3A_2 : i32
    %scan3A_4 = arith.constant 1 : i32
    %scan3A_5 = scf.for %scan3A_224 = %scan3A_1 to %scan3A_3 step %scan3A_4 iter_args(%scan3A_225 = %scan3A) -> (i32)  : i32 {
      %broadcast_in_dim3A = arith.constant 0.000000e+00 : f32
      %broadcast_in_dim3A_226 = vector.broadcast %broadcast_in_dim3A : f32 to vector<16xf32>
      %swap3A = arith.index_cast %scan3A_224 : i32 to index
      %swap3A_227 = arith.constant 0 : index
      %swap3A_228 = tpu.vector_load %arg9[%swap3A, %swap3A_227] {strides = array<i32>} : memref<40x128xf32, #tpu.memory_space<vmem>>, vector<1x16xf32>,
      %swap3A_229 = vector.shape_cast %swap3A_228 : vector<1x16xf32> to vector<16xf32>
      %swap3A_230 = vector.shape_cast %broadcast_in_dim3A_226 : vector<16xf32> to vector<1x16xf32>
      tpu.vector_store %arg9[%swap3A, %swap3A_227], %swap3A_230 {strides = array<i32>} : memref<40x128xf32, #tpu.memory_space<vmem>>, vector<1x16xf32>,
      %broadcast_in_dim3A_231 = arith.constant 0.000000e+00 : f32
      %broadcast_in_dim3A_232 = vector.broadcast %broadcast_in_dim3A_231 : f32 to vector<16xf32>
      %swap3A_233 = arith.index_cast %scan3A_224 : i32 to index
      %swap3A_234 = arith.constant 16 : index
      %swap3A_235 = tpu.vector_load %arg9[%swap3A_233, %swap3A_234] {strides = array<i32>} : memref<40x128xf32, #tpu.memory_space<vmem>>, vector<1x16xf32>,
      %swap3A_236 = vector.shape_cast %swap3A_235 : vector<1x16xf32> to vector<16xf32>
      %swap3A_237 = vector.shape_cast %broadcast_in_dim3A_232 : vector<16xf32> to vector<1x16xf32>
      tpu.vector_store %arg9[%swap3A_233, %swap3A_234], %swap3A_237 {strides = array<i32>} : memref<40x128xf32, #tpu.memory_space<vmem>>, vector<1x16xf32>,
      %broadcast_in_dim3A_238 = arith.constant 0.000000e+00 : f32
      %broadcast_in_dim3A_239 = vector.broadcast %broadcast_in_dim3A_238 : f32 to vector<16xf32>
      %swap3A_240 = arith.index_cast %scan3A_224 : i32 to index
      %swap3A_241 = arith.constant 32 : index
      %swap3A_242 = tpu.vector_load %arg9[%swap3A_240, %swap3A_241] {strides = array<i32>} : memref<40x128xf32, #tpu.memory_space<vmem>>, vector<1x16xf32>,
      %swap3A_243 = vector.shape_cast %swap3A_242 : vector<1x16xf32> to vector<16xf32>
      %swap3A_244 = vector.shape_cast %broadcast_in_dim3A_239 : vector<16xf32> to vector<1x16xf32>
      tpu.vector_store %arg9[%swap3A_240, %swap3A_241], %swap3A_244 {strides = array<i32>} : memref<40x128xf32, #tpu.memory_space<vmem>>, vector<1x16xf32>,
      %broadcast_in_dim3A_245 = arith.constant 0.000000e+00 : f32
      %broadcast_in_dim3A_246 = vector.broadcast %broadcast_in_dim3A_245 : f32 to vector<16xf32>
      %swap3A_247 = arith.index_cast %scan3A_224 : i32 to index
      %swap3A_248 = arith.constant 48 : index
      %swap3A_249 = tpu.vector_load %arg9[%swap3A_247, %swap3A_248] {strides = array<i32>} : memref<40x128xf32, #tpu.memory_space<vmem>>, vector<1x16xf32>,
      %swap3A_250 = vector.shape_cast %swap3A_249 : vector<1x16xf32> to vector<16xf32>
      %swap3A_251 = vector.shape_cast %broadcast_in_dim3A_246 : vector<16xf32> to vector<1x16xf32>
      tpu.vector_store %arg9[%swap3A_247, %swap3A_248], %swap3A_251 {strides = array<i32>} : memref<40x128xf32, #tpu.memory_space<vmem>>, vector<1x16xf32>,
      %broadcast_in_dim3A_252 = arith.constant 0.000000e+00 : f32
      %broadcast_in_dim3A_253 = vector.broadcast %broadcast_in_dim3A_252 : f32 to vector<16xf32>
      %swap3A_254 = arith.index_cast %scan3A_224 : i32 to index
      %swap3A_255 = arith.constant 64 : index
      %swap3A_256 = tpu.vector_load %arg9[%swap3A_254, %swap3A_255] {strides = array<i32>} : memref<40x128xf32, #tpu.memory_space<vmem>>, vector<1x16xf32>,
      %swap3A_257 = vector.shape_cast %swap3A_256 : vector<1x16xf32> to vector<16xf32>
      %swap3A_258 = vector.shape_cast %broadcast_in_dim3A_253 : vector<16xf32> to vector<1x16xf32>
      tpu.vector_store %arg9[%swap3A_254, %swap3A_255], %swap3A_258 {strides = array<i32>} : memref<40x128xf32, #tpu.memory_space<vmem>>, vector<1x16xf32>,
      %broadcast_in_dim3A_259 = arith.constant 0.000000e+00 : f32
      %broadcast_in_dim3A_260 = vector.broadcast %broadcast_in_dim3A_259 : f32 to vector<16xf32>
      %swap3A_261 = arith.index_cast %scan3A_224 : i32 to index
      %swap3A_262 = arith.constant 80 : index
      %swap3A_263 = tpu.vector_load %arg9[%swap3A_261, %swap3A_262] {strides = array<i32>} : memref<40x128xf32, #tpu.memory_space<vmem>>, vector<1x16xf32>,
      %swap3A_264 = vector.shape_cast %swap3A_263 : vector<1x16xf32> to vector<16xf32>
      %swap3A_265 = vector.shape_cast %broadcast_in_dim3A_260 : vector<16xf32> to vector<1x16xf32>
      tpu.vector_store %arg9[%swap3A_261, %swap3A_262], %swap3A_265 {strides = array<i32>} : memref<40x128xf32, #tpu.memory_space<vmem>>, vector<1x16xf32>,
      %broadcast_in_dim3A_266 = arith.constant 0.000000e+00 : f32
      %broadcast_in_dim3A_267 = vector.broadcast %broadcast_in_dim3A_266 : f32 to vector<16xf32>
      %swap3A_268 = arith.index_cast %scan3A_224 : i32 to index
      %swap3A_269 = arith.constant 96 : index
      %swap3A_270 = tpu.vector_load %arg9[%swap3A_268, %swap3A_269] {strides = array<i32>} : memref<40x128xf32, #tpu.memory_space<vmem>>, vector<1x16xf32>,
      %swap3A_271 = vector.shape_cast %swap3A_270 : vector<1x16xf32> to vector<16xf32>
      %swap3A_272 = vector.shape_cast %broadcast_in_dim3A_267 : vector<16xf32> to vector<1x16xf32>
      tpu.vector_store %arg9[%swap3A_268, %swap3A_269], %swap3A_272 {strides = array<i32>} : memref<40x128xf32, #tpu.memory_space<vmem>>, vector<1x16xf32>,
      %broadcast_in_dim3A_273 = arith.constant 0.000000e+00 : f32
      %broadcast_in_dim3A_274 = vector.broadcast %broadcast_in_dim3A_273 : f32 to vector<16xf32>
      %swap3A_275 = arith.index_cast %scan3A_224 : i32 to index
      %swap3A_276 = arith.constant 112 : index
      %swap3A_277 = tpu.vector_load %arg9[%swap3A_275, %swap3A_276] {strides = array<i32>} : memref<40x128xf32, #tpu.memory_space<vmem>>, vector<1x16xf32>,
      %swap3A_278 = vector.shape_cast %swap3A_277 : vector<1x16xf32> to vector<16xf32>
      %swap3A_279 = vector.shape_cast %broadcast_in_dim3A_274 : vector<16xf32> to vector<1x16xf32>
      tpu.vector_store %arg9[%swap3A_275, %swap3A_276], %swap3A_279 {strides = array<i32>} : memref<40x128xf32, #tpu.memory_space<vmem>>, vector<1x16xf32>,
      %scan3A_280 = arith.constant 0 : i32
      scf.yield %scan3A_280 : i32
    }
    %scan3A_6 = arith.constant 40 : i32
    %mul3A_7 = arith.constant 632 : i32
    %mul3A_8 = arith.muli %arg1, %mul3A_7 : i32
    %scan3A_9 = arith.constant 0 : i32
    %scan3A_10 = arith.constant 0 : i32
    %scan3A_11 = arith.constant 15 : i32
    %scan3A_12 = arith.addi %scan3A_10, %scan3A_11 : i32
    %scan3A_13 = arith.constant 1 : i32
    %scan3A_14 = scf.for %scan3A_224 = %scan3A_10 to %scan3A_12 step %scan3A_13 iter_args(%scan3A_225 = %scan3A_9) -> (i32)  : i32 {
      %mul3A_226 = arith.constant 40 : i32
      %mul3A_227 = arith.muli %scan3A_224, %mul3A_226 : i32
      %add3A_228 = arith.addi %mul3A_8, %mul3A_227 : i32
      "tpu.region"() ({
        %run_scoped3A = tpu.sem_alloc : memref<!tpu.dma_semaphore, #tpu.memory_space<semaphore_mem>>
        %dma_start3A_230 = arith.constant 0 : i32
        %dma_start3A_231 = arith.constant 0 : i32
        %dma_start3A_232 = tpu.memref_slice %arg9[%dma_start3A_230, %dma_start3A_231] : memref<40x128xf32, #tpu.memory_space<vmem>> -> memref<40x128xf32, #tpu.memory_space<vmem>>
        %dma_start3A_233 = arith.constant 0 : i32
        %dma_start3A_234 = tpu.memref_slice %arg8[%add3A_228, %dma_start3A_233] : memref<10112x128xf32, #tpu.memory_space<vmem_shared>> -> memref<40x128xf32, #tpu.memory_space<vmem_shared>>
        %dma_start3A_235 = arith.constant 0 : i32
        %dma_start3A_236 = tpu.memref_slice %arg8[%add3A_228, %dma_start3A_235] : memref<10112x128xf32, #tpu.memory_space<vmem_shared>> -> memref<40x128xf32, #tpu.memory_space<vmem_shared>>
        %dma_start3A_237 = arith.constant 0 : i32
        %dma_start3A_238 = arith.constant 0 : i32
        %dma_start3A_239 = tpu.memref_slice %arg9[%dma_start3A_237, %dma_start3A_238] : memref<40x128xf32, #tpu.memory_space<vmem>> -> memref<40x128xf32, #tpu.memory_space<vmem>>
        tpu.enqueue_dma source(%dma_start3A_239 : memref<40x128xf32, #tpu.memory_space<vmem>>) target(%dma_start3A_236 : memref<40x128xf32, #tpu.memory_space<vmem_shared>>) target_semaphore(%run_scoped3A : memref<!tpu.dma_semaphore, #tpu.memory_space<semaphore_mem>>)
        %dma_wait3A_240 = arith.constant 0 : i32
        %dma_wait3A_241 = arith.constant 0 : i32
        %dma_wait3A_242 = tpu.memref_slice %arg9[%dma_wait3A_240, %dma_wait3A_241] : memref<40x128xf32, #tpu.memory_space<vmem>> -> memref<40x128xf32, #tpu.memory_space<vmem>>
        %dma_wait3A_243 = arith.constant 0 : i32
        %dma_wait3A_244 = tpu.memref_slice %arg8[%add3A_228, %dma_wait3A_243] : memref<10112x128xf32, #tpu.memory_space<vmem_shared>> -> memref<40x128xf32, #tpu.memory_space<vmem_shared>>
        %dma_wait3A_245 = arith.constant 0 : i32
        %dma_wait3A_246 = tpu.memref_slice %arg8[%add3A_228, %dma_wait3A_245] : memref<10112x128xf32, #tpu.memory_space<vmem_shared>> -> memref<40x128xf32, #tpu.memory_space<vmem_shared>>
        %dma_wait3A_247 = arith.constant 0 : i32
        %dma_wait3A_248 = arith.constant 0 : i32
        %dma_wait3A_249 = tpu.memref_slice %arg9[%dma_wait3A_247, %dma_wait3A_248] : memref<40x128xf32, #tpu.memory_space<vmem>> -> memref<40x128xf32, #tpu.memory_space<vmem>>
        tpu.wait_dma2 semaphore(%run_scoped3A : memref<!tpu.dma_semaphore, #tpu.memory_space<semaphore_mem>>) src(%dma_wait3A_249 : memref<40x128xf32, #tpu.memory_space<vmem>>) dst(%dma_wait3A_246 : memref<40x128xf32, #tpu.memory_space<vmem_shared>>)
        tpu.yield
      }) : () -> ()
      %scan3A_229 = arith.constant 0 : i32
      scf.yield %scan3A_229 : i32
    }
    %scan3A_15 = arith.constant 15 : i32
    %add3A_16 = arith.constant 600 : i32
    %add3A_17 = arith.addi %mul3A_8, %add3A_16 : i32
    "tpu.region"() ({
      %run_scoped3A = tpu.sem_alloc : memref<!tpu.dma_semaphore, #tpu.memory_space<semaphore_mem>>
      %dma_start3A_224 = arith.constant 0 : i32
      %dma_start3A_225 = arith.constant 0 : i32
      %dma_start3A_226 = tpu.memref_slice %arg9[%dma_start3A_224, %dma_start3A_225] : memref<40x128xf32, #tpu.memory_space<vmem>> -> memref<32x128xf32, #tpu.memory_space<vmem>>
      %dma_start3A_227 = arith.constant 0 : i32
      %dma_start3A_228 = tpu.memref_slice %arg8[%add3A_17, %dma_start3A_227] : memref<10112x128xf32, #tpu.memory_space<vmem_shared>> -> memref<32x128xf32, #tpu.memory_space<vmem_shared>>
      %dma_start3A_229 = arith.constant 0 : i32
      %dma_start3A_230 = tpu.memref_slice %arg8[%add3A_17, %dma_start3A_229] : memref<10112x128xf32, #tpu.memory_space<vmem_shared>> -> memref<32x128xf32, #tpu.memory_space<vmem_shared>>
      %dma_start3A_231 = arith.constant 0 : i32
      %dma_start3A_232 = arith.constant 0 : i32
      %dma_start3A_233 = tpu.memref_slice %arg9[%dma_start3A_231, %dma_start3A_232] : memref<40x128xf32, #tpu.memory_space<vmem>> -> memref<32x128xf32, #tpu.memory_space<vmem>>
      tpu.enqueue_dma source(%dma_start3A_233 : memref<32x128xf32, #tpu.memory_space<vmem>>) target(%dma_start3A_230 : memref<32x128xf32, #tpu.memory_space<vmem_shared>>) target_semaphore(%run_scoped3A : memref<!tpu.dma_semaphore, #tpu.memory_space<semaphore_mem>>)
      %dma_wait3A_234 = arith.constant 0 : i32
      %dma_wait3A_235 = arith.constant 0 : i32
      %dma_wait3A_236 = tpu.memref_slice %arg9[%dma_wait3A_234, %dma_wait3A_235] : memref<40x128xf32, #tpu.memory_space<vmem>> -> memref<32x128xf32, #tpu.memory_space<vmem>>
      %dma_wait3A_237 = arith.constant 0 : i32
      %dma_wait3A_238 = tpu.memref_slice %arg8[%add3A_17, %dma_wait3A_237] : memref<10112x128xf32, #tpu.memory_space<vmem_shared>> -> memref<32x128xf32, #tpu.memory_space<vmem_shared>>
      %dma_wait3A_239 = arith.constant 0 : i32
      %dma_wait3A_240 = tpu.memref_slice %arg8[%add3A_17, %dma_wait3A_239] : memref<10112x128xf32, #tpu.memory_space<vmem_shared>> -> memref<32x128xf32, #tpu.memory_space<vmem_shared>>
      %dma_wait3A_241 = arith.constant 0 : i32
      %dma_wait3A_242 = arith.constant 0 : i32
      %dma_wait3A_243 = tpu.memref_slice %arg9[%dma_wait3A_241, %dma_wait3A_242] : memref<40x128xf32, #tpu.memory_space<vmem>> -> memref<32x128xf32, #tpu.memory_space<vmem>>
      tpu.wait_dma2 semaphore(%run_scoped3A : memref<!tpu.dma_semaphore, #tpu.memory_space<semaphore_mem>>) src(%dma_wait3A_243 : memref<32x128xf32, #tpu.memory_space<vmem>>) dst(%dma_wait3A_240 : memref<32x128xf32, #tpu.memory_space<vmem_shared>>)
      tpu.yield
    }) : () -> ()
    %barrier3A = arith.constant 0 : index
    tpu.barrier barrier_id(%barrier3A)
    %dma_start3A = arith.constant 0 : i32
    %dma_start3A_18 = tpu.memref_slice %arg6[%dma_start3A] : memref<10000xi32, #tpu.memory_space<vmem>> -> memref<40xi32, #tpu.memory_space<vmem>>
    %dma_start3A_19 = arith.constant 0 : i32
    %dma_start3A_20 = arith.constant 0 : i32
    %dma_start3A_21 = tpu.memref_slice %arg2[%dma_start3A_19, %dma_start3A_20] : memref<10000x128xf32, #tpu.memory_space<hbm>> -> memref<10000x128xf32, #tpu.memory_space<hbm>>
    tpu.enqueue_indirect_dma source(%dma_start3A_21 : memref<10000x128xf32, #tpu.memory_space<hbm>>) target(%arg9 : memref<40x128xf32, #tpu.memory_space<vmem>>) offsets(%dma_start3A_18 : memref<40xi32, #tpu.memory_space<vmem>>) semaphore(%arg14 : memref<!tpu.dma_semaphore, #tpu.memory_space<semaphore_mem>>)
    %dma_start3A_22 = arith.constant 40 : i32
    %dma_start3A_23 = tpu.memref_slice %arg6[%dma_start3A_22] : memref<10000xi32, #tpu.memory_space<vmem>> -> memref<40xi32, #tpu.memory_space<vmem>>
    %dma_start3A_24 = arith.constant 0 : i32
    %dma_start3A_25 = arith.constant 0 : i32
    %dma_start3A_26 = tpu.memref_slice %arg2[%dma_start3A_24, %dma_start3A_25] : memref<10000x128xf32, #tpu.memory_space<hbm>> -> memref<10000x128xf32, #tpu.memory_space<hbm>>
    tpu.enqueue_indirect_dma source(%dma_start3A_26 : memref<10000x128xf32, #tpu.memory_space<hbm>>) target(%arg10 : memref<40x128xf32, #tpu.memory_space<vmem>>) offsets(%dma_start3A_23 : memref<40xi32, #tpu.memory_space<vmem>>) semaphore(%arg15 : memref<!tpu.dma_semaphore, #tpu.memory_space<semaphore_mem>>)
    %dma_start3A_27 = arith.constant 80 : i32
    %dma_start3A_28 = tpu.memref_slice %arg6[%dma_start3A_27] : memref<10000xi32, #tpu.memory_space<vmem>> -> memref<40xi32, #tpu.memory_space<vmem>>
    %dma_start3A_29 = arith.constant 0 : i32
    %dma_start3A_30 = arith.constant 0 : i32
    %dma_start3A_31 = tpu.memref_slice %arg2[%dma_start3A_29, %dma_start3A_30] : memref<10000x128xf32, #tpu.memory_space<hbm>> -> memref<10000x128xf32, #tpu.memory_space<hbm>>
    tpu.enqueue_indirect_dma source(%dma_start3A_31 : memref<10000x128xf32, #tpu.memory_space<hbm>>) target(%arg11 : memref<40x128xf32, #tpu.memory_space<vmem>>) offsets(%dma_start3A_28 : memref<40xi32, #tpu.memory_space<vmem>>) semaphore(%arg16 : memref<!tpu.dma_semaphore, #tpu.memory_space<semaphore_mem>>)
    %dma_start3A_32 = arith.constant 120 : i32
    %dma_start3A_33 = tpu.memref_slice %arg6[%dma_start3A_32] : memref<10000xi32, #tpu.memory_space<vmem>> -> memref<40xi32, #tpu.memory_space<vmem>>
    %dma_start3A_34 = arith.constant 0 : i32
    %dma_start3A_35 = arith.constant 0 : i32
    %dma_start3A_36 = tpu.memref_slice %arg2[%dma_start3A_34, %dma_start3A_35] : memref<10000x128xf32, #tpu.memory_space<hbm>> -> memref<10000x128xf32, #tpu.memory_space<hbm>>
    tpu.enqueue_indirect_dma source(%dma_start3A_36 : memref<10000x128xf32, #tpu.memory_space<hbm>>) target(%arg12 : memref<40x128xf32, #tpu.memory_space<vmem>>) offsets(%dma_start3A_33 : memref<40xi32, #tpu.memory_space<vmem>>) semaphore(%arg17 : memref<!tpu.dma_semaphore, #tpu.memory_space<semaphore_mem>>)
    %dma_wait3A = arith.constant 0 : i32
    %dma_wait3A_37 = tpu.memref_slice %arg6[%dma_wait3A] : memref<10000xi32, #tpu.memory_space<vmem>> -> memref<40xi32, #tpu.memory_space<vmem>>
    %dma_wait3A_38 = arith.constant 0 : i32
    %dma_wait3A_39 = arith.constant 0 : i32
    %dma_wait3A_40 = tpu.memref_slice %arg2[%dma_wait3A_38, %dma_wait3A_39] : memref<10000x128xf32, #tpu.memory_space<hbm>> -> memref<10000x128xf32, #tpu.memory_space<hbm>>
    tpu.wait_indirect_dma semaphore(%arg14 : memref<!tpu.dma_semaphore, #tpu.memory_space<semaphore_mem>>) src(%dma_wait3A_40 : memref<10000x128xf32, #tpu.memory_space<hbm>>) dst(%arg9 : memref<40x128xf32, #tpu.memory_space<vmem>>)
    %dma_start3A_41 = arith.constant 0 : i32
    %dma_start3A_42 = tpu.memref_slice %arg7[%dma_start3A_41] : memref<10000xi32, #tpu.memory_space<vmem>> -> memref<40xi32, #tpu.memory_space<vmem>>
    %dma_start3A_43 = arith.constant 0 : i32
    %dma_start3A_44 = arith.constant 0 : i32
    %dma_start3A_45 = tpu.memref_slice %arg8[%dma_start3A_43, %dma_start3A_44] : memref<10112x128xf32, #tpu.memory_space<vmem_shared>> -> memref<10112x128xf32, #tpu.memory_space<vmem_shared>>
    tpu.enqueue_indirect_dma source(%arg9 : memref<40x128xf32, #tpu.memory_space<vmem>>) target(%dma_start3A_45 : memref<10112x128xf32, #tpu.memory_space<vmem_shared>>) offsets(%dma_start3A_42 : memref<40xi32, #tpu.memory_space<vmem>>) semaphore(%arg19 : memref<!tpu.dma_semaphore, #tpu.memory_space<semaphore_mem>>) {add = true}
    %dma_start3A_46 = arith.constant 160 : i32
    %dma_start3A_47 = tpu.memref_slice %arg6[%dma_start3A_46] : memref<10000xi32, #tpu.memory_space<vmem>> -> memref<40xi32, #tpu.memory_space<vmem>>
    %dma_start3A_48 = arith.constant 0 : i32
    %dma_start3A_49 = arith.constant 0 : i32
    %dma_start3A_50 = tpu.memref_slice %arg2[%dma_start3A_48, %dma_start3A_49] : memref<10000x128xf32, #tpu.memory_space<hbm>> -> memref<10000x128xf32, #tpu.memory_space<hbm>>
    tpu.enqueue_indirect_dma source(%dma_start3A_50 : memref<10000x128xf32, #tpu.memory_space<hbm>>) target(%arg13 : memref<40x128xf32, #tpu.memory_space<vmem>>) offsets(%dma_start3A_47 : memref<40xi32, #tpu.memory_space<vmem>>) semaphore(%arg18 : memref<!tpu.dma_semaphore, #tpu.memory_space<semaphore_mem>>)
    %dma_wait3A_51 = arith.constant 40 : i32
    %dma_wait3A_52 = tpu.memref_slice %arg6[%dma_wait3A_51] : memref<10000xi32, #tpu.memory_space<vmem>> -> memref<40xi32, #tpu.memory_space<vmem>>
    %dma_wait3A_53 = arith.constant 0 : i32
    %dma_wait3A_54 = arith.constant 0 : i32
    %dma_wait3A_55 = tpu.memref_slice %arg2[%dma_wait3A_53, %dma_wait3A_54] : memref<10000x128xf32, #tpu.memory_space<hbm>> -> memref<10000x128xf32, #tpu.memory_space<hbm>>
    tpu.wait_indirect_dma semaphore(%arg15 : memref<!tpu.dma_semaphore, #tpu.memory_space<semaphore_mem>>) src(%dma_wait3A_55 : memref<10000x128xf32, #tpu.memory_space<hbm>>) dst(%arg10 : memref<40x128xf32, #tpu.memory_space<vmem>>)
    %dma_start3A_56 = arith.constant 40 : i32
    %dma_start3A_57 = tpu.memref_slice %arg7[%dma_start3A_56] : memref<10000xi32, #tpu.memory_space<vmem>> -> memref<40xi32, #tpu.memory_space<vmem>>
    %dma_start3A_58 = arith.constant 0 : i32
    %dma_start3A_59 = arith.constant 0 : i32
    %dma_start3A_60 = tpu.memref_slice %arg8[%dma_start3A_58, %dma_start3A_59] : memref<10112x128xf32, #tpu.memory_space<vmem_shared>> -> memref<10112x128xf32, #tpu.memory_space<vmem_shared>>
    tpu.enqueue_indirect_dma source(%arg10 : memref<40x128xf32, #tpu.memory_space<vmem>>) target(%dma_start3A_60 : memref<10112x128xf32, #tpu.memory_space<vmem_shared>>) offsets(%dma_start3A_57 : memref<40xi32, #tpu.memory_space<vmem>>) semaphore(%arg20 : memref<!tpu.dma_semaphore, #tpu.memory_space<semaphore_mem>>) {add = true}
    %dma_wait3A_61 = arith.constant 0 : i32
    %dma_wait3A_62 = tpu.memref_slice %arg7[%dma_wait3A_61] : memref<10000xi32, #tpu.memory_space<vmem>> -> memref<40xi32, #tpu.memory_space<vmem>>
    %dma_wait3A_63 = arith.constant 0 : i32
    %dma_wait3A_64 = arith.constant 0 : i32
    %dma_wait3A_65 = tpu.memref_slice %arg8[%dma_wait3A_63, %dma_wait3A_64] : memref<10112x128xf32, #tpu.memory_space<vmem_shared>> -> memref<10112x128xf32, #tpu.memory_space<vmem_shared>>
    tpu.wait_indirect_dma semaphore(%arg19 : memref<!tpu.dma_semaphore, #tpu.memory_space<semaphore_mem>>) src(%arg9 : memref<40x128xf32, #tpu.memory_space<vmem>>) dst(%dma_wait3A_65 : memref<10112x128xf32, #tpu.memory_space<vmem_shared>>)
    %dma_start3A_66 = arith.constant 200 : i32
    %dma_start3A_67 = tpu.memref_slice %arg6[%dma_start3A_66] : memref<10000xi32, #tpu.memory_space<vmem>> -> memref<40xi32, #tpu.memory_space<vmem>>
    %dma_start3A_68 = arith.constant 0 : i32
    %dma_start3A_69 = arith.constant 0 : i32
    %dma_start3A_70 = tpu.memref_slice %arg2[%dma_start3A_68, %dma_start3A_69] : memref<10000x128xf32, #tpu.memory_space<hbm>> -> memref<10000x128xf32, #tpu.memory_space<hbm>>
    tpu.enqueue_indirect_dma source(%dma_start3A_70 : memref<10000x128xf32, #tpu.memory_space<hbm>>) target(%arg9 : memref<40x128xf32, #tpu.memory_space<vmem>>) offsets(%dma_start3A_67 : memref<40xi32, #tpu.memory_space<vmem>>) semaphore(%arg14 : memref<!tpu.dma_semaphore, #tpu.memory_space<semaphore_mem>>)
    %dma_wait3A_71 = arith.constant 80 : i32
    %dma_wait3A_72 = tpu.memref_slice %arg6[%dma_wait3A_71] : memref<10000xi32, #tpu.memory_space<vmem>> -> memref<40xi32, #tpu.memory_space<vmem>>
    %dma_wait3A_73 = arith.constant 0 : i32
    %dma_wait3A_74 = arith.constant 0 : i32
    %dma_wait3A_75 = tpu.memref_slice %arg2[%dma_wait3A_73, %dma_wait3A_74] : memref<10000x128xf32, #tpu.memory_space<hbm>> -> memref<10000x128xf32, #tpu.memory_space<hbm>>
    tpu.wait_indirect_dma semaphore(%arg16 : memref<!tpu.dma_semaphore, #tpu.memory_space<semaphore_mem>>) src(%dma_wait3A_75 : memref<10000x128xf32, #tpu.memory_space<hbm>>) dst(%arg11 : memref<40x128xf32, #tpu.memory_space<vmem>>)
    %dma_start3A_76 = arith.constant 80 : i32
    %dma_start3A_77 = tpu.memref_slice %arg7[%dma_start3A_76] : memref<10000xi32, #tpu.memory_space<vmem>> -> memref<40xi32, #tpu.memory_space<vmem>>
    %dma_start3A_78 = arith.constant 0 : i32
    %dma_start3A_79 = arith.constant 0 : i32
    %dma_start3A_80 = tpu.memref_slice %arg8[%dma_start3A_78, %dma_start3A_79] : memref<10112x128xf32, #tpu.memory_space<vmem_shared>> -> memref<10112x128xf32, #tpu.memory_space<vmem_shared>>
    tpu.enqueue_indirect_dma source(%arg11 : memref<40x128xf32, #tpu.memory_space<vmem>>) target(%dma_start3A_80 : memref<10112x128xf32, #tpu.memory_space<vmem_shared>>) offsets(%dma_start3A_77 : memref<40xi32, #tpu.memory_space<vmem>>) semaphore(%arg21 : memref<!tpu.dma_semaphore, #tpu.memory_space<semaphore_mem>>) {add = true}
    %dma_wait3A_81 = arith.constant 40 : i32
    %dma_wait3A_82 = tpu.memref_slice %arg7[%dma_wait3A_81] : memref<10000xi32, #tpu.memory_space<vmem>> -> memref<40xi32, #tpu.memory_space<vmem>>
    %dma_wait3A_83 = arith.constant 0 : i32
    %dma_wait3A_84 = arith.constant 0 : i32
    %dma_wait3A_85 = tpu.memref_slice %arg8[%dma_wait3A_83, %dma_wait3A_84] : memref<10112x128xf32, #tpu.memory_space<vmem_shared>> -> memref<10112x128xf32, #tpu.memory_space<vmem_shared>>
    tpu.wait_indirect_dma semaphore(%arg20 : memref<!tpu.dma_semaphore, #tpu.memory_space<semaphore_mem>>) src(%arg10 : memref<40x128xf32, #tpu.memory_space<vmem>>) dst(%dma_wait3A_85 : memref<10112x128xf32, #tpu.memory_space<vmem_shared>>)
    %dma_start3A_86 = arith.constant 240 : i32
    %dma_start3A_87 = tpu.memref_slice %arg6[%dma_start3A_86] : memref<10000xi32, #tpu.memory_space<vmem>> -> memref<40xi32, #tpu.memory_space<vmem>>
    %dma_start3A_88 = arith.constant 0 : i32
    %dma_start3A_89 = arith.constant 0 : i32
    %dma_start3A_90 = tpu.memref_slice %arg2[%dma_start3A_88, %dma_start3A_89] : memref<10000x128xf32, #tpu.memory_space<hbm>> -> memref<10000x128xf32, #tpu.memory_space<hbm>>
    tpu.enqueue_indirect_dma source(%dma_start3A_90 : memref<10000x128xf32, #tpu.memory_space<hbm>>) target(%arg10 : memref<40x128xf32, #tpu.memory_space<vmem>>) offsets(%dma_start3A_87 : memref<40xi32, #tpu.memory_space<vmem>>) semaphore(%arg15 : memref<!tpu.dma_semaphore, #tpu.memory_space<semaphore_mem>>)
    %dma_wait3A_91 = arith.constant 120 : i32
    %dma_wait3A_92 = tpu.memref_slice %arg6[%dma_wait3A_91] : memref<10000xi32, #tpu.memory_space<vmem>> -> memref<40xi32, #tpu.memory_space<vmem>>
    %dma_wait3A_93 = arith.constant 0 : i32
    %dma_wait3A_94 = arith.constant 0 : i32
    %dma_wait3A_95 = tpu.memref_slice %arg2[%dma_wait3A_93, %dma_wait3A_94] : memref<10000x128xf32, #tpu.memory_space<hbm>> -> memref<10000x128xf32, #tpu.memory_space<hbm>>
    tpu.wait_indirect_dma semaphore(%arg17 : memref<!tpu.dma_semaphore, #tpu.memory_space<semaphore_mem>>) src(%dma_wait3A_95 : memref<10000x128xf32, #tpu.memory_space<hbm>>) dst(%arg12 : memref<40x128xf32, #tpu.memory_space<vmem>>)
    %dma_start3A_96 = arith.constant 120 : i32
    %dma_start3A_97 = tpu.memref_slice %arg7[%dma_start3A_96] : memref<10000xi32, #tpu.memory_space<vmem>> -> memref<40xi32, #tpu.memory_space<vmem>>
    %dma_start3A_98 = arith.constant 0 : i32
    %dma_start3A_99 = arith.constant 0 : i32
    %dma_start3A_100 = tpu.memref_slice %arg8[%dma_start3A_98, %dma_start3A_99] : memref<10112x128xf32, #tpu.memory_space<vmem_shared>> -> memref<10112x128xf32, #tpu.memory_space<vmem_shared>>
    tpu.enqueue_indirect_dma source(%arg12 : memref<40x128xf32, #tpu.memory_space<vmem>>) target(%dma_start3A_100 : memref<10112x128xf32, #tpu.memory_space<vmem_shared>>) offsets(%dma_start3A_97 : memref<40xi32, #tpu.memory_space<vmem>>) semaphore(%arg22 : memref<!tpu.dma_semaphore, #tpu.memory_space<semaphore_mem>>) {add = true}
    %dma_wait3A_101 = arith.constant 80 : i32
    %dma_wait3A_102 = tpu.memref_slice %arg7[%dma_wait3A_101] : memref<10000xi32, #tpu.memory_space<vmem>> -> memref<40xi32, #tpu.memory_space<vmem>>
    %dma_wait3A_103 = arith.constant 0 : i32
    %dma_wait3A_104 = arith.constant 0 : i32
    %dma_wait3A_105 = tpu.memref_slice %arg8[%dma_wait3A_103, %dma_wait3A_104] : memref<10112x128xf32, #tpu.memory_space<vmem_shared>> -> memref<10112x128xf32, #tpu.memory_space<vmem_shared>>
    tpu.wait_indirect_dma semaphore(%arg21 : memref<!tpu.dma_semaphore, #tpu.memory_space<semaphore_mem>>) src(%arg11 : memref<40x128xf32, #tpu.memory_space<vmem>>) dst(%dma_wait3A_105 : memref<10112x128xf32, #tpu.memory_space<vmem_shared>>)
    %dma_start3A_106 = arith.constant 280 : i32
    %dma_start3A_107 = tpu.memref_slice %arg6[%dma_start3A_106] : memref<10000xi32, #tpu.memory_space<vmem>> -> memref<40xi32, #tpu.memory_space<vmem>>
    %dma_start3A_108 = arith.constant 0 : i32
    %dma_start3A_109 = arith.constant 0 : i32
    %dma_start3A_110 = tpu.memref_slice %arg2[%dma_start3A_108, %dma_start3A_109] : memref<10000x128xf32, #tpu.memory_space<hbm>> -> memref<10000x128xf32, #tpu.memory_space<hbm>>
    tpu.enqueue_indirect_dma source(%dma_start3A_110 : memref<10000x128xf32, #tpu.memory_space<hbm>>) target(%arg11 : memref<40x128xf32, #tpu.memory_space<vmem>>) offsets(%dma_start3A_107 : memref<40xi32, #tpu.memory_space<vmem>>) semaphore(%arg16 : memref<!tpu.dma_semaphore, #tpu.memory_space<semaphore_mem>>)
    %dma_wait3A_111 = arith.constant 160 : i32
    %dma_wait3A_112 = tpu.memref_slice %arg6[%dma_wait3A_111] : memref<10000xi32, #tpu.memory_space<vmem>> -> memref<40xi32, #tpu.memory_space<vmem>>
    %dma_wait3A_113 = arith.constant 0 : i32
    %dma_wait3A_114 = arith.constant 0 : i32
    %dma_wait3A_115 = tpu.memref_slice %arg2[%dma_wait3A_113, %dma_wait3A_114] : memref<10000x128xf32, #tpu.memory_space<hbm>> -> memref<10000x128xf32, #tpu.memory_space<hbm>>
    tpu.wait_indirect_dma semaphore(%arg18 : memref<!tpu.dma_semaphore, #tpu.memory_space<semaphore_mem>>) src(%dma_wait3A_115 : memref<10000x128xf32, #tpu.memory_space<hbm>>) dst(%arg13 : memref<40x128xf32, #tpu.memory_space<vmem>>)
    %dma_start3A_116 = arith.constant 160 : i32
    %dma_start3A_117 = tpu.memref_slice %arg7[%dma_start3A_116] : memref<10000xi32, #tpu.memory_space<vmem>> -> memref<40xi32, #tpu.memory_space<vmem>>
    %dma_start3A_118 = arith.constant 0 : i32
    %dma_start3A_119 = arith.constant 0 : i32
    %dma_start3A_120 = tpu.memref_slice %arg8[%dma_start3A_118, %dma_start3A_119] : memref<10112x128xf32, #tpu.memory_space<vmem_shared>> -> memref<10112x128xf32, #tpu.memory_space<vmem_shared>>
    tpu.enqueue_indirect_dma source(%arg13 : memref<40x128xf32, #tpu.memory_space<vmem>>) target(%dma_start3A_120 : memref<10112x128xf32, #tpu.memory_space<vmem_shared>>) offsets(%dma_start3A_117 : memref<40xi32, #tpu.memory_space<vmem>>) semaphore(%arg23 : memref<!tpu.dma_semaphore, #tpu.memory_space<semaphore_mem>>) {add = true}
    %dma_wait3A_121 = arith.constant 120 : i32
    %dma_wait3A_122 = tpu.memref_slice %arg7[%dma_wait3A_121] : memref<10000xi32, #tpu.memory_space<vmem>> -> memref<40xi32, #tpu.memory_space<vmem>>
    %dma_wait3A_123 = arith.constant 0 : i32
    %dma_wait3A_124 = arith.constant 0 : i32
    %dma_wait3A_125 = tpu.memref_slice %arg8[%dma_wait3A_123, %dma_wait3A_124] : memref<10112x128xf32, #tpu.memory_space<vmem_shared>> -> memref<10112x128xf32, #tpu.memory_space<vmem_shared>>
    tpu.wait_indirect_dma semaphore(%arg22 : memref<!tpu.dma_semaphore, #tpu.memory_space<semaphore_mem>>) src(%arg12 : memref<40x128xf32, #tpu.memory_space<vmem>>) dst(%dma_wait3A_125 : memref<10112x128xf32, #tpu.memory_space<vmem_shared>>)
    %dma_start3A_126 = arith.constant 320 : i32
    %dma_start3A_127 = tpu.memref_slice %arg6[%dma_start3A_126] : memref<10000xi32, #tpu.memory_space<vmem>> -> memref<40xi32, #tpu.memory_space<vmem>>
    %dma_start3A_128 = arith.constant 0 : i32
    %dma_start3A_129 = arith.constant 0 : i32
    %dma_start3A_130 = tpu.memref_slice %arg2[%dma_start3A_128, %dma_start3A_129] : memref<10000x128xf32, #tpu.memory_space<hbm>> -> memref<10000x128xf32, #tpu.memory_space<hbm>>
    tpu.enqueue_indirect_dma source(%dma_start3A_130 : memref<10000x128xf32, #tpu.memory_space<hbm>>) target(%arg12 : memref<40x128xf32, #tpu.memory_space<vmem>>) offsets(%dma_start3A_127 : memref<40xi32, #tpu.memory_space<vmem>>) semaphore(%arg17 : memref<!tpu.dma_semaphore, #tpu.memory_space<semaphore_mem>>)
    %scan3A_131 = arith.constant 0 : i32
    %scan3A_132 = arith.constant 1 : i32
    %scan3A_133 = arith.constant 48 : i32
    %scan3A_134 = arith.addi %scan3A_132, %scan3A_133 : i32
    %scan3A_135 = arith.constant 1 : i32
    %scan3A_136 = scf.for %scan3A_224 = %scan3A_132 to %scan3A_134 step %scan3A_135 iter_args(%scan3A_225 = %scan3A_131) -> (i32)  : i32 {
      %mul3A_226 = arith.constant 5 : i32
      %mul3A_227 = arith.muli %scan3A_224, %mul3A_226 : i32
      %add3A_228 = arith.constant 0 : i32
      %add3A_229 = arith.addi %mul3A_227, %add3A_228 : i32
      %mul3A_230 = arith.constant 40 : i32
      %mul3A_231 = arith.muli %add3A_229, %mul3A_230 : i32
      %dma_wait3A_232 = tpu.memref_slice %arg6[%mul3A_231] : memref<10000xi32, #tpu.memory_space<vmem>> -> memref<40xi32, #tpu.memory_space<vmem>>
      %dma_wait3A_233 = arith.constant 0 : i32
      %dma_wait3A_234 = arith.constant 0 : i32
      %dma_wait3A_235 = tpu.memref_slice %arg2[%dma_wait3A_233, %dma_wait3A_234] : memref<10000x128xf32, #tpu.memory_space<hbm>> -> memref<10000x128xf32, #tpu.memory_space<hbm>>
      tpu.wait_indirect_dma semaphore(%arg14 : memref<!tpu.dma_semaphore, #tpu.memory_space<semaphore_mem>>) src(%dma_wait3A_235 : memref<10000x128xf32, #tpu.memory_space<hbm>>) dst(%arg9 : memref<40x128xf32, #tpu.memory_space<vmem>>)
      %mul3A_236 = arith.constant 40 : i32
      %mul3A_237 = arith.muli %add3A_229, %mul3A_236 : i32
      %dma_start3A_238 = tpu.memref_slice %arg7[%mul3A_237] : memref<10000xi32, #tpu.memory_space<vmem>> -> memref<40xi32, #tpu.memory_space<vmem>>
      %dma_start3A_239 = arith.constant 0 : i32
      %dma_start3A_240 = arith.constant 0 : i32
      %dma_start3A_241 = tpu.memref_slice %arg8[%dma_start3A_239, %dma_start3A_240] : memref<10112x128xf32, #tpu.memory_space<vmem_shared>> -> memref<10112x128xf32, #tpu.memory_space<vmem_shared>>
      tpu.enqueue_indirect_dma source(%arg9 : memref<40x128xf32, #tpu.memory_space<vmem>>) target(%dma_start3A_241 : memref<10112x128xf32, #tpu.memory_space<vmem_shared>>) offsets(%dma_start3A_238 : memref<40xi32, #tpu.memory_space<vmem>>) semaphore(%arg19 : memref<!tpu.dma_semaphore, #tpu.memory_space<semaphore_mem>>) {add = true}
      %sub3A = arith.constant 1 : i32
      %sub3A_242 = arith.subi %add3A_229, %sub3A : i32
      %mul3A_243 = arith.constant 40 : i32
      %mul3A_244 = arith.muli %sub3A_242, %mul3A_243 : i32
      %dma_wait3A_245 = tpu.memref_slice %arg7[%mul3A_244] : memref<10000xi32, #tpu.memory_space<vmem>> -> memref<40xi32, #tpu.memory_space<vmem>>
      %dma_wait3A_246 = arith.constant 0 : i32
      %dma_wait3A_247 = arith.constant 0 : i32
      %dma_wait3A_248 = tpu.memref_slice %arg8[%dma_wait3A_246, %dma_wait3A_247] : memref<10112x128xf32, #tpu.memory_space<vmem_shared>> -> memref<10112x128xf32, #tpu.memory_space<vmem_shared>>
      tpu.wait_indirect_dma semaphore(%arg23 : memref<!tpu.dma_semaphore, #tpu.memory_space<semaphore_mem>>) src(%arg13 : memref<40x128xf32, #tpu.memory_space<vmem>>) dst(%dma_wait3A_248 : memref<10112x128xf32, #tpu.memory_space<vmem_shared>>)
      %add3A_249 = arith.constant 5 : i32
      %add3A_250 = arith.addi %add3A_229, %add3A_249 : i32
      %sub3A_251 = arith.constant 1 : i32
      %sub3A_252 = arith.subi %add3A_250, %sub3A_251 : i32
      %mul3A_253 = arith.constant 40 : i32
      %mul3A_254 = arith.muli %sub3A_252, %mul3A_253 : i32
      %dma_start3A_255 = tpu.memref_slice %arg6[%mul3A_254] : memref<10000xi32, #tpu.memory_space<vmem>> -> memref<40xi32, #tpu.memory_space<vmem>>
      %dma_start3A_256 = arith.constant 0 : i32
      %dma_start3A_257 = arith.constant 0 : i32
      %dma_start3A_258 = tpu.memref_slice %arg2[%dma_start3A_256, %dma_start3A_257] : memref<10000x128xf32, #tpu.memory_space<hbm>> -> memref<10000x128xf32, #tpu.memory_space<hbm>>
      tpu.enqueue_indirect_dma source(%dma_start3A_258 : memref<10000x128xf32, #tpu.memory_space<hbm>>) target(%arg13 : memref<40x128xf32, #tpu.memory_space<vmem>>) offsets(%dma_start3A_255 : memref<40xi32, #tpu.memory_space<vmem>>) semaphore(%arg18 : memref<!tpu.dma_semaphore, #tpu.memory_space<semaphore_mem>>)
      %add3A_259 = arith.constant 1 : i32
      %add3A_260 = arith.addi %mul3A_227, %add3A_259 : i32
      %mul3A_261 = arith.constant 40 : i32
      %mul3A_262 = arith.muli %add3A_260, %mul3A_261 : i32
      %dma_wait3A_263 = tpu.memref_slice %arg6[%mul3A_262] : memref<10000xi32, #tpu.memory_space<vmem>> -> memref<40xi32, #tpu.memory_space<vmem>>
      %dma_wait3A_264 = arith.constant 0 : i32
      %dma_wait3A_265 = arith.constant 0 : i32
      %dma_wait3A_266 = tpu.memref_slice %arg2[%dma_wait3A_264, %dma_wait3A_265] : memref<10000x128xf32, #tpu.memory_space<hbm>> -> memref<10000x128xf32, #tpu.memory_space<hbm>>
      tpu.wait_indirect_dma semaphore(%arg15 : memref<!tpu.dma_semaphore, #tpu.memory_space<semaphore_mem>>) src(%dma_wait3A_266 : memref<10000x128xf32, #tpu.memory_space<hbm>>) dst(%arg10 : memref<40x128xf32, #tpu.memory_space<vmem>>)
      %mul3A_267 = arith.constant 40 : i32
      %mul3A_268 = arith.muli %add3A_260, %mul3A_267 : i32
      %dma_start3A_269 = tpu.memref_slice %arg7[%mul3A_268] : memref<10000xi32, #tpu.memory_space<vmem>> -> memref<40xi32, #tpu.memory_space<vmem>>
      %dma_start3A_270 = arith.constant 0 : i32
      %dma_start3A_271 = arith.constant 0 : i32
      %dma_start3A_272 = tpu.memref_slice %arg8[%dma_start3A_270, %dma_start3A_271] : memref<10112x128xf32, #tpu.memory_space<vmem_shared>> -> memref<10112x128xf32, #tpu.memory_space<vmem_shared>>
      tpu.enqueue_indirect_dma source(%arg10 : memref<40x128xf32, #tpu.memory_space<vmem>>) target(%dma_start3A_272 : memref<10112x128xf32, #tpu.memory_space<vmem_shared>>) offsets(%dma_start3A_269 : memref<40xi32, #tpu.memory_space<vmem>>) semaphore(%arg20 : memref<!tpu.dma_semaphore, #tpu.memory_space<semaphore_mem>>) {add = true}
      %sub3A_273 = arith.constant 1 : i32
      %sub3A_274 = arith.subi %add3A_260, %sub3A_273 : i32
      %mul3A_275 = arith.constant 40 : i32
      %mul3A_276 = arith.muli %sub3A_274, %mul3A_275 : i32
      %dma_wait3A_277 = tpu.memref_slice %arg7[%mul3A_276] : memref<10000xi32, #tpu.memory_space<vmem>> -> memref<40xi32, #tpu.memory_space<vmem>>
      %dma_wait3A_278 = arith.constant 0 : i32
      %dma_wait3A_279 = arith.constant 0 : i32
      %dma_wait3A_280 = tpu.memref_slice %arg8[%dma_wait3A_278, %dma_wait3A_279] : memref<10112x128xf32, #tpu.memory_space<vmem_shared>> -> memref<10112x128xf32, #tpu.memory_space<vmem_shared>>
      tpu.wait_indirect_dma semaphore(%arg19 : memref<!tpu.dma_semaphore, #tpu.memory_space<semaphore_mem>>) src(%arg9 : memref<40x128xf32, #tpu.memory_space<vmem>>) dst(%dma_wait3A_280 : memref<10112x128xf32, #tpu.memory_space<vmem_shared>>)
      %add3A_281 = arith.constant 5 : i32
      %add3A_282 = arith.addi %add3A_260, %add3A_281 : i32
      %sub3A_283 = arith.constant 1 : i32
      %sub3A_284 = arith.subi %add3A_282, %sub3A_283 : i32
      %mul3A_285 = arith.constant 40 : i32
      %mul3A_286 = arith.muli %sub3A_284, %mul3A_285 : i32
      %dma_start3A_287 = tpu.memref_slice %arg6[%mul3A_286] : memref<10000xi32, #tpu.memory_space<vmem>> -> memref<40xi32, #tpu.memory_space<vmem>>
      %dma_start3A_288 = arith.constant 0 : i32
      %dma_start3A_289 = arith.constant 0 : i32
      %dma_start3A_290 = tpu.memref_slice %arg2[%dma_start3A_288, %dma_start3A_289] : memref<10000x128xf32, #tpu.memory_space<hbm>> -> memref<10000x128xf32, #tpu.memory_space<hbm>>
      tpu.enqueue_indirect_dma source(%dma_start3A_290 : memref<10000x128xf32, #tpu.memory_space<hbm>>) target(%arg9 : memref<40x128xf32, #tpu.memory_space<vmem>>) offsets(%dma_start3A_287 : memref<40xi32, #tpu.memory_space<vmem>>) semaphore(%arg14 : memref<!tpu.dma_semaphore, #tpu.memory_space<semaphore_mem>>)
      %add3A_291 = arith.constant 2 : i32
      %add3A_292 = arith.addi %mul3A_227, %add3A_291 : i32
      %mul3A_293 = arith.constant 40 : i32
      %mul3A_294 = arith.muli %add3A_292, %mul3A_293 : i32
      %dma_wait3A_295 = tpu.memref_slice %arg6[%mul3A_294] : memref<10000xi32, #tpu.memory_space<vmem>> -> memref<40xi32, #tpu.memory_space<vmem>>
      %dma_wait3A_296 = arith.constant 0 : i32
      %dma_wait3A_297 = arith.constant 0 : i32
      %dma_wait3A_298 = tpu.memref_slice %arg2[%dma_wait3A_296, %dma_wait3A_297] : memref<10000x128xf32, #tpu.memory_space<hbm>> -> memref<10000x128xf32, #tpu.memory_space<hbm>>
      tpu.wait_indirect_dma semaphore(%arg16 : memref<!tpu.dma_semaphore, #tpu.memory_space<semaphore_mem>>) src(%dma_wait3A_298 : memref<10000x128xf32, #tpu.memory_space<hbm>>) dst(%arg11 : memref<40x128xf32, #tpu.memory_space<vmem>>)
      %mul3A_299 = arith.constant 40 : i32
      %mul3A_300 = arith.muli %add3A_292, %mul3A_299 : i32
      %dma_start3A_301 = tpu.memref_slice %arg7[%mul3A_300] : memref<10000xi32, #tpu.memory_space<vmem>> -> memref<40xi32, #tpu.memory_space<vmem>>
      %dma_start3A_302 = arith.constant 0 : i32
      %dma_start3A_303 = arith.constant 0 : i32
      %dma_start3A_304 = tpu.memref_slice %arg8[%dma_start3A_302, %dma_start3A_303] : memref<10112x128xf32, #tpu.memory_space<vmem_shared>> -> memref<10112x128xf32, #tpu.memory_space<vmem_shared>>
      tpu.enqueue_indirect_dma source(%arg11 : memref<40x128xf32, #tpu.memory_space<vmem>>) target(%dma_start3A_304 : memref<10112x128xf32, #tpu.memory_space<vmem_shared>>) offsets(%dma_start3A_301 : memref<40xi32, #tpu.memory_space<vmem>>) semaphore(%arg21 : memref<!tpu.dma_semaphore, #tpu.memory_space<semaphore_mem>>) {add = true}
      %sub3A_305 = arith.constant 1 : i32
      %sub3A_306 = arith.subi %add3A_292, %sub3A_305 : i32
      %mul3A_307 = arith.constant 40 : i32
      %mul3A_308 = arith.muli %sub3A_306, %mul3A_307 : i32
      %dma_wait3A_309 = tpu.memref_slice %arg7[%mul3A_308] : memref<10000xi32, #tpu.memory_space<vmem>> -> memref<40xi32, #tpu.memory_space<vmem>>
      %dma_wait3A_310 = arith.constant 0 : i32
      %dma_wait3A_311 = arith.constant 0 : i32
      %dma_wait3A_312 = tpu.memref_slice %arg8[%dma_wait3A_310, %dma_wait3A_311] : memref<10112x128xf32, #tpu.memory_space<vmem_shared>> -> memref<10112x128xf32, #tpu.memory_space<vmem_shared>>
      tpu.wait_indirect_dma semaphore(%arg20 : memref<!tpu.dma_semaphore, #tpu.memory_space<semaphore_mem>>) src(%arg10 : memref<40x128xf32, #tpu.memory_space<vmem>>) dst(%dma_wait3A_312 : memref<10112x128xf32, #tpu.memory_space<vmem_shared>>)
      %add3A_313 = arith.constant 5 : i32
      %add3A_314 = arith.addi %add3A_292, %add3A_313 : i32
      %sub3A_315 = arith.constant 1 : i32
      %sub3A_316 = arith.subi %add3A_314, %sub3A_315 : i32
      %mul3A_317 = arith.constant 40 : i32
      %mul3A_318 = arith.muli %sub3A_316, %mul3A_317 : i32
      %dma_start3A_319 = tpu.memref_slice %arg6[%mul3A_318] : memref<10000xi32, #tpu.memory_space<vmem>> -> memref<40xi32, #tpu.memory_space<vmem>>
      %dma_start3A_320 = arith.constant 0 : i32
      %dma_start3A_321 = arith.constant 0 : i32
      %dma_start3A_322 = tpu.memref_slice %arg2[%dma_start3A_320, %dma_start3A_321] : memref<10000x128xf32, #tpu.memory_space<hbm>> -> memref<10000x128xf32, #tpu.memory_space<hbm>>
      tpu.enqueue_indirect_dma source(%dma_start3A_322 : memref<10000x128xf32, #tpu.memory_space<hbm>>) target(%arg10 : memref<40x128xf32, #tpu.memory_space<vmem>>) offsets(%dma_start3A_319 : memref<40xi32, #tpu.memory_space<vmem>>) semaphore(%arg15 : memref<!tpu.dma_semaphore, #tpu.memory_space<semaphore_mem>>)
      %add3A_323 = arith.constant 3 : i32
      %add3A_324 = arith.addi %mul3A_227, %add3A_323 : i32
      %mul3A_325 = arith.constant 40 : i32
      %mul3A_326 = arith.muli %add3A_324, %mul3A_325 : i32
      %dma_wait3A_327 = tpu.memref_slice %arg6[%mul3A_326] : memref<10000xi32, #tpu.memory_space<vmem>> -> memref<40xi32, #tpu.memory_space<vmem>>
      %dma_wait3A_328 = arith.constant 0 : i32
      %dma_wait3A_329 = arith.constant 0 : i32
      %dma_wait3A_330 = tpu.memref_slice %arg2[%dma_wait3A_328, %dma_wait3A_329] : memref<10000x128xf32, #tpu.memory_space<hbm>> -> memref<10000x128xf32, #tpu.memory_space<hbm>>
      tpu.wait_indirect_dma semaphore(%arg17 : memref<!tpu.dma_semaphore, #tpu.memory_space<semaphore_mem>>) src(%dma_wait3A_330 : memref<10000x128xf32, #tpu.memory_space<hbm>>) dst(%arg12 : memref<40x128xf32, #tpu.memory_space<vmem>>)
      %mul3A_331 = arith.constant 40 : i32
      %mul3A_332 = arith.muli %add3A_324, %mul3A_331 : i32
      %dma_start3A_333 = tpu.memref_slice %arg7[%mul3A_332] : memref<10000xi32, #tpu.memory_space<vmem>> -> memref<40xi32, #tpu.memory_space<vmem>>
      %dma_start3A_334 = arith.constant 0 : i32
      %dma_start3A_335 = arith.constant 0 : i32
      %dma_start3A_336 = tpu.memref_slice %arg8[%dma_start3A_334, %dma_start3A_335] : memref<10112x128xf32, #tpu.memory_space<vmem_shared>> -> memref<10112x128xf32, #tpu.memory_space<vmem_shared>>
      tpu.enqueue_indirect_dma source(%arg12 : memref<40x128xf32, #tpu.memory_space<vmem>>) target(%dma_start3A_336 : memref<10112x128xf32, #tpu.memory_space<vmem_shared>>) offsets(%dma_start3A_333 : memref<40xi32, #tpu.memory_space<vmem>>) semaphore(%arg22 : memref<!tpu.dma_semaphore, #tpu.memory_space<semaphore_mem>>) {add = true}
      %sub3A_337 = arith.constant 1 : i32
      %sub3A_338 = arith.subi %add3A_324, %sub3A_337 : i32
      %mul3A_339 = arith.constant 40 : i32
      %mul3A_340 = arith.muli %sub3A_338, %mul3A_339 : i32
      %dma_wait3A_341 = tpu.memref_slice %arg7[%mul3A_340] : memref<10000xi32, #tpu.memory_space<vmem>> -> memref<40xi32, #tpu.memory_space<vmem>>
      %dma_wait3A_342 = arith.constant 0 : i32
      %dma_wait3A_343 = arith.constant 0 : i32
      %dma_wait3A_344 = tpu.memref_slice %arg8[%dma_wait3A_342, %dma_wait3A_343] : memref<10112x128xf32, #tpu.memory_space<vmem_shared>> -> memref<10112x128xf32, #tpu.memory_space<vmem_shared>>
      tpu.wait_indirect_dma semaphore(%arg21 : memref<!tpu.dma_semaphore, #tpu.memory_space<semaphore_mem>>) src(%arg11 : memref<40x128xf32, #tpu.memory_space<vmem>>) dst(%dma_wait3A_344 : memref<10112x128xf32, #tpu.memory_space<vmem_shared>>)
      %add3A_345 = arith.constant 5 : i32
      %add3A_346 = arith.addi %add3A_324, %add3A_345 : i32
      %sub3A_347 = arith.constant 1 : i32
      %sub3A_348 = arith.subi %add3A_346, %sub3A_347 : i32
      %mul3A_349 = arith.constant 40 : i32
      %mul3A_350 = arith.muli %sub3A_348, %mul3A_349 : i32
      %dma_start3A_351 = tpu.memref_slice %arg6[%mul3A_350] : memref<10000xi32, #tpu.memory_space<vmem>> -> memref<40xi32, #tpu.memory_space<vmem>>
      %dma_start3A_352 = arith.constant 0 : i32
      %dma_start3A_353 = arith.constant 0 : i32
      %dma_start3A_354 = tpu.memref_slice %arg2[%dma_start3A_352, %dma_start3A_353] : memref<10000x128xf32, #tpu.memory_space<hbm>> -> memref<10000x128xf32, #tpu.memory_space<hbm>>
      tpu.enqueue_indirect_dma source(%dma_start3A_354 : memref<10000x128xf32, #tpu.memory_space<hbm>>) target(%arg11 : memref<40x128xf32, #tpu.memory_space<vmem>>) offsets(%dma_start3A_351 : memref<40xi32, #tpu.memory_space<vmem>>) semaphore(%arg16 : memref<!tpu.dma_semaphore, #tpu.memory_space<semaphore_mem>>)
      %add3A_355 = arith.constant 4 : i32
      %add3A_356 = arith.addi %mul3A_227, %add3A_355 : i32
      %mul3A_357 = arith.constant 40 : i32
      %mul3A_358 = arith.muli %add3A_356, %mul3A_357 : i32
      %dma_wait3A_359 = tpu.memref_slice %arg6[%mul3A_358] : memref<10000xi32, #tpu.memory_space<vmem>> -> memref<40xi32, #tpu.memory_space<vmem>>
      %dma_wait3A_360 = arith.constant 0 : i32
      %dma_wait3A_361 = arith.constant 0 : i32
      %dma_wait3A_362 = tpu.memref_slice %arg2[%dma_wait3A_360, %dma_wait3A_361] : memref<10000x128xf32, #tpu.memory_space<hbm>> -> memref<10000x128xf32, #tpu.memory_space<hbm>>
      tpu.wait_indirect_dma semaphore(%arg18 : memref<!tpu.dma_semaphore, #tpu.memory_space<semaphore_mem>>) src(%dma_wait3A_362 : memref<10000x128xf32, #tpu.memory_space<hbm>>) dst(%arg13 : memref<40x128xf32, #tpu.memory_space<vmem>>)
      %mul3A_363 = arith.constant 40 : i32
      %mul3A_364 = arith.muli %add3A_356, %mul3A_363 : i32
      %dma_start3A_365 = tpu.memref_slice %arg7[%mul3A_364] : memref<10000xi32, #tpu.memory_space<vmem>> -> memref<40xi32, #tpu.memory_space<vmem>>
      %dma_start3A_366 = arith.constant 0 : i32
      %dma_start3A_367 = arith.constant 0 : i32
      %dma_start3A_368 = tpu.memref_slice %arg8[%dma_start3A_366, %dma_start3A_367] : memref<10112x128xf32, #tpu.memory_space<vmem_shared>> -> memref<10112x128xf32, #tpu.memory_space<vmem_shared>>
      tpu.enqueue_indirect_dma source(%arg13 : memref<40x128xf32, #tpu.memory_space<vmem>>) target(%dma_start3A_368 : memref<10112x128xf32, #tpu.memory_space<vmem_shared>>) offsets(%dma_start3A_365 : memref<40xi32, #tpu.memory_space<vmem>>) semaphore(%arg23 : memref<!tpu.dma_semaphore, #tpu.memory_space<semaphore_mem>>) {add = true}
      %sub3A_369 = arith.constant 1 : i32
      %sub3A_370 = arith.subi %add3A_356, %sub3A_369 : i32
      %mul3A_371 = arith.constant 40 : i32
      %mul3A_372 = arith.muli %sub3A_370, %mul3A_371 : i32
      %dma_wait3A_373 = tpu.memref_slice %arg7[%mul3A_372] : memref<10000xi32, #tpu.memory_space<vmem>> -> memref<40xi32, #tpu.memory_space<vmem>>
      %dma_wait3A_374 = arith.constant 0 : i32
      %dma_wait3A_375 = arith.constant 0 : i32
      %dma_wait3A_376 = tpu.memref_slice %arg8[%dma_wait3A_374, %dma_wait3A_375] : memref<10112x128xf32, #tpu.memory_space<vmem_shared>> -> memref<10112x128xf32, #tpu.memory_space<vmem_shared>>
      tpu.wait_indirect_dma semaphore(%arg22 : memref<!tpu.dma_semaphore, #tpu.memory_space<semaphore_mem>>) src(%arg12 : memref<40x128xf32, #tpu.memory_space<vmem>>) dst(%dma_wait3A_376 : memref<10112x128xf32, #tpu.memory_space<vmem_shared>>)
      %add3A_377 = arith.constant 5 : i32
      %add3A_378 = arith.addi %add3A_356, %add3A_377 : i32
      %sub3A_379 = arith.constant 1 : i32
      %sub3A_380 = arith.subi %add3A_378, %sub3A_379 : i32
      %mul3A_381 = arith.constant 40 : i32
      %mul3A_382 = arith.muli %sub3A_380, %mul3A_381 : i32
      %dma_start3A_383 = tpu.memref_slice %arg6[%mul3A_382] : memref<10000xi32, #tpu.memory_space<vmem>> -> memref<40xi32, #tpu.memory_space<vmem>>
      %dma_start3A_384 = arith.constant 0 : i32
      %dma_start3A_385 = arith.constant 0 : i32
      %dma_start3A_386 = tpu.memref_slice %arg2[%dma_start3A_384, %dma_start3A_385] : memref<10000x128xf32, #tpu.memory_space<hbm>> -> memref<10000x128xf32, #tpu.memory_space<hbm>>
      tpu.enqueue_indirect_dma source(%dma_start3A_386 : memref<10000x128xf32, #tpu.memory_space<hbm>>) target(%arg12 : memref<40x128xf32, #tpu.memory_space<vmem>>) offsets(%dma_start3A_383 : memref<40xi32, #tpu.memory_space<vmem>>) semaphore(%arg17 : memref<!tpu.dma_semaphore, #tpu.memory_space<semaphore_mem>>)
      %scan3A_387 = arith.constant 0 : i32
      scf.yield %scan3A_387 : i32
    }
    %scan3A_137 = arith.constant 48 : i32
    %dma_wait3A_138 = arith.constant 9800 : i32
    %dma_wait3A_139 = tpu.memref_slice %arg6[%dma_wait3A_138] : memref<10000xi32, #tpu.memory_space<vmem>> -> memref<40xi32, #tpu.memory_space<vmem>>
    %dma_wait3A_140 = arith.constant 0 : i32
    %dma_wait3A_141 = arith.constant 0 : i32
    %dma_wait3A_142 = tpu.memref_slice %arg2[%dma_wait3A_140, %dma_wait3A_141] : memref<10000x128xf32, #tpu.memory_space<hbm>> -> memref<10000x128xf32, #tpu.memory_space<hbm>>
    tpu.wait_indirect_dma semaphore(%arg14 : memref<!tpu.dma_semaphore, #tpu.memory_space<semaphore_mem>>) src(%dma_wait3A_142 : memref<10000x128xf32, #tpu.memory_space<hbm>>) dst(%arg9 : memref<40x128xf32, #tpu.memory_space<vmem>>)
    %dma_start3A_143 = arith.constant 9800 : i32
    %dma_start3A_144 = tpu.memref_slice %arg7[%dma_start3A_143] : memref<10000xi32, #tpu.memory_space<vmem>> -> memref<40xi32, #tpu.memory_space<vmem>>
    %dma_start3A_145 = arith.constant 0 : i32
    %dma_start3A_146 = arith.constant 0 : i32
    %dma_start3A_147 = tpu.memref_slice %arg8[%dma_start3A_145, %dma_start3A_146] : memref<10112x128xf32, #tpu.memory_space<vmem_shared>> -> memref<10112x128xf32, #tpu.memory_space<vmem_shared>>
    tpu.enqueue_indirect_dma source(%arg9 : memref<40x128xf32, #tpu.memory_space<vmem>>) target(%dma_start3A_147 : memref<10112x128xf32, #tpu.memory_space<vmem_shared>>) offsets(%dma_start3A_144 : memref<40xi32, #tpu.memory_space<vmem>>) semaphore(%arg19 : memref<!tpu.dma_semaphore, #tpu.memory_space<semaphore_mem>>) {add = true}
    %dma_wait3A_148 = arith.constant 9760 : i32
    %dma_wait3A_149 = tpu.memref_slice %arg7[%dma_wait3A_148] : memref<10000xi32, #tpu.memory_space<vmem>> -> memref<40xi32, #tpu.memory_space<vmem>>
    %dma_wait3A_150 = arith.constant 0 : i32
    %dma_wait3A_151 = arith.constant 0 : i32
    %dma_wait3A_152 = tpu.memref_slice %arg8[%dma_wait3A_150, %dma_wait3A_151] : memref<10112x128xf32, #tpu.memory_space<vmem_shared>> -> memref<10112x128xf32, #tpu.memory_space<vmem_shared>>
    tpu.wait_indirect_dma semaphore(%arg23 : memref<!tpu.dma_semaphore, #tpu.memory_space<semaphore_mem>>) src(%arg13 : memref<40x128xf32, #tpu.memory_space<vmem>>) dst(%dma_wait3A_152 : memref<10112x128xf32, #tpu.memory_space<vmem_shared>>)
    %dma_start3A_153 = arith.constant 9960 : i32
    %dma_start3A_154 = tpu.memref_slice %arg6[%dma_start3A_153] : memref<10000xi32, #tpu.memory_space<vmem>> -> memref<40xi32, #tpu.memory_space<vmem>>
    %dma_start3A_155 = arith.constant 0 : i32
    %dma_start3A_156 = arith.constant 0 : i32
    %dma_start3A_157 = tpu.memref_slice %arg2[%dma_start3A_155, %dma_start3A_156] : memref<10000x128xf32, #tpu.memory_space<hbm>> -> memref<10000x128xf32, #tpu.memory_space<hbm>>
    tpu.enqueue_indirect_dma source(%dma_start3A_157 : memref<10000x128xf32, #tpu.memory_space<hbm>>) target(%arg13 : memref<40x128xf32, #tpu.memory_space<vmem>>) offsets(%dma_start3A_154 : memref<40xi32, #tpu.memory_space<vmem>>) semaphore(%arg18 : memref<!tpu.dma_semaphore, #tpu.memory_space<semaphore_mem>>)
    %dma_wait3A_158 = arith.constant 9840 : i32
    %dma_wait3A_159 = tpu.memref_slice %arg6[%dma_wait3A_158] : memref<10000xi32, #tpu.memory_space<vmem>> -> memref<40xi32, #tpu.memory_space<vmem>>
    %dma_wait3A_160 = arith.constant 0 : i32
    %dma_wait3A_161 = arith.constant 0 : i32
    %dma_wait3A_162 = tpu.memref_slice %arg2[%dma_wait3A_160, %dma_wait3A_161] : memref<10000x128xf32, #tpu.memory_space<hbm>> -> memref<10000x128xf32, #tpu.memory_space<hbm>>
    tpu.wait_indirect_dma semaphore(%arg15 : memref<!tpu.dma_semaphore, #tpu.memory_space<semaphore_mem>>) src(%dma_wait3A_162 : memref<10000x128xf32, #tpu.memory_space<hbm>>) dst(%arg10 : memref<40x128xf32, #tpu.memory_space<vmem>>)
    %dma_start3A_163 = arith.constant 9840 : i32
    %dma_start3A_164 = tpu.memref_slice %arg7[%dma_start3A_163] : memref<10000xi32, #tpu.memory_space<vmem>> -> memref<40xi32, #tpu.memory_space<vmem>>
    %dma_start3A_165 = arith.constant 0 : i32
    %dma_start3A_166 = arith.constant 0 : i32
    %dma_start3A_167 = tpu.memref_slice %arg8[%dma_start3A_165, %dma_start3A_166] : memref<10112x128xf32, #tpu.memory_space<vmem_shared>> -> memref<10112x128xf32, #tpu.memory_space<vmem_shared>>
    tpu.enqueue_indirect_dma source(%arg10 : memref<40x128xf32, #tpu.memory_space<vmem>>) target(%dma_start3A_167 : memref<10112x128xf32, #tpu.memory_space<vmem_shared>>) offsets(%dma_start3A_164 : memref<40xi32, #tpu.memory_space<vmem>>) semaphore(%arg20 : memref<!tpu.dma_semaphore, #tpu.memory_space<semaphore_mem>>) {add = true}
    %dma_wait3A_168 = arith.constant 9880 : i32
    %dma_wait3A_169 = tpu.memref_slice %arg6[%dma_wait3A_168] : memref<10000xi32, #tpu.memory_space<vmem>> -> memref<40xi32, #tpu.memory_space<vmem>>
    %dma_wait3A_170 = arith.constant 0 : i32
    %dma_wait3A_171 = arith.constant 0 : i32
    %dma_wait3A_172 = tpu.memref_slice %arg2[%dma_wait3A_170, %dma_wait3A_171] : memref<10000x128xf32, #tpu.memory_space<hbm>> -> memref<10000x128xf32, #tpu.memory_space<hbm>>
    tpu.wait_indirect_dma semaphore(%arg16 : memref<!tpu.dma_semaphore, #tpu.memory_space<semaphore_mem>>) src(%dma_wait3A_172 : memref<10000x128xf32, #tpu.memory_space<hbm>>) dst(%arg11 : memref<40x128xf32, #tpu.memory_space<vmem>>)
    %dma_start3A_173 = arith.constant 9880 : i32
    %dma_start3A_174 = tpu.memref_slice %arg7[%dma_start3A_173] : memref<10000xi32, #tpu.memory_space<vmem>> -> memref<40xi32, #tpu.memory_space<vmem>>
    %dma_start3A_175 = arith.constant 0 : i32
    %dma_start3A_176 = arith.constant 0 : i32
    %dma_start3A_177 = tpu.memref_slice %arg8[%dma_start3A_175, %dma_start3A_176] : memref<10112x128xf32, #tpu.memory_space<vmem_shared>> -> memref<10112x128xf32, #tpu.memory_space<vmem_shared>>
    tpu.enqueue_indirect_dma source(%arg11 : memref<40x128xf32, #tpu.memory_space<vmem>>) target(%dma_start3A_177 : memref<10112x128xf32, #tpu.memory_space<vmem_shared>>) offsets(%dma_start3A_174 : memref<40xi32, #tpu.memory_space<vmem>>) semaphore(%arg21 : memref<!tpu.dma_semaphore, #tpu.memory_space<semaphore_mem>>) {add = true}
    %dma_wait3A_178 = arith.constant 9920 : i32
    %dma_wait3A_179 = tpu.memref_slice %arg6[%dma_wait3A_178] : memref<10000xi32, #tpu.memory_space<vmem>> -> memref<40xi32, #tpu.memory_space<vmem>>
    %dma_wait3A_180 = arith.constant 0 : i32
    %dma_wait3A_181 = arith.constant 0 : i32
    %dma_wait3A_182 = tpu.memref_slice %arg2[%dma_wait3A_180, %dma_wait3A_181] : memref<10000x128xf32, #tpu.memory_space<hbm>> -> memref<10000x128xf32, #tpu.memory_space<hbm>>
    tpu.wait_indirect_dma semaphore(%arg17 : memref<!tpu.dma_semaphore, #tpu.memory_space<semaphore_mem>>) src(%dma_wait3A_182 : memref<10000x128xf32, #tpu.memory_space<hbm>>) dst(%arg12 : memref<40x128xf32, #tpu.memory_space<vmem>>)
    %dma_start3A_183 = arith.constant 9920 : i32
    %dma_start3A_184 = tpu.memref_slice %arg7[%dma_start3A_183] : memref<10000xi32, #tpu.memory_space<vmem>> -> memref<40xi32, #tpu.memory_space<vmem>>
    %dma_start3A_185 = arith.constant 0 : i32
    %dma_start3A_186 = arith.constant 0 : i32
    %dma_start3A_187 = tpu.memref_slice %arg8[%dma_start3A_185, %dma_start3A_186] : memref<10112x128xf32, #tpu.memory_space<vmem_shared>> -> memref<10112x128xf32, #tpu.memory_space<vmem_shared>>
    tpu.enqueue_indirect_dma source(%arg12 : memref<40x128xf32, #tpu.memory_space<vmem>>) target(%dma_start3A_187 : memref<10112x128xf32, #tpu.memory_space<vmem_shared>>) offsets(%dma_start3A_184 : memref<40xi32, #tpu.memory_space<vmem>>) semaphore(%arg22 : memref<!tpu.dma_semaphore, #tpu.memory_space<semaphore_mem>>) {add = true}
    %dma_wait3A_188 = arith.constant 9960 : i32
    %dma_wait3A_189 = tpu.memref_slice %arg6[%dma_wait3A_188] : memref<10000xi32, #tpu.memory_space<vmem>> -> memref<40xi32, #tpu.memory_space<vmem>>
    %dma_wait3A_190 = arith.constant 0 : i32
    %dma_wait3A_191 = arith.constant 0 : i32
    %dma_wait3A_192 = tpu.memref_slice %arg2[%dma_wait3A_190, %dma_wait3A_191] : memref<10000x128xf32, #tpu.memory_space<hbm>> -> memref<10000x128xf32, #tpu.memory_space<hbm>>
    tpu.wait_indirect_dma semaphore(%arg18 : memref<!tpu.dma_semaphore, #tpu.memory_space<semaphore_mem>>) src(%dma_wait3A_192 : memref<10000x128xf32, #tpu.memory_space<hbm>>) dst(%arg13 : memref<40x128xf32, #tpu.memory_space<vmem>>)
    %dma_start3A_193 = arith.constant 9960 : i32
    %dma_start3A_194 = tpu.memref_slice %arg7[%dma_start3A_193] : memref<10000xi32, #tpu.memory_space<vmem>> -> memref<40xi32, #tpu.memory_space<vmem>>
    %dma_start3A_195 = arith.constant 0 : i32
    %dma_start3A_196 = arith.constant 0 : i32
    %dma_start3A_197 = tpu.memref_slice %arg8[%dma_start3A_195, %dma_start3A_196] : memref<10112x128xf32, #tpu.memory_space<vmem_shared>> -> memref<10112x128xf32, #tpu.memory_space<vmem_shared>>
    tpu.enqueue_indirect_dma source(%arg13 : memref<40x128xf32, #tpu.memory_space<vmem>>) target(%dma_start3A_197 : memref<10112x128xf32, #tpu.memory_space<vmem_shared>>) offsets(%dma_start3A_194 : memref<40xi32, #tpu.memory_space<vmem>>) semaphore(%arg23 : memref<!tpu.dma_semaphore, #tpu.memory_space<semaphore_mem>>) {add = true}
    %dma_wait3A_198 = arith.constant 9800 : i32
    %dma_wait3A_199 = tpu.memref_slice %arg7[%dma_wait3A_198] : memref<10000xi32, #tpu.memory_space<vmem>> -> memref<40xi32, #tpu.memory_space<vmem>>
    %dma_wait3A_200 = arith.constant 0 : i32
    %dma_wait3A_201 = arith.constant 0 : i32
    %dma_wait3A_202 = tpu.memref_slice %arg8[%dma_wait3A_200, %dma_wait3A_201] : memref<10112x128xf32, #tpu.memory_space<vmem_shared>> -> memref<10112x128xf32, #tpu.memory_space<vmem_shared>>
    tpu.wait_indirect_dma semaphore(%arg19 : memref<!tpu.dma_semaphore, #tpu.memory_space<semaphore_mem>>) src(%arg9 : memref<40x128xf32, #tpu.memory_space<vmem>>) dst(%dma_wait3A_202 : memref<10112x128xf32, #tpu.memory_space<vmem_shared>>)
    %dma_wait3A_203 = arith.constant 9840 : i32
    %dma_wait3A_204 = tpu.memref_slice %arg7[%dma_wait3A_203] : memref<10000xi32, #tpu.memory_space<vmem>> -> memref<40xi32, #tpu.memory_space<vmem>>
    %dma_wait3A_205 = arith.constant 0 : i32
    %dma_wait3A_206 = arith.constant 0 : i32
    %dma_wait3A_207 = tpu.memref_slice %arg8[%dma_wait3A_205, %dma_wait3A_206] : memref<10112x128xf32, #tpu.memory_space<vmem_shared>> -> memref<10112x128xf32, #tpu.memory_space<vmem_shared>>
    tpu.wait_indirect_dma semaphore(%arg20 : memref<!tpu.dma_semaphore, #tpu.memory_space<semaphore_mem>>) src(%arg10 : memref<40x128xf32, #tpu.memory_space<vmem>>) dst(%dma_wait3A_207 : memref<10112x128xf32, #tpu.memory_space<vmem_shared>>)
    %dma_wait3A_208 = arith.constant 9880 : i32
    %dma_wait3A_209 = tpu.memref_slice %arg7[%dma_wait3A_208] : memref<10000xi32, #tpu.memory_space<vmem>> -> memref<40xi32, #tpu.memory_space<vmem>>
    %dma_wait3A_210 = arith.constant 0 : i32
    %dma_wait3A_211 = arith.constant 0 : i32
    %dma_wait3A_212 = tpu.memref_slice %arg8[%dma_wait3A_210, %dma_wait3A_211] : memref<10112x128xf32, #tpu.memory_space<vmem_shared>> -> memref<10112x128xf32, #tpu.memory_space<vmem_shared>>
    tpu.wait_indirect_dma semaphore(%arg21 : memref<!tpu.dma_semaphore, #tpu.memory_space<semaphore_mem>>) src(%arg11 : memref<40x128xf32, #tpu.memory_space<vmem>>) dst(%dma_wait3A_212 : memref<10112x128xf32, #tpu.memory_space<vmem_shared>>)
    %dma_wait3A_213 = arith.constant 9920 : i32
    %dma_wait3A_214 = tpu.memref_slice %arg7[%dma_wait3A_213] : memref<10000xi32, #tpu.memory_space<vmem>> -> memref<40xi32, #tpu.memory_space<vmem>>
    %dma_wait3A_215 = arith.constant 0 : i32
    %dma_wait3A_216 = arith.constant 0 : i32
    %dma_wait3A_217 = tpu.memref_slice %arg8[%dma_wait3A_215, %dma_wait3A_216] : memref<10112x128xf32, #tpu.memory_space<vmem_shared>> -> memref<10112x128xf32, #tpu.memory_space<vmem_shared>>
    tpu.wait_indirect_dma semaphore(%arg22 : memref<!tpu.dma_semaphore, #tpu.memory_space<semaphore_mem>>) src(%arg12 : memref<40x128xf32, #tpu.memory_space<vmem>>) dst(%dma_wait3A_217 : memref<10112x128xf32, #tpu.memory_space<vmem_shared>>)
    %dma_wait3A_218 = arith.constant 9960 : i32
    %dma_wait3A_219 = tpu.memref_slice %arg7[%dma_wait3A_218] : memref<10000xi32, #tpu.memory_space<vmem>> -> memref<40xi32, #tpu.memory_space<vmem>>
    %dma_wait3A_220 = arith.constant 0 : i32
    %dma_wait3A_221 = arith.constant 0 : i32
    %dma_wait3A_222 = tpu.memref_slice %arg8[%dma_wait3A_220, %dma_wait3A_221] : memref<10112x128xf32, #tpu.memory_space<vmem_shared>> -> memref<10112x128xf32, #tpu.memory_space<vmem_shared>>
    tpu.wait_indirect_dma semaphore(%arg23 : memref<!tpu.dma_semaphore, #tpu.memory_space<semaphore_mem>>) src(%arg13 : memref<40x128xf32, #tpu.memory_space<vmem>>) dst(%dma_wait3A_222 : memref<10112x128xf32, #tpu.memory_space<vmem_shared>>)
    %barrier3A_223 = arith.constant 0 : index
    tpu.barrier barrier_id(%barrier3A_223)
    "tpu.region"() ({
      %run_scoped3A = tpu.sem_alloc : memref<!tpu.dma_semaphore, #tpu.memory_space<semaphore_mem>>
      %dma_start3A_224 = arith.constant 0 : i32
      %dma_start3A_225 = arith.constant 0 : i32
      %dma_start3A_226 = tpu.memref_slice %arg5[%arg0, %arg1, %dma_start3A_224, %dma_start3A_225] : memref<2x16x632x128xf32, #tpu.memory_space<hbm>> -> memref<1x1x632x128xf32, #tpu.memory_space<hbm>>
      %dma_start3A_227 = tpu.memref_squeeze %dma_start3A_226 : memref<1x1x632x128xf32, #tpu.memory_space<hbm>> -> memref<632x128xf32, #tpu.memory_space<hbm>>
      %dma_start3A_228 = arith.constant 0 : i32
      %dma_start3A_229 = tpu.memref_slice %arg8[%mul3A_8, %dma_start3A_228] : memref<10112x128xf32, #tpu.memory_space<vmem_shared>> -> memref<632x128xf32, #tpu.memory_space<vmem_shared>>
      tpu.enqueue_dma source(%dma_start3A_229 : memref<632x128xf32, #tpu.memory_space<vmem_shared>>) target(%dma_start3A_227 : memref<632x128xf32, #tpu.memory_space<hbm>>) target_semaphore(%run_scoped3A : memref<!tpu.dma_semaphore, #tpu.memory_space<semaphore_mem>>)
      %dma_wait3A_230 = arith.constant 0 : i32
      %dma_wait3A_231 = arith.constant 0 : i32
      %dma_wait3A_232 = tpu.memref_slice %arg5[%arg0, %arg1, %dma_wait3A_230, %dma_wait3A_231] : memref<2x16x632x128xf32, #tpu.memory_space<hbm>> -> memref<1x1x632x128xf32, #tpu.memory_space<hbm>>
      %dma_wait3A_233 = tpu.memref_squeeze %dma_wait3A_232 : memref<1x1x632x128xf32, #tpu.memory_space<hbm>> -> memref<632x128xf32, #tpu.memory_space<hbm>>
      %dma_wait3A_234 = arith.constant 0 : i32
      %dma_wait3A_235 = tpu.memref_slice %arg8[%mul3A_8, %dma_wait3A_234] : memref<10112x128xf32, #tpu.memory_space<vmem_shared>> -> memref<632x128xf32, #tpu.memory_space<vmem_shared>>
      tpu.wait_dma2 semaphore(%run_scoped3A : memref<!tpu.dma_semaphore, #tpu.memory_space<semaphore_mem>>) src(%dma_wait3A_235 : memref<632x128xf32, #tpu.memory_space<vmem_shared>>) dst(%dma_wait3A_233 : memref<632x128xf32, #tpu.memory_space<hbm>>)
      tpu.yield
    }) : () -> ()
    return
  }
}

module attributes {stable_mosaic.version = 14 : i64} {
  func.func @_prep_body(%arg0: i32, %arg1: memref<2000x128xf32, #tpu.memory_space<vmem>>, %arg2: memref<128x128xf32, #tpu.memory_space<vmem>>, %arg3: memref<2000x2xf32, #tpu.memory_space<vmem>>, %arg4: memref<2000x128xf32, #tpu.memory_space<vmem>>, %arg5: memref<2000x1xf32, #tpu.memory_space<vmem>>) attributes {dimension_semantics = [#tpu.dimension_semantics<arbitrary>], iteration_bounds = array<i64: 5>, scalar_prefetch = 0 : i64, scratch_operands = 0 : i64, tpu.core_type = #tpu.core_type<tc>, window_params = [{transform_indices = @transform_0, window_bounds = array<i64: 2000, 128>}, {pipeline_mode = #tpu.pipeline_mode<synchronous>, transform_indices = @transform_1, window_bounds = array<i64: 128, 128>}, {transform_indices = @transform_2, window_bounds = array<i64: 2000, 2>}, {transform_indices = @transform_3, window_bounds = array<i64: 2000, 128>}, {transform_indices = @transform_4, window_bounds = array<i64: 2000, 1>}]} {
    %get3A = arith.constant 0 : index
    %get3A_0 = arith.constant 0 : index
    %get3A_1 = vector.load %arg3[%get3A, %get3A_0] : memref<2000x2xf32, #tpu.memory_space<vmem>>, vector<2000x2xf32>
    %reduce_sum3A = arith.constant dense<0.000000e+00> : vector<2000xf32>
    %reduce_sum3A_2 = vector.multi_reduction <add>, %get3A_1, %reduce_sum3A [1] : vector<2000x2xf32> to vector<2000xf32>
    %broadcast_in_dim3A = vector.shape_cast %reduce_sum3A_2 : vector<2000xf32> to vector<2000x1xf32>
    %add3A = arith.constant 1.000000e+00 : f32
    %add3A_3 = vector.broadcast %add3A : f32 to vector<2000x1xf32>
    %add3A_4 = arith.addf %broadcast_in_dim3A, %add3A_3 : vector<2000x1xf32>
    %rsqrt3A = math.rsqrt %add3A_4 : vector<2000x1xf32>
    %swap3A = arith.constant 0 : index
    %swap3A_5 = arith.constant 0 : index
    %swap3A_6 = vector.load %arg5[%swap3A, %swap3A_5] : memref<2000x1xf32, #tpu.memory_space<vmem>>, vector<2000x1xf32>
    tpu.vector_store %arg5[%swap3A, %swap3A_5], %rsqrt3A {strides = array<i32>} : memref<2000x1xf32, #tpu.memory_space<vmem>>, vector<2000x1xf32>,
    %get3A_7 = arith.constant 0 : index
    %get3A_8 = arith.constant 0 : index
    %get3A_9 = vector.load %arg1[%get3A_7, %get3A_8] : memref<2000x128xf32, #tpu.memory_space<vmem>>, vector<2000x128xf32>
    %get3A_10 = arith.constant 0 : index
    %get3A_11 = arith.constant 0 : index
    %get3A_12 = vector.load %arg2[%get3A_10, %get3A_11] : memref<128x128xf32, #tpu.memory_space<vmem>>, vector<128x128xf32>
    %dot_general3A = arith.constant dense<0.000000e+00> : vector<2000x128xf32>
    %dot_general3A_13 = tpu.matmul %get3A_9, %get3A_12, %dot_general3A {dimension_numbers = #tpu.dot_dimension_numbers<[1], [0], [0], [1], [0, 0, 1, 1], [], []>, transpose_lhs_hint = false} : vector<2000x128xf32>, vector<128x128xf32>, vector<2000x128xf32> -> vector<2000x128xf32>
    %mul3A = vector.broadcast %rsqrt3A : vector<2000x1xf32> to vector<2000x128xf32>
    %mul3A_14 = arith.mulf %dot_general3A_13, %mul3A : vector<2000x128xf32>
    %swap3A_15 = arith.constant 0 : index
    %swap3A_16 = arith.constant 0 : index
    %swap3A_17 = vector.load %arg4[%swap3A_15, %swap3A_16] : memref<2000x128xf32, #tpu.memory_space<vmem>>, vector<2000x128xf32>
    tpu.vector_store %arg4[%swap3A_15, %swap3A_16], %mul3A_14 {strides = array<i32>} : memref<2000x128xf32, #tpu.memory_space<vmem>>, vector<2000x128xf32>,
    return
  }
  func.func @transform_0(%arg0: i32) -> (i32, i32) {
    %c0_i32 = arith.constant 0 : i32
    %c0_i32_0 = arith.constant 0 : i32
    return %arg0, %c0_i32 : i32, i32
  }
  func.func @transform_1(%arg0: i32) -> (i32, i32) {
    %c0_i32 = arith.constant 0 : i32
    %c0_i32_0 = arith.constant 0 : i32
    %c0_i32_1 = arith.constant 0 : i32
    return %c0_i32, %c0_i32_0 : i32, i32
  }
  func.func @transform_2(%arg0: i32) -> (i32, i32) {
    %c0_i32 = arith.constant 0 : i32
    %c0_i32_0 = arith.constant 0 : i32
    return %arg0, %c0_i32 : i32, i32
  }
  func.func @transform_3(%arg0: i32) -> (i32, i32) {
    %c0_i32 = arith.constant 0 : i32
    %c0_i32_0 = arith.constant 0 : i32
    return %arg0, %c0_i32 : i32, i32
  }
  func.func @transform_4(%arg0: i32) -> (i32, i32) {
    %c0_i32 = arith.constant 0 : i32
    %c0_i32_0 = arith.constant 0 : i32
    return %arg0, %c0_i32 : i32, i32
  }
}

module attributes {stable_mosaic.version = 14 : i64} {
  func.func @_layer_body(%arg0: i32, %arg1: i32, %arg2: memref<2x2000x128xf32, #tpu.memory_space<vmem>>, %arg3: memref<2000x128xf32, #tpu.memory_space<vmem>>, %arg4: memref<2000x1xf32, #tpu.memory_space<vmem>>, %arg5: memref<1x128xf32, #tpu.memory_space<vmem>>, %arg6: memref<1x128xf32, #tpu.memory_space<vmem>>, %arg7: memref<128x128xf32, #tpu.memory_space<vmem>>, %arg8: memref<2000x128xf32, #tpu.memory_space<vmem>>, %arg9: memref<10000x128xf32, #tpu.memory_space<vmem>>, %arg10: memref<2x128xf32, #tpu.memory_space<vmem>>) attributes {dimension_semantics = [#tpu.dimension_semantics<arbitrary>, #tpu.dimension_semantics<arbitrary>], iteration_bounds = array<i64: 2, 5>, scalar_prefetch = 0 : i64, scratch_operands = 2 : i64, tpu.core_type = #tpu.core_type<tc>, window_params = [{transform_indices = @transform_0, window_bounds = array<i64: 2, 2000, 128>}, {transform_indices = @transform_1, window_bounds = array<i64: 2000, 128>}, {transform_indices = @transform_2, window_bounds = array<i64: 2000, 1>}, {pipeline_mode = #tpu.pipeline_mode<synchronous>, transform_indices = @transform_3, window_bounds = array<i64: 1, 128>}, {pipeline_mode = #tpu.pipeline_mode<synchronous>, transform_indices = @transform_4, window_bounds = array<i64: 1, 128>}, {pipeline_mode = #tpu.pipeline_mode<synchronous>, transform_indices = @transform_5, window_bounds = array<i64: 128, 128>}, {transform_indices = @transform_6, window_bounds = array<i64: 2000, 128>}]} {
    %eq3A = arith.constant 0 : i32
    %eq3A_0 = arith.cmpi eq, %arg0, %eq3A : i32
    %convert_element_type3A = arith.extui %eq3A_0 : i1 to i32
    %cond3A = arith.constant 0 : i32
    %cond3A_1 = arith.cmpi ne, %convert_element_type3A, %cond3A : i32
    scf.if %cond3A_1 {
      %get3A = arith.constant 0 : index
      %get3A_7 = arith.constant 0 : index
      %get3A_8 = arith.constant 0 : index
      %get3A_9 = vector.load %arg2[%get3A, %get3A_7, %get3A_8] : memref<2x2000x128xf32, #tpu.memory_space<vmem>>, vector<1x2000x128xf32>
      %get3A_10 = vector.shape_cast %get3A_9 : vector<1x2000x128xf32> to vector<2000x128xf32>
      %get3A_11 = arith.constant 1 : index
      %get3A_12 = arith.constant 0 : index
      %get3A_13 = arith.constant 0 : index
      %get3A_14 = vector.load %arg2[%get3A_11, %get3A_12, %get3A_13] : memref<2x2000x128xf32, #tpu.memory_space<vmem>>, vector<1x2000x128xf32>
      %get3A_15 = vector.shape_cast %get3A_14 : vector<1x2000x128xf32> to vector<2000x128xf32>
      %add3A = arith.addf %get3A_10, %get3A_15 : vector<2000x128xf32>
      %get3A_16 = arith.constant 0 : index
      %get3A_17 = arith.constant 0 : index
      %get3A_18 = vector.load %arg3[%get3A_16, %get3A_17] : memref<2000x128xf32, #tpu.memory_space<vmem>>, vector<2000x128xf32>
      %add3A_19 = arith.addf %add3A, %get3A_18 : vector<2000x128xf32>
      %get3A_20 = arith.constant 0 : index
      %get3A_21 = arith.constant 0 : index
      %get3A_22 = vector.load %arg4[%get3A_20, %get3A_21] : memref<2000x1xf32, #tpu.memory_space<vmem>>, vector<2000x1xf32>
      %mul3A = vector.broadcast %get3A_22 : vector<2000x1xf32> to vector<2000x128xf32>
      %mul3A_23 = arith.mulf %add3A_19, %mul3A : vector<2000x128xf32>
      %mul3A_24 = arith.constant 2000 : i32
      %mul3A_25 = arith.muli %arg1, %mul3A_24 : i32
      %swap3A = arith.index_cast %mul3A_25 : i32 to index
      %swap3A_26 = arith.constant 0 : index
      %swap3A_27 = vector.load %arg9[%swap3A, %swap3A_26] : memref<10000x128xf32, #tpu.memory_space<vmem>>, vector<2000x128xf32>
      tpu.vector_store %arg9[%swap3A, %swap3A_26], %mul3A_23 {strides = array<i32>} : memref<10000x128xf32, #tpu.memory_space<vmem>>, vector<2000x128xf32>,
      %reduce_sum3A = arith.constant dense<0.000000e+00> : vector<128xf32>
      %reduce_sum3A_28 = vector.multi_reduction <add>, %mul3A_23, %reduce_sum3A [0] : vector<2000x128xf32> to vector<128xf32>
      %broadcast_in_dim3A = vector.shape_cast %reduce_sum3A_28 : vector<128xf32> to vector<1x128xf32>
      %mul3A_29 = arith.mulf %mul3A_23, %mul3A_23 : vector<2000x128xf32>
      %reduce_sum3A_30 = arith.constant dense<0.000000e+00> : vector<128xf32>
      %reduce_sum3A_31 = vector.multi_reduction <add>, %mul3A_29, %reduce_sum3A_30 [0] : vector<2000x128xf32> to vector<128xf32>
      %broadcast_in_dim3A_32 = vector.shape_cast %reduce_sum3A_31 : vector<128xf32> to vector<1x128xf32>
      %concatenate3A = tpu.concatenate %broadcast_in_dim3A, %broadcast_in_dim3A_32 in 0 : vector<1x128xf32>, vector<1x128xf32> -> vector<2x128xf32>
      %eq3A_33 = arith.constant 0 : i32
      %eq3A_34 = arith.cmpi eq, %arg1, %eq3A_33 : i32
      %convert_element_type3A_35 = arith.extui %eq3A_34 : i1 to i32
      %cond3A_36 = arith.constant 0 : i32
      %cond3A_37 = arith.cmpi ne, %convert_element_type3A_35, %cond3A_36 : i32
      scf.if %cond3A_37 {
        %swap3A_42 = arith.constant 0 : index
        %swap3A_43 = arith.constant 0 : index
        %swap3A_44 = vector.load %arg10[%swap3A_42, %swap3A_43] : memref<2x128xf32, #tpu.memory_space<vmem>>, vector<2x128xf32>
        tpu.vector_store %arg10[%swap3A_42, %swap3A_43], %concatenate3A {strides = array<i32>} : memref<2x128xf32, #tpu.memory_space<vmem>>, vector<2x128xf32>,
      } else {
      }
      %ne3A = arith.constant 0 : i32
      %ne3A_38 = arith.cmpi ne, %arg1, %ne3A : i32
      %convert_element_type3A_39 = arith.extui %ne3A_38 : i1 to i32
      %cond3A_40 = arith.constant 0 : i32
      %cond3A_41 = arith.cmpi ne, %convert_element_type3A_39, %cond3A_40 : i32
      scf.if %cond3A_41 {
        %get3A_42 = arith.constant 0 : index
        %get3A_43 = arith.constant 0 : index
        %get3A_44 = vector.load %arg10[%get3A_42, %get3A_43] : memref<2x128xf32, #tpu.memory_space<vmem>>, vector<2x128xf32>
        %add3A_45 = arith.addf %get3A_44, %concatenate3A : vector<2x128xf32>
        %swap3A_46 = arith.constant 0 : index
        %swap3A_47 = arith.constant 0 : index
        %swap3A_48 = vector.load %arg10[%swap3A_46, %swap3A_47] : memref<2x128xf32, #tpu.memory_space<vmem>>, vector<2x128xf32>
        tpu.vector_store %arg10[%swap3A_46, %swap3A_47], %add3A_45 {strides = array<i32>} : memref<2x128xf32, #tpu.memory_space<vmem>>, vector<2x128xf32>,
      } else {
      }
    } else {
    }
    %eq3A_2 = arith.constant 1 : i32
    %eq3A_3 = arith.cmpi eq, %arg0, %eq3A_2 : i32
    %convert_element_type3A_4 = arith.extui %eq3A_3 : i1 to i32
    %cond3A_5 = arith.constant 0 : i32
    %cond3A_6 = arith.cmpi ne, %convert_element_type3A_4, %cond3A_5 : i32
    scf.if %cond3A_6 {
      %mul3A = arith.constant 2000 : i32
      %mul3A_7 = arith.muli %arg1, %mul3A : i32
      %get3A = arith.index_cast %mul3A_7 : i32 to index
      %get3A_8 = arith.constant 0 : index
      %get3A_9 = vector.load %arg9[%get3A, %get3A_8] : memref<10000x128xf32, #tpu.memory_space<vmem>>, vector<2000x128xf32>
      %get3A_10 = arith.constant 0 : index
      %get3A_11 = arith.constant 0 : index
      %get3A_12 = vector.load %arg10[%get3A_10, %get3A_11] : memref<2x128xf32, #tpu.memory_space<vmem>>, vector<1x128xf32>
      %mul3A_13 = arith.constant 9.99999974E-5 : f32
      %mul3A_14 = vector.broadcast %mul3A_13 : f32 to vector<1x128xf32>
      %mul3A_15 = arith.mulf %get3A_12, %mul3A_14 : vector<1x128xf32>
      %get3A_16 = arith.constant 1 : index
      %get3A_17 = arith.constant 0 : index
      %get3A_18 = vector.load %arg10[%get3A_16, %get3A_17] : memref<2x128xf32, #tpu.memory_space<vmem>>, vector<1x128xf32>
      %mul3A_19 = arith.constant 9.99999974E-5 : f32
      %mul3A_20 = vector.broadcast %mul3A_19 : f32 to vector<1x128xf32>
      %mul3A_21 = arith.mulf %get3A_18, %mul3A_20 : vector<1x128xf32>
      %mul3A_22 = arith.mulf %mul3A_15, %mul3A_15 : vector<1x128xf32>
      %sub3A = arith.subf %mul3A_21, %mul3A_22 : vector<1x128xf32>
      %add3A = arith.constant 9.99999974E-6 : f32
      %add3A_23 = vector.broadcast %add3A : f32 to vector<1x128xf32>
      %add3A_24 = arith.addf %sub3A, %add3A_23 : vector<1x128xf32>
      %rsqrt3A = math.rsqrt %add3A_24 : vector<1x128xf32>
      %get3A_25 = arith.constant 0 : index
      %get3A_26 = arith.constant 0 : index
      %get3A_27 = vector.load %arg5[%get3A_25, %get3A_26] : memref<1x128xf32, #tpu.memory_space<vmem>>, vector<1x128xf32>
      %mul3A_28 = arith.mulf %rsqrt3A, %get3A_27 : vector<1x128xf32>
      %sub3A_29 = vector.broadcast %mul3A_15 : vector<1x128xf32> to vector<2000x128xf32>
      %sub3A_30 = arith.subf %get3A_9, %sub3A_29 : vector<2000x128xf32>
      %mul3A_31 = vector.broadcast %mul3A_28 : vector<1x128xf32> to vector<2000x128xf32>
      %mul3A_32 = arith.mulf %sub3A_30, %mul3A_31 : vector<2000x128xf32>
      %get3A_33 = arith.constant 0 : index
      %get3A_34 = arith.constant 0 : index
      %get3A_35 = vector.load %arg6[%get3A_33, %get3A_34] : memref<1x128xf32, #tpu.memory_space<vmem>>, vector<1x128xf32>
      %add3A_36 = vector.broadcast %get3A_35 : vector<1x128xf32> to vector<2000x128xf32>
      %add3A_37 = arith.addf %mul3A_32, %add3A_36 : vector<2000x128xf32>
      %max3A = arith.constant 0.000000e+00 : f32
      %max3A_38 = vector.broadcast %max3A : f32 to vector<2000x128xf32>
      %max3A_39 = arith.maximumf %add3A_37, %max3A_38 : vector<2000x128xf32>
      %get3A_40 = arith.constant 0 : index
      %get3A_41 = arith.constant 0 : index
      %get3A_42 = vector.load %arg7[%get3A_40, %get3A_41] : memref<128x128xf32, #tpu.memory_space<vmem>>, vector<128x128xf32>
      %dot_general3A = arith.constant dense<0.000000e+00> : vector<2000x128xf32>
      %dot_general3A_43 = tpu.matmul %max3A_39, %get3A_42, %dot_general3A {dimension_numbers = #tpu.dot_dimension_numbers<[1], [0], [0], [1], [0, 0, 1, 1], [], []>, transpose_lhs_hint = false} : vector<2000x128xf32>, vector<128x128xf32>, vector<2000x128xf32> -> vector<2000x128xf32>
      %get3A_44 = arith.constant 0 : index
      %get3A_45 = arith.constant 0 : index
      %get3A_46 = vector.load %arg4[%get3A_44, %get3A_45] : memref<2000x1xf32, #tpu.memory_space<vmem>>, vector<2000x1xf32>
      %mul3A_47 = vector.broadcast %get3A_46 : vector<2000x1xf32> to vector<2000x128xf32>
      %mul3A_48 = arith.mulf %dot_general3A_43, %mul3A_47 : vector<2000x128xf32>
      %swap3A = arith.constant 0 : index
      %swap3A_49 = arith.constant 0 : index
      %swap3A_50 = vector.load %arg8[%swap3A, %swap3A_49] : memref<2000x128xf32, #tpu.memory_space<vmem>>, vector<2000x128xf32>
      tpu.vector_store %arg8[%swap3A, %swap3A_49], %mul3A_48 {strides = array<i32>} : memref<2000x128xf32, #tpu.memory_space<vmem>>, vector<2000x128xf32>,
    } else {
    }
    return
  }
  func.func @transform_0(%arg0: i32, %arg1: i32) -> (i32, i32, i32) {
    %sub3A = arith.constant 1 : i32
    %sub3A_0 = arith.subi %sub3A, %arg0 : i32
    %mul3A = arith.muli %arg1, %sub3A_0 : i32
    %c0_i32 = arith.constant 0 : i32
    %c0_i32_1 = arith.constant 0 : i32
    %c0_i32_2 = arith.constant 0 : i32
    return %c0_i32, %mul3A, %c0_i32_1 : i32, i32, i32
  }
  func.func @transform_1(%arg0: i32, %arg1: i32) -> (i32, i32) {
    %sub3A = arith.constant 1 : i32
    %sub3A_0 = arith.subi %sub3A, %arg0 : i32
    %mul3A = arith.muli %arg1, %sub3A_0 : i32
    %c0_i32 = arith.constant 0 : i32
    %c0_i32_1 = arith.constant 0 : i32
    return %mul3A, %c0_i32 : i32, i32
  }
  func.func @transform_2(%arg0: i32, %arg1: i32) -> (i32, i32) {
    %c0_i32 = arith.constant 0 : i32
    %c0_i32_0 = arith.constant 0 : i32
    return %arg1, %c0_i32 : i32, i32
  }
  func.func @transform_3(%arg0: i32, %arg1: i32) -> (i32, i32) {
    %c0_i32 = arith.constant 0 : i32
    %c0_i32_0 = arith.constant 0 : i32
    %c0_i32_1 = arith.constant 0 : i32
    return %c0_i32, %c0_i32_0 : i32, i32
  }
  func.func @transform_4(%arg0: i32, %arg1: i32) -> (i32, i32) {
    %c0_i32 = arith.constant 0 : i32
    %c0_i32_0 = arith.constant 0 : i32
    %c0_i32_1 = arith.constant 0 : i32
    return %c0_i32, %c0_i32_0 : i32, i32
  }
  func.func @transform_5(%arg0: i32, %arg1: i32) -> (i32, i32) {
    %c0_i32 = arith.constant 0 : i32
    %c0_i32_0 = arith.constant 0 : i32
    %c0_i32_1 = arith.constant 0 : i32
    return %c0_i32, %c0_i32_0 : i32, i32
  }
  func.func @transform_6(%arg0: i32, %arg1: i32) -> (i32, i32) {
    %mul3A = arith.muli %arg1, %arg0 : i32
    %c0_i32 = arith.constant 0 : i32
    %c0_i32_0 = arith.constant 0 : i32
    return %mul3A, %c0_i32 : i32, i32
  }
}

module attributes {stable_mosaic.version = 14 : i64} {
  func.func @_poolf_body(%arg0: i32, %arg1: i32, %arg2: memref<2x2000x128xf32, #tpu.memory_space<vmem>>, %arg3: memref<2000x128xf32, #tpu.memory_space<vmem>>, %arg4: memref<2000x1xf32, #tpu.memory_space<vmem>>, %arg5: memref<1x128xf32, #tpu.memory_space<vmem>>, %arg6: memref<1x128xf32, #tpu.memory_space<vmem>>, %arg7: memref<2000x1xi32, #tpu.memory_space<vmem>>, %arg8: memref<128x128xf32, #tpu.memory_space<vmem>>, %arg9: memref<1x128xf32, #tpu.memory_space<vmem>>, %arg10: memref<64x128xf32, #tpu.memory_space<vmem>>, %arg11: memref<10000x128xf32, #tpu.memory_space<vmem>>, %arg12: memref<2x128xf32, #tpu.memory_space<vmem>>, %arg13: memref<64x128xf32, #tpu.memory_space<vmem>>) attributes {dimension_semantics = [#tpu.dimension_semantics<arbitrary>, #tpu.dimension_semantics<arbitrary>], iteration_bounds = array<i64: 2, 5>, scalar_prefetch = 0 : i64, scratch_operands = 3 : i64, tpu.core_type = #tpu.core_type<tc>, window_params = [{transform_indices = @transform_0, window_bounds = array<i64: 2, 2000, 128>}, {transform_indices = @transform_1, window_bounds = array<i64: 2000, 128>}, {transform_indices = @transform_2, window_bounds = array<i64: 2000, 1>}, {pipeline_mode = #tpu.pipeline_mode<synchronous>, transform_indices = @transform_3, window_bounds = array<i64: 1, 128>}, {pipeline_mode = #tpu.pipeline_mode<synchronous>, transform_indices = @transform_4, window_bounds = array<i64: 1, 128>}, {transform_indices = @transform_5, window_bounds = array<i64: 2000, 1>}, {pipeline_mode = #tpu.pipeline_mode<synchronous>, transform_indices = @transform_6, window_bounds = array<i64: 128, 128>}, {pipeline_mode = #tpu.pipeline_mode<synchronous>, transform_indices = @transform_7, window_bounds = array<i64: 1, 128>}, {pipeline_mode = #tpu.pipeline_mode<synchronous>, transform_indices = @transform_8, window_bounds = array<i64: 64, 128>}]} {
    %eq3A = arith.constant 0 : i32
    %eq3A_0 = arith.cmpi eq, %arg0, %eq3A : i32
    %convert_element_type3A = arith.extui %eq3A_0 : i1 to i32
    %cond3A = arith.constant 0 : i32
    %cond3A_1 = arith.cmpi ne, %convert_element_type3A, %cond3A : i32
    scf.if %cond3A_1 {
      %get3A = arith.constant 0 : index
      %get3A_7 = arith.constant 0 : index
      %get3A_8 = arith.constant 0 : index
      %get3A_9 = vector.load %arg2[%get3A, %get3A_7, %get3A_8] : memref<2x2000x128xf32, #tpu.memory_space<vmem>>, vector<1x2000x128xf32>
      %get3A_10 = vector.shape_cast %get3A_9 : vector<1x2000x128xf32> to vector<2000x128xf32>
      %get3A_11 = arith.constant 1 : index
      %get3A_12 = arith.constant 0 : index
      %get3A_13 = arith.constant 0 : index
      %get3A_14 = vector.load %arg2[%get3A_11, %get3A_12, %get3A_13] : memref<2x2000x128xf32, #tpu.memory_space<vmem>>, vector<1x2000x128xf32>
      %get3A_15 = vector.shape_cast %get3A_14 : vector<1x2000x128xf32> to vector<2000x128xf32>
      %add3A = arith.addf %get3A_10, %get3A_15 : vector<2000x128xf32>
      %get3A_16 = arith.constant 0 : index
      %get3A_17 = arith.constant 0 : index
      %get3A_18 = vector.load %arg3[%get3A_16, %get3A_17] : memref<2000x128xf32, #tpu.memory_space<vmem>>, vector<2000x128xf32>
      %add3A_19 = arith.addf %add3A, %get3A_18 : vector<2000x128xf32>
      %get3A_20 = arith.constant 0 : index
      %get3A_21 = arith.constant 0 : index
      %get3A_22 = vector.load %arg4[%get3A_20, %get3A_21] : memref<2000x1xf32, #tpu.memory_space<vmem>>, vector<2000x1xf32>
      %mul3A = vector.broadcast %get3A_22 : vector<2000x1xf32> to vector<2000x128xf32>
      %mul3A_23 = arith.mulf %add3A_19, %mul3A : vector<2000x128xf32>
      %mul3A_24 = arith.constant 2000 : i32
      %mul3A_25 = arith.muli %arg1, %mul3A_24 : i32
      %swap3A = arith.index_cast %mul3A_25 : i32 to index
      %swap3A_26 = arith.constant 0 : index
      %swap3A_27 = vector.load %arg11[%swap3A, %swap3A_26] : memref<10000x128xf32, #tpu.memory_space<vmem>>, vector<2000x128xf32>
      tpu.vector_store %arg11[%swap3A, %swap3A_26], %mul3A_23 {strides = array<i32>} : memref<10000x128xf32, #tpu.memory_space<vmem>>, vector<2000x128xf32>,
      %reduce_sum3A = arith.constant dense<0.000000e+00> : vector<128xf32>
      %reduce_sum3A_28 = vector.multi_reduction <add>, %mul3A_23, %reduce_sum3A [0] : vector<2000x128xf32> to vector<128xf32>
      %broadcast_in_dim3A = vector.shape_cast %reduce_sum3A_28 : vector<128xf32> to vector<1x128xf32>
      %mul3A_29 = arith.mulf %mul3A_23, %mul3A_23 : vector<2000x128xf32>
      %reduce_sum3A_30 = arith.constant dense<0.000000e+00> : vector<128xf32>
      %reduce_sum3A_31 = vector.multi_reduction <add>, %mul3A_29, %reduce_sum3A_30 [0] : vector<2000x128xf32> to vector<128xf32>
      %broadcast_in_dim3A_32 = vector.shape_cast %reduce_sum3A_31 : vector<128xf32> to vector<1x128xf32>
      %concatenate3A = tpu.concatenate %broadcast_in_dim3A, %broadcast_in_dim3A_32 in 0 : vector<1x128xf32>, vector<1x128xf32> -> vector<2x128xf32>
      %eq3A_33 = arith.constant 0 : i32
      %eq3A_34 = arith.cmpi eq, %arg1, %eq3A_33 : i32
      %convert_element_type3A_35 = arith.extui %eq3A_34 : i1 to i32
      %cond3A_36 = arith.constant 0 : i32
      %cond3A_37 = arith.cmpi ne, %convert_element_type3A_35, %cond3A_36 : i32
      scf.if %cond3A_37 {
        %swap3A_42 = arith.constant 0 : index
        %swap3A_43 = arith.constant 0 : index
        %swap3A_44 = vector.load %arg12[%swap3A_42, %swap3A_43] : memref<2x128xf32, #tpu.memory_space<vmem>>, vector<2x128xf32>
        tpu.vector_store %arg12[%swap3A_42, %swap3A_43], %concatenate3A {strides = array<i32>} : memref<2x128xf32, #tpu.memory_space<vmem>>, vector<2x128xf32>,
      } else {
      }
      %ne3A = arith.constant 0 : i32
      %ne3A_38 = arith.cmpi ne, %arg1, %ne3A : i32
      %convert_element_type3A_39 = arith.extui %ne3A_38 : i1 to i32
      %cond3A_40 = arith.constant 0 : i32
      %cond3A_41 = arith.cmpi ne, %convert_element_type3A_39, %cond3A_40 : i32
      scf.if %cond3A_41 {
        %get3A_42 = arith.constant 0 : index
        %get3A_43 = arith.constant 0 : index
        %get3A_44 = vector.load %arg12[%get3A_42, %get3A_43] : memref<2x128xf32, #tpu.memory_space<vmem>>, vector<2x128xf32>
        %add3A_45 = arith.addf %get3A_44, %concatenate3A : vector<2x128xf32>
        %swap3A_46 = arith.constant 0 : index
        %swap3A_47 = arith.constant 0 : index
        %swap3A_48 = vector.load %arg12[%swap3A_46, %swap3A_47] : memref<2x128xf32, #tpu.memory_space<vmem>>, vector<2x128xf32>
        tpu.vector_store %arg12[%swap3A_46, %swap3A_47], %add3A_45 {strides = array<i32>} : memref<2x128xf32, #tpu.memory_space<vmem>>, vector<2x128xf32>,
      } else {
      }
    } else {
    }
    %eq3A_2 = arith.constant 1 : i32
    %eq3A_3 = arith.cmpi eq, %arg0, %eq3A_2 : i32
    %convert_element_type3A_4 = arith.extui %eq3A_3 : i1 to i32
    %cond3A_5 = arith.constant 0 : i32
    %cond3A_6 = arith.cmpi ne, %convert_element_type3A_4, %cond3A_5 : i32
    scf.if %cond3A_6 {
      %mul3A = arith.constant 2000 : i32
      %mul3A_7 = arith.muli %arg1, %mul3A : i32
      %get3A = arith.index_cast %mul3A_7 : i32 to index
      %get3A_8 = arith.constant 0 : index
      %get3A_9 = vector.load %arg11[%get3A, %get3A_8] : memref<10000x128xf32, #tpu.memory_space<vmem>>, vector<2000x128xf32>
      %get3A_10 = arith.constant 0 : index
      %get3A_11 = arith.constant 0 : index
      %get3A_12 = vector.load %arg12[%get3A_10, %get3A_11] : memref<2x128xf32, #tpu.memory_space<vmem>>, vector<1x128xf32>
      %mul3A_13 = arith.constant 9.99999974E-5 : f32
      %mul3A_14 = vector.broadcast %mul3A_13 : f32 to vector<1x128xf32>
      %mul3A_15 = arith.mulf %get3A_12, %mul3A_14 : vector<1x128xf32>
      %get3A_16 = arith.constant 1 : index
      %get3A_17 = arith.constant 0 : index
      %get3A_18 = vector.load %arg12[%get3A_16, %get3A_17] : memref<2x128xf32, #tpu.memory_space<vmem>>, vector<1x128xf32>
      %mul3A_19 = arith.constant 9.99999974E-5 : f32
      %mul3A_20 = vector.broadcast %mul3A_19 : f32 to vector<1x128xf32>
      %mul3A_21 = arith.mulf %get3A_18, %mul3A_20 : vector<1x128xf32>
      %mul3A_22 = arith.mulf %mul3A_15, %mul3A_15 : vector<1x128xf32>
      %sub3A = arith.subf %mul3A_21, %mul3A_22 : vector<1x128xf32>
      %add3A = arith.constant 9.99999974E-6 : f32
      %add3A_23 = vector.broadcast %add3A : f32 to vector<1x128xf32>
      %add3A_24 = arith.addf %sub3A, %add3A_23 : vector<1x128xf32>
      %rsqrt3A = math.rsqrt %add3A_24 : vector<1x128xf32>
      %get3A_25 = arith.constant 0 : index
      %get3A_26 = arith.constant 0 : index
      %get3A_27 = vector.load %arg5[%get3A_25, %get3A_26] : memref<1x128xf32, #tpu.memory_space<vmem>>, vector<1x128xf32>
      %mul3A_28 = arith.mulf %rsqrt3A, %get3A_27 : vector<1x128xf32>
      %sub3A_29 = vector.broadcast %mul3A_15 : vector<1x128xf32> to vector<2000x128xf32>
      %sub3A_30 = arith.subf %get3A_9, %sub3A_29 : vector<2000x128xf32>
      %mul3A_31 = vector.broadcast %mul3A_28 : vector<1x128xf32> to vector<2000x128xf32>
      %mul3A_32 = arith.mulf %sub3A_30, %mul3A_31 : vector<2000x128xf32>
      %get3A_33 = arith.constant 0 : index
      %get3A_34 = arith.constant 0 : index
      %get3A_35 = vector.load %arg6[%get3A_33, %get3A_34] : memref<1x128xf32, #tpu.memory_space<vmem>>, vector<1x128xf32>
      %add3A_36 = vector.broadcast %get3A_35 : vector<1x128xf32> to vector<2000x128xf32>
      %add3A_37 = arith.addf %mul3A_32, %add3A_36 : vector<2000x128xf32>
      %max3A = arith.constant 0.000000e+00 : f32
      %max3A_38 = vector.broadcast %max3A : f32 to vector<2000x128xf32>
      %max3A_39 = arith.maximumf %add3A_37, %max3A_38 : vector<2000x128xf32>
      %iota3A = tpu.iota {dimensions = array<i32: 1>} : vector<2000x64xi32>
      %get3A_40 = arith.constant 0 : index
      %get3A_41 = arith.constant 0 : index
      %get3A_42 = vector.load %arg7[%get3A_40, %get3A_41] : memref<2000x1xi32, #tpu.memory_space<vmem>>, vector<2000x1xi32>
      %eq3A_43 = vector.broadcast %get3A_42 : vector<2000x1xi32> to vector<2000x64xi32>
      %eq3A_44 = arith.cmpi eq, %eq3A_43, %iota3A : vector<2000x64xi32>
      %convert_element_type3A_45 = arith.extui %eq3A_44 : vector<2000x64xi1> to vector<2000x64xi32>
      %convert_element_type3A_46 = arith.sitofp %convert_element_type3A_45 : vector<2000x64xi32> to vector<2000x64xf32>
      %dot_general3A = arith.constant dense<0.000000e+00> : vector<64x128xf32>
      %dot_general3A_47 = tpu.matmul %convert_element_type3A_46, %max3A_39, %dot_general3A {dimension_numbers = #tpu.dot_dimension_numbers<[0], [0], [1], [1], [0, 1, 1, 1], [], []>, transpose_lhs_hint = false} : vector<2000x64xf32>, vector<2000x128xf32>, vector<64x128xf32> -> vector<64x128xf32>
      %eq3A_48 = arith.constant 0 : i32
      %eq3A_49 = arith.cmpi eq, %arg1, %eq3A_48 : i32
      %convert_element_type3A_50 = arith.extui %eq3A_49 : i1 to i32
      %cond3A_51 = arith.constant 0 : i32
      %cond3A_52 = arith.cmpi ne, %convert_element_type3A_50, %cond3A_51 : i32
      scf.if %cond3A_52 {
        %swap3A = arith.constant 0 : index
        %swap3A_62 = arith.constant 0 : index
        %swap3A_63 = vector.load %arg13[%swap3A, %swap3A_62] : memref<64x128xf32, #tpu.memory_space<vmem>>, vector<64x128xf32>
        tpu.vector_store %arg13[%swap3A, %swap3A_62], %dot_general3A_47 {strides = array<i32>} : memref<64x128xf32, #tpu.memory_space<vmem>>, vector<64x128xf32>,
      } else {
      }
      %ne3A = arith.constant 0 : i32
      %ne3A_53 = arith.cmpi ne, %arg1, %ne3A : i32
      %convert_element_type3A_54 = arith.extui %ne3A_53 : i1 to i32
      %cond3A_55 = arith.constant 0 : i32
      %cond3A_56 = arith.cmpi ne, %convert_element_type3A_54, %cond3A_55 : i32
      scf.if %cond3A_56 {
        %get3A_62 = arith.constant 0 : index
        %get3A_63 = arith.constant 0 : index
        %get3A_64 = vector.load %arg13[%get3A_62, %get3A_63] : memref<64x128xf32, #tpu.memory_space<vmem>>, vector<64x128xf32>
        %add3A_65 = arith.addf %get3A_64, %dot_general3A_47 : vector<64x128xf32>
        %swap3A = arith.constant 0 : index
        %swap3A_66 = arith.constant 0 : index
        %swap3A_67 = vector.load %arg13[%swap3A, %swap3A_66] : memref<64x128xf32, #tpu.memory_space<vmem>>, vector<64x128xf32>
        tpu.vector_store %arg13[%swap3A, %swap3A_66], %add3A_65 {strides = array<i32>} : memref<64x128xf32, #tpu.memory_space<vmem>>, vector<64x128xf32>,
      } else {
      }
      %eq3A_57 = arith.constant 4 : i32
      %eq3A_58 = arith.cmpi eq, %arg1, %eq3A_57 : i32
      %convert_element_type3A_59 = arith.extui %eq3A_58 : i1 to i32
      %cond3A_60 = arith.constant 0 : i32
      %cond3A_61 = arith.cmpi ne, %convert_element_type3A_59, %cond3A_60 : i32
      scf.if %cond3A_61 {
        %get3A_62 = arith.constant 0 : index
        %get3A_63 = arith.constant 0 : index
        %get3A_64 = vector.load %arg13[%get3A_62, %get3A_63] : memref<64x128xf32, #tpu.memory_space<vmem>>, vector<64x128xf32>
        %get3A_65 = arith.constant 0 : index
        %get3A_66 = arith.constant 0 : index
        %get3A_67 = vector.load %arg8[%get3A_65, %get3A_66] : memref<128x128xf32, #tpu.memory_space<vmem>>, vector<128x128xf32>
        %dot_general3A_68 = arith.constant dense<0.000000e+00> : vector<64x128xf32>
        %dot_general3A_69 = tpu.matmul %get3A_64, %get3A_67, %dot_general3A_68 {dimension_numbers = #tpu.dot_dimension_numbers<[1], [0], [0], [1], [0, 0, 1, 1], [], []>, transpose_lhs_hint = false} : vector<64x128xf32>, vector<128x128xf32>, vector<64x128xf32> -> vector<64x128xf32>
        %get3A_70 = arith.constant 0 : index
        %get3A_71 = arith.constant 0 : index
        %get3A_72 = vector.load %arg9[%get3A_70, %get3A_71] : memref<1x128xf32, #tpu.memory_space<vmem>>, vector<1x128xf32>
        %add3A_73 = vector.broadcast %get3A_72 : vector<1x128xf32> to vector<64x128xf32>
        %add3A_74 = arith.addf %dot_general3A_69, %add3A_73 : vector<64x128xf32>
        %swap3A = arith.constant 0 : index
        %swap3A_75 = arith.constant 0 : index
        %swap3A_76 = vector.load %arg10[%swap3A, %swap3A_75] : memref<64x128xf32, #tpu.memory_space<vmem>>, vector<64x128xf32>
        tpu.vector_store %arg10[%swap3A, %swap3A_75], %add3A_74 {strides = array<i32>} : memref<64x128xf32, #tpu.memory_space<vmem>>, vector<64x128xf32>,
      } else {
      }
    } else {
    }
    return
  }
  func.func @transform_0(%arg0: i32, %arg1: i32) -> (i32, i32, i32) {
    %sub3A = arith.constant 1 : i32
    %sub3A_0 = arith.subi %sub3A, %arg0 : i32
    %mul3A = arith.muli %arg1, %sub3A_0 : i32
    %c0_i32 = arith.constant 0 : i32
    %c0_i32_1 = arith.constant 0 : i32
    %c0_i32_2 = arith.constant 0 : i32
    return %c0_i32, %mul3A, %c0_i32_1 : i32, i32, i32
  }
  func.func @transform_1(%arg0: i32, %arg1: i32) -> (i32, i32) {
    %sub3A = arith.constant 1 : i32
    %sub3A_0 = arith.subi %sub3A, %arg0 : i32
    %mul3A = arith.muli %arg1, %sub3A_0 : i32
    %c0_i32 = arith.constant 0 : i32
    %c0_i32_1 = arith.constant 0 : i32
    return %mul3A, %c0_i32 : i32, i32
  }
  func.func @transform_2(%arg0: i32, %arg1: i32) -> (i32, i32) {
    %c0_i32 = arith.constant 0 : i32
    %c0_i32_0 = arith.constant 0 : i32
    return %arg1, %c0_i32 : i32, i32
  }
  func.func @transform_3(%arg0: i32, %arg1: i32) -> (i32, i32) {
    %c0_i32 = arith.constant 0 : i32
    %c0_i32_0 = arith.constant 0 : i32
    %c0_i32_1 = arith.constant 0 : i32
    return %c0_i32, %c0_i32_0 : i32, i32
  }
  func.func @transform_4(%arg0: i32, %arg1: i32) -> (i32, i32) {
    %c0_i32 = arith.constant 0 : i32
    %c0_i32_0 = arith.constant 0 : i32
    %c0_i32_1 = arith.constant 0 : i32
    return %c0_i32, %c0_i32_0 : i32, i32
  }
  func.func @transform_5(%arg0: i32, %arg1: i32) -> (i32, i32) {
    %c0_i32 = arith.constant 0 : i32
    %c0_i32_0 = arith.constant 0 : i32
    return %arg1, %c0_i32 : i32, i32
  }
  func.func @transform_6(%arg0: i32, %arg1: i32) -> (i32, i32) {
    %c0_i32 = arith.constant 0 : i32
    %c0_i32_0 = arith.constant 0 : i32
    %c0_i32_1 = arith.constant 0 : i32
    return %c0_i32, %c0_i32_0 : i32, i32
  }
  func.func @transform_7(%arg0: i32, %arg1: i32) -> (i32, i32) {
    %c0_i32 = arith.constant 0 : i32
    %c0_i32_0 = arith.constant 0 : i32
    %c0_i32_1 = arith.constant 0 : i32
    return %c0_i32, %c0_i32_0 : i32, i32
  }
  func.func @transform_8(%arg0: i32, %arg1: i32) -> (i32, i32) {
    %c0_i32 = arith.constant 0 : i32
    %c0_i32_0 = arith.constant 0 : i32
    %c0_i32_1 = arith.constant 0 : i32
    return %c0_i32, %c0_i32_0 : i32, i32
  }
}

</mosaic_0001>

<sc_bundles>
// kernel: kernel.10.cloned.1.call-start
scs
__scs_entry_jumppad:
0x0: {  	(pc) =	sbr.rel $0x88, $3  }
0x1: {  	(tag) =	ssettag $0x0;
	lr =	simm.s32 $0x1  }
0x2: {  	[smem:$0x3F93] =	sst lr;
	_ =	strace $0xD0000000  }
0x3: {  	_ = 	snop  }
0x4: {  	_ = 	snop  }
0x5: {  	_ = 	snop  }
0x6: {  	_ = 	snop  }
0x7: {  	_ = 	snop  }
__scs_overlays_trampoline_lowered:
0x8: {  	[smem:$0x3FA2] =	sst s0  }
0x9: {  	[smem:$0x3FA3] =	sst s1  }
0xa: {  	[smem:$0x3FA4] =	sst s2  }
0xb: {  	[smem:$0x3FA5] =	sst s3  }
0xc: {  	[smem:$0x3FA6] =	sst s4  }
0xd: {  	[smem:$0x3FA7] =	sst s5  }
0xe: {  	[smem:$0x3FA8] =	sst s6  }
0xf: {  	[smem:$0x3FA9] =	sst s7  }
0x10: {  	[smem:$0x3FAA] =	sst s8  }
0x11: {  	[smem:$0x3FAB] =	sst s9;
	s0 =	simm.s32 @!p0 $0x0  }
0x12: {  	s1 =	sld [smem:$0x3F91];
	s0 =	simm.s32 @p0 $0x1  }
0x13: {  	[smem:$0x3FAC] =	sst s0;
	s0 =	simm.s32 @!p1 $0x0  }
0x14: {  	s2 =	sld [smem:$0x3F90];
	s0 =	simm.s32 @p1 $0x1  }
0x15: {  	[smem:$0x3FAD] =	sst s0;
	s0 =	simm.s32 @!p2 $0x0  }
0x16: {  	s3 =	sld [smem:$0x3FDB];
	s0 =	simm.s32 @p2 $0x1  }
0x17: {  	s4 =	simm.s32 $0x1BF5;
	[smem:$0x3FAF] =	sst s0  }
0x18: {  	s0 =	sld [smem:$0x3F92];
	_ =	swait.ge [sflag:s4], $0x0  }
0x19: {  	s7 =	sld [smem:$0x3F93]  }
0x1a: {  	s8 =	sadd.s32 $0xFFFFE003, lr  }
0x1b: {  	s9 =	sadd.s32 $0xFFFFFEF7, lr;
	s5 =	simm.s32 $0xFFFFFFFF;
	p2 =	slt.u32 s8, $0xFFFFF086  }
0x1c: {  	p1 =	slt.u32 s9, $0xF7A;
	s5 =	simm.s32 @!p2 $0x0  }
0x1d: {  	s5 =	simm.s32 @p1 $0x1;
	p0 =	seq.s32 s7, s2  }
0x1e: {  	s7 =	smul.u32 @!p0 $0xF7A, s2;
	p2 =	seq.s32 @!p0 s5, $0x0  }
0x1f: {  	s9 =	smul.u32 $0xF7A, s1;
	s8 =	simm.s32 @!p0 $0x1BF5;
	p2 =	por !p2, p0  }
0x20: {  	[sflag:s8] =	ssyncset.s32 @!p0 $0xFFFFF086;
	s6 =	sadd.s32 @!p0 s3, s7;
	s7 =	simm.s32 @!p0 $0x108  }
0x21: {  	s3 =	sadd.s32 s3, s9;
	s6 =	sadd.s32 @!p0 $0x88, s6;
	s7 =	simm.s32 @p2 $0x1082  }
0x22: {  	[simem:s7], [sflag:s8] =	dma.local @!p0 [hbm:s6], $0xF7A  }
0x23: {  	s9 =	sor.u32 $0xD0000000, s2;
	s6 =	simm.s32 $0x108;
	_ =	swait.ge @!p0 [sflag:s8], $0x0  }
0x24: {  	s3 =	sadd.s32 $0x88, s3;
	s6 =	simm.s32 @!p1 $0x1082;
	[sflag:s4] =	ssyncset.s32 $0xFFFFF086  }
0x25: {  	[simem:s6], [sflag:s4] =	dma.local [hbm:s3], $0xF7A  }
0x26: {  	[smem:$0x3F93] =	sst s1;
	(tag) =	ssettag s2;
	_ =	strace s9  }
0x27: {  	s1 =	sld [smem:$0x3FA3]  }
0x28: {  	s2 =	sld [smem:$0x3FA4]  }
0x29: {  	s4 =	sld [smem:$0x3FA6]  }
0x2a: {  	p0 =	seq.s32 s5, $0x0;
	s5 =	sld [smem:$0x3FA7]  }
0x2b: {  	s6 =	sld [smem:$0x3FA8]  }
0x2c: {  	s7 =	sld [smem:$0x3FA9]  }
0x2d: {  	s3 =	simm.s32 $0x108;
	s8 =	sld [smem:$0x3FAA]  }
0x2e: {  	s3 =	simm.s32 @!p0 $0x1082;
	s9 =	sld [smem:$0x3FAB]  }
0x2f: {  	lr =	sadd.s32 s0, s3;
	s0 =	sld [smem:$0x3FA2]  }
0x30: {  	s3 =	sld [smem:$0x3FA5]  }
0x31: {  	[smem:$0x3FAE] =	sst s10  }
0x32: {  	s10 =	sld [smem:$0x3FAC];
	_ =	sdelay $0x3  }
0x33: {  	p0 =	seq.s32 s10, $0x1;
	s10 =	sld [smem:$0x3FAE];
	_ =	sdelay $0x3  }
0x34: {  	[smem:$0x3FAE] =	sst s10  }
0x35: {  	s10 =	sld [smem:$0x3FAD];
	_ =	sdelay $0x3  }
0x36: {  	p1 =	seq.s32 s10, $0x1;
	s10 =	sld [smem:$0x3FAE];
	_ =	sdelay $0x3  }
0x37: {  	[smem:$0x3FAE] =	sst s10  }
0x38: {  	s10 =	sld [smem:$0x3FAF]  }
0x39: {  	_ = 	snop;
	(pc) =	sbr.ind lr, $3  }
0x3a: {  	_ = 	snop  }
0x3b: {  	_ = 	snop  }
0x3c: {  	p2 =	seq.s32 s10, $0x1;
	s10 =	sld [smem:$0x3FAE]  }
0x3d: {  	_ =	shalt  }
0x3e: {  	_ =	shalt  }
0x3f: {  	_ =	shalt  }
0x40: {  	_ =	shalt  }
0x41: {  	_ =	shalt  }
0x42: {  	_ =	shalt  }
0x43: {  	_ =	shalt  }
0x44: {  	_ =	shalt  }
0x45: {  	_ =	shalt  }
0x46: {  	_ =	shalt  }
0x47: {  	_ =	shalt  }
0x48: {  	_ =	shalt  }
0x49: {  	_ =	shalt  }
0x4a: {  	_ =	shalt  }
0x4b: {  	_ =	shalt  }
0x4c: {  	_ =	shalt  }
0x4d: {  	_ =	shalt  }
0x4e: {  	_ =	shalt  }
0x4f: {  	_ =	shalt  }
0x50: {  	_ =	shalt  }
0x51: {  	_ =	shalt  }
0x52: {  	_ =	shalt  }
0x53: {  	_ =	shalt  }
0x54: {  	_ =	shalt  }
0x55: {  	_ =	shalt  }
0x56: {  	_ =	shalt  }
0x57: {  	_ =	shalt  }
0x58: {  	_ =	shalt  }
0x59: {  	_ =	shalt  }
0x5a: {  	_ =	shalt  }
0x5b: {  	_ =	shalt  }
0x5c: {  	_ =	shalt  }
0x5d: {  	_ =	shalt  }
0x5e: {  	_ =	shalt  }
0x5f: {  	_ =	shalt  }
0x60: {  	_ =	shalt  }
0x61: {  	_ =	shalt  }
0x62: {  	_ =	shalt  }
0x63: {  	_ =	shalt  }
0x64: {  	_ =	shalt  }
0x65: {  	_ =	shalt  }
0x66: {  	_ =	shalt  }
0x67: {  	_ =	shalt  }
0x68: {  	_ =	shalt  }
0x69: {  	_ =	shalt  }
0x6a: {  	_ =	shalt  }
0x6b: {  	_ =	shalt  }
0x6c: {  	_ =	shalt  }
0x6d: {  	_ =	shalt  }
0x6e: {  	_ =	shalt  }
0x6f: {  	_ =	shalt  }
0x70: {  	_ =	shalt  }
0x71: {  	_ =	shalt  }
0x72: {  	_ =	shalt  }
0x73: {  	_ =	shalt  }
0x74: {  	_ =	shalt  }
0x75: {  	_ =	shalt  }
0x76: {  	_ =	shalt  }
0x77: {  	_ =	shalt  }
0x78: {  	_ =	shalt  }
0x79: {  	_ =	shalt  }
0x7a: {  	_ =	shalt  }
0x7b: {  	_ =	shalt  }
0x7c: {  	_ =	shalt  }
0x7d: {  	_ =	shalt  }
0x7e: {  	_ =	shalt  }
0x7f: {  	_ =	shalt  }
0x80: {  	_ =	shalt  }
0x81: {  	_ =	shalt  }
0x82: {  	_ =	shalt  }
0x83: {  	_ =	shalt  }
0x84: {  	_ =	shalt  }
0x85: {  	_ =	shalt  }
0x86: {  	_ =	shalt  }
0x87: {  	_ =	shalt  }
.Lfunc_end0:
.L_simem_size_0:
called_computation_lowered:
.L_overlay_start_0:
0x88: {  	s2 =	sld [smem:$0x3FD9]  }
0x89: {  	s3 =	sld [smem:$0x3FFE];
	_ =	sdelay $0x1  }
0x8a: {  	s1 =	srdreg.scid  }
0x8b: {  	s0 =	sand.u32 $0x1, s1  }
0x8c: {  	s16 =	sshll.u32 s0, $0xA;
	s2 =	sadd.s32 s3, s2  }
0x8d: {  	s2 =	sadd.s32 s2, s16  }
0x8e: {  	[smem:$0x3FBA] =	sst s2  }
0x8f: {  	_ = 	snop  }
0x90: {  	(tm) =	ssettm $0x1  }
0x91: {  	s17 =	sld [smem:$0x3FFB];
	_ =	sdelay $0x3  }
0x92: {  	_ =	strace s17  }
0x93: {  	s2 =	sld [smem:$0x3FFC];
	_ =	sdelay $0x3  }
0x94: {  	_ =	strace s2  }
0x95: {  	s2 =	sld [smem:$0x3FFD];
	_ =	sdelay $0x3  }
0x96: {  	_ =	strace s2  }
0x97: {  	_ =	strace $0x8FFFFFFF  }
0x98: {  	s18 =	sld [smem:$0x3FDB];
	_ =	sdelay $0x1  }
0x99: {  	s19 =	simm.s32 $_scs_section_size  }
0x9a: {  	s4 =	simm.s32 $_size__tile_overlayer_lowered;
	s5 =	simm.s32 $_tile_overlayer_lowered  }
0x9b: {  	s22 =	simm.s32 $0x1BFF;
	s21 =	sshll.u32 s5, $0x1;
	s2 =	sadd.s32 s19, s18  }
0x9c: {  	s6 =	simm.s32 $0x0;
	s20 =	sshll.u32 s4, $0x1;
	s4 =	sadd.s32 s21, s2  }
0x9d: {  	[timem:s6], [sflag:s22] =	dma.local [hbm:s4], s20  }
0x9e: {  	_ =	swait.ge [sflag:s22], s20  }
0x9f: {  	s3 =	ssub.s32 $0x0, s20;
	[sflag:s22] =	ssyncset.done $0x0  }
0xa0: {  	[sflag:s22] =	ssyncadd.s32 s3;
	_ =	sdelay $0x1  }
0xa1: {  	s23 =	simm.s32 $0x1B8B  }
0xa2: {  	_ =	swait.ge [sflag:s23], $0x1  }
0xa3: {  	[sflag:s23] =	ssyncset.done $0x0  }
0xa4: {  	s25 =	simm.s32 $0x1B8E;
	s24 =	sld [smem:$0x3FFE];
	[sflag:s23] =	ssyncadd.s32 $0xFFFFFFFF  }
0xa5: {  	s26 =	simm.s32 $execute0_lowered;
	[smem:$0x3FD2] =	sst s25  }
0xa6: {  	s4 =	sshll.u32 s26, $0x1;
	_ =	strace $0x80000046;
	[dreg:$0x1] =	wrdreg $0xFFFFFFFF  }
0xa7: {  	s28 =	simm.s32 $_size_execute0_lowered;
	s2 =	sadd.s32 s2, s4;
	[dreg:$0x0] =	wrdreg $0x0  }
0xa8: {  	s4 =	sshll.u32 s28, $0x1;
	[dreg:$0x2] =	wrdreg s2  }
0xa9: {  	[dreg:$0x3] =	wrdreg s4  }
0xaa: {  	[dreg:$0x4] =	wrdreg $0xC0  }
0xab: {  	_ =	task [dreg:s6], $0x5FFFF  }
0xac: {  	[dreg:$0x1] =	wrdreg $0xFFFFFFFF  }
0xad: {  	[dreg:$0x0] =	wrdreg $0x60  }
0xae: {  	[dreg:$0x2] =	wrdreg s24  }
0xaf: {  	[dreg:$0x3] =	wrdreg $0x43000  }
0xb0: {  	[dreg:$0x4] =	wrdreg $0x9  }
0xb1: {  	_ =	task.clear_ibuf [dreg:s6], $0x5FFFF;
	_ =	strace $0x90000046  }
0xb2: {  	s29 =	simm.s32 $0x9;
	_ =	strace $0x80000048  }
0xb3: {  	_ =	swait.ge [sflag:s29], $0x1  }
0xb4: {  	[sflag:s29] =	ssyncadd.s32 $0xFFFFFFFF  }
0xb5: {  	_ =	strace $0x90000048  }
0xb6: {  	_ =	sfence  }
0xb7: {  	s30 =	sld [smem:$0x0];
	_ =	sdelay $0x2  }
0xb8: {  	s31 =	sshll.u32 s1, $0xD;
	s1 =	sshrl.u32 s1, $0x2  }
0xb9: {  	s3 =	sand.u32 $0x4000, s31;
	s1 =	sadd.s32 s1, s30  }
0xba: {  	s0 =	sor.u32 s3, s0;
	s1 =	sshll.u32 s1, $0x11  }
0xbb: {  	s0 =	sor.u32 s1, s0  }
0xbc: {  	s0 =	sadd.s32 $0x8F2B, s0  }
0xbd: {  	[sflag:s0] =	ssyncadd.remote.s32 $0x1  }
0xbe: {  	_ =	sfence.sel $0xFFFF  }
0xbf: {  	[dreg:$0x0] =	wrdreg $0xFFFFFFFF;
	(pc) =	sbr.abs _section_cstart, $3  }
0xc0: {  	[dreg:$0x1] =	wrdreg $0xFFFFFFFF  }
0xc1: {  	_ =	task.clear_ibuf [dreg:s6], $0x2FFFF;
	_ =	strace $0x9FFFFFFF  }
0xc2: {  	(tm) =	ssettm $0x7FFFFFFF  }
0xc3: {  	_ =	shalt  }
tec
execute0_lowered:
.L_overlay_start_1:
0x0: {  	(tag) =	ssettag $0x1  }
0x1: {  	s5 =	rddreg [dreg:$0x0]  }
0x2: {  	s0 =	srdreg.scid;
	s2 =	rddreg [dreg:$0x1];
	s3 =	simm.s32 $0x0  }
0x3: {  	s10 =	simm.s32 $0x50;
	s11 =	simm.s32 $0x4000;
	s12 =	simm.s32 $0x80  }
0x4: {  	s13 =	simm.s32 $0x100;
	s14 =	simm.s32 $0x180;
	s15 =	simm.s32 $0x200  }
0x5: {  	s16 =	simm.s32 $0x1;
	s17 =	simm.s32 $0x2;
	s18 =	simm.s32 $0x3  }
0x6: {  	s19 =	simm.s32 $0x4;
	s20 =	simm.s32 $0x5;
	s23 =	simm.s32 $0x10  }
0x7: {  	s4 =	sand.u32 $0x1, s0;
	s0 =	stileid.u32;
	[smem:$0x7FF] =	sst s3  }
0x8: {  	s6 =	smul.u32 $0x2800, s4;
	s1 =	sshrl.u32 s0, $0x3;
	s8 =	sshll.u32 s0, $0x7  }
0x9: {  	s25 =	sshll.u32 s4, $0xB;
	s4 =	ssub.s32 $0x2, s4;
	s9 =	smul.u32 $0xA00, s0  }
0xa: {  	s28 =	sshll.u32 s0, $0xC;
	s21 =	sshll.u32 s0, $0x6;
	s7 =	smul.u32 $0x1400, s1  }
0xb: {  	s1 =	rddreg [dreg:$0x2];
	s24 =	sand.u32 $0x380, s8;
	_ =	strace $0x80000047  }
0xc: {  	s26 =	sadd.s32 s25, s5;
	s29 =	sshrl.u32 s4, $0x1;
	s8 =	simm.s32 $0x6  }
0xd: {  	s21 =	sor.u32 $0x1C06, s21;
	s30 =	ssub.s32 s4, s29;
	s6 =	sadd.s32 s6, s7  }
0xe: {  	s31 =	sshrl.u32 s9, $0x2;
	s7 =	sadd.s32 s28, s26;
	s6 =	sor.u32 s24, s6  }
0xf: {  	s9 =	simm.s32 $0x4080;
	s4 =	sadd.s32 $0x3C00, s7;
	s6 =	sshrl.u32 s6, $0x3  }
0x10: {  	s7 =	smax.u32 s30, $0x1;
	s6 =	sadd.s32 s6, s5;
	s5 =	sadd.s32 s31, s2  }
0x11: {  	v0 =	vimm.f32 $1.000000000e+00;
	v1 =	vimm.f32 $0.0e+00;
	s24 =	simm.s32 $0x0;
	s6 =	sadd.s32 $0x13C00, s6;
	s22 =	sshrl.u32 s5, $0x3  }
.LBB2_1:
0x12: {  	[tilespmem:s3], [sflag:$0x6] =	stream.linear.gather [hbm4b:s4+s3], $0x3E80, $0x38;
	[tilespmem:$0x4580] =	vst v63  }
0x13: {  	_ =	swait.ge [sflag:s8], $0x3E80  }
0x14: {  	[sflag:s8] =	ssyncset.done $0x0  }
0x15: {  	[sflag:s8] =	ssyncadd.s32 $0xFFFFC180  }
0x16: {  	[tilespmem:$0x4000] =	vst v0  }
0x17: {  	[tilespmem:$0x4010] =	vst v0  }
0x18: {  	[tilespmem:$0x4020] =	vst v0  }
0x19: {  	[tilespmem:$0x4030] =	vst v0  }
0x1a: {  	[tilespmem:$0x4040] =	vst v0  }
0x1b: {  	[tilespmem:$0x4080] =	vst v1  }
0x1c: {  	[tilespmem:$0x4090] =	vst v1  }
0x1d: {  	[tilespmem:$0x40A0] =	vst v1  }
0x1e: {  	[tilespmem:$0x40B0] =	vst v1  }
0x1f: {  	[tilespmem:$0x40C0] =	vst v1  }
0x20: {  	[tilespmem:$0x40D0] =	vst v1  }
0x21: {  	[tilespmem:$0x40E0] =	vst v1  }
0x22: {  	[tilespmem:$0x40F0] =	vst v1  }
0x23: {  	[tilespmem:$0x4100] =	vst v1  }
0x24: {  	[tilespmem:$0x4110] =	vst v1  }
0x25: {  	[tilespmem:$0x4120] =	vst v1  }
0x26: {  	[tilespmem:$0x4130] =	vst v1  }
0x27: {  	[tilespmem:$0x4140] =	vst v1  }
0x28: {  	[tilespmem:$0x4150] =	vst v1  }
0x29: {  	[tilespmem:$0x4160] =	vst v1  }
0x2a: {  	[tilespmem:$0x4170] =	vst v1  }
0x2b: {  	[tilespmem:$0x4180] =	vst v1  }
0x2c: {  	[tilespmem:$0x4190] =	vst v1  }
0x2d: {  	[tilespmem:$0x41A0] =	vst v1  }
0x2e: {  	[tilespmem:$0x41B0] =	vst v1  }
0x2f: {  	[tilespmem:$0x41C0] =	vst v1  }
0x30: {  	[tilespmem:$0x41D0] =	vst v1  }
0x31: {  	[tilespmem:$0x41E0] =	vst v1  }
0x32: {  	[tilespmem:$0x41F0] =	vst v1  }
0x33: {  	[tilespmem:$0x4200] =	vst v1  }
0x34: {  	[tilespmem:$0x4210] =	vst v1  }
0x35: {  	[tilespmem:$0x4220] =	vst v1  }
0x36: {  	[tilespmem:$0x4230] =	vst v1  }
0x37: {  	[tilespmem:$0x4240] =	vst v1  }
0x38: {  	[tilespmem:$0x4250] =	vst v1  }
0x39: {  	[tilespmem:$0x4260] =	vst v1  }
0x3a: {  	[tilespmem:$0x4270] =	vst v1  }
0x3b: {  	[tilespmem:$0x4280] =	vst v1  }
0x3c: {  	[tilespmem:$0x4290] =	vst v1  }
0x3d: {  	[tilespmem:$0x42A0] =	vst v1  }
0x3e: {  	[tilespmem:$0x42B0] =	vst v1  }
0x3f: {  	[tilespmem:$0x42C0] =	vst v1  }
0x40: {  	[tilespmem:$0x42D0] =	vst v1  }
0x41: {  	[tilespmem:$0x42E0] =	vst v1  }
0x42: {  	[tilespmem:$0x42F0] =	vst v1  }
0x43: {  	[spmem:s5] =	stream.linear.scatter [tilespmem:s9], [sflag:$0x6], $0x280, $0x38;
	[tilespmem:$0x4580] =	vst v63  }
0x44: {  	_ =	swait.ge [sflag:s8], $0x280  }
0x45: {  	[sflag:s8] =	ssyncset.done $0x0  }
0x46: {  	[sflag:s8] =	ssyncadd.s32 $0xFFFFFD80  }
0x47: {  	[bflag:$0x0] =	sbarrier.arrive $0xFFFF  }
0x48: {  	[spmem:s2] =	stream.indirect.scatter.add.f32 [tilespmem:s11], [sflag:$0x1], $0x1, s3, s10, $0xb8;
	[tilespmem:$0x4580] =	vst v63  }
0x49: {  	_ = 	snop  }
0x4a: {  	[spmem:s2] =	stream.indirect.scatter.add.f32 [tilespmem:s11], [sflag:$0x2], $0x1, s12, s10, $0xb8;
	[tilespmem:$0x4580] =	vst v63  }
0x4b: {  	_ = 	snop  }
0x4c: {  	[spmem:s2] =	stream.indirect.scatter.add.f32 [tilespmem:s11], [sflag:$0x3], $0x1, s13, s10, $0xb8;
	[tilespmem:$0x4580] =	vst v63  }
0x4d: {  	_ = 	snop  }
0x4e: {  	[spmem:s2] =	stream.indirect.scatter.add.f32 [tilespmem:s11], [sflag:$0x4], $0x1, s14, s10, $0xb8;
	[tilespmem:$0x4580] =	vst v63  }
0x4f: {  	_ = 	snop  }
0x50: {  	[spmem:s2] =	stream.indirect.scatter.add.f32 [tilespmem:s11], [sflag:$0x5], $0x1, s15, s10, $0xb8;
	[tilespmem:$0x4580] =	vst v63  }
0x51: {  	_ =	swait.ge [sflag:s16], $0x50  }
0x52: {  	[sflag:s16] =	ssyncset.done $0x0  }
0x53: {  	s25 =	simm.s32 $0x280;
	[sflag:s16] =	ssyncadd.s32 $0xFFFFFFB0  }
0x54: {  	[spmem:s2] =	stream.indirect.scatter.add.f32 [tilespmem:s11], [sflag:$0x1], $0x1, s25, s10, $0xb8;
	[tilespmem:$0x4580] =	vst v63  }
0x55: {  	_ =	swait.ge [sflag:s17], $0x50  }
0x56: {  	[sflag:s17] =	ssyncset.done $0x0  }
0x57: {  	s29 =	simm.s32 $0x300;
	[sflag:s17] =	ssyncadd.s32 $0xFFFFFFB0  }
0x58: {  	[spmem:s2] =	stream.indirect.scatter.add.f32 [tilespmem:s11], [sflag:$0x2], $0x1, s29, s10, $0xb8;
	[tilespmem:$0x4580] =	vst v63  }
0x59: {  	_ =	swait.ge [sflag:s18], $0x50  }
0x5a: {  	[sflag:s18] =	ssyncset.done $0x0  }
0x5b: {  	s30 =	simm.s32 $0x380;
	[sflag:s18] =	ssyncadd.s32 $0xFFFFFFB0  }
0x5c: {  	[spmem:s2] =	stream.indirect.scatter.add.f32 [tilespmem:s11], [sflag:$0x3], $0x1, s30, s10, $0xb8;
	[tilespmem:$0x4580] =	vst v63  }
0x5d: {  	_ =	swait.ge [sflag:s19], $0x50  }
0x5e: {  	[sflag:s19] =	ssyncset.done $0x0  }
0x5f: {  	s31 =	simm.s32 $0x400;
	[sflag:s19] =	ssyncadd.s32 $0xFFFFFFB0  }
0x60: {  	[spmem:s2] =	stream.indirect.scatter.add.f32 [tilespmem:s11], [sflag:$0x4], $0x1, s31, s10, $0xb8;
	[tilespmem:$0x4580] =	vst v63  }
0x61: {  	_ =	swait.ge [sflag:s20], $0x50  }
0x62: {  	[sflag:s20] =	ssyncset.done $0x0  }
0x63: {  	s26 =	simm.s32 $0x480;
	s25 =	simm.s32 $0xFFFF1A00;
	[sflag:s20] =	ssyncadd.s32 $0xFFFFFFB0  }
.LBB2_2:
0x64: {  	[spmem:s2] =	stream.indirect.scatter.add.f32 [tilespmem:s11], [sflag:$0x5], $0x1, s26, s10, $0xb8;
	[tilespmem:$0x4580] =	vst v63  }
0x65: {  	s26 =	smov.u32 s25  }
0x66: {  	p0 =	sne.s32 s25, $0xFFFFF600;
	s25 =	sadd.s32 $0xA00, s25;
	_ =	swait.ge [sflag:s16], $0x50  }
0x67: {  	s26 =	sshra.s32 s26, $0x2;
	[sflag:s16] =	ssyncset.done $0x0  }
0x68: {  	s28 =	sadd.s32 $0x3E80, s26;
	[sflag:s16] =	ssyncadd.s32 $0xFFFFFFB0  }
0x69: {  	[spmem:s2] =	stream.indirect.scatter.add.f32 [tilespmem:s11], [sflag:$0x1], $0x1, s28, s10, $0xb8;
	[tilespmem:$0x4580] =	vst v63  }
0x6a: {  	_ =	swait.ge [sflag:s17], $0x50  }
0x6b: {  	[sflag:s17] =	ssyncset.done $0x0  }
0x6c: {  	s28 =	sadd.s32 $0x3F00, s26;
	[sflag:s17] =	ssyncadd.s32 $0xFFFFFFB0  }
0x6d: {  	[spmem:s2] =	stream.indirect.scatter.add.f32 [tilespmem:s11], [sflag:$0x2], $0x1, s28, s10, $0xb8;
	[tilespmem:$0x4580] =	vst v63  }
0x6e: {  	_ =	swait.ge [sflag:s18], $0x50  }
0x6f: {  	[sflag:s18] =	ssyncset.done $0x0  }
0x70: {  	s28 =	sadd.s32 $0x3F80, s26;
	[sflag:s18] =	ssyncadd.s32 $0xFFFFFFB0  }
0x71: {  	[spmem:s2] =	stream.indirect.scatter.add.f32 [tilespmem:s11], [sflag:$0x3], $0x1, s28, s10, $0xb8;
	[tilespmem:$0x4580] =	vst v63  }
0x72: {  	_ =	swait.ge [sflag:s19], $0x50  }
0x73: {  	[sflag:s19] =	ssyncset.done $0x0  }
.Ltmp0:
0x74: {  	s28 =	sadd.s32 $0x4000, s26;
	[sflag:s19] =	ssyncadd.s32 $0xFFFFFFB0;
	(pc) =	sbr.rel @p0 .LBB2_2-.Ltmp0, $4  }
0x75: {  	[spmem:s2] =	stream.indirect.scatter.add.f32 [tilespmem:s11], [sflag:$0x4], $0x1, s28, s10, $0xb8;
	[tilespmem:$0x4580] =	vst v63  }
0x76: {  	_ =	swait.ge [sflag:s20], $0x50  }
0x77: {  	[sflag:s20] =	ssyncset.done $0x0  }
0x78: {  	s26 =	sadd.s32 $0x4080, s26;
	[sflag:s20] =	ssyncadd.s32 $0xFFFFFFB0  }
0x79: {  	[spmem:s2] =	stream.indirect.scatter.add.f32 [tilespmem:s11], [sflag:$0x5], $0x1, s26, s10, $0xb8;
	[tilespmem:$0x4580] =	vst v63  }
0x7a: {  	_ =	swait.ge [sflag:s16], $0x50  }
0x7b: {  	[sflag:s16] =	ssyncset.done $0x0  }
0x7c: {  	[sflag:s16] =	ssyncadd.s32 $0xFFFFFFB0  }
0x7d: {  	_ =	swait.ge [sflag:s17], $0x50  }
0x7e: {  	[sflag:s17] =	ssyncset.done $0x0  }
0x7f: {  	[sflag:s17] =	ssyncadd.s32 $0xFFFFFFB0  }
0x80: {  	_ =	swait.ge [sflag:s18], $0x50  }
0x81: {  	[sflag:s18] =	ssyncset.done $0x0  }
0x82: {  	[sflag:s18] =	ssyncadd.s32 $0xFFFFFFB0  }
0x83: {  	_ =	swait.ge [sflag:s19], $0x50  }
0x84: {  	[sflag:s19] =	ssyncset.done $0x0  }
0x85: {  	[sflag:s19] =	ssyncadd.s32 $0xFFFFFFB0  }
0x86: {  	_ =	swait.ge [sflag:s20], $0x50  }
0x87: {  	s24 =	sadd.s32 $0x1, s24;
	[sflag:s20] =	ssyncset.done $0x0  }
0x88: {  	p0 =	sne.s32 s24, s7;
	[sflag:s20] =	ssyncadd.s32 $0xFFFFFFB0  }
.Ltmp1:
0x89: {  	[bflag:$0x0] =	sbarrier.arrive $0xFFFF;
	(pc) =	sbr.rel @p0 .LBB2_1-.Ltmp1, $4  }
0x8a: {  	[hbm:s6@s12], [sflag:s21] =	dma.strided [spmem:s22@s23], $0x50, s16, $0x10   }
0x8b: {  	_ =	swait.ge [sflag:s8], $0x50  }
0x8c: {  	[sflag:s8] =	ssyncset.done $0x0  }
0x8d: {  	[sflag:s8] =	ssyncadd.s32 $0xFFFFFFB0  }
0x8e: {  	_ =	sfence.sel $0x180000  }
0x8f: {  	[bflag:$0x0] =	sbarrier.arrive $0xFFFF  }
0x90: {  	p0 =	sne.s32 s0, $0x0;
	_ =	strace $0x90000047  }
0x91: {  	s0 =	sadd.s32 @!p0 $0x100000, s1;
	[bflag:$0x2] =	sbarrier.arrive $0xFFFF  }
0x92: {  	[sflag:s0] =	ssyncadd.tile.s32 @!p0 $0x1;
	_ =	shalt  }
.Lfunc_end2:
_tile_overlayer_lowered:
.L_overlay_start_2:
0x93: {  	(tag) =	ssettag $0x2  }
0x94: {  	s0 =	rddreg [dreg:$0x0];
	s2 =	stileid.u32  }
0x95: {  	s1 =	rddreg [dreg:$0x1];
	p0 =	sne.s32 s2, $0x0  }
0x96: {  	s3 =	rddreg [dreg:$0x2];
	[bflag:$0x3] =	sbarrier.arrive $0xFFFF;
	s2 =	simm.s32 @!p0 $0x1C06  }
0x97: {  	[timem:s3], [sflag:s2] =	dma.local @!p0 [hbm:s0], s1  }
0x98: {  	s0 =	simm.s32 @!p0 $0x6  }
0x99: {  	_ =	swait.ge @!p0 [sflag:s0], s1  }
0x9a: {  	s1 =	ssub.s32 @!p0 $0x0, s1;
	[sflag:s0] =	ssyncset.done @!p0 $0x0  }
0x9b: {  	[sflag:s0] =	ssyncadd.s32 @!p0 s1  }
0x9c: {  	[bflag:$0x3] =	sbarrier.arrive $0xFFFF  }
0x9d: {  	_ =	shalt  }

// kernel: kernel.13.cloned.1.call-start
scs
__scs_entry_jumppad:
0x0: {  	(pc) =	sbr.rel $0x88, $3  }
0x1: {  	(tag) =	ssettag $0x0;
	lr =	simm.s32 $0x1  }
0x2: {  	[smem:$0x3F93] =	sst lr;
	_ =	strace $0xD0000000  }
0x3: {  	_ = 	snop  }
0x4: {  	_ = 	snop  }
0x5: {  	_ = 	snop  }
0x6: {  	_ = 	snop  }
0x7: {  	_ = 	snop  }
__scs_overlays_trampoline_lowered:
0x8: {  	[smem:$0x3FA2] =	sst s0  }
0x9: {  	[smem:$0x3FA3] =	sst s1  }
0xa: {  	[smem:$0x3FA4] =	sst s2  }
0xb: {  	[smem:$0x3FA5] =	sst s3  }
0xc: {  	[smem:$0x3FA6] =	sst s4  }
0xd: {  	[smem:$0x3FA7] =	sst s5  }
0xe: {  	[smem:$0x3FA8] =	sst s6  }
0xf: {  	[smem:$0x3FA9] =	sst s7  }
0x10: {  	[smem:$0x3FAA] =	sst s8  }
0x11: {  	[smem:$0x3FAB] =	sst s9;
	s0 =	simm.s32 @!p0 $0x0  }
0x12: {  	s1 =	sld [smem:$0x3F91];
	s0 =	simm.s32 @p0 $0x1  }
0x13: {  	[smem:$0x3FAC] =	sst s0;
	s0 =	simm.s32 @!p1 $0x0  }
0x14: {  	s2 =	sld [smem:$0x3F90];
	s0 =	simm.s32 @p1 $0x1  }
0x15: {  	[smem:$0x3FAD] =	sst s0;
	s0 =	simm.s32 @!p2 $0x0  }
0x16: {  	s3 =	sld [smem:$0x3FDB];
	s0 =	simm.s32 @p2 $0x1  }
0x17: {  	s4 =	simm.s32 $0x1BF5;
	[smem:$0x3FAF] =	sst s0  }
0x18: {  	s0 =	sld [smem:$0x3F92];
	_ =	swait.ge [sflag:s4], $0x0  }
0x19: {  	s7 =	sld [smem:$0x3F93]  }
0x1a: {  	s8 =	sadd.s32 $0xFFFFE003, lr  }
0x1b: {  	s9 =	sadd.s32 $0xFFFFFEF7, lr;
	s5 =	simm.s32 $0xFFFFFFFF;
	p2 =	slt.u32 s8, $0xFFFFF086  }
0x1c: {  	p1 =	slt.u32 s9, $0xF7A;
	s5 =	simm.s32 @!p2 $0x0  }
0x1d: {  	s5 =	simm.s32 @p1 $0x1;
	p0 =	seq.s32 s7, s2  }
0x1e: {  	s7 =	smul.u32 @!p0 $0xF7A, s2;
	p2 =	seq.s32 @!p0 s5, $0x0  }
0x1f: {  	s9 =	smul.u32 $0xF7A, s1;
	s8 =	simm.s32 @!p0 $0x1BF5;
	p2 =	por !p2, p0  }
0x20: {  	[sflag:s8] =	ssyncset.s32 @!p0 $0xFFFFF086;
	s6 =	sadd.s32 @!p0 s3, s7;
	s7 =	simm.s32 @!p0 $0x108  }
0x21: {  	s3 =	sadd.s32 s3, s9;
	s6 =	sadd.s32 @!p0 $0x88, s6;
	s7 =	simm.s32 @p2 $0x1082  }
0x22: {  	[simem:s7], [sflag:s8] =	dma.local @!p0 [hbm:s6], $0xF7A  }
0x23: {  	s9 =	sor.u32 $0xD0000000, s2;
	s6 =	simm.s32 $0x108;
	_ =	swait.ge @!p0 [sflag:s8], $0x0  }
0x24: {  	s3 =	sadd.s32 $0x88, s3;
	s6 =	simm.s32 @!p1 $0x1082;
	[sflag:s4] =	ssyncset.s32 $0xFFFFF086  }
0x25: {  	[simem:s6], [sflag:s4] =	dma.local [hbm:s3], $0xF7A  }
0x26: {  	[smem:$0x3F93] =	sst s1;
	(tag) =	ssettag s2;
	_ =	strace s9  }
0x27: {  	s1 =	sld [smem:$0x3FA3]  }
0x28: {  	s2 =	sld [smem:$0x3FA4]  }
0x29: {  	s4 =	sld [smem:$0x3FA6]  }
0x2a: {  	p0 =	seq.s32 s5, $0x0;
	s5 =	sld [smem:$0x3FA7]  }
0x2b: {  	s6 =	sld [smem:$0x3FA8]  }
0x2c: {  	s7 =	sld [smem:$0x3FA9]  }
0x2d: {  	s3 =	simm.s32 $0x108;
	s8 =	sld [smem:$0x3FAA]  }
0x2e: {  	s3 =	simm.s32 @!p0 $0x1082;
	s9 =	sld [smem:$0x3FAB]  }
0x2f: {  	lr =	sadd.s32 s0, s3;
	s0 =	sld [smem:$0x3FA2]  }
0x30: {  	s3 =	sld [smem:$0x3FA5]  }
0x31: {  	[smem:$0x3FAE] =	sst s10  }
0x32: {  	s10 =	sld [smem:$0x3FAC];
	_ =	sdelay $0x3  }
0x33: {  	p0 =	seq.s32 s10, $0x1;
	s10 =	sld [smem:$0x3FAE];
	_ =	sdelay $0x3  }
0x34: {  	[smem:$0x3FAE] =	sst s10  }
0x35: {  	s10 =	sld [smem:$0x3FAD];
	_ =	sdelay $0x3  }
0x36: {  	p1 =	seq.s32 s10, $0x1;
	s10 =	sld [smem:$0x3FAE];
	_ =	sdelay $0x3  }
0x37: {  	[smem:$0x3FAE] =	sst s10  }
0x38: {  	s10 =	sld [smem:$0x3FAF]  }
0x39: {  	_ = 	snop;
	(pc) =	sbr.ind lr, $3  }
0x3a: {  	_ = 	snop  }
0x3b: {  	_ = 	snop  }
0x3c: {  	p2 =	seq.s32 s10, $0x1;
	s10 =	sld [smem:$0x3FAE]  }
0x3d: {  	_ =	shalt  }
0x3e: {  	_ =	shalt  }
0x3f: {  	_ =	shalt  }
0x40: {  	_ =	shalt  }
0x41: {  	_ =	shalt  }
0x42: {  	_ =	shalt  }
0x43: {  	_ =	shalt  }
0x44: {  	_ =	shalt  }
0x45: {  	_ =	shalt  }
0x46: {  	_ =	shalt  }
0x47: {  	_ =	shalt  }
0x48: {  	_ =	shalt  }
0x49: {  	_ =	shalt  }
0x4a: {  	_ =	shalt  }
0x4b: {  	_ =	shalt  }
0x4c: {  	_ =	shalt  }
0x4d: {  	_ =	shalt  }
0x4e: {  	_ =	shalt  }
0x4f: {  	_ =	shalt  }
0x50: {  	_ =	shalt  }
0x51: {  	_ =	shalt  }
0x52: {  	_ =	shalt  }
0x53: {  	_ =	shalt  }
0x54: {  	_ =	shalt  }
0x55: {  	_ =	shalt  }
0x56: {  	_ =	shalt  }
0x57: {  	_ =	shalt  }
0x58: {  	_ =	shalt  }
0x59: {  	_ =	shalt  }
0x5a: {  	_ =	shalt  }
0x5b: {  	_ =	shalt  }
0x5c: {  	_ =	shalt  }
0x5d: {  	_ =	shalt  }
0x5e: {  	_ =	shalt  }
0x5f: {  	_ =	shalt  }
0x60: {  	_ =	shalt  }
0x61: {  	_ =	shalt  }
0x62: {  	_ =	shalt  }
0x63: {  	_ =	shalt  }
0x64: {  	_ =	shalt  }
0x65: {  	_ =	shalt  }
0x66: {  	_ =	shalt  }
0x67: {  	_ =	shalt  }
0x68: {  	_ =	shalt  }
0x69: {  	_ =	shalt  }
0x6a: {  	_ =	shalt  }
0x6b: {  	_ =	shalt  }
0x6c: {  	_ =	shalt  }
0x6d: {  	_ =	shalt  }
0x6e: {  	_ =	shalt  }
0x6f: {  	_ =	shalt  }
0x70: {  	_ =	shalt  }
0x71: {  	_ =	shalt  }
0x72: {  	_ =	shalt  }
0x73: {  	_ =	shalt  }
0x74: {  	_ =	shalt  }
0x75: {  	_ =	shalt  }
0x76: {  	_ =	shalt  }
0x77: {  	_ =	shalt  }
0x78: {  	_ =	shalt  }
0x79: {  	_ =	shalt  }
0x7a: {  	_ =	shalt  }
0x7b: {  	_ =	shalt  }
0x7c: {  	_ =	shalt  }
0x7d: {  	_ =	shalt  }
0x7e: {  	_ =	shalt  }
0x7f: {  	_ =	shalt  }
0x80: {  	_ =	shalt  }
0x81: {  	_ =	shalt  }
0x82: {  	_ =	shalt  }
0x83: {  	_ =	shalt  }
0x84: {  	_ =	shalt  }
0x85: {  	_ =	shalt  }
0x86: {  	_ =	shalt  }
0x87: {  	_ =	shalt  }
.Lfunc_end0:
.L_simem_size_0:
called_computation.1_lowered:
.L_overlay_start_0:
0x88: {  	s2 =	sld [smem:$0x3FD9]  }
0x89: {  	s3 =	sld [smem:$0x3FFE];
	_ =	sdelay $0x1  }
0x8a: {  	s1 =	srdreg.scid  }
0x8b: {  	s0 =	sand.u32 $0x1, s1  }
0x8c: {  	s16 =	sshll.u32 s0, $0xA;
	s2 =	sadd.s32 s3, s2  }
0x8d: {  	s2 =	sadd.s32 s2, s16  }
0x8e: {  	[smem:$0x3FBA] =	sst s2  }
0x8f: {  	_ = 	snop  }
0x90: {  	(tm) =	ssettm $0x1  }
0x91: {  	s17 =	sld [smem:$0x3FFB];
	_ =	sdelay $0x3  }
0x92: {  	_ =	strace s17  }
0x93: {  	s2 =	sld [smem:$0x3FFC];
	_ =	sdelay $0x3  }
0x94: {  	_ =	strace s2  }
0x95: {  	s2 =	sld [smem:$0x3FFD];
	_ =	sdelay $0x3  }
0x96: {  	_ =	strace s2  }
0x97: {  	_ =	strace $0x8FFFFFFF  }
0x98: {  	s18 =	sld [smem:$0x3FDB];
	_ =	sdelay $0x1  }
0x99: {  	s19 =	simm.s32 $_scs_section_size  }
0x9a: {  	s4 =	simm.s32 $_size__tile_overlayer_lowered;
	s5 =	simm.s32 $_tile_overlayer_lowered  }
0x9b: {  	s22 =	simm.s32 $0x1BFF;
	s21 =	sshll.u32 s5, $0x1;
	s2 =	sadd.s32 s19, s18  }
0x9c: {  	s6 =	simm.s32 $0x0;
	s20 =	sshll.u32 s4, $0x1;
	s4 =	sadd.s32 s21, s2  }
0x9d: {  	[timem:s6], [sflag:s22] =	dma.local [hbm:s4], s20  }
0x9e: {  	_ =	swait.ge [sflag:s22], s20  }
0x9f: {  	s3 =	ssub.s32 $0x0, s20;
	[sflag:s22] =	ssyncset.done $0x0  }
0xa0: {  	[sflag:s22] =	ssyncadd.s32 s3;
	_ =	sdelay $0x1  }
0xa1: {  	s23 =	simm.s32 $0x1B8B  }
0xa2: {  	_ =	swait.ge [sflag:s23], $0x1  }
0xa3: {  	[sflag:s23] =	ssyncset.done $0x0  }
0xa4: {  	s25 =	simm.s32 $0x1B8E;
	s24 =	sld [smem:$0x3FFE];
	[sflag:s23] =	ssyncadd.s32 $0xFFFFFFFF  }
0xa5: {  	s26 =	simm.s32 $execute0_lowered;
	[smem:$0x3FD2] =	sst s25  }
0xa6: {  	s4 =	sshll.u32 s26, $0x1;
	_ =	strace $0x80000049;
	[dreg:$0x1] =	wrdreg $0xFFFFFFFF  }
0xa7: {  	s28 =	simm.s32 $_size_execute0_lowered;
	s2 =	sadd.s32 s2, s4;
	[dreg:$0x0] =	wrdreg $0x0  }
0xa8: {  	s4 =	sshll.u32 s28, $0x1;
	[dreg:$0x2] =	wrdreg s2  }
0xa9: {  	[dreg:$0x3] =	wrdreg s4  }
0xaa: {  	[dreg:$0x4] =	wrdreg $0xC0  }
0xab: {  	_ =	task [dreg:s6], $0x5FFFF  }
0xac: {  	[dreg:$0x1] =	wrdreg $0xFFFFFFFF  }
0xad: {  	[dreg:$0x0] =	wrdreg $0x60  }
0xae: {  	[dreg:$0x2] =	wrdreg s24  }
0xaf: {  	[dreg:$0x3] =	wrdreg $0x4F000  }
0xb0: {  	[dreg:$0x4] =	wrdreg $0x9  }
0xb1: {  	_ =	task.clear_ibuf [dreg:s6], $0x5FFFF;
	_ =	strace $0x90000049  }
0xb2: {  	s29 =	simm.s32 $0x9;
	_ =	strace $0x8000004B  }
0xb3: {  	_ =	swait.ge [sflag:s29], $0x1  }
0xb4: {  	[sflag:s29] =	ssyncadd.s32 $0xFFFFFFFF  }
0xb5: {  	_ =	strace $0x9000004B  }
0xb6: {  	_ =	sfence  }
0xb7: {  	s30 =	sld [smem:$0x0];
	_ =	sdelay $0x2  }
0xb8: {  	s31 =	sshll.u32 s1, $0xD;
	s1 =	sshrl.u32 s1, $0x2  }
0xb9: {  	s3 =	sand.u32 $0x4000, s31;
	s1 =	sadd.s32 s1, s30  }
0xba: {  	s0 =	sor.u32 s3, s0;
	s1 =	sshll.u32 s1, $0x11  }
0xbb: {  	s0 =	sor.u32 s1, s0  }
0xbc: {  	s0 =	sadd.s32 $0x8F2B, s0  }
0xbd: {  	[sflag:s0] =	ssyncadd.remote.s32 $0x1  }
0xbe: {  	_ =	sfence.sel $0xFFFF  }
0xbf: {  	[dreg:$0x0] =	wrdreg $0xFFFFFFFF;
	(pc) =	sbr.abs _section_cstart, $3  }
0xc0: {  	[dreg:$0x1] =	wrdreg $0xFFFFFFFF  }
0xc1: {  	_ =	task.clear_ibuf [dreg:s6], $0x2FFFF;
	_ =	strace $0x9FFFFFFF  }
0xc2: {  	(tm) =	ssettm $0x7FFFFFFF  }
0xc3: {  	_ =	shalt  }
tec
execute0_lowered:
.L_overlay_start_1:
0x0: {  	(tag) =	ssettag $0x1  }
0x1: {  	s0 =	rddreg [dreg:$0x0]  }
0x2: {  	s2 =	rddreg [dreg:$0x1];
	s6 =	simm.s32 $0x0;
	s1 =	srdreg.scid  }
0x3: {  	s7 =	stileid.u32;
	s28 =	simm.s32 $0xB;
	s29 =	simm.s32 $0x2780  }
0x4: {  	s30 =	simm.s32 $0x18B00;
	s1 =	sand.u32 $0x1, s1;
	s13 =	smul.u32 $0x13C00, s7  }
0x5: {  	s3 =	sshrl.u32 s7, $0x2;
	s4 =	sshll.u32 s7, $0x8;
	s7 =	smul.u32 $0x4F000, s7  }
0x6: {  	[smem:$0x7FF] =	sst s6;
	s3 =	smul.u32 $0x13C00, s3;
	s5 =	sshll.u32 s1, $0x7  }
0x7: {  	s4 =	sand.u32 $0x300, s4;
	s12 =	smul.u32 $0x13C000, s1;
	s1 =	ssub.s32 $0x2, s1  }
0x8: {  	_ =	strace $0x8000004A;
	s4 =	sor.u32 s5, s4;
	s14 =	sshrl.u32 s1, $0x1  }
0x9: {  	s7 =	sshrl.u32 s7, $0x2;
	s3 =	sor.u32 s3, s4;
	s4 =	sadd.s32 $0x28200, s0  }
0xa: {  	s5 =	sadd.s32 s13, s12;
	s1 =	ssub.s32 s1, s14;
	s3 =	sshrl.u32 s3, $0x3  }
0xb: {  	s5 =	sshrl.u32 s5, $0x3;
	s17 =	smax.u32 s1, $0x1;
	s3 =	sadd.s32 s3, s0  }
0xc: {  	s0 =	sadd.s32 s5, s0;
	[dreg:$0x7] =	wrdreg s17;
	s15 =	sadd.s32 $0x1E400, s3  }
0xd: {  	s5 =	sadd.s32 s7, s2;
	s3 =	sadd.s32 $0x14600, s3;
	[dreg:$0x3] =	wrdreg s15  }
0xe: {  	s31 =	simm.s32 $0x28;
	s16 =	sadd.s32 $0x12C00, s5;
	[dreg:$0x4] =	wrdreg s3  }
0xf: {  	s8 =	simm.s32 $0x2;
	s0 =	sadd.s32 $0x4F400, s0;
	[dreg:$0x5] =	wrdreg s16  }
0x10: {  	s9 =	simm.s32 $0x6;
	s18 =	sadd.s32 $0x1400, s5;
	[dreg:$0x6] =	wrdreg s0  }
0x11: {  	s10 =	simm.s32 $0x3;
	s19 =	sadd.s32 $0x2800, s5;
	[dreg:$0x8] =	wrdreg s18  }
0x12: {  	s11 =	simm.s32 $0x7;
	s20 =	sadd.s32 $0x3C00, s5;
	[dreg:$0x9] =	wrdreg s19  }
0x13: {  	s6 =	simm.s32 $0x1;
	s21 =	sadd.s32 $0x5000, s5;
	[dreg:$0xa] =	wrdreg s20  }
0x14: {  	s12 =	simm.s32 $0x4;
	s22 =	sadd.s32 $0x6400, s5;
	[dreg:$0xb] =	wrdreg s21  }
0x15: {  	s13 =	simm.s32 $0x8;
	s23 =	sadd.s32 $0x7800, s5;
	[dreg:$0xc] =	wrdreg s22  }
0x16: {  	s14 =	simm.s32 $0x5;
	s24 =	sadd.s32 $0x8C00, s5;
	[dreg:$0xd] =	wrdreg s23  }
0x17: {  	s1 =	simm.s32 $0x1C700;
	s25 =	sadd.s32 $0xA000, s5;
	[dreg:$0xe] =	wrdreg s24  }
0x18: {  	s7 =	simm.s32 $0x1DB00;
	s26 =	sadd.s32 $0xB400, s5;
	[dreg:$0xf] =	wrdreg s25  }
0x19: {  	s17 =	simm.s32 $0x0;
	[dreg:$0x10] =	wrdreg s26;
	s20 =	sadd.s32 $0xC800, s5  }
0x1a: {  	s21 =	sadd.s32 $0xDC00, s5;
	s22 =	sadd.s32 $0xF000, s5;
	s23 =	sadd.s32 $0x10400, s5  }
0x1b: {  	s24 =	sadd.s32 $0x11800, s5;
	s26 =	simm.s32 $0x400;
	s0 =	simm.s32 $0x19F00  }
0x1c: {  	v0 =	vimm.f32 $0.0e+00;
	s3 =	simm.s32 $0x1B300;
	s15 =	simm.s32 $0x9;
	s16 =	simm.s32 $0xA  }
.LBB2_1:
0x1d: {  	s18 =	simm.s32 $0x0;
	s19 =	rddreg [dreg:$0x3];
	s25 =	simm.s32 $0x80  }
0x1e: {  	[tilespmem:s18], [sflag:$0xB] =	stream.strided.gather [hbm4b:s19+s25], $0x2780, s26, s25, $0x38;
	[tilespmem:$0x1EF00] =	vst v63  }
0x1f: {  	_ =	swait.ge [sflag:s28], $0x2780  }
0x20: {  	[sflag:s28] =	ssyncset.done $0x0  }
0x21: {  	s19 =	rddreg [dreg:$0x4];
	[sflag:s28] =	ssyncadd.s32 $0xFFFFD880  }
0x22: {  	[tilespmem:s29], [sflag:$0xB] =	stream.strided.gather [hbm4b:s19+s25], $0x2780, s26, s25, $0x38;
	[tilespmem:$0x1EF00] =	vst v63  }
0x23: {  	_ =	swait.ge [sflag:s28], $0x2780  }
0x24: {  	[sflag:s28] =	ssyncset.done $0x0  }
0x25: {  	s18 =	simm.s32 $0x0;
	s25 =	simm.s32 $0x200;
	[sflag:s28] =	ssyncadd.s32 $0xFFFFD880  }
.LBB2_2:
0x26: {  	p0 =	sne.s32 s25, $0x4E00;
	[tilespmem:s18+$0x18B70] =	vst v0  }
0x27: {  	[tilespmem:s18+$0x18B00] =	vst v0  }
0x28: {  	[tilespmem:s18+$0x18B10] =	vst v0  }
.Ltmp0:
0x29: {  	[tilespmem:s18+$0x18B20] =	vst v0;
	(pc) =	sbr.rel @p0 .LBB2_2-.Ltmp0, $4  }
0x2a: {  	[tilespmem:s18+$0x18B30] =	vst v0  }
0x2b: {  	[tilespmem:s18+$0x18B40] =	vst v0  }
0x2c: {  	[tilespmem:s18+$0x18B50] =	vst v0  }
0x2d: {  	[tilespmem:s18+$0x18B60] =	vst v0;
	s18 =	sshra.s32 s25, $0x2;
	s25 =	sadd.s32 $0x200, s25  }
0x2e: {  	[tilespmem:s18+$0x18B70] =	vst v0  }
0x2f: {  	[tilespmem:s18+$0x18B00] =	vst v0  }
0x30: {  	[tilespmem:s18+$0x18B10] =	vst v0  }
0x31: {  	[tilespmem:s18+$0x18B20] =	vst v0  }
0x32: {  	[tilespmem:s18+$0x18B30] =	vst v0  }
0x33: {  	[tilespmem:s18+$0x18B40] =	vst v0  }
0x34: {  	[tilespmem:s18+$0x18B50] =	vst v0  }
0x35: {  	[tilespmem:s18+$0x18B60] =	vst v0  }
0x36: {  	[spmem:s5] =	stream.linear.scatter [tilespmem:s30], [sflag:$0xB], $0x1400, $0x38;
	[tilespmem:$0x1EF00] =	vst v63  }
0x37: {  	_ =	swait.ge [sflag:s28], $0x1400  }
0x38: {  	[sflag:s28] =	ssyncset.done $0x0  }
0x39: {  	s25 =	rddreg [dreg:$0x8];
	[sflag:s28] =	ssyncadd.s32 $0xFFFFEC00  }
0x3a: {  	[spmem:s25] =	stream.linear.scatter [tilespmem:s30], [sflag:$0xB], $0x1400, $0x38;
	[tilespmem:$0x1EF00] =	vst v63  }
0x3b: {  	_ =	swait.ge [sflag:s28], $0x1400  }
0x3c: {  	[sflag:s28] =	ssyncset.done $0x0  }
0x3d: {  	s19 =	rddreg [dreg:$0x9];
	[sflag:s28] =	ssyncadd.s32 $0xFFFFEC00  }
0x3e: {  	[spmem:s19] =	stream.linear.scatter [tilespmem:s30], [sflag:$0xB], $0x1400, $0x38;
	[tilespmem:$0x1EF00] =	vst v63  }
0x3f: {  	_ =	swait.ge [sflag:s28], $0x1400  }
0x40: {  	[sflag:s28] =	ssyncset.done $0x0  }
0x41: {  	s25 =	rddreg [dreg:$0xa];
	[sflag:s28] =	ssyncadd.s32 $0xFFFFEC00  }
0x42: {  	[spmem:s25] =	stream.linear.scatter [tilespmem:s30], [sflag:$0xB], $0x1400, $0x38;
	[tilespmem:$0x1EF00] =	vst v63  }
0x43: {  	_ =	swait.ge [sflag:s28], $0x1400  }
0x44: {  	[sflag:s28] =	ssyncset.done $0x0  }
0x45: {  	s19 =	rddreg [dreg:$0xb];
	[sflag:s28] =	ssyncadd.s32 $0xFFFFEC00  }
0x46: {  	[spmem:s19] =	stream.linear.scatter [tilespmem:s30], [sflag:$0xB], $0x1400, $0x38;
	[tilespmem:$0x1EF00] =	vst v63  }
0x47: {  	_ =	swait.ge [sflag:s28], $0x1400  }
0x48: {  	[sflag:s28] =	ssyncset.done $0x0  }
0x49: {  	s25 =	rddreg [dreg:$0xc];
	[sflag:s28] =	ssyncadd.s32 $0xFFFFEC00  }
0x4a: {  	[spmem:s25] =	stream.linear.scatter [tilespmem:s30], [sflag:$0xB], $0x1400, $0x38;
	[tilespmem:$0x1EF00] =	vst v63  }
0x4b: {  	_ =	swait.ge [sflag:s28], $0x1400  }
0x4c: {  	[sflag:s28] =	ssyncset.done $0x0  }
0x4d: {  	s19 =	rddreg [dreg:$0xd];
	[sflag:s28] =	ssyncadd.s32 $0xFFFFEC00  }
0x4e: {  	[spmem:s19] =	stream.linear.scatter [tilespmem:s30], [sflag:$0xB], $0x1400, $0x38;
	[tilespmem:$0x1EF00] =	vst v63  }
0x4f: {  	_ =	swait.ge [sflag:s28], $0x1400  }
0x50: {  	[sflag:s28] =	ssyncset.done $0x0  }
0x51: {  	s25 =	rddreg [dreg:$0xe];
	[sflag:s28] =	ssyncadd.s32 $0xFFFFEC00  }
0x52: {  	[spmem:s25] =	stream.linear.scatter [tilespmem:s30], [sflag:$0xB], $0x1400, $0x38;
	[tilespmem:$0x1EF00] =	vst v63  }
0x53: {  	_ =	swait.ge [sflag:s28], $0x1400  }
0x54: {  	[sflag:s28] =	ssyncset.done $0x0  }
0x55: {  	s19 =	rddreg [dreg:$0xf];
	[sflag:s28] =	ssyncadd.s32 $0xFFFFEC00  }
0x56: {  	[spmem:s19] =	stream.linear.scatter [tilespmem:s30], [sflag:$0xB], $0x1400, $0x38;
	[tilespmem:$0x1EF00] =	vst v63  }
0x57: {  	_ =	swait.ge [sflag:s28], $0x1400  }
0x58: {  	[sflag:s28] =	ssyncset.done $0x0  }
0x59: {  	s25 =	rddreg [dreg:$0x10];
	[sflag:s28] =	ssyncadd.s32 $0xFFFFEC00  }
0x5a: {  	[spmem:s25] =	stream.linear.scatter [tilespmem:s30], [sflag:$0xB], $0x1400, $0x38;
	[tilespmem:$0x1EF00] =	vst v63  }
0x5b: {  	_ =	swait.ge [sflag:s28], $0x1400  }
0x5c: {  	[sflag:s28] =	ssyncset.done $0x0  }
0x5d: {  	[sflag:s28] =	ssyncadd.s32 $0xFFFFEC00  }
0x5e: {  	[spmem:s20] =	stream.linear.scatter [tilespmem:s30], [sflag:$0xB], $0x1400, $0x38;
	[tilespmem:$0x1EF00] =	vst v63  }
0x5f: {  	_ =	swait.ge [sflag:s28], $0x1400  }
0x60: {  	[sflag:s28] =	ssyncset.done $0x0  }
0x61: {  	[sflag:s28] =	ssyncadd.s32 $0xFFFFEC00  }
0x62: {  	[spmem:s21] =	stream.linear.scatter [tilespmem:s30], [sflag:$0xB], $0x1400, $0x38;
	[tilespmem:$0x1EF00] =	vst v63  }
0x63: {  	_ =	swait.ge [sflag:s28], $0x1400  }
0x64: {  	[sflag:s28] =	ssyncset.done $0x0  }
0x65: {  	[sflag:s28] =	ssyncadd.s32 $0xFFFFEC00  }
0x66: {  	[spmem:s22] =	stream.linear.scatter [tilespmem:s30], [sflag:$0xB], $0x1400, $0x38;
	[tilespmem:$0x1EF00] =	vst v63  }
0x67: {  	_ =	swait.ge [sflag:s28], $0x1400  }
0x68: {  	[sflag:s28] =	ssyncset.done $0x0  }
0x69: {  	[sflag:s28] =	ssyncadd.s32 $0xFFFFEC00  }
0x6a: {  	[spmem:s23] =	stream.linear.scatter [tilespmem:s30], [sflag:$0xB], $0x1400, $0x38;
	[tilespmem:$0x1EF00] =	vst v63  }
0x6b: {  	_ =	swait.ge [sflag:s28], $0x1400  }
0x6c: {  	[sflag:s28] =	ssyncset.done $0x0  }
0x6d: {  	[sflag:s28] =	ssyncadd.s32 $0xFFFFEC00  }
0x6e: {  	[spmem:s24] =	stream.linear.scatter [tilespmem:s30], [sflag:$0xB], $0x1400, $0x38;
	[tilespmem:$0x1EF00] =	vst v63  }
0x6f: {  	_ =	swait.ge [sflag:s28], $0x1400  }
0x70: {  	[sflag:s28] =	ssyncset.done $0x0  }
0x71: {  	s19 =	rddreg [dreg:$0x5];
	[sflag:s28] =	ssyncadd.s32 $0xFFFFEC00  }
0x72: {  	[spmem:s19] =	stream.linear.scatter [tilespmem:s30], [sflag:$0xB], $0x1000, $0x38;
	[tilespmem:$0x1EF00] =	vst v63  }
0x73: {  	_ =	swait.ge [sflag:s28], $0x1000  }
0x74: {  	[sflag:s28] =	ssyncset.done $0x0  }
0x75: {  	[sflag:s28] =	ssyncadd.s32 $0xFFFFF000  }
0x76: {  	s25 =	simm.s32 $0x0;
	[bflag:$0x0] =	sbarrier.arrive $0xFFFF  }
0x77: {  	[tilespmem:s30], [sflag:$0x1] =	stream.indirect.gather [hbm4b:s4+s31], $0x80, s25, s31, $0xb8;
	[tilespmem:$0x1EF00] =	vst v63  }
0x78: {  	_ = 	snop  }
0x79: {  	[tilespmem:s0], [sflag:$0x2] =	stream.indirect.gather [hbm4b:s4+s31], $0x80, s31, s31, $0xb8;
	[tilespmem:$0x1EF00] =	vst v63  }
0x7a: {  	s19 =	simm.s32 $0x50  }
0x7b: {  	[tilespmem:s3], [sflag:$0x3] =	stream.indirect.gather [hbm4b:s4+s31], $0x80, s19, s31, $0xb8;
	[tilespmem:$0x1EF00] =	vst v63  }
0x7c: {  	s25 =	simm.s32 $0x78  }
0x7d: {  	[tilespmem:s1], [sflag:$0x4] =	stream.indirect.gather [hbm4b:s4+s31], $0x80, s25, s31, $0xb8;
	[tilespmem:$0x1EF00] =	vst v63  }
0x7e: {  	_ =	swait.ge [sflag:s6], $0x1400  }
0x7f: {  	[sflag:s6] =	ssyncset.done $0x0  }
0x80: {  	[sflag:s6] =	ssyncadd.s32 $0xFFFFEC00  }
0x81: {  	[spmem:s2] =	stream.indirect.scatter.add.f32 [tilespmem:s30], [sflag:$0x6], $0x80, s29, s31, $0xb8;
	[tilespmem:$0x1EF00] =	vst v63  }
0x82: {  	s19 =	simm.s32 $0xA0  }
0x83: {  	[tilespmem:s7], [sflag:$0x5] =	stream.indirect.gather [hbm4b:s4+s31], $0x80, s19, s31, $0xb8;
	[tilespmem:$0x1EF00] =	vst v63  }
0x84: {  	_ =	swait.ge [sflag:s8], $0x1400  }
0x85: {  	[sflag:s8] =	ssyncset.done $0x0  }
0x86: {  	s25 =	simm.s32 $0x27A8;
	[sflag:s8] =	ssyncadd.s32 $0xFFFFEC00  }
0x87: {  	[spmem:s2] =	stream.indirect.scatter.add.f32 [tilespmem:s0], [sflag:$0x7], $0x80, s25, s31, $0xb8;
	[tilespmem:$0x1EF00] =	vst v63  }
0x88: {  	_ =	swait.ge [sflag:s9], $0x1400  }
0x89: {  	[sflag:s9] =	ssyncset.done $0x0  }
0x8a: {  	s19 =	simm.s32 $0xC8;
	[sflag:s9] =	ssyncadd.s32 $0xFFFFEC00  }
0x8b: {  	[tilespmem:s30], [sflag:$0x1] =	stream.indirect.gather [hbm4b:s4+s31], $0x80, s19, s31, $0xb8;
	[tilespmem:$0x1EF00] =	vst v63  }
0x8c: {  	_ =	swait.ge [sflag:s10], $0x1400  }
0x8d: {  	[sflag:s10] =	ssyncset.done $0x0  }
0x8e: {  	s25 =	simm.s32 $0x27D0;
	[sflag:s10] =	ssyncadd.s32 $0xFFFFEC00  }
0x8f: {  	[spmem:s2] =	stream.indirect.scatter.add.f32 [tilespmem:s3], [sflag:$0x8], $0x80, s25, s31, $0xb8;
	[tilespmem:$0x1EF00] =	vst v63  }
0x90: {  	_ =	swait.ge [sflag:s11], $0x1400  }
0x91: {  	[sflag:s11] =	ssyncset.done $0x0  }
0x92: {  	s19 =	simm.s32 $0xF0;
	[sflag:s11] =	ssyncadd.s32 $0xFFFFEC00  }
0x93: {  	[tilespmem:s0], [sflag:$0x2] =	stream.indirect.gather [hbm4b:s4+s31], $0x80, s19, s31, $0xb8;
	[tilespmem:$0x1EF00] =	vst v63  }
0x94: {  	_ =	swait.ge [sflag:s12], $0x1400  }
0x95: {  	[sflag:s12] =	ssyncset.done $0x0  }
0x96: {  	s25 =	simm.s32 $0x27F8;
	[sflag:s12] =	ssyncadd.s32 $0xFFFFEC00  }
0x97: {  	[spmem:s2] =	stream.indirect.scatter.add.f32 [tilespmem:s1], [sflag:$0x9], $0x80, s25, s31, $0xb8;
	[tilespmem:$0x1EF00] =	vst v63  }
0x98: {  	_ =	swait.ge [sflag:s13], $0x1400  }
0x99: {  	[sflag:s13] =	ssyncset.done $0x0  }
0x9a: {  	s19 =	simm.s32 $0x118;
	[sflag:s13] =	ssyncadd.s32 $0xFFFFEC00  }
0x9b: {  	[tilespmem:s3], [sflag:$0x3] =	stream.indirect.gather [hbm4b:s4+s31], $0x80, s19, s31, $0xb8;
	[tilespmem:$0x1EF00] =	vst v63  }
0x9c: {  	_ =	swait.ge [sflag:s14], $0x1400  }
0x9d: {  	[sflag:s14] =	ssyncset.done $0x0  }
0x9e: {  	s25 =	simm.s32 $0x2820;
	[sflag:s14] =	ssyncadd.s32 $0xFFFFEC00  }
0x9f: {  	[spmem:s2] =	stream.indirect.scatter.add.f32 [tilespmem:s7], [sflag:$0xA], $0x80, s25, s31, $0xb8;
	[tilespmem:$0x1EF00] =	vst v63  }
0xa0: {  	_ =	swait.ge [sflag:s15], $0x1400  }
0xa1: {  	[sflag:s15] =	ssyncset.done $0x0  }
0xa2: {  	s19 =	simm.s32 $0x140;
	[sflag:s15] =	ssyncadd.s32 $0xFFFFEC00  }
0xa3: {  	[tilespmem:s1], [sflag:$0x4] =	stream.indirect.gather [hbm4b:s4+s31], $0x80, s19, s31, $0xb8;
	[tilespmem:$0x1EF00] =	vst v63  }
0xa4: {  	_ =	swait.ge [sflag:s6], $0x1400  }
0xa5: {  	[sflag:s6] =	ssyncset.done $0x0  }
0xa6: {  	s25 =	simm.s32 $0x2848;
	[sflag:s6] =	ssyncadd.s32 $0xFFFFEC00  }
0xa7: {  	[spmem:s2] =	stream.indirect.scatter.add.f32 [tilespmem:s30], [sflag:$0x6], $0x80, s25, s31, $0xb8;
	[tilespmem:$0x1EF00] =	vst v63  }
0xa8: {  	_ =	swait.ge [sflag:s16], $0x1400  }
0xa9: {  	[sflag:s16] =	ssyncset.done $0x0  }
0xaa: {  	s19 =	simm.s32 $0x168;
	[sflag:s16] =	ssyncadd.s32 $0xFFFFEC00  }
0xab: {  	[tilespmem:s7], [sflag:$0x5] =	stream.indirect.gather [hbm4b:s4+s31], $0x80, s19, s31, $0xb8;
	[tilespmem:$0x1EF00] =	vst v63  }
0xac: {  	_ =	swait.ge [sflag:s8], $0x1400  }
0xad: {  	[sflag:s8] =	ssyncset.done $0x0  }
0xae: {  	s25 =	simm.s32 $0x2870;
	[sflag:s8] =	ssyncadd.s32 $0xFFFFEC00  }
0xaf: {  	[spmem:s2] =	stream.indirect.scatter.add.f32 [tilespmem:s0], [sflag:$0x7], $0x80, s25, s31, $0xb8;
	[tilespmem:$0x1EF00] =	vst v63  }
0xb0: {  	_ =	swait.ge [sflag:s9], $0x1400  }
0xb1: {  	[sflag:s9] =	ssyncset.done $0x0  }
0xb2: {  	s19 =	simm.s32 $0x190;
	[sflag:s9] =	ssyncadd.s32 $0xFFFFEC00  }
0xb3: {  	[tilespmem:s30], [sflag:$0x1] =	stream.indirect.gather [hbm4b:s4+s31], $0x80, s19, s31, $0xb8;
	[tilespmem:$0x1EF00] =	vst v63  }
0xb4: {  	_ =	swait.ge [sflag:s10], $0x1400  }
0xb5: {  	[sflag:s10] =	ssyncset.done $0x0  }
0xb6: {  	s25 =	simm.s32 $0x2898;
	[sflag:s10] =	ssyncadd.s32 $0xFFFFEC00  }
0xb7: {  	[spmem:s2] =	stream.indirect.scatter.add.f32 [tilespmem:s3], [sflag:$0x8], $0x80, s25, s31, $0xb8;
	[tilespmem:$0x1EF00] =	vst v63  }
0xb8: {  	_ =	swait.ge [sflag:s11], $0x1400  }
0xb9: {  	[sflag:s11] =	ssyncset.done $0x0  }
0xba: {  	s19 =	simm.s32 $0x1B8;
	[sflag:s11] =	ssyncadd.s32 $0xFFFFEC00  }
0xbb: {  	[tilespmem:s0], [sflag:$0x2] =	stream.indirect.gather [hbm4b:s4+s31], $0x80, s19, s31, $0xb8;
	[tilespmem:$0x1EF00] =	vst v63  }
0xbc: {  	_ =	swait.ge [sflag:s12], $0x1400  }
0xbd: {  	[sflag:s12] =	ssyncset.done $0x0  }
0xbe: {  	s25 =	simm.s32 $0x28C0;
	[sflag:s12] =	ssyncadd.s32 $0xFFFFEC00  }
0xbf: {  	[spmem:s2] =	stream.indirect.scatter.add.f32 [tilespmem:s1], [sflag:$0x9], $0x80, s25, s31, $0xb8;
	[tilespmem:$0x1EF00] =	vst v63  }
0xc0: {  	_ =	swait.ge [sflag:s13], $0x1400  }
0xc1: {  	[sflag:s13] =	ssyncset.done $0x0  }
0xc2: {  	s19 =	simm.s32 $0x1E0;
	[sflag:s13] =	ssyncadd.s32 $0xFFFFEC00  }
0xc3: {  	[tilespmem:s3], [sflag:$0x3] =	stream.indirect.gather [hbm4b:s4+s31], $0x80, s19, s31, $0xb8;
	[tilespmem:$0x1EF00] =	vst v63  }
0xc4: {  	_ =	swait.ge [sflag:s14], $0x1400  }
0xc5: {  	[sflag:s14] =	ssyncset.done $0x0  }
0xc6: {  	s25 =	simm.s32 $0x28E8;
	[sflag:s14] =	ssyncadd.s32 $0xFFFFEC00  }
0xc7: {  	[spmem:s2] =	stream.indirect.scatter.add.f32 [tilespmem:s7], [sflag:$0xA], $0x80, s25, s31, $0xb8;
	[tilespmem:$0x1EF00] =	vst v63  }
0xc8: {  	_ =	swait.ge [sflag:s15], $0x1400  }
0xc9: {  	[sflag:s15] =	ssyncset.done $0x0  }
0xca: {  	s18 =	simm.s32 $0x320;
	s25 =	simm.s32 $0x208;
	[sflag:s15] =	ssyncadd.s32 $0xFFFFEC00  }
.LBB2_4:
0xcb: {  	[tilespmem:s1], [sflag:$0x4] =	stream.indirect.gather [hbm4b:s4+s31], $0x80, s25, s31, $0xb8;
	[tilespmem:$0x1EF00] =	vst v63  }
0xcc: {  	s25 =	smov.u32 s18  }
0xcd: {  	p0 =	sne.s32 s18, $0x92E0;
	s18 =	sadd.s32 $0x320, s18;
	_ =	swait.ge [sflag:s6], $0x1400  }
0xce: {  	s25 =	sshra.s32 s25, $0x2;
	[sflag:s6] =	ssyncset.done $0x0  }
0xcf: {  	s19 =	sadd.s32 $0x2848, s25;
	[sflag:s6] =	ssyncadd.s32 $0xFFFFEC00  }
0xd0: {  	[spmem:s2] =	stream.indirect.scatter.add.f32 [tilespmem:s30], [sflag:$0x6], $0x80, s19, s31, $0xb8;
	[tilespmem:$0x1EF00] =	vst v63  }
0xd1: {  	_ =	swait.ge [sflag:s16], $0x1400  }
0xd2: {  	[sflag:s16] =	ssyncset.done $0x0  }
0xd3: {  	s19 =	sadd.s32 $0x168, s25;
	[sflag:s16] =	ssyncadd.s32 $0xFFFFEC00  }
0xd4: {  	[tilespmem:s7], [sflag:$0x5] =	stream.indirect.gather [hbm4b:s4+s31], $0x80, s19, s31, $0xb8;
	[tilespmem:$0x1EF00] =	vst v63  }
0xd5: {  	_ =	swait.ge [sflag:s8], $0x1400  }
0xd6: {  	[sflag:s8] =	ssyncset.done $0x0  }
0xd7: {  	s19 =	sadd.s32 $0x2870, s25;
	[sflag:s8] =	ssyncadd.s32 $0xFFFFEC00  }
0xd8: {  	[spmem:s2] =	stream.indirect.scatter.add.f32 [tilespmem:s0], [sflag:$0x7], $0x80, s19, s31, $0xb8;
	[tilespmem:$0x1EF00] =	vst v63  }
0xd9: {  	_ =	swait.ge [sflag:s9], $0x1400  }
0xda: {  	[sflag:s9] =	ssyncset.done $0x0  }
0xdb: {  	s19 =	sadd.s32 $0x190, s25;
	[sflag:s9] =	ssyncadd.s32 $0xFFFFEC00  }
0xdc: {  	[tilespmem:s30], [sflag:$0x1] =	stream.indirect.gather [hbm4b:s4+s31], $0x80, s19, s31, $0xb8;
	[tilespmem:$0x1EF00] =	vst v63  }
0xdd: {  	_ =	swait.ge [sflag:s10], $0x1400  }
0xde: {  	[sflag:s10] =	ssyncset.done $0x0  }
0xdf: {  	s19 =	sadd.s32 $0x2898, s25;
	[sflag:s10] =	ssyncadd.s32 $0xFFFFEC00  }
0xe0: {  	[spmem:s2] =	stream.indirect.scatter.add.f32 [tilespmem:s3], [sflag:$0x8], $0x80, s19, s31, $0xb8;
	[tilespmem:$0x1EF00] =	vst v63  }
0xe1: {  	_ =	swait.ge [sflag:s11], $0x1400  }
0xe2: {  	[sflag:s11] =	ssyncset.done $0x0  }
0xe3: {  	s19 =	sadd.s32 $0x1B8, s25;
	[sflag:s11] =	ssyncadd.s32 $0xFFFFEC00  }
0xe4: {  	[tilespmem:s0], [sflag:$0x2] =	stream.indirect.gather [hbm4b:s4+s31], $0x80, s19, s31, $0xb8;
	[tilespmem:$0x1EF00] =	vst v63  }
0xe5: {  	_ =	swait.ge [sflag:s12], $0x1400  }
0xe6: {  	[sflag:s12] =	ssyncset.done $0x0  }
0xe7: {  	s19 =	sadd.s32 $0x28C0, s25;
	[sflag:s12] =	ssyncadd.s32 $0xFFFFEC00  }
0xe8: {  	[spmem:s2] =	stream.indirect.scatter.add.f32 [tilespmem:s1], [sflag:$0x9], $0x80, s19, s31, $0xb8;
	[tilespmem:$0x1EF00] =	vst v63  }
0xe9: {  	_ =	swait.ge [sflag:s13], $0x1400  }
0xea: {  	[sflag:s13] =	ssyncset.done $0x0  }
0xeb: {  	s19 =	sadd.s32 $0x1E0, s25;
	[sflag:s13] =	ssyncadd.s32 $0xFFFFEC00  }
0xec: {  	[tilespmem:s3], [sflag:$0x3] =	stream.indirect.gather [hbm4b:s4+s31], $0x80, s19, s31, $0xb8;
	[tilespmem:$0x1EF00] =	vst v63  }
0xed: {  	_ =	swait.ge [sflag:s14], $0x1400  }
0xee: {  	[sflag:s14] =	ssyncset.done $0x0  }
.Ltmp1:
0xef: {  	s19 =	sadd.s32 $0x28E8, s25;
	[sflag:s14] =	ssyncadd.s32 $0xFFFFEC00;
	(pc) =	sbr.rel @p0 .LBB2_4-.Ltmp1, $4  }
0xf0: {  	[spmem:s2] =	stream.indirect.scatter.add.f32 [tilespmem:s7], [sflag:$0xA], $0x80, s19, s31, $0xb8;
	[tilespmem:$0x1EF00] =	vst v63  }
0xf1: {  	_ =	swait.ge [sflag:s15], $0x1400  }
0xf2: {  	[sflag:s15] =	ssyncset.done $0x0  }
0xf3: {  	s25 =	sadd.s32 $0x208, s25;
	[sflag:s15] =	ssyncadd.s32 $0xFFFFEC00  }
0xf4: {  	[tilespmem:s1], [sflag:$0x4] =	stream.indirect.gather [hbm4b:s4+s31], $0x80, s25, s31, $0xb8;
	[tilespmem:$0x1EF00] =	vst v63  }
0xf5: {  	_ =	swait.ge [sflag:s6], $0x1400  }
0xf6: {  	[sflag:s6] =	ssyncset.done $0x0  }
0xf7: {  	s18 =	simm.s32 $0x4DC8;
	[sflag:s6] =	ssyncadd.s32 $0xFFFFEC00  }
0xf8: {  	[spmem:s2] =	stream.indirect.scatter.add.f32 [tilespmem:s30], [sflag:$0x6], $0x80, s18, s31, $0xb8;
	[tilespmem:$0x1EF00] =	vst v63  }
0xf9: {  	_ =	swait.ge [sflag:s16], $0x1400  }
0xfa: {  	[sflag:s16] =	ssyncset.done $0x0  }
0xfb: {  	s25 =	simm.s32 $0x26E8;
	[sflag:s16] =	ssyncadd.s32 $0xFFFFEC00  }
0xfc: {  	[tilespmem:s7], [sflag:$0x5] =	stream.indirect.gather [hbm4b:s4+s31], $0x80, s25, s31, $0xb8;
	[tilespmem:$0x1EF00] =	vst v63  }
0xfd: {  	_ =	swait.ge [sflag:s8], $0x1400  }
0xfe: {  	[sflag:s8] =	ssyncset.done $0x0  }
0xff: {  	s19 =	simm.s32 $0x4DF0;
	[sflag:s8] =	ssyncadd.s32 $0xFFFFEC00  }
0x100: {  	[spmem:s2] =	stream.indirect.scatter.add.f32 [tilespmem:s0], [sflag:$0x7], $0x80, s19, s31, $0xb8;
	[tilespmem:$0x1EF00] =	vst v63  }
0x101: {  	_ =	swait.ge [sflag:s10], $0x1400  }
0x102: {  	[sflag:s10] =	ssyncset.done $0x0  }
0x103: {  	s25 =	simm.s32 $0x4E18;
	[sflag:s10] =	ssyncadd.s32 $0xFFFFEC00  }
0x104: {  	[spmem:s2] =	stream.indirect.scatter.add.f32 [tilespmem:s3], [sflag:$0x8], $0x80, s25, s31, $0xb8;
	[tilespmem:$0x1EF00] =	vst v63  }
0x105: {  	_ =	swait.ge [sflag:s12], $0x1400  }
0x106: {  	[sflag:s12] =	ssyncset.done $0x0  }
0x107: {  	s19 =	simm.s32 $0x4E40;
	[sflag:s12] =	ssyncadd.s32 $0xFFFFEC00  }
0x108: {  	[spmem:s2] =	stream.indirect.scatter.add.f32 [tilespmem:s1], [sflag:$0x9], $0x80, s19, s31, $0xb8;
	[tilespmem:$0x1EF00] =	vst v63  }
0x109: {  	_ =	swait.ge [sflag:s14], $0x1400  }
0x10a: {  	[sflag:s14] =	ssyncset.done $0x0  }
0x10b: {  	s25 =	simm.s32 $0x4E68;
	[sflag:s14] =	ssyncadd.s32 $0xFFFFEC00  }
0x10c: {  	[spmem:s2] =	stream.indirect.scatter.add.f32 [tilespmem:s7], [sflag:$0xA], $0x80, s25, s31, $0xb8;
	[tilespmem:$0x1EF00] =	vst v63  }
0x10d: {  	_ =	swait.ge [sflag:s9], $0x1400  }
0x10e: {  	[sflag:s9] =	ssyncset.done $0x0  }
0x10f: {  	[sflag:s9] =	ssyncadd.s32 $0xFFFFEC00  }
0x110: {  	_ =	swait.ge [sflag:s11], $0x1400  }
0x111: {  	[sflag:s11] =	ssyncset.done $0x0  }
0x112: {  	[sflag:s11] =	ssyncadd.s32 $0xFFFFEC00  }
0x113: {  	_ =	swait.ge [sflag:s13], $0x1400  }
0x114: {  	[sflag:s13] =	ssyncset.done $0x0  }
0x115: {  	[sflag:s13] =	ssyncadd.s32 $0xFFFFEC00  }
0x116: {  	_ =	swait.ge [sflag:s15], $0x1400  }
0x117: {  	[sflag:s15] =	ssyncset.done $0x0  }
0x118: {  	[sflag:s15] =	ssyncadd.s32 $0xFFFFEC00  }
0x119: {  	_ =	swait.ge [sflag:s16], $0x1400  }
0x11a: {  	[sflag:s16] =	ssyncset.done $0x0  }
0x11b: {  	s19 =	stileid.u32;
	[sflag:s16] =	ssyncadd.s32 $0xFFFFEC00  }
0x11c: {  	s18 =	sshll.u32 s19, $0x6;
	[bflag:$0x0] =	sbarrier.arrive $0xFFFF  }
0x11d: {  	s19 =	sshrl.u32 s5, $0x3;
	s18 =	sor.u32 $0x1C0B, s18;
	s25 =	rddreg [dreg:$0x6]  }
0x11e: {  	[hbm:s25], [sflag:s18] =	dma.local [spmem:s19], $0x2780  }
0x11f: {  	_ =	swait.ge [sflag:s28], $0x2780  }
0x120: {  	s17 =	sadd.s32 $0x1, s17;
	s25 =	rddreg [dreg:$0x7]  }
0x121: {  	p0 =	sne.s32 s17, s25  }
.Ltmp2:
0x122: {  	_ = 	snop;
	(pc) =	sbr.rel @p0 .LBB2_1-.Ltmp2, $3  }
0x123: {  	_ =	sdelay $0x1  }
0x124: {  	[sflag:s28] =	ssyncset.done $0x0  }
0x125: {  	[sflag:s28] =	ssyncadd.s32 $0xFFFFD880  }
0x126: {  	_ =	sfence.sel $0x180000  }
0x127: {  	[bflag:$0x0] =	sbarrier.arrive $0xFFFF  }
0x128: {  	_ =	strace $0x9000004A  }
0x129: {  	s0 =	stileid.u32;
	[bflag:$0x2] =	sbarrier.arrive $0xFFFF  }
0x12a: {  	p0 =	sne.s32 s0, $0x0;
	s0 =	rddreg [dreg:$0x2]  }
0x12b: {  	s0 =	sadd.s32 @!p0 $0x100000, s0  }
0x12c: {  	[sflag:s0] =	ssyncadd.tile.s32 @!p0 $0x1;
	_ =	shalt  }
.Lfunc_end2:
_tile_overlayer_lowered:
.L_overlay_start_2:
0x12d: {  	(tag) =	ssettag $0x2  }
0x12e: {  	s0 =	rddreg [dreg:$0x0];
	s2 =	stileid.u32  }
0x12f: {  	s1 =	rddreg [dreg:$0x1];
	p0 =	sne.s32 s2, $0x0  }
0x130: {  	s3 =	rddreg [dreg:$0x2];
	[bflag:$0x3] =	sbarrier.arrive $0xFFFF;
	s2 =	simm.s32 @!p0 $0x1C0B  }
0x131: {  	[timem:s3], [sflag:s2] =	dma.local @!p0 [hbm:s0], s1  }
0x132: {  	s0 =	simm.s32 @!p0 $0xB  }
0x133: {  	_ =	swait.ge @!p0 [sflag:s0], s1  }
0x134: {  	s1 =	ssub.s32 @!p0 $0x0, s1;
	[sflag:s0] =	ssyncset.done @!p0 $0x0  }
0x135: {  	[sflag:s0] =	ssyncadd.s32 @!p0 s1  }
0x136: {  	[bflag:$0x3] =	sbarrier.arrive $0xFFFF  }
0x137: {  	_ =	shalt  }

// kernel: kernel.16.cloned.1.call-start
scs
__scs_entry_jumppad:
0x0: {  	(pc) =	sbr.rel $0x88, $3  }
0x1: {  	(tag) =	ssettag $0x0;
	lr =	simm.s32 $0x1  }
0x2: {  	[smem:$0x3F93] =	sst lr;
	_ =	strace $0xD0000000  }
0x3: {  	_ = 	snop  }
0x4: {  	_ = 	snop  }
0x5: {  	_ = 	snop  }
0x6: {  	_ = 	snop  }
0x7: {  	_ = 	snop  }
__scs_overlays_trampoline_lowered:
0x8: {  	[smem:$0x3FA2] =	sst s0  }
0x9: {  	[smem:$0x3FA3] =	sst s1  }
0xa: {  	[smem:$0x3FA4] =	sst s2  }
0xb: {  	[smem:$0x3FA5] =	sst s3  }
0xc: {  	[smem:$0x3FA6] =	sst s4  }
0xd: {  	[smem:$0x3FA7] =	sst s5  }
0xe: {  	[smem:$0x3FA8] =	sst s6  }
0xf: {  	[smem:$0x3FA9] =	sst s7  }
0x10: {  	[smem:$0x3FAA] =	sst s8  }
0x11: {  	[smem:$0x3FAB] =	sst s9;
	s0 =	simm.s32 @!p0 $0x0  }
0x12: {  	s1 =	sld [smem:$0x3F91];
	s0 =	simm.s32 @p0 $0x1  }
0x13: {  	[smem:$0x3FAC] =	sst s0;
	s0 =	simm.s32 @!p1 $0x0  }
0x14: {  	s2 =	sld [smem:$0x3F90];
	s0 =	simm.s32 @p1 $0x1  }
0x15: {  	[smem:$0x3FAD] =	sst s0;
	s0 =	simm.s32 @!p2 $0x0  }
0x16: {  	s3 =	sld [smem:$0x3FDB];
	s0 =	simm.s32 @p2 $0x1  }
0x17: {  	s4 =	simm.s32 $0x1BF5;
	[smem:$0x3FAF] =	sst s0  }
0x18: {  	s0 =	sld [smem:$0x3F92];
	_ =	swait.ge [sflag:s4], $0x0  }
0x19: {  	s7 =	sld [smem:$0x3F93]  }
0x1a: {  	s8 =	sadd.s32 $0xFFFFE003, lr  }
0x1b: {  	s9 =	sadd.s32 $0xFFFFFEF7, lr;
	s5 =	simm.s32 $0xFFFFFFFF;
	p2 =	slt.u32 s8, $0xFFFFF086  }
0x1c: {  	p1 =	slt.u32 s9, $0xF7A;
	s5 =	simm.s32 @!p2 $0x0  }
0x1d: {  	s5 =	simm.s32 @p1 $0x1;
	p0 =	seq.s32 s7, s2  }
0x1e: {  	s7 =	smul.u32 @!p0 $0xF7A, s2;
	p2 =	seq.s32 @!p0 s5, $0x0  }
0x1f: {  	s9 =	smul.u32 $0xF7A, s1;
	s8 =	simm.s32 @!p0 $0x1BF5;
	p2 =	por !p2, p0  }
0x20: {  	[sflag:s8] =	ssyncset.s32 @!p0 $0xFFFFF086;
	s6 =	sadd.s32 @!p0 s3, s7;
	s7 =	simm.s32 @!p0 $0x108  }
0x21: {  	s3 =	sadd.s32 s3, s9;
	s6 =	sadd.s32 @!p0 $0x88, s6;
	s7 =	simm.s32 @p2 $0x1082  }
0x22: {  	[simem:s7], [sflag:s8] =	dma.local @!p0 [hbm:s6], $0xF7A  }
0x23: {  	s9 =	sor.u32 $0xD0000000, s2;
	s6 =	simm.s32 $0x108;
	_ =	swait.ge @!p0 [sflag:s8], $0x0  }
0x24: {  	s3 =	sadd.s32 $0x88, s3;
	s6 =	simm.s32 @!p1 $0x1082;
	[sflag:s4] =	ssyncset.s32 $0xFFFFF086  }
0x25: {  	[simem:s6], [sflag:s4] =	dma.local [hbm:s3], $0xF7A  }
0x26: {  	[smem:$0x3F93] =	sst s1;
	(tag) =	ssettag s2;
	_ =	strace s9  }
0x27: {  	s1 =	sld [smem:$0x3FA3]  }
0x28: {  	s2 =	sld [smem:$0x3FA4]  }
0x29: {  	s4 =	sld [smem:$0x3FA6]  }
0x2a: {  	p0 =	seq.s32 s5, $0x0;
	s5 =	sld [smem:$0x3FA7]  }
0x2b: {  	s6 =	sld [smem:$0x3FA8]  }
0x2c: {  	s7 =	sld [smem:$0x3FA9]  }
0x2d: {  	s3 =	simm.s32 $0x108;
	s8 =	sld [smem:$0x3FAA]  }
0x2e: {  	s3 =	simm.s32 @!p0 $0x1082;
	s9 =	sld [smem:$0x3FAB]  }
0x2f: {  	lr =	sadd.s32 s0, s3;
	s0 =	sld [smem:$0x3FA2]  }
0x30: {  	s3 =	sld [smem:$0x3FA5]  }
0x31: {  	[smem:$0x3FAE] =	sst s10  }
0x32: {  	s10 =	sld [smem:$0x3FAC];
	_ =	sdelay $0x3  }
0x33: {  	p0 =	seq.s32 s10, $0x1;
	s10 =	sld [smem:$0x3FAE];
	_ =	sdelay $0x3  }
0x34: {  	[smem:$0x3FAE] =	sst s10  }
0x35: {  	s10 =	sld [smem:$0x3FAD];
	_ =	sdelay $0x3  }
0x36: {  	p1 =	seq.s32 s10, $0x1;
	s10 =	sld [smem:$0x3FAE];
	_ =	sdelay $0x3  }
0x37: {  	[smem:$0x3FAE] =	sst s10  }
0x38: {  	s10 =	sld [smem:$0x3FAF]  }
0x39: {  	_ = 	snop;
	(pc) =	sbr.ind lr, $3  }
0x3a: {  	_ = 	snop  }
0x3b: {  	_ = 	snop  }
0x3c: {  	p2 =	seq.s32 s10, $0x1;
	s10 =	sld [smem:$0x3FAE]  }
0x3d: {  	_ =	shalt  }
0x3e: {  	_ =	shalt  }
0x3f: {  	_ =	shalt  }
0x40: {  	_ =	shalt  }
0x41: {  	_ =	shalt  }
0x42: {  	_ =	shalt  }
0x43: {  	_ =	shalt  }
0x44: {  	_ =	shalt  }
0x45: {  	_ =	shalt  }
0x46: {  	_ =	shalt  }
0x47: {  	_ =	shalt  }
0x48: {  	_ =	shalt  }
0x49: {  	_ =	shalt  }
0x4a: {  	_ =	shalt  }
0x4b: {  	_ =	shalt  }
0x4c: {  	_ =	shalt  }
0x4d: {  	_ =	shalt  }
0x4e: {  	_ =	shalt  }
0x4f: {  	_ =	shalt  }
0x50: {  	_ =	shalt  }
0x51: {  	_ =	shalt  }
0x52: {  	_ =	shalt  }
0x53: {  	_ =	shalt  }
0x54: {  	_ =	shalt  }
0x55: {  	_ =	shalt  }
0x56: {  	_ =	shalt  }
0x57: {  	_ =	shalt  }
0x58: {  	_ =	shalt  }
0x59: {  	_ =	shalt  }
0x5a: {  	_ =	shalt  }
0x5b: {  	_ =	shalt  }
0x5c: {  	_ =	shalt  }
0x5d: {  	_ =	shalt  }
0x5e: {  	_ =	shalt  }
0x5f: {  	_ =	shalt  }
0x60: {  	_ =	shalt  }
0x61: {  	_ =	shalt  }
0x62: {  	_ =	shalt  }
0x63: {  	_ =	shalt  }
0x64: {  	_ =	shalt  }
0x65: {  	_ =	shalt  }
0x66: {  	_ =	shalt  }
0x67: {  	_ =	shalt  }
0x68: {  	_ =	shalt  }
0x69: {  	_ =	shalt  }
0x6a: {  	_ =	shalt  }
0x6b: {  	_ =	shalt  }
0x6c: {  	_ =	shalt  }
0x6d: {  	_ =	shalt  }
0x6e: {  	_ =	shalt  }
0x6f: {  	_ =	shalt  }
0x70: {  	_ =	shalt  }
0x71: {  	_ =	shalt  }
0x72: {  	_ =	shalt  }
0x73: {  	_ =	shalt  }
0x74: {  	_ =	shalt  }
0x75: {  	_ =	shalt  }
0x76: {  	_ =	shalt  }
0x77: {  	_ =	shalt  }
0x78: {  	_ =	shalt  }
0x79: {  	_ =	shalt  }
0x7a: {  	_ =	shalt  }
0x7b: {  	_ =	shalt  }
0x7c: {  	_ =	shalt  }
0x7d: {  	_ =	shalt  }
0x7e: {  	_ =	shalt  }
0x7f: {  	_ =	shalt  }
0x80: {  	_ =	shalt  }
0x81: {  	_ =	shalt  }
0x82: {  	_ =	shalt  }
0x83: {  	_ =	shalt  }
0x84: {  	_ =	shalt  }
0x85: {  	_ =	shalt  }
0x86: {  	_ =	shalt  }
0x87: {  	_ =	shalt  }
.Lfunc_end0:
.L_simem_size_0:
called_computation.2_lowered:
.L_overlay_start_0:
0x88: {  	s2 =	sld [smem:$0x3FD9]  }
0x89: {  	s3 =	sld [smem:$0x3FFE];
	_ =	sdelay $0x1  }
0x8a: {  	s1 =	srdreg.scid  }
0x8b: {  	s0 =	sand.u32 $0x1, s1  }
0x8c: {  	s16 =	sshll.u32 s0, $0xA;
	s2 =	sadd.s32 s3, s2  }
0x8d: {  	s2 =	sadd.s32 s2, s16  }
0x8e: {  	[smem:$0x3FBA] =	sst s2  }
0x8f: {  	_ = 	snop  }
0x90: {  	(tm) =	ssettm $0x1  }
0x91: {  	s17 =	sld [smem:$0x3FFB];
	_ =	sdelay $0x3  }
0x92: {  	_ =	strace s17  }
0x93: {  	s2 =	sld [smem:$0x3FFC];
	_ =	sdelay $0x3  }
0x94: {  	_ =	strace s2  }
0x95: {  	s2 =	sld [smem:$0x3FFD];
	_ =	sdelay $0x3  }
0x96: {  	_ =	strace s2  }
0x97: {  	_ =	strace $0x8FFFFFFF  }
0x98: {  	s18 =	sld [smem:$0x3FDB];
	_ =	sdelay $0x1  }
0x99: {  	s19 =	simm.s32 $_scs_section_size  }
0x9a: {  	s4 =	simm.s32 $_size__tile_overlayer_lowered;
	s5 =	simm.s32 $_tile_overlayer_lowered  }
0x9b: {  	s22 =	simm.s32 $0x1BFF;
	s21 =	sshll.u32 s5, $0x1;
	s2 =	sadd.s32 s19, s18  }
0x9c: {  	s6 =	simm.s32 $0x0;
	s20 =	sshll.u32 s4, $0x1;
	s4 =	sadd.s32 s21, s2  }
0x9d: {  	[timem:s6], [sflag:s22] =	dma.local [hbm:s4], s20  }
0x9e: {  	_ =	swait.ge [sflag:s22], s20  }
0x9f: {  	s3 =	ssub.s32 $0x0, s20;
	[sflag:s22] =	ssyncset.done $0x0  }
0xa0: {  	[sflag:s22] =	ssyncadd.s32 s3;
	_ =	sdelay $0x1  }
0xa1: {  	s23 =	simm.s32 $0x1B8B  }
0xa2: {  	_ =	swait.ge [sflag:s23], $0x1  }
0xa3: {  	[sflag:s23] =	ssyncset.done $0x0  }
0xa4: {  	s25 =	simm.s32 $0x1B8E;
	s24 =	sld [smem:$0x3FFE];
	[sflag:s23] =	ssyncadd.s32 $0xFFFFFFFF  }
0xa5: {  	s26 =	simm.s32 $execute0_lowered;
	[smem:$0x3FD2] =	sst s25  }
0xa6: {  	s4 =	sshll.u32 s26, $0x1;
	_ =	strace $0x8000004C;
	[dreg:$0x1] =	wrdreg $0xFFFFFFFF  }
0xa7: {  	s28 =	simm.s32 $_size_execute0_lowered;
	s2 =	sadd.s32 s2, s4;
	[dreg:$0x0] =	wrdreg $0x0  }
0xa8: {  	s4 =	sshll.u32 s28, $0x1;
	[dreg:$0x2] =	wrdreg s2  }
0xa9: {  	[dreg:$0x3] =	wrdreg s4  }
0xaa: {  	[dreg:$0x4] =	wrdreg $0xC0  }
0xab: {  	_ =	task [dreg:s6], $0x5FFFF  }
0xac: {  	[dreg:$0x1] =	wrdreg $0xFFFFFFFF  }
0xad: {  	[dreg:$0x0] =	wrdreg $0x60  }
0xae: {  	[dreg:$0x2] =	wrdreg s24  }
0xaf: {  	[dreg:$0x3] =	wrdreg $0x4F000  }
0xb0: {  	[dreg:$0x4] =	wrdreg $0x9  }
0xb1: {  	_ =	task.clear_ibuf [dreg:s6], $0x5FFFF;
	_ =	strace $0x9000004C  }
0xb2: {  	s29 =	simm.s32 $0x9;
	_ =	strace $0x8000004E  }
0xb3: {  	_ =	swait.ge [sflag:s29], $0x1  }
0xb4: {  	[sflag:s29] =	ssyncadd.s32 $0xFFFFFFFF  }
0xb5: {  	_ =	strace $0x9000004E  }
0xb6: {  	_ =	sfence  }
0xb7: {  	s30 =	sld [smem:$0x0];
	_ =	sdelay $0x2  }
0xb8: {  	s31 =	sshll.u32 s1, $0xD;
	s1 =	sshrl.u32 s1, $0x2  }
0xb9: {  	s3 =	sand.u32 $0x4000, s31;
	s1 =	sadd.s32 s1, s30  }
0xba: {  	s0 =	sor.u32 s3, s0;
	s1 =	sshll.u32 s1, $0x11  }
0xbb: {  	s0 =	sor.u32 s1, s0  }
0xbc: {  	s0 =	sadd.s32 $0x8F2B, s0  }
0xbd: {  	[sflag:s0] =	ssyncadd.remote.s32 $0x1  }
0xbe: {  	_ =	sfence.sel $0xFFFF  }
0xbf: {  	[dreg:$0x0] =	wrdreg $0xFFFFFFFF;
	(pc) =	sbr.abs _section_cstart, $3  }
0xc0: {  	[dreg:$0x1] =	wrdreg $0xFFFFFFFF  }
0xc1: {  	_ =	task.clear_ibuf [dreg:s6], $0x2FFFF;
	_ =	strace $0x9FFFFFFF  }
0xc2: {  	(tm) =	ssettm $0x7FFFFFFF  }
0xc3: {  	_ =	shalt  }
tec
execute0_lowered:
.L_overlay_start_1:
0x0: {  	(tag) =	ssettag $0x1  }
0x1: {  	s0 =	rddreg [dreg:$0x0]  }
0x2: {  	s2 =	rddreg [dreg:$0x1];
	s6 =	simm.s32 $0x0;
	s1 =	srdreg.scid  }
0x3: {  	s7 =	stileid.u32;
	s28 =	simm.s32 $0xB;
	s29 =	simm.s32 $0x2780  }
0x4: {  	s30 =	simm.s32 $0x18B00;
	s1 =	sand.u32 $0x1, s1;
	s13 =	smul.u32 $0x13C00, s7  }
0x5: {  	s3 =	sshrl.u32 s7, $0x2;
	s4 =	sshll.u32 s7, $0x8;
	s7 =	smul.u32 $0x4F000, s7  }
0x6: {  	[smem:$0x7FF] =	sst s6;
	s3 =	smul.u32 $0x13C00, s3;
	s5 =	sshll.u32 s1, $0x7  }
0x7: {  	s4 =	sand.u32 $0x300, s4;
	s12 =	smul.u32 $0x13C000, s1;
	s1 =	ssub.s32 $0x2, s1  }
0x8: {  	_ =	strace $0x8000004D;
	s4 =	sor.u32 s5, s4;
	s14 =	sshrl.u32 s1, $0x1  }
0x9: {  	s7 =	sshrl.u32 s7, $0x2;
	s3 =	sor.u32 s3, s4;
	s4 =	sadd.s32 $0x28200, s0  }
0xa: {  	s5 =	sadd.s32 s13, s12;
	s1 =	ssub.s32 s1, s14;
	s3 =	sshrl.u32 s3, $0x3  }
0xb: {  	s5 =	sshrl.u32 s5, $0x3;
	s17 =	smax.u32 s1, $0x1;
	s3 =	sadd.s32 s3, s0  }
0xc: {  	s0 =	sadd.s32 s5, s0;
	[dreg:$0x7] =	wrdreg s17;
	s15 =	sadd.s32 $0x1E400, s3  }
0xd: {  	s5 =	sadd.s32 s7, s2;
	s3 =	sadd.s32 $0x14600, s3;
	[dreg:$0x3] =	wrdreg s15  }
0xe: {  	s31 =	simm.s32 $0x28;
	s16 =	sadd.s32 $0x12C00, s5;
	[dreg:$0x4] =	wrdreg s3  }
0xf: {  	s8 =	simm.s32 $0x2;
	s0 =	sadd.s32 $0x4F400, s0;
	[dreg:$0x5] =	wrdreg s16  }
0x10: {  	s9 =	simm.s32 $0x6;
	s18 =	sadd.s32 $0x1400, s5;
	[dreg:$0x6] =	wrdreg s0  }
0x11: {  	s10 =	simm.s32 $0x3;
	s19 =	sadd.s32 $0x2800, s5;
	[dreg:$0x8] =	wrdreg s18  }
0x12: {  	s11 =	simm.s32 $0x7;
	s20 =	sadd.s32 $0x3C00, s5;
	[dreg:$0x9] =	wrdreg s19  }
0x13: {  	s6 =	simm.s32 $0x1;
	s21 =	sadd.s32 $0x5000, s5;
	[dreg:$0xa] =	wrdreg s20  }
0x14: {  	s12 =	simm.s32 $0x4;
	s22 =	sadd.s32 $0x6400, s5;
	[dreg:$0xb] =	wrdreg s21  }
0x15: {  	s13 =	simm.s32 $0x8;
	s23 =	sadd.s32 $0x7800, s5;
	[dreg:$0xc] =	wrdreg s22  }
0x16: {  	s14 =	simm.s32 $0x5;
	s24 =	sadd.s32 $0x8C00, s5;
	[dreg:$0xd] =	wrdreg s23  }
0x17: {  	s1 =	simm.s32 $0x1C700;
	s25 =	sadd.s32 $0xA000, s5;
	[dreg:$0xe] =	wrdreg s24  }
0x18: {  	s7 =	simm.s32 $0x1DB00;
	s26 =	sadd.s32 $0xB400, s5;
	[dreg:$0xf] =	wrdreg s25  }
0x19: {  	s17 =	simm.s32 $0x0;
	[dreg:$0x10] =	wrdreg s26;
	s20 =	sadd.s32 $0xC800, s5  }
0x1a: {  	s21 =	sadd.s32 $0xDC00, s5;
	s22 =	sadd.s32 $0xF000, s5;
	s23 =	sadd.s32 $0x10400, s5  }
0x1b: {  	s24 =	sadd.s32 $0x11800, s5;
	s26 =	simm.s32 $0x400;
	s0 =	simm.s32 $0x19F00  }
0x1c: {  	v0 =	vimm.f32 $0.0e+00;
	s3 =	simm.s32 $0x1B300;
	s15 =	simm.s32 $0x9;
	s16 =	simm.s32 $0xA  }
.LBB2_1:
0x1d: {  	s18 =	simm.s32 $0x0;
	s19 =	rddreg [dreg:$0x3];
	s25 =	simm.s32 $0x80  }
0x1e: {  	[tilespmem:s18], [sflag:$0xB] =	stream.strided.gather [hbm4b:s19+s25], $0x2780, s26, s25, $0x38;
	[tilespmem:$0x1EF00] =	vst v63  }
0x1f: {  	_ =	swait.ge [sflag:s28], $0x2780  }
0x20: {  	[sflag:s28] =	ssyncset.done $0x0  }
0x21: {  	s19 =	rddreg [dreg:$0x4];
	[sflag:s28] =	ssyncadd.s32 $0xFFFFD880  }
0x22: {  	[tilespmem:s29], [sflag:$0xB] =	stream.strided.gather [hbm4b:s19+s25], $0x2780, s26, s25, $0x38;
	[tilespmem:$0x1EF00] =	vst v63  }
0x23: {  	_ =	swait.ge [sflag:s28], $0x2780  }
0x24: {  	[sflag:s28] =	ssyncset.done $0x0  }
0x25: {  	s18 =	simm.s32 $0x0;
	s25 =	simm.s32 $0x200;
	[sflag:s28] =	ssyncadd.s32 $0xFFFFD880  }
.LBB2_2:
0x26: {  	p0 =	sne.s32 s25, $0x4E00;
	[tilespmem:s18+$0x18B70] =	vst v0  }
0x27: {  	[tilespmem:s18+$0x18B00] =	vst v0  }
0x28: {  	[tilespmem:s18+$0x18B10] =	vst v0  }
.Ltmp0:
0x29: {  	[tilespmem:s18+$0x18B20] =	vst v0;
	(pc) =	sbr.rel @p0 .LBB2_2-.Ltmp0, $4  }
0x2a: {  	[tilespmem:s18+$0x18B30] =	vst v0  }
0x2b: {  	[tilespmem:s18+$0x18B40] =	vst v0  }
0x2c: {  	[tilespmem:s18+$0x18B50] =	vst v0  }
0x2d: {  	[tilespmem:s18+$0x18B60] =	vst v0;
	s18 =	sshra.s32 s25, $0x2;
	s25 =	sadd.s32 $0x200, s25  }
0x2e: {  	[tilespmem:s18+$0x18B70] =	vst v0  }
0x2f: {  	[tilespmem:s18+$0x18B00] =	vst v0  }
0x30: {  	[tilespmem:s18+$0x18B10] =	vst v0  }
0x31: {  	[tilespmem:s18+$0x18B20] =	vst v0  }
0x32: {  	[tilespmem:s18+$0x18B30] =	vst v0  }
0x33: {  	[tilespmem:s18+$0x18B40] =	vst v0  }
0x34: {  	[tilespmem:s18+$0x18B50] =	vst v0  }
0x35: {  	[tilespmem:s18+$0x18B60] =	vst v0  }
0x36: {  	[spmem:s5] =	stream.linear.scatter [tilespmem:s30], [sflag:$0xB], $0x1400, $0x38;
	[tilespmem:$0x1EF00] =	vst v63  }
0x37: {  	_ =	swait.ge [sflag:s28], $0x1400  }
0x38: {  	[sflag:s28] =	ssyncset.done $0x0  }
0x39: {  	s25 =	rddreg [dreg:$0x8];
	[sflag:s28] =	ssyncadd.s32 $0xFFFFEC00  }
0x3a: {  	[spmem:s25] =	stream.linear.scatter [tilespmem:s30], [sflag:$0xB], $0x1400, $0x38;
	[tilespmem:$0x1EF00] =	vst v63  }
0x3b: {  	_ =	swait.ge [sflag:s28], $0x1400  }
0x3c: {  	[sflag:s28] =	ssyncset.done $0x0  }
0x3d: {  	s19 =	rddreg [dreg:$0x9];
	[sflag:s28] =	ssyncadd.s32 $0xFFFFEC00  }
0x3e: {  	[spmem:s19] =	stream.linear.scatter [tilespmem:s30], [sflag:$0xB], $0x1400, $0x38;
	[tilespmem:$0x1EF00] =	vst v63  }
0x3f: {  	_ =	swait.ge [sflag:s28], $0x1400  }
0x40: {  	[sflag:s28] =	ssyncset.done $0x0  }
0x41: {  	s25 =	rddreg [dreg:$0xa];
	[sflag:s28] =	ssyncadd.s32 $0xFFFFEC00  }
0x42: {  	[spmem:s25] =	stream.linear.scatter [tilespmem:s30], [sflag:$0xB], $0x1400, $0x38;
	[tilespmem:$0x1EF00] =	vst v63  }
0x43: {  	_ =	swait.ge [sflag:s28], $0x1400  }
0x44: {  	[sflag:s28] =	ssyncset.done $0x0  }
0x45: {  	s19 =	rddreg [dreg:$0xb];
	[sflag:s28] =	ssyncadd.s32 $0xFFFFEC00  }
0x46: {  	[spmem:s19] =	stream.linear.scatter [tilespmem:s30], [sflag:$0xB], $0x1400, $0x38;
	[tilespmem:$0x1EF00] =	vst v63  }
0x47: {  	_ =	swait.ge [sflag:s28], $0x1400  }
0x48: {  	[sflag:s28] =	ssyncset.done $0x0  }
0x49: {  	s25 =	rddreg [dreg:$0xc];
	[sflag:s28] =	ssyncadd.s32 $0xFFFFEC00  }
0x4a: {  	[spmem:s25] =	stream.linear.scatter [tilespmem:s30], [sflag:$0xB], $0x1400, $0x38;
	[tilespmem:$0x1EF00] =	vst v63  }
0x4b: {  	_ =	swait.ge [sflag:s28], $0x1400  }
0x4c: {  	[sflag:s28] =	ssyncset.done $0x0  }
0x4d: {  	s19 =	rddreg [dreg:$0xd];
	[sflag:s28] =	ssyncadd.s32 $0xFFFFEC00  }
0x4e: {  	[spmem:s19] =	stream.linear.scatter [tilespmem:s30], [sflag:$0xB], $0x1400, $0x38;
	[tilespmem:$0x1EF00] =	vst v63  }
0x4f: {  	_ =	swait.ge [sflag:s28], $0x1400  }
0x50: {  	[sflag:s28] =	ssyncset.done $0x0  }
0x51: {  	s25 =	rddreg [dreg:$0xe];
	[sflag:s28] =	ssyncadd.s32 $0xFFFFEC00  }
0x52: {  	[spmem:s25] =	stream.linear.scatter [tilespmem:s30], [sflag:$0xB], $0x1400, $0x38;
	[tilespmem:$0x1EF00] =	vst v63  }
0x53: {  	_ =	swait.ge [sflag:s28], $0x1400  }
0x54: {  	[sflag:s28] =	ssyncset.done $0x0  }
0x55: {  	s19 =	rddreg [dreg:$0xf];
	[sflag:s28] =	ssyncadd.s32 $0xFFFFEC00  }
0x56: {  	[spmem:s19] =	stream.linear.scatter [tilespmem:s30], [sflag:$0xB], $0x1400, $0x38;
	[tilespmem:$0x1EF00] =	vst v63  }
0x57: {  	_ =	swait.ge [sflag:s28], $0x1400  }
0x58: {  	[sflag:s28] =	ssyncset.done $0x0  }
0x59: {  	s25 =	rddreg [dreg:$0x10];
	[sflag:s28] =	ssyncadd.s32 $0xFFFFEC00  }
0x5a: {  	[spmem:s25] =	stream.linear.scatter [tilespmem:s30], [sflag:$0xB], $0x1400, $0x38;
	[tilespmem:$0x1EF00] =	vst v63  }
0x5b: {  	_ =	swait.ge [sflag:s28], $0x1400  }
0x5c: {  	[sflag:s28] =	ssyncset.done $0x0  }
0x5d: {  	[sflag:s28] =	ssyncadd.s32 $0xFFFFEC00  }
0x5e: {  	[spmem:s20] =	stream.linear.scatter [tilespmem:s30], [sflag:$0xB], $0x1400, $0x38;
	[tilespmem:$0x1EF00] =	vst v63  }
0x5f: {  	_ =	swait.ge [sflag:s28], $0x1400  }
0x60: {  	[sflag:s28] =	ssyncset.done $0x0  }
0x61: {  	[sflag:s28] =	ssyncadd.s32 $0xFFFFEC00  }
0x62: {  	[spmem:s21] =	stream.linear.scatter [tilespmem:s30], [sflag:$0xB], $0x1400, $0x38;
	[tilespmem:$0x1EF00] =	vst v63  }
0x63: {  	_ =	swait.ge [sflag:s28], $0x1400  }
0x64: {  	[sflag:s28] =	ssyncset.done $0x0  }
0x65: {  	[sflag:s28] =	ssyncadd.s32 $0xFFFFEC00  }
0x66: {  	[spmem:s22] =	stream.linear.scatter [tilespmem:s30], [sflag:$0xB], $0x1400, $0x38;
	[tilespmem:$0x1EF00] =	vst v63  }
0x67: {  	_ =	swait.ge [sflag:s28], $0x1400  }
0x68: {  	[sflag:s28] =	ssyncset.done $0x0  }
0x69: {  	[sflag:s28] =	ssyncadd.s32 $0xFFFFEC00  }
0x6a: {  	[spmem:s23] =	stream.linear.scatter [tilespmem:s30], [sflag:$0xB], $0x1400, $0x38;
	[tilespmem:$0x1EF00] =	vst v63  }
0x6b: {  	_ =	swait.ge [sflag:s28], $0x1400  }
0x6c: {  	[sflag:s28] =	ssyncset.done $0x0  }
0x6d: {  	[sflag:s28] =	ssyncadd.s32 $0xFFFFEC00  }
0x6e: {  	[spmem:s24] =	stream.linear.scatter [tilespmem:s30], [sflag:$0xB], $0x1400, $0x38;
	[tilespmem:$0x1EF00] =	vst v63  }
0x6f: {  	_ =	swait.ge [sflag:s28], $0x1400  }
0x70: {  	[sflag:s28] =	ssyncset.done $0x0  }
0x71: {  	s19 =	rddreg [dreg:$0x5];
	[sflag:s28] =	ssyncadd.s32 $0xFFFFEC00  }
0x72: {  	[spmem:s19] =	stream.linear.scatter [tilespmem:s30], [sflag:$0xB], $0x1000, $0x38;
	[tilespmem:$0x1EF00] =	vst v63  }
0x73: {  	_ =	swait.ge [sflag:s28], $0x1000  }
0x74: {  	[sflag:s28] =	ssyncset.done $0x0  }
0x75: {  	[sflag:s28] =	ssyncadd.s32 $0xFFFFF000  }
0x76: {  	s25 =	simm.s32 $0x0;
	[bflag:$0x0] =	sbarrier.arrive $0xFFFF  }
0x77: {  	[tilespmem:s30], [sflag:$0x1] =	stream.indirect.gather [hbm4b:s4+s31], $0x80, s25, s31, $0xb8;
	[tilespmem:$0x1EF00] =	vst v63  }
0x78: {  	_ = 	snop  }
0x79: {  	[tilespmem:s0], [sflag:$0x2] =	stream.indirect.gather [hbm4b:s4+s31], $0x80, s31, s31, $0xb8;
	[tilespmem:$0x1EF00] =	vst v63  }
0x7a: {  	s19 =	simm.s32 $0x50  }
0x7b: {  	[tilespmem:s3], [sflag:$0x3] =	stream.indirect.gather [hbm4b:s4+s31], $0x80, s19, s31, $0xb8;
	[tilespmem:$0x1EF00] =	vst v63  }
0x7c: {  	s25 =	simm.s32 $0x78  }
0x7d: {  	[tilespmem:s1], [sflag:$0x4] =	stream.indirect.gather [hbm4b:s4+s31], $0x80, s25, s31, $0xb8;
	[tilespmem:$0x1EF00] =	vst v63  }
0x7e: {  	_ =	swait.ge [sflag:s6], $0x1400  }
0x7f: {  	[sflag:s6] =	ssyncset.done $0x0  }
0x80: {  	[sflag:s6] =	ssyncadd.s32 $0xFFFFEC00  }
0x81: {  	[spmem:s2] =	stream.indirect.scatter.add.f32 [tilespmem:s30], [sflag:$0x6], $0x80, s29, s31, $0xb8;
	[tilespmem:$0x1EF00] =	vst v63  }
0x82: {  	s19 =	simm.s32 $0xA0  }
0x83: {  	[tilespmem:s7], [sflag:$0x5] =	stream.indirect.gather [hbm4b:s4+s31], $0x80, s19, s31, $0xb8;
	[tilespmem:$0x1EF00] =	vst v63  }
0x84: {  	_ =	swait.ge [sflag:s8], $0x1400  }
0x85: {  	[sflag:s8] =	ssyncset.done $0x0  }
0x86: {  	s25 =	simm.s32 $0x27A8;
	[sflag:s8] =	ssyncadd.s32 $0xFFFFEC00  }
0x87: {  	[spmem:s2] =	stream.indirect.scatter.add.f32 [tilespmem:s0], [sflag:$0x7], $0x80, s25, s31, $0xb8;
	[tilespmem:$0x1EF00] =	vst v63  }
0x88: {  	_ =	swait.ge [sflag:s9], $0x1400  }
0x89: {  	[sflag:s9] =	ssyncset.done $0x0  }
0x8a: {  	s19 =	simm.s32 $0xC8;
	[sflag:s9] =	ssyncadd.s32 $0xFFFFEC00  }
0x8b: {  	[tilespmem:s30], [sflag:$0x1] =	stream.indirect.gather [hbm4b:s4+s31], $0x80, s19, s31, $0xb8;
	[tilespmem:$0x1EF00] =	vst v63  }
0x8c: {  	_ =	swait.ge [sflag:s10], $0x1400  }
0x8d: {  	[sflag:s10] =	ssyncset.done $0x0  }
0x8e: {  	s25 =	simm.s32 $0x27D0;
	[sflag:s10] =	ssyncadd.s32 $0xFFFFEC00  }
0x8f: {  	[spmem:s2] =	stream.indirect.scatter.add.f32 [tilespmem:s3], [sflag:$0x8], $0x80, s25, s31, $0xb8;
	[tilespmem:$0x1EF00] =	vst v63  }
0x90: {  	_ =	swait.ge [sflag:s11], $0x1400  }
0x91: {  	[sflag:s11] =	ssyncset.done $0x0  }
0x92: {  	s19 =	simm.s32 $0xF0;
	[sflag:s11] =	ssyncadd.s32 $0xFFFFEC00  }
0x93: {  	[tilespmem:s0], [sflag:$0x2] =	stream.indirect.gather [hbm4b:s4+s31], $0x80, s19, s31, $0xb8;
	[tilespmem:$0x1EF00] =	vst v63  }
0x94: {  	_ =	swait.ge [sflag:s12], $0x1400  }
0x95: {  	[sflag:s12] =	ssyncset.done $0x0  }
0x96: {  	s25 =	simm.s32 $0x27F8;
	[sflag:s12] =	ssyncadd.s32 $0xFFFFEC00  }
0x97: {  	[spmem:s2] =	stream.indirect.scatter.add.f32 [tilespmem:s1], [sflag:$0x9], $0x80, s25, s31, $0xb8;
	[tilespmem:$0x1EF00] =	vst v63  }
0x98: {  	_ =	swait.ge [sflag:s13], $0x1400  }
0x99: {  	[sflag:s13] =	ssyncset.done $0x0  }
0x9a: {  	s19 =	simm.s32 $0x118;
	[sflag:s13] =	ssyncadd.s32 $0xFFFFEC00  }
0x9b: {  	[tilespmem:s3], [sflag:$0x3] =	stream.indirect.gather [hbm4b:s4+s31], $0x80, s19, s31, $0xb8;
	[tilespmem:$0x1EF00] =	vst v63  }
0x9c: {  	_ =	swait.ge [sflag:s14], $0x1400  }
0x9d: {  	[sflag:s14] =	ssyncset.done $0x0  }
0x9e: {  	s25 =	simm.s32 $0x2820;
	[sflag:s14] =	ssyncadd.s32 $0xFFFFEC00  }
0x9f: {  	[spmem:s2] =	stream.indirect.scatter.add.f32 [tilespmem:s7], [sflag:$0xA], $0x80, s25, s31, $0xb8;
	[tilespmem:$0x1EF00] =	vst v63  }
0xa0: {  	_ =	swait.ge [sflag:s15], $0x1400  }
0xa1: {  	[sflag:s15] =	ssyncset.done $0x0  }
0xa2: {  	s19 =	simm.s32 $0x140;
	[sflag:s15] =	ssyncadd.s32 $0xFFFFEC00  }
0xa3: {  	[tilespmem:s1], [sflag:$0x4] =	stream.indirect.gather [hbm4b:s4+s31], $0x80, s19, s31, $0xb8;
	[tilespmem:$0x1EF00] =	vst v63  }
0xa4: {  	_ =	swait.ge [sflag:s6], $0x1400  }
0xa5: {  	[sflag:s6] =	ssyncset.done $0x0  }
0xa6: {  	s25 =	simm.s32 $0x2848;
	[sflag:s6] =	ssyncadd.s32 $0xFFFFEC00  }
0xa7: {  	[spmem:s2] =	stream.indirect.scatter.add.f32 [tilespmem:s30], [sflag:$0x6], $0x80, s25, s31, $0xb8;
	[tilespmem:$0x1EF00] =	vst v63  }
0xa8: {  	_ =	swait.ge [sflag:s16], $0x1400  }
0xa9: {  	[sflag:s16] =	ssyncset.done $0x0  }
0xaa: {  	s19 =	simm.s32 $0x168;
	[sflag:s16] =	ssyncadd.s32 $0xFFFFEC00  }
0xab: {  	[tilespmem:s7], [sflag:$0x5] =	stream.indirect.gather [hbm4b:s4+s31], $0x80, s19, s31, $0xb8;
	[tilespmem:$0x1EF00] =	vst v63  }
0xac: {  	_ =	swait.ge [sflag:s8], $0x1400  }
0xad: {  	[sflag:s8] =	ssyncset.done $0x0  }
0xae: {  	s25 =	simm.s32 $0x2870;
	[sflag:s8] =	ssyncadd.s32 $0xFFFFEC00  }
0xaf: {  	[spmem:s2] =	stream.indirect.scatter.add.f32 [tilespmem:s0], [sflag:$0x7], $0x80, s25, s31, $0xb8;
	[tilespmem:$0x1EF00] =	vst v63  }
0xb0: {  	_ =	swait.ge [sflag:s9], $0x1400  }
0xb1: {  	[sflag:s9] =	ssyncset.done $0x0  }
0xb2: {  	s19 =	simm.s32 $0x190;
	[sflag:s9] =	ssyncadd.s32 $0xFFFFEC00  }
0xb3: {  	[tilespmem:s30], [sflag:$0x1] =	stream.indirect.gather [hbm4b:s4+s31], $0x80, s19, s31, $0xb8;
	[tilespmem:$0x1EF00] =	vst v63  }
0xb4: {  	_ =	swait.ge [sflag:s10], $0x1400  }
0xb5: {  	[sflag:s10] =	ssyncset.done $0x0  }
0xb6: {  	s25 =	simm.s32 $0x2898;
	[sflag:s10] =	ssyncadd.s32 $0xFFFFEC00  }
0xb7: {  	[spmem:s2] =	stream.indirect.scatter.add.f32 [tilespmem:s3], [sflag:$0x8], $0x80, s25, s31, $0xb8;
	[tilespmem:$0x1EF00] =	vst v63  }
0xb8: {  	_ =	swait.ge [sflag:s11], $0x1400  }
0xb9: {  	[sflag:s11] =	ssyncset.done $0x0  }
0xba: {  	s19 =	simm.s32 $0x1B8;
	[sflag:s11] =	ssyncadd.s32 $0xFFFFEC00  }
0xbb: {  	[tilespmem:s0], [sflag:$0x2] =	stream.indirect.gather [hbm4b:s4+s31], $0x80, s19, s31, $0xb8;
	[tilespmem:$0x1EF00] =	vst v63  }
0xbc: {  	_ =	swait.ge [sflag:s12], $0x1400  }
0xbd: {  	[sflag:s12] =	ssyncset.done $0x0  }
0xbe: {  	s25 =	simm.s32 $0x28C0;
	[sflag:s12] =	ssyncadd.s32 $0xFFFFEC00  }
0xbf: {  	[spmem:s2] =	stream.indirect.scatter.add.f32 [tilespmem:s1], [sflag:$0x9], $0x80, s25, s31, $0xb8;
	[tilespmem:$0x1EF00] =	vst v63  }
0xc0: {  	_ =	swait.ge [sflag:s13], $0x1400  }
0xc1: {  	[sflag:s13] =	ssyncset.done $0x0  }
0xc2: {  	s19 =	simm.s32 $0x1E0;
	[sflag:s13] =	ssyncadd.s32 $0xFFFFEC00  }
0xc3: {  	[tilespmem:s3], [sflag:$0x3] =	stream.indirect.gather [hbm4b:s4+s31], $0x80, s19, s31, $0xb8;
	[tilespmem:$0x1EF00] =	vst v63  }
0xc4: {  	_ =	swait.ge [sflag:s14], $0x1400  }
0xc5: {  	[sflag:s14] =	ssyncset.done $0x0  }
0xc6: {  	s25 =	simm.s32 $0x28E8;
	[sflag:s14] =	ssyncadd.s32 $0xFFFFEC00  }
0xc7: {  	[spmem:s2] =	stream.indirect.scatter.add.f32 [tilespmem:s7], [sflag:$0xA], $0x80, s25, s31, $0xb8;
	[tilespmem:$0x1EF00] =	vst v63  }
0xc8: {  	_ =	swait.ge [sflag:s15], $0x1400  }
0xc9: {  	[sflag:s15] =	ssyncset.done $0x0  }
0xca: {  	s18 =	simm.s32 $0x320;
	s25 =	simm.s32 $0x208;
	[sflag:s15] =	ssyncadd.s32 $0xFFFFEC00  }
.LBB2_4:
0xcb: {  	[tilespmem:s1], [sflag:$0x4] =	stream.indirect.gather [hbm4b:s4+s31], $0x80, s25, s31, $0xb8;
	[tilespmem:$0x1EF00] =	vst v63  }
0xcc: {  	s25 =	smov.u32 s18  }
0xcd: {  	p0 =	sne.s32 s18, $0x92E0;
	s18 =	sadd.s32 $0x320, s18;
	_ =	swait.ge [sflag:s6], $0x1400  }
0xce: {  	s25 =	sshra.s32 s25, $0x2;
	[sflag:s6] =	ssyncset.done $0x0  }
0xcf: {  	s19 =	sadd.s32 $0x2848, s25;
	[sflag:s6] =	ssyncadd.s32 $0xFFFFEC00  }
0xd0: {  	[spmem:s2] =	stream.indirect.scatter.add.f32 [tilespmem:s30], [sflag:$0x6], $0x80, s19, s31, $0xb8;
	[tilespmem:$0x1EF00] =	vst v63  }
0xd1: {  	_ =	swait.ge [sflag:s16], $0x1400  }
0xd2: {  	[sflag:s16] =	ssyncset.done $0x0  }
0xd3: {  	s19 =	sadd.s32 $0x168, s25;
	[sflag:s16] =	ssyncadd.s32 $0xFFFFEC00  }
0xd4: {  	[tilespmem:s7], [sflag:$0x5] =	stream.indirect.gather [hbm4b:s4+s31], $0x80, s19, s31, $0xb8;
	[tilespmem:$0x1EF00] =	vst v63  }
0xd5: {  	_ =	swait.ge [sflag:s8], $0x1400  }
0xd6: {  	[sflag:s8] =	ssyncset.done $0x0  }
0xd7: {  	s19 =	sadd.s32 $0x2870, s25;
	[sflag:s8] =	ssyncadd.s32 $0xFFFFEC00  }
0xd8: {  	[spmem:s2] =	stream.indirect.scatter.add.f32 [tilespmem:s0], [sflag:$0x7], $0x80, s19, s31, $0xb8;
	[tilespmem:$0x1EF00] =	vst v63  }
0xd9: {  	_ =	swait.ge [sflag:s9], $0x1400  }
0xda: {  	[sflag:s9] =	ssyncset.done $0x0  }
0xdb: {  	s19 =	sadd.s32 $0x190, s25;
	[sflag:s9] =	ssyncadd.s32 $0xFFFFEC00  }
0xdc: {  	[tilespmem:s30], [sflag:$0x1] =	stream.indirect.gather [hbm4b:s4+s31], $0x80, s19, s31, $0xb8;
	[tilespmem:$0x1EF00] =	vst v63  }
0xdd: {  	_ =	swait.ge [sflag:s10], $0x1400  }
0xde: {  	[sflag:s10] =	ssyncset.done $0x0  }
0xdf: {  	s19 =	sadd.s32 $0x2898, s25;
	[sflag:s10] =	ssyncadd.s32 $0xFFFFEC00  }
0xe0: {  	[spmem:s2] =	stream.indirect.scatter.add.f32 [tilespmem:s3], [sflag:$0x8], $0x80, s19, s31, $0xb8;
	[tilespmem:$0x1EF00] =	vst v63  }
0xe1: {  	_ =	swait.ge [sflag:s11], $0x1400  }
0xe2: {  	[sflag:s11] =	ssyncset.done $0x0  }
0xe3: {  	s19 =	sadd.s32 $0x1B8, s25;
	[sflag:s11] =	ssyncadd.s32 $0xFFFFEC00  }
0xe4: {  	[tilespmem:s0], [sflag:$0x2] =	stream.indirect.gather [hbm4b:s4+s31], $0x80, s19, s31, $0xb8;
	[tilespmem:$0x1EF00] =	vst v63  }
0xe5: {  	_ =	swait.ge [sflag:s12], $0x1400  }
0xe6: {  	[sflag:s12] =	ssyncset.done $0x0  }
0xe7: {  	s19 =	sadd.s32 $0x28C0, s25;
	[sflag:s12] =	ssyncadd.s32 $0xFFFFEC00  }
0xe8: {  	[spmem:s2] =	stream.indirect.scatter.add.f32 [tilespmem:s1], [sflag:$0x9], $0x80, s19, s31, $0xb8;
	[tilespmem:$0x1EF00] =	vst v63  }
0xe9: {  	_ =	swait.ge [sflag:s13], $0x1400  }
0xea: {  	[sflag:s13] =	ssyncset.done $0x0  }
0xeb: {  	s19 =	sadd.s32 $0x1E0, s25;
	[sflag:s13] =	ssyncadd.s32 $0xFFFFEC00  }
0xec: {  	[tilespmem:s3], [sflag:$0x3] =	stream.indirect.gather [hbm4b:s4+s31], $0x80, s19, s31, $0xb8;
	[tilespmem:$0x1EF00] =	vst v63  }
0xed: {  	_ =	swait.ge [sflag:s14], $0x1400  }
0xee: {  	[sflag:s14] =	ssyncset.done $0x0  }
.Ltmp1:
0xef: {  	s19 =	sadd.s32 $0x28E8, s25;
	[sflag:s14] =	ssyncadd.s32 $0xFFFFEC00;
	(pc) =	sbr.rel @p0 .LBB2_4-.Ltmp1, $4  }
0xf0: {  	[spmem:s2] =	stream.indirect.scatter.add.f32 [tilespmem:s7], [sflag:$0xA], $0x80, s19, s31, $0xb8;
	[tilespmem:$0x1EF00] =	vst v63  }
0xf1: {  	_ =	swait.ge [sflag:s15], $0x1400  }
0xf2: {  	[sflag:s15] =	ssyncset.done $0x0  }
0xf3: {  	s25 =	sadd.s32 $0x208, s25;
	[sflag:s15] =	ssyncadd.s32 $0xFFFFEC00  }
0xf4: {  	[tilespmem:s1], [sflag:$0x4] =	stream.indirect.gather [hbm4b:s4+s31], $0x80, s25, s31, $0xb8;
	[tilespmem:$0x1EF00] =	vst v63  }
0xf5: {  	_ =	swait.ge [sflag:s6], $0x1400  }
0xf6: {  	[sflag:s6] =	ssyncset.done $0x0  }
0xf7: {  	s18 =	simm.s32 $0x4DC8;
	[sflag:s6] =	ssyncadd.s32 $0xFFFFEC00  }
0xf8: {  	[spmem:s2] =	stream.indirect.scatter.add.f32 [tilespmem:s30], [sflag:$0x6], $0x80, s18, s31, $0xb8;
	[tilespmem:$0x1EF00] =	vst v63  }
0xf9: {  	_ =	swait.ge [sflag:s16], $0x1400  }
0xfa: {  	[sflag:s16] =	ssyncset.done $0x0  }
0xfb: {  	s25 =	simm.s32 $0x26E8;
	[sflag:s16] =	ssyncadd.s32 $0xFFFFEC00  }
0xfc: {  	[tilespmem:s7], [sflag:$0x5] =	stream.indirect.gather [hbm4b:s4+s31], $0x80, s25, s31, $0xb8;
	[tilespmem:$0x1EF00] =	vst v63  }
0xfd: {  	_ =	swait.ge [sflag:s8], $0x1400  }
0xfe: {  	[sflag:s8] =	ssyncset.done $0x0  }
0xff: {  	s19 =	simm.s32 $0x4DF0;
	[sflag:s8] =	ssyncadd.s32 $0xFFFFEC00  }
0x100: {  	[spmem:s2] =	stream.indirect.scatter.add.f32 [tilespmem:s0], [sflag:$0x7], $0x80, s19, s31, $0xb8;
	[tilespmem:$0x1EF00] =	vst v63  }
0x101: {  	_ =	swait.ge [sflag:s10], $0x1400  }
0x102: {  	[sflag:s10] =	ssyncset.done $0x0  }
0x103: {  	s25 =	simm.s32 $0x4E18;
	[sflag:s10] =	ssyncadd.s32 $0xFFFFEC00  }
0x104: {  	[spmem:s2] =	stream.indirect.scatter.add.f32 [tilespmem:s3], [sflag:$0x8], $0x80, s25, s31, $0xb8;
	[tilespmem:$0x1EF00] =	vst v63  }
0x105: {  	_ =	swait.ge [sflag:s12], $0x1400  }
0x106: {  	[sflag:s12] =	ssyncset.done $0x0  }
0x107: {  	s19 =	simm.s32 $0x4E40;
	[sflag:s12] =	ssyncadd.s32 $0xFFFFEC00  }
0x108: {  	[spmem:s2] =	stream.indirect.scatter.add.f32 [tilespmem:s1], [sflag:$0x9], $0x80, s19, s31, $0xb8;
	[tilespmem:$0x1EF00] =	vst v63  }
0x109: {  	_ =	swait.ge [sflag:s14], $0x1400  }
0x10a: {  	[sflag:s14] =	ssyncset.done $0x0  }
0x10b: {  	s25 =	simm.s32 $0x4E68;
	[sflag:s14] =	ssyncadd.s32 $0xFFFFEC00  }
0x10c: {  	[spmem:s2] =	stream.indirect.scatter.add.f32 [tilespmem:s7], [sflag:$0xA], $0x80, s25, s31, $0xb8;
	[tilespmem:$0x1EF00] =	vst v63  }
0x10d: {  	_ =	swait.ge [sflag:s9], $0x1400  }
0x10e: {  	[sflag:s9] =	ssyncset.done $0x0  }
0x10f: {  	[sflag:s9] =	ssyncadd.s32 $0xFFFFEC00  }
0x110: {  	_ =	swait.ge [sflag:s11], $0x1400  }
0x111: {  	[sflag:s11] =	ssyncset.done $0x0  }
0x112: {  	[sflag:s11] =	ssyncadd.s32 $0xFFFFEC00  }
0x113: {  	_ =	swait.ge [sflag:s13], $0x1400  }
0x114: {  	[sflag:s13] =	ssyncset.done $0x0  }
0x115: {  	[sflag:s13] =	ssyncadd.s32 $0xFFFFEC00  }
0x116: {  	_ =	swait.ge [sflag:s15], $0x1400  }
0x117: {  	[sflag:s15] =	ssyncset.done $0x0  }
0x118: {  	[sflag:s15] =	ssyncadd.s32 $0xFFFFEC00  }
0x119: {  	_ =	swait.ge [sflag:s16], $0x1400  }
0x11a: {  	[sflag:s16] =	ssyncset.done $0x0  }
0x11b: {  	s19 =	stileid.u32;
	[sflag:s16] =	ssyncadd.s32 $0xFFFFEC00  }
0x11c: {  	s18 =	sshll.u32 s19, $0x6;
	[bflag:$0x0] =	sbarrier.arrive $0xFFFF  }
0x11d: {  	s19 =	sshrl.u32 s5, $0x3;
	s18 =	sor.u32 $0x1C0B, s18;
	s25 =	rddreg [dreg:$0x6]  }
0x11e: {  	[hbm:s25], [sflag:s18] =	dma.local [spmem:s19], $0x2780  }
0x11f: {  	_ =	swait.ge [sflag:s28], $0x2780  }
0x120: {  	s17 =	sadd.s32 $0x1, s17;
	s25 =	rddreg [dreg:$0x7]  }
0x121: {  	p0 =	sne.s32 s17, s25  }
.Ltmp2:
0x122: {  	_ = 	snop;
	(pc) =	sbr.rel @p0 .LBB2_1-.Ltmp2, $3  }
0x123: {  	_ =	sdelay $0x1  }
0x124: {  	[sflag:s28] =	ssyncset.done $0x0  }
0x125: {  	[sflag:s28] =	ssyncadd.s32 $0xFFFFD880  }
0x126: {  	_ =	sfence.sel $0x180000  }
0x127: {  	[bflag:$0x0] =	sbarrier.arrive $0xFFFF  }
0x128: {  	_ =	strace $0x9000004D  }
0x129: {  	s0 =	stileid.u32;
	[bflag:$0x2] =	sbarrier.arrive $0xFFFF  }
0x12a: {  	p0 =	sne.s32 s0, $0x0;
	s0 =	rddreg [dreg:$0x2]  }
0x12b: {  	s0 =	sadd.s32 @!p0 $0x100000, s0  }
0x12c: {  	[sflag:s0] =	ssyncadd.tile.s32 @!p0 $0x1;
	_ =	shalt  }
.Lfunc_end2:
_tile_overlayer_lowered:
.L_overlay_start_2:
0x12d: {  	(tag) =	ssettag $0x2  }
0x12e: {  	s0 =	rddreg [dreg:$0x0];
	s2 =	stileid.u32  }
0x12f: {  	s1 =	rddreg [dreg:$0x1];
	p0 =	sne.s32 s2, $0x0  }
0x130: {  	s3 =	rddreg [dreg:$0x2];
	[bflag:$0x3] =	sbarrier.arrive $0xFFFF;
	s2 =	simm.s32 @!p0 $0x1C0B  }
0x131: {  	[timem:s3], [sflag:s2] =	dma.local @!p0 [hbm:s0], s1  }
0x132: {  	s0 =	simm.s32 @!p0 $0xB  }
0x133: {  	_ =	swait.ge @!p0 [sflag:s0], s1  }
0x134: {  	s1 =	ssub.s32 @!p0 $0x0, s1;
	[sflag:s0] =	ssyncset.done @!p0 $0x0  }
0x135: {  	[sflag:s0] =	ssyncadd.s32 @!p0 s1  }
0x136: {  	[bflag:$0x3] =	sbarrier.arrive $0xFFFF  }
0x137: {  	_ =	shalt  }

// kernel: kernel.19.cloned.1.call-start
scs
__scs_entry_jumppad:
0x0: {  	(pc) =	sbr.rel $0x88, $3  }
0x1: {  	(tag) =	ssettag $0x0;
	lr =	simm.s32 $0x1  }
0x2: {  	[smem:$0x3F93] =	sst lr;
	_ =	strace $0xD0000000  }
0x3: {  	_ = 	snop  }
0x4: {  	_ = 	snop  }
0x5: {  	_ = 	snop  }
0x6: {  	_ = 	snop  }
0x7: {  	_ = 	snop  }
__scs_overlays_trampoline_lowered:
0x8: {  	[smem:$0x3FA2] =	sst s0  }
0x9: {  	[smem:$0x3FA3] =	sst s1  }
0xa: {  	[smem:$0x3FA4] =	sst s2  }
0xb: {  	[smem:$0x3FA5] =	sst s3  }
0xc: {  	[smem:$0x3FA6] =	sst s4  }
0xd: {  	[smem:$0x3FA7] =	sst s5  }
0xe: {  	[smem:$0x3FA8] =	sst s6  }
0xf: {  	[smem:$0x3FA9] =	sst s7  }
0x10: {  	[smem:$0x3FAA] =	sst s8  }
0x11: {  	[smem:$0x3FAB] =	sst s9;
	s0 =	simm.s32 @!p0 $0x0  }
0x12: {  	s1 =	sld [smem:$0x3F91];
	s0 =	simm.s32 @p0 $0x1  }
0x13: {  	[smem:$0x3FAC] =	sst s0;
	s0 =	simm.s32 @!p1 $0x0  }
0x14: {  	s2 =	sld [smem:$0x3F90];
	s0 =	simm.s32 @p1 $0x1  }
0x15: {  	[smem:$0x3FAD] =	sst s0;
	s0 =	simm.s32 @!p2 $0x0  }
0x16: {  	s3 =	sld [smem:$0x3FDB];
	s0 =	simm.s32 @p2 $0x1  }
0x17: {  	s4 =	simm.s32 $0x1BF5;
	[smem:$0x3FAF] =	sst s0  }
0x18: {  	s0 =	sld [smem:$0x3F92];
	_ =	swait.ge [sflag:s4], $0x0  }
0x19: {  	s7 =	sld [smem:$0x3F93]  }
0x1a: {  	s8 =	sadd.s32 $0xFFFFE003, lr  }
0x1b: {  	s9 =	sadd.s32 $0xFFFFFEF7, lr;
	s5 =	simm.s32 $0xFFFFFFFF;
	p2 =	slt.u32 s8, $0xFFFFF086  }
0x1c: {  	p1 =	slt.u32 s9, $0xF7A;
	s5 =	simm.s32 @!p2 $0x0  }
0x1d: {  	s5 =	simm.s32 @p1 $0x1;
	p0 =	seq.s32 s7, s2  }
0x1e: {  	s7 =	smul.u32 @!p0 $0xF7A, s2;
	p2 =	seq.s32 @!p0 s5, $0x0  }
0x1f: {  	s9 =	smul.u32 $0xF7A, s1;
	s8 =	simm.s32 @!p0 $0x1BF5;
	p2 =	por !p2, p0  }
0x20: {  	[sflag:s8] =	ssyncset.s32 @!p0 $0xFFFFF086;
	s6 =	sadd.s32 @!p0 s3, s7;
	s7 =	simm.s32 @!p0 $0x108  }
0x21: {  	s3 =	sadd.s32 s3, s9;
	s6 =	sadd.s32 @!p0 $0x88, s6;
	s7 =	simm.s32 @p2 $0x1082  }
0x22: {  	[simem:s7], [sflag:s8] =	dma.local @!p0 [hbm:s6], $0xF7A  }
0x23: {  	s9 =	sor.u32 $0xD0000000, s2;
	s6 =	simm.s32 $0x108;
	_ =	swait.ge @!p0 [sflag:s8], $0x0  }
0x24: {  	s3 =	sadd.s32 $0x88, s3;
	s6 =	simm.s32 @!p1 $0x1082;
	[sflag:s4] =	ssyncset.s32 $0xFFFFF086  }
0x25: {  	[simem:s6], [sflag:s4] =	dma.local [hbm:s3], $0xF7A  }
0x26: {  	[smem:$0x3F93] =	sst s1;
	(tag) =	ssettag s2;
	_ =	strace s9  }
0x27: {  	s1 =	sld [smem:$0x3FA3]  }
0x28: {  	s2 =	sld [smem:$0x3FA4]  }
0x29: {  	s4 =	sld [smem:$0x3FA6]  }
0x2a: {  	p0 =	seq.s32 s5, $0x0;
	s5 =	sld [smem:$0x3FA7]  }
0x2b: {  	s6 =	sld [smem:$0x3FA8]  }
0x2c: {  	s7 =	sld [smem:$0x3FA9]  }
0x2d: {  	s3 =	simm.s32 $0x108;
	s8 =	sld [smem:$0x3FAA]  }
0x2e: {  	s3 =	simm.s32 @!p0 $0x1082;
	s9 =	sld [smem:$0x3FAB]  }
0x2f: {  	lr =	sadd.s32 s0, s3;
	s0 =	sld [smem:$0x3FA2]  }
0x30: {  	s3 =	sld [smem:$0x3FA5]  }
0x31: {  	[smem:$0x3FAE] =	sst s10  }
0x32: {  	s10 =	sld [smem:$0x3FAC];
	_ =	sdelay $0x3  }
0x33: {  	p0 =	seq.s32 s10, $0x1;
	s10 =	sld [smem:$0x3FAE];
	_ =	sdelay $0x3  }
0x34: {  	[smem:$0x3FAE] =	sst s10  }
0x35: {  	s10 =	sld [smem:$0x3FAD];
	_ =	sdelay $0x3  }
0x36: {  	p1 =	seq.s32 s10, $0x1;
	s10 =	sld [smem:$0x3FAE];
	_ =	sdelay $0x3  }
0x37: {  	[smem:$0x3FAE] =	sst s10  }
0x38: {  	s10 =	sld [smem:$0x3FAF]  }
0x39: {  	_ = 	snop;
	(pc) =	sbr.ind lr, $3  }
0x3a: {  	_ = 	snop  }
0x3b: {  	_ = 	snop  }
0x3c: {  	p2 =	seq.s32 s10, $0x1;
	s10 =	sld [smem:$0x3FAE]  }
0x3d: {  	_ =	shalt  }
0x3e: {  	_ =	shalt  }
0x3f: {  	_ =	shalt  }
0x40: {  	_ =	shalt  }
0x41: {  	_ =	shalt  }
0x42: {  	_ =	shalt  }
0x43: {  	_ =	shalt  }
0x44: {  	_ =	shalt  }
0x45: {  	_ =	shalt  }
0x46: {  	_ =	shalt  }
0x47: {  	_ =	shalt  }
0x48: {  	_ =	shalt  }
0x49: {  	_ =	shalt  }
0x4a: {  	_ =	shalt  }
0x4b: {  	_ =	shalt  }
0x4c: {  	_ =	shalt  }
0x4d: {  	_ =	shalt  }
0x4e: {  	_ =	shalt  }
0x4f: {  	_ =	shalt  }
0x50: {  	_ =	shalt  }
0x51: {  	_ =	shalt  }
0x52: {  	_ =	shalt  }
0x53: {  	_ =	shalt  }
0x54: {  	_ =	shalt  }
0x55: {  	_ =	shalt  }
0x56: {  	_ =	shalt  }
0x57: {  	_ =	shalt  }
0x58: {  	_ =	shalt  }
0x59: {  	_ =	shalt  }
0x5a: {  	_ =	shalt  }
0x5b: {  	_ =	shalt  }
0x5c: {  	_ =	shalt  }
0x5d: {  	_ =	shalt  }
0x5e: {  	_ =	shalt  }
0x5f: {  	_ =	shalt  }
0x60: {  	_ =	shalt  }
0x61: {  	_ =	shalt  }
0x62: {  	_ =	shalt  }
0x63: {  	_ =	shalt  }
0x64: {  	_ =	shalt  }
0x65: {  	_ =	shalt  }
0x66: {  	_ =	shalt  }
0x67: {  	_ =	shalt  }
0x68: {  	_ =	shalt  }
0x69: {  	_ =	shalt  }
0x6a: {  	_ =	shalt  }
0x6b: {  	_ =	shalt  }
0x6c: {  	_ =	shalt  }
0x6d: {  	_ =	shalt  }
0x6e: {  	_ =	shalt  }
0x6f: {  	_ =	shalt  }
0x70: {  	_ =	shalt  }
0x71: {  	_ =	shalt  }
0x72: {  	_ =	shalt  }
0x73: {  	_ =	shalt  }
0x74: {  	_ =	shalt  }
0x75: {  	_ =	shalt  }
0x76: {  	_ =	shalt  }
0x77: {  	_ =	shalt  }
0x78: {  	_ =	shalt  }
0x79: {  	_ =	shalt  }
0x7a: {  	_ =	shalt  }
0x7b: {  	_ =	shalt  }
0x7c: {  	_ =	shalt  }
0x7d: {  	_ =	shalt  }
0x7e: {  	_ =	shalt  }
0x7f: {  	_ =	shalt  }
0x80: {  	_ =	shalt  }
0x81: {  	_ =	shalt  }
0x82: {  	_ =	shalt  }
0x83: {  	_ =	shalt  }
0x84: {  	_ =	shalt  }
0x85: {  	_ =	shalt  }
0x86: {  	_ =	shalt  }
0x87: {  	_ =	shalt  }
.Lfunc_end0:
.L_simem_size_0:
called_computation.3_lowered:
.L_overlay_start_0:
0x88: {  	s2 =	sld [smem:$0x3FD9]  }
0x89: {  	s3 =	sld [smem:$0x3FFE];
	_ =	sdelay $0x1  }
0x8a: {  	s1 =	srdreg.scid  }
0x8b: {  	s0 =	sand.u32 $0x1, s1  }
0x8c: {  	s16 =	sshll.u32 s0, $0xA;
	s2 =	sadd.s32 s3, s2  }
0x8d: {  	s2 =	sadd.s32 s2, s16  }
0x8e: {  	[smem:$0x3FBA] =	sst s2  }
0x8f: {  	_ = 	snop  }
0x90: {  	(tm) =	ssettm $0x1  }
0x91: {  	s17 =	sld [smem:$0x3FFB];
	_ =	sdelay $0x3  }
0x92: {  	_ =	strace s17  }
0x93: {  	s2 =	sld [smem:$0x3FFC];
	_ =	sdelay $0x3  }
0x94: {  	_ =	strace s2  }
0x95: {  	s2 =	sld [smem:$0x3FFD];
	_ =	sdelay $0x3  }
0x96: {  	_ =	strace s2  }
0x97: {  	_ =	strace $0x8FFFFFFF  }
0x98: {  	s18 =	sld [smem:$0x3FDB];
	_ =	sdelay $0x1  }
0x99: {  	s19 =	simm.s32 $_scs_section_size  }
0x9a: {  	s4 =	simm.s32 $_size__tile_overlayer_lowered;
	s5 =	simm.s32 $_tile_overlayer_lowered  }
0x9b: {  	s22 =	simm.s32 $0x1BFF;
	s21 =	sshll.u32 s5, $0x1;
	s2 =	sadd.s32 s19, s18  }
0x9c: {  	s6 =	simm.s32 $0x0;
	s20 =	sshll.u32 s4, $0x1;
	s4 =	sadd.s32 s21, s2  }
0x9d: {  	[timem:s6], [sflag:s22] =	dma.local [hbm:s4], s20  }
0x9e: {  	_ =	swait.ge [sflag:s22], s20  }
0x9f: {  	s3 =	ssub.s32 $0x0, s20;
	[sflag:s22] =	ssyncset.done $0x0  }
0xa0: {  	[sflag:s22] =	ssyncadd.s32 s3;
	_ =	sdelay $0x1  }
0xa1: {  	s23 =	simm.s32 $0x1B8B  }
0xa2: {  	_ =	swait.ge [sflag:s23], $0x1  }
0xa3: {  	[sflag:s23] =	ssyncset.done $0x0  }
0xa4: {  	s25 =	simm.s32 $0x1B8E;
	s24 =	sld [smem:$0x3FFE];
	[sflag:s23] =	ssyncadd.s32 $0xFFFFFFFF  }
0xa5: {  	s26 =	simm.s32 $execute0_lowered;
	[smem:$0x3FD2] =	sst s25  }
0xa6: {  	s4 =	sshll.u32 s26, $0x1;
	_ =	strace $0x8000004F;
	[dreg:$0x1] =	wrdreg $0xFFFFFFFF  }
0xa7: {  	s28 =	simm.s32 $_size_execute0_lowered;
	s2 =	sadd.s32 s2, s4;
	[dreg:$0x0] =	wrdreg $0x0  }
0xa8: {  	s4 =	sshll.u32 s28, $0x1;
	[dreg:$0x2] =	wrdreg s2  }
0xa9: {  	[dreg:$0x3] =	wrdreg s4  }
0xaa: {  	[dreg:$0x4] =	wrdreg $0xC0  }
0xab: {  	_ =	task [dreg:s6], $0x5FFFF  }
0xac: {  	[dreg:$0x1] =	wrdreg $0xFFFFFFFF  }
0xad: {  	[dreg:$0x0] =	wrdreg $0x60  }
0xae: {  	[dreg:$0x2] =	wrdreg s24  }
0xaf: {  	[dreg:$0x3] =	wrdreg $0x4F000  }
0xb0: {  	[dreg:$0x4] =	wrdreg $0x9  }
0xb1: {  	_ =	task.clear_ibuf [dreg:s6], $0x5FFFF;
	_ =	strace $0x9000004F  }
0xb2: {  	s29 =	simm.s32 $0x9;
	_ =	strace $0x80000051  }
0xb3: {  	_ =	swait.ge [sflag:s29], $0x1  }
0xb4: {  	[sflag:s29] =	ssyncadd.s32 $0xFFFFFFFF  }
0xb5: {  	_ =	strace $0x90000051  }
0xb6: {  	_ =	sfence  }
0xb7: {  	s30 =	sld [smem:$0x0];
	_ =	sdelay $0x2  }
0xb8: {  	s31 =	sshll.u32 s1, $0xD;
	s1 =	sshrl.u32 s1, $0x2  }
0xb9: {  	s3 =	sand.u32 $0x4000, s31;
	s1 =	sadd.s32 s1, s30  }
0xba: {  	s0 =	sor.u32 s3, s0;
	s1 =	sshll.u32 s1, $0x11  }
0xbb: {  	s0 =	sor.u32 s1, s0  }
0xbc: {  	s0 =	sadd.s32 $0x8F2B, s0  }
0xbd: {  	[sflag:s0] =	ssyncadd.remote.s32 $0x1  }
0xbe: {  	_ =	sfence.sel $0xFFFF  }
0xbf: {  	[dreg:$0x0] =	wrdreg $0xFFFFFFFF;
	(pc) =	sbr.abs _section_cstart, $3  }
0xc0: {  	[dreg:$0x1] =	wrdreg $0xFFFFFFFF  }
0xc1: {  	_ =	task.clear_ibuf [dreg:s6], $0x2FFFF;
	_ =	strace $0x9FFFFFFF  }
0xc2: {  	(tm) =	ssettm $0x7FFFFFFF  }
0xc3: {  	_ =	shalt  }
tec
execute0_lowered:
.L_overlay_start_1:
0x0: {  	(tag) =	ssettag $0x1  }
0x1: {  	s0 =	rddreg [dreg:$0x0]  }
0x2: {  	s2 =	rddreg [dreg:$0x1];
	s6 =	simm.s32 $0x0;
	s1 =	srdreg.scid  }
0x3: {  	s7 =	stileid.u32;
	s28 =	simm.s32 $0xB;
	s29 =	simm.s32 $0x2780  }
0x4: {  	s30 =	simm.s32 $0x18B00;
	s1 =	sand.u32 $0x1, s1;
	s13 =	smul.u32 $0x13C00, s7  }
0x5: {  	s3 =	sshrl.u32 s7, $0x2;
	s4 =	sshll.u32 s7, $0x8;
	s7 =	smul.u32 $0x4F000, s7  }
0x6: {  	[smem:$0x7FF] =	sst s6;
	s3 =	smul.u32 $0x13C00, s3;
	s5 =	sshll.u32 s1, $0x7  }
0x7: {  	s4 =	sand.u32 $0x300, s4;
	s12 =	smul.u32 $0x13C000, s1;
	s1 =	ssub.s32 $0x2, s1  }
0x8: {  	_ =	strace $0x80000050;
	s4 =	sor.u32 s5, s4;
	s14 =	sshrl.u32 s1, $0x1  }
0x9: {  	s7 =	sshrl.u32 s7, $0x2;
	s3 =	sor.u32 s3, s4;
	s4 =	sadd.s32 $0x28200, s0  }
0xa: {  	s5 =	sadd.s32 s13, s12;
	s1 =	ssub.s32 s1, s14;
	s3 =	sshrl.u32 s3, $0x3  }
0xb: {  	s5 =	sshrl.u32 s5, $0x3;
	s17 =	smax.u32 s1, $0x1;
	s3 =	sadd.s32 s3, s0  }
0xc: {  	s0 =	sadd.s32 s5, s0;
	[dreg:$0x7] =	wrdreg s17;
	s15 =	sadd.s32 $0x1E400, s3  }
0xd: {  	s5 =	sadd.s32 s7, s2;
	s3 =	sadd.s32 $0x14600, s3;
	[dreg:$0x3] =	wrdreg s15  }
0xe: {  	s31 =	simm.s32 $0x28;
	s16 =	sadd.s32 $0x12C00, s5;
	[dreg:$0x4] =	wrdreg s3  }
0xf: {  	s8 =	simm.s32 $0x2;
	s0 =	sadd.s32 $0x4F400, s0;
	[dreg:$0x5] =	wrdreg s16  }
0x10: {  	s9 =	simm.s32 $0x6;
	s18 =	sadd.s32 $0x1400, s5;
	[dreg:$0x6] =	wrdreg s0  }
0x11: {  	s10 =	simm.s32 $0x3;
	s19 =	sadd.s32 $0x2800, s5;
	[dreg:$0x8] =	wrdreg s18  }
0x12: {  	s11 =	simm.s32 $0x7;
	s20 =	sadd.s32 $0x3C00, s5;
	[dreg:$0x9] =	wrdreg s19  }
0x13: {  	s6 =	simm.s32 $0x1;
	s21 =	sadd.s32 $0x5000, s5;
	[dreg:$0xa] =	wrdreg s20  }
0x14: {  	s12 =	simm.s32 $0x4;
	s22 =	sadd.s32 $0x6400, s5;
	[dreg:$0xb] =	wrdreg s21  }
0x15: {  	s13 =	simm.s32 $0x8;
	s23 =	sadd.s32 $0x7800, s5;
	[dreg:$0xc] =	wrdreg s22  }
0x16: {  	s14 =	simm.s32 $0x5;
	s24 =	sadd.s32 $0x8C00, s5;
	[dreg:$0xd] =	wrdreg s23  }
0x17: {  	s1 =	simm.s32 $0x1C700;
	s25 =	sadd.s32 $0xA000, s5;
	[dreg:$0xe] =	wrdreg s24  }
0x18: {  	s7 =	simm.s32 $0x1DB00;
	s26 =	sadd.s32 $0xB400, s5;
	[dreg:$0xf] =	wrdreg s25  }
0x19: {  	s17 =	simm.s32 $0x0;
	[dreg:$0x10] =	wrdreg s26;
	s20 =	sadd.s32 $0xC800, s5  }
0x1a: {  	s21 =	sadd.s32 $0xDC00, s5;
	s22 =	sadd.s32 $0xF000, s5;
	s23 =	sadd.s32 $0x10400, s5  }
0x1b: {  	s24 =	sadd.s32 $0x11800, s5;
	s26 =	simm.s32 $0x400;
	s0 =	simm.s32 $0x19F00  }
0x1c: {  	v0 =	vimm.f32 $0.0e+00;
	s3 =	simm.s32 $0x1B300;
	s15 =	simm.s32 $0x9;
	s16 =	simm.s32 $0xA  }
.LBB2_1:
0x1d: {  	s18 =	simm.s32 $0x0;
	s19 =	rddreg [dreg:$0x3];
	s25 =	simm.s32 $0x80  }
0x1e: {  	[tilespmem:s18], [sflag:$0xB] =	stream.strided.gather [hbm4b:s19+s25], $0x2780, s26, s25, $0x38;
	[tilespmem:$0x1EF00] =	vst v63  }
0x1f: {  	_ =	swait.ge [sflag:s28], $0x2780  }
0x20: {  	[sflag:s28] =	ssyncset.done $0x0  }
0x21: {  	s19 =	rddreg [dreg:$0x4];
	[sflag:s28] =	ssyncadd.s32 $0xFFFFD880  }
0x22: {  	[tilespmem:s29], [sflag:$0xB] =	stream.strided.gather [hbm4b:s19+s25], $0x2780, s26, s25, $0x38;
	[tilespmem:$0x1EF00] =	vst v63  }
0x23: {  	_ =	swait.ge [sflag:s28], $0x2780  }
0x24: {  	[sflag:s28] =	ssyncset.done $0x0  }
0x25: {  	s18 =	simm.s32 $0x0;
	s25 =	simm.s32 $0x200;
	[sflag:s28] =	ssyncadd.s32 $0xFFFFD880  }
.LBB2_2:
0x26: {  	p0 =	sne.s32 s25, $0x4E00;
	[tilespmem:s18+$0x18B70] =	vst v0  }
0x27: {  	[tilespmem:s18+$0x18B00] =	vst v0  }
0x28: {  	[tilespmem:s18+$0x18B10] =	vst v0  }
.Ltmp0:
0x29: {  	[tilespmem:s18+$0x18B20] =	vst v0;
	(pc) =	sbr.rel @p0 .LBB2_2-.Ltmp0, $4  }
0x2a: {  	[tilespmem:s18+$0x18B30] =	vst v0  }
0x2b: {  	[tilespmem:s18+$0x18B40] =	vst v0  }
0x2c: {  	[tilespmem:s18+$0x18B50] =	vst v0  }
0x2d: {  	[tilespmem:s18+$0x18B60] =	vst v0;
	s18 =	sshra.s32 s25, $0x2;
	s25 =	sadd.s32 $0x200, s25  }
0x2e: {  	[tilespmem:s18+$0x18B70] =	vst v0  }
0x2f: {  	[tilespmem:s18+$0x18B00] =	vst v0  }
0x30: {  	[tilespmem:s18+$0x18B10] =	vst v0  }
0x31: {  	[tilespmem:s18+$0x18B20] =	vst v0  }
0x32: {  	[tilespmem:s18+$0x18B30] =	vst v0  }
0x33: {  	[tilespmem:s18+$0x18B40] =	vst v0  }
0x34: {  	[tilespmem:s18+$0x18B50] =	vst v0  }
0x35: {  	[tilespmem:s18+$0x18B60] =	vst v0  }
0x36: {  	[spmem:s5] =	stream.linear.scatter [tilespmem:s30], [sflag:$0xB], $0x1400, $0x38;
	[tilespmem:$0x1EF00] =	vst v63  }
0x37: {  	_ =	swait.ge [sflag:s28], $0x1400  }
0x38: {  	[sflag:s28] =	ssyncset.done $0x0  }
0x39: {  	s25 =	rddreg [dreg:$0x8];
	[sflag:s28] =	ssyncadd.s32 $0xFFFFEC00  }
0x3a: {  	[spmem:s25] =	stream.linear.scatter [tilespmem:s30], [sflag:$0xB], $0x1400, $0x38;
	[tilespmem:$0x1EF00] =	vst v63  }
0x3b: {  	_ =	swait.ge [sflag:s28], $0x1400  }
0x3c: {  	[sflag:s28] =	ssyncset.done $0x0  }
0x3d: {  	s19 =	rddreg [dreg:$0x9];
	[sflag:s28] =	ssyncadd.s32 $0xFFFFEC00  }
0x3e: {  	[spmem:s19] =	stream.linear.scatter [tilespmem:s30], [sflag:$0xB], $0x1400, $0x38;
	[tilespmem:$0x1EF00] =	vst v63  }
0x3f: {  	_ =	swait.ge [sflag:s28], $0x1400  }
0x40: {  	[sflag:s28] =	ssyncset.done $0x0  }
0x41: {  	s25 =	rddreg [dreg:$0xa];
	[sflag:s28] =	ssyncadd.s32 $0xFFFFEC00  }
0x42: {  	[spmem:s25] =	stream.linear.scatter [tilespmem:s30], [sflag:$0xB], $0x1400, $0x38;
	[tilespmem:$0x1EF00] =	vst v63  }
0x43: {  	_ =	swait.ge [sflag:s28], $0x1400  }
0x44: {  	[sflag:s28] =	ssyncset.done $0x0  }
0x45: {  	s19 =	rddreg [dreg:$0xb];
	[sflag:s28] =	ssyncadd.s32 $0xFFFFEC00  }
0x46: {  	[spmem:s19] =	stream.linear.scatter [tilespmem:s30], [sflag:$0xB], $0x1400, $0x38;
	[tilespmem:$0x1EF00] =	vst v63  }
0x47: {  	_ =	swait.ge [sflag:s28], $0x1400  }
0x48: {  	[sflag:s28] =	ssyncset.done $0x0  }
0x49: {  	s25 =	rddreg [dreg:$0xc];
	[sflag:s28] =	ssyncadd.s32 $0xFFFFEC00  }
0x4a: {  	[spmem:s25] =	stream.linear.scatter [tilespmem:s30], [sflag:$0xB], $0x1400, $0x38;
	[tilespmem:$0x1EF00] =	vst v63  }
0x4b: {  	_ =	swait.ge [sflag:s28], $0x1400  }
0x4c: {  	[sflag:s28] =	ssyncset.done $0x0  }
0x4d: {  	s19 =	rddreg [dreg:$0xd];
	[sflag:s28] =	ssyncadd.s32 $0xFFFFEC00  }
0x4e: {  	[spmem:s19] =	stream.linear.scatter [tilespmem:s30], [sflag:$0xB], $0x1400, $0x38;
	[tilespmem:$0x1EF00] =	vst v63  }
0x4f: {  	_ =	swait.ge [sflag:s28], $0x1400  }
0x50: {  	[sflag:s28] =	ssyncset.done $0x0  }
0x51: {  	s25 =	rddreg [dreg:$0xe];
	[sflag:s28] =	ssyncadd.s32 $0xFFFFEC00  }
0x52: {  	[spmem:s25] =	stream.linear.scatter [tilespmem:s30], [sflag:$0xB], $0x1400, $0x38;
	[tilespmem:$0x1EF00] =	vst v63  }
0x53: {  	_ =	swait.ge [sflag:s28], $0x1400  }
0x54: {  	[sflag:s28] =	ssyncset.done $0x0  }
0x55: {  	s19 =	rddreg [dreg:$0xf];
	[sflag:s28] =	ssyncadd.s32 $0xFFFFEC00  }
0x56: {  	[spmem:s19] =	stream.linear.scatter [tilespmem:s30], [sflag:$0xB], $0x1400, $0x38;
	[tilespmem:$0x1EF00] =	vst v63  }
0x57: {  	_ =	swait.ge [sflag:s28], $0x1400  }
0x58: {  	[sflag:s28] =	ssyncset.done $0x0  }
0x59: {  	s25 =	rddreg [dreg:$0x10];
	[sflag:s28] =	ssyncadd.s32 $0xFFFFEC00  }
0x5a: {  	[spmem:s25] =	stream.linear.scatter [tilespmem:s30], [sflag:$0xB], $0x1400, $0x38;
	[tilespmem:$0x1EF00] =	vst v63  }
0x5b: {  	_ =	swait.ge [sflag:s28], $0x1400  }
0x5c: {  	[sflag:s28] =	ssyncset.done $0x0  }
0x5d: {  	[sflag:s28] =	ssyncadd.s32 $0xFFFFEC00  }
0x5e: {  	[spmem:s20] =	stream.linear.scatter [tilespmem:s30], [sflag:$0xB], $0x1400, $0x38;
	[tilespmem:$0x1EF00] =	vst v63  }
0x5f: {  	_ =	swait.ge [sflag:s28], $0x1400  }
0x60: {  	[sflag:s28] =	ssyncset.done $0x0  }
0x61: {  	[sflag:s28] =	ssyncadd.s32 $0xFFFFEC00  }
0x62: {  	[spmem:s21] =	stream.linear.scatter [tilespmem:s30], [sflag:$0xB], $0x1400, $0x38;
	[tilespmem:$0x1EF00] =	vst v63  }
0x63: {  	_ =	swait.ge [sflag:s28], $0x1400  }
0x64: {  	[sflag:s28] =	ssyncset.done $0x0  }
0x65: {  	[sflag:s28] =	ssyncadd.s32 $0xFFFFEC00  }
0x66: {  	[spmem:s22] =	stream.linear.scatter [tilespmem:s30], [sflag:$0xB], $0x1400, $0x38;
	[tilespmem:$0x1EF00] =	vst v63  }
0x67: {  	_ =	swait.ge [sflag:s28], $0x1400  }
0x68: {  	[sflag:s28] =	ssyncset.done $0x0  }
0x69: {  	[sflag:s28] =	ssyncadd.s32 $0xFFFFEC00  }
0x6a: {  	[spmem:s23] =	stream.linear.scatter [tilespmem:s30], [sflag:$0xB], $0x1400, $0x38;
	[tilespmem:$0x1EF00] =	vst v63  }
0x6b: {  	_ =	swait.ge [sflag:s28], $0x1400  }
0x6c: {  	[sflag:s28] =	ssyncset.done $0x0  }
0x6d: {  	[sflag:s28] =	ssyncadd.s32 $0xFFFFEC00  }
0x6e: {  	[spmem:s24] =	stream.linear.scatter [tilespmem:s30], [sflag:$0xB], $0x1400, $0x38;
	[tilespmem:$0x1EF00] =	vst v63  }
0x6f: {  	_ =	swait.ge [sflag:s28], $0x1400  }
0x70: {  	[sflag:s28] =	ssyncset.done $0x0  }
0x71: {  	s19 =	rddreg [dreg:$0x5];
	[sflag:s28] =	ssyncadd.s32 $0xFFFFEC00  }
0x72: {  	[spmem:s19] =	stream.linear.scatter [tilespmem:s30], [sflag:$0xB], $0x1000, $0x38;
	[tilespmem:$0x1EF00] =	vst v63  }
0x73: {  	_ =	swait.ge [sflag:s28], $0x1000  }
0x74: {  	[sflag:s28] =	ssyncset.done $0x0  }
0x75: {  	[sflag:s28] =	ssyncadd.s32 $0xFFFFF000  }
0x76: {  	s25 =	simm.s32 $0x0;
	[bflag:$0x0] =	sbarrier.arrive $0xFFFF  }
0x77: {  	[tilespmem:s30], [sflag:$0x1] =	stream.indirect.gather [hbm4b:s4+s31], $0x80, s25, s31, $0xb8;
	[tilespmem:$0x1EF00] =	vst v63  }
0x78: {  	_ = 	snop  }
0x79: {  	[tilespmem:s0], [sflag:$0x2] =	stream.indirect.gather [hbm4b:s4+s31], $0x80, s31, s31, $0xb8;
	[tilespmem:$0x1EF00] =	vst v63  }
0x7a: {  	s19 =	simm.s32 $0x50  }
0x7b: {  	[tilespmem:s3], [sflag:$0x3] =	stream.indirect.gather [hbm4b:s4+s31], $0x80, s19, s31, $0xb8;
	[tilespmem:$0x1EF00] =	vst v63  }
0x7c: {  	s25 =	simm.s32 $0x78  }
0x7d: {  	[tilespmem:s1], [sflag:$0x4] =	stream.indirect.gather [hbm4b:s4+s31], $0x80, s25, s31, $0xb8;
	[tilespmem:$0x1EF00] =	vst v63  }
0x7e: {  	_ =	swait.ge [sflag:s6], $0x1400  }
0x7f: {  	[sflag:s6] =	ssyncset.done $0x0  }
0x80: {  	[sflag:s6] =	ssyncadd.s32 $0xFFFFEC00  }
0x81: {  	[spmem:s2] =	stream.indirect.scatter.add.f32 [tilespmem:s30], [sflag:$0x6], $0x80, s29, s31, $0xb8;
	[tilespmem:$0x1EF00] =	vst v63  }
0x82: {  	s19 =	simm.s32 $0xA0  }
0x83: {  	[tilespmem:s7], [sflag:$0x5] =	stream.indirect.gather [hbm4b:s4+s31], $0x80, s19, s31, $0xb8;
	[tilespmem:$0x1EF00] =	vst v63  }
0x84: {  	_ =	swait.ge [sflag:s8], $0x1400  }
0x85: {  	[sflag:s8] =	ssyncset.done $0x0  }
0x86: {  	s25 =	simm.s32 $0x27A8;
	[sflag:s8] =	ssyncadd.s32 $0xFFFFEC00  }
0x87: {  	[spmem:s2] =	stream.indirect.scatter.add.f32 [tilespmem:s0], [sflag:$0x7], $0x80, s25, s31, $0xb8;
	[tilespmem:$0x1EF00] =	vst v63  }
0x88: {  	_ =	swait.ge [sflag:s9], $0x1400  }
0x89: {  	[sflag:s9] =	ssyncset.done $0x0  }
0x8a: {  	s19 =	simm.s32 $0xC8;
	[sflag:s9] =	ssyncadd.s32 $0xFFFFEC00  }
0x8b: {  	[tilespmem:s30], [sflag:$0x1] =	stream.indirect.gather [hbm4b:s4+s31], $0x80, s19, s31, $0xb8;
	[tilespmem:$0x1EF00] =	vst v63  }
0x8c: {  	_ =	swait.ge [sflag:s10], $0x1400  }
0x8d: {  	[sflag:s10] =	ssyncset.done $0x0  }
0x8e: {  	s25 =	simm.s32 $0x27D0;
	[sflag:s10] =	ssyncadd.s32 $0xFFFFEC00  }
0x8f: {  	[spmem:s2] =	stream.indirect.scatter.add.f32 [tilespmem:s3], [sflag:$0x8], $0x80, s25, s31, $0xb8;
	[tilespmem:$0x1EF00] =	vst v63  }
0x90: {  	_ =	swait.ge [sflag:s11], $0x1400  }
0x91: {  	[sflag:s11] =	ssyncset.done $0x0  }
0x92: {  	s19 =	simm.s32 $0xF0;
	[sflag:s11] =	ssyncadd.s32 $0xFFFFEC00  }
0x93: {  	[tilespmem:s0], [sflag:$0x2] =	stream.indirect.gather [hbm4b:s4+s31], $0x80, s19, s31, $0xb8;
	[tilespmem:$0x1EF00] =	vst v63  }
0x94: {  	_ =	swait.ge [sflag:s12], $0x1400  }
0x95: {  	[sflag:s12] =	ssyncset.done $0x0  }
0x96: {  	s25 =	simm.s32 $0x27F8;
	[sflag:s12] =	ssyncadd.s32 $0xFFFFEC00  }
0x97: {  	[spmem:s2] =	stream.indirect.scatter.add.f32 [tilespmem:s1], [sflag:$0x9], $0x80, s25, s31, $0xb8;
	[tilespmem:$0x1EF00] =	vst v63  }
0x98: {  	_ =	swait.ge [sflag:s13], $0x1400  }
0x99: {  	[sflag:s13] =	ssyncset.done $0x0  }
0x9a: {  	s19 =	simm.s32 $0x118;
	[sflag:s13] =	ssyncadd.s32 $0xFFFFEC00  }
0x9b: {  	[tilespmem:s3], [sflag:$0x3] =	stream.indirect.gather [hbm4b:s4+s31], $0x80, s19, s31, $0xb8;
	[tilespmem:$0x1EF00] =	vst v63  }
0x9c: {  	_ =	swait.ge [sflag:s14], $0x1400  }
0x9d: {  	[sflag:s14] =	ssyncset.done $0x0  }
0x9e: {  	s25 =	simm.s32 $0x2820;
	[sflag:s14] =	ssyncadd.s32 $0xFFFFEC00  }
0x9f: {  	[spmem:s2] =	stream.indirect.scatter.add.f32 [tilespmem:s7], [sflag:$0xA], $0x80, s25, s31, $0xb8;
	[tilespmem:$0x1EF00] =	vst v63  }
0xa0: {  	_ =	swait.ge [sflag:s15], $0x1400  }
0xa1: {  	[sflag:s15] =	ssyncset.done $0x0  }
0xa2: {  	s19 =	simm.s32 $0x140;
	[sflag:s15] =	ssyncadd.s32 $0xFFFFEC00  }
0xa3: {  	[tilespmem:s1], [sflag:$0x4] =	stream.indirect.gather [hbm4b:s4+s31], $0x80, s19, s31, $0xb8;
	[tilespmem:$0x1EF00] =	vst v63  }
0xa4: {  	_ =	swait.ge [sflag:s6], $0x1400  }
0xa5: {  	[sflag:s6] =	ssyncset.done $0x0  }
0xa6: {  	s25 =	simm.s32 $0x2848;
	[sflag:s6] =	ssyncadd.s32 $0xFFFFEC00  }
0xa7: {  	[spmem:s2] =	stream.indirect.scatter.add.f32 [tilespmem:s30], [sflag:$0x6], $0x80, s25, s31, $0xb8;
	[tilespmem:$0x1EF00] =	vst v63  }
0xa8: {  	_ =	swait.ge [sflag:s16], $0x1400  }
0xa9: {  	[sflag:s16] =	ssyncset.done $0x0  }
0xaa: {  	s19 =	simm.s32 $0x168;
	[sflag:s16] =	ssyncadd.s32 $0xFFFFEC00  }
0xab: {  	[tilespmem:s7], [sflag:$0x5] =	stream.indirect.gather [hbm4b:s4+s31], $0x80, s19, s31, $0xb8;
	[tilespmem:$0x1EF00] =	vst v63  }
0xac: {  	_ =	swait.ge [sflag:s8], $0x1400  }
0xad: {  	[sflag:s8] =	ssyncset.done $0x0  }
0xae: {  	s25 =	simm.s32 $0x2870;
	[sflag:s8] =	ssyncadd.s32 $0xFFFFEC00  }
0xaf: {  	[spmem:s2] =	stream.indirect.scatter.add.f32 [tilespmem:s0], [sflag:$0x7], $0x80, s25, s31, $0xb8;
	[tilespmem:$0x1EF00] =	vst v63  }
0xb0: {  	_ =	swait.ge [sflag:s9], $0x1400  }
0xb1: {  	[sflag:s9] =	ssyncset.done $0x0  }
0xb2: {  	s19 =	simm.s32 $0x190;
	[sflag:s9] =	ssyncadd.s32 $0xFFFFEC00  }
0xb3: {  	[tilespmem:s30], [sflag:$0x1] =	stream.indirect.gather [hbm4b:s4+s31], $0x80, s19, s31, $0xb8;
	[tilespmem:$0x1EF00] =	vst v63  }
0xb4: {  	_ =	swait.ge [sflag:s10], $0x1400  }
0xb5: {  	[sflag:s10] =	ssyncset.done $0x0  }
0xb6: {  	s25 =	simm.s32 $0x2898;
	[sflag:s10] =	ssyncadd.s32 $0xFFFFEC00  }
0xb7: {  	[spmem:s2] =	stream.indirect.scatter.add.f32 [tilespmem:s3], [sflag:$0x8], $0x80, s25, s31, $0xb8;
	[tilespmem:$0x1EF00] =	vst v63  }
0xb8: {  	_ =	swait.ge [sflag:s11], $0x1400  }
0xb9: {  	[sflag:s11] =	ssyncset.done $0x0  }
0xba: {  	s19 =	simm.s32 $0x1B8;
	[sflag:s11] =	ssyncadd.s32 $0xFFFFEC00  }
0xbb: {  	[tilespmem:s0], [sflag:$0x2] =	stream.indirect.gather [hbm4b:s4+s31], $0x80, s19, s31, $0xb8;
	[tilespmem:$0x1EF00] =	vst v63  }
0xbc: {  	_ =	swait.ge [sflag:s12], $0x1400  }
0xbd: {  	[sflag:s12] =	ssyncset.done $0x0  }
0xbe: {  	s25 =	simm.s32 $0x28C0;
	[sflag:s12] =	ssyncadd.s32 $0xFFFFEC00  }
0xbf: {  	[spmem:s2] =	stream.indirect.scatter.add.f32 [tilespmem:s1], [sflag:$0x9], $0x80, s25, s31, $0xb8;
	[tilespmem:$0x1EF00] =	vst v63  }
0xc0: {  	_ =	swait.ge [sflag:s13], $0x1400  }
0xc1: {  	[sflag:s13] =	ssyncset.done $0x0  }
0xc2: {  	s19 =	simm.s32 $0x1E0;
	[sflag:s13] =	ssyncadd.s32 $0xFFFFEC00  }
0xc3: {  	[tilespmem:s3], [sflag:$0x3] =	stream.indirect.gather [hbm4b:s4+s31], $0x80, s19, s31, $0xb8;
	[tilespmem:$0x1EF00] =	vst v63  }
0xc4: {  	_ =	swait.ge [sflag:s14], $0x1400  }
0xc5: {  	[sflag:s14] =	ssyncset.done $0x0  }
0xc6: {  	s25 =	simm.s32 $0x28E8;
	[sflag:s14] =	ssyncadd.s32 $0xFFFFEC00  }
0xc7: {  	[spmem:s2] =	stream.indirect.scatter.add.f32 [tilespmem:s7], [sflag:$0xA], $0x80, s25, s31, $0xb8;
	[tilespmem:$0x1EF00] =	vst v63  }
0xc8: {  	_ =	swait.ge [sflag:s15], $0x1400  }
0xc9: {  	[sflag:s15] =	ssyncset.done $0x0  }
0xca: {  	s18 =	simm.s32 $0x320;
	s25 =	simm.s32 $0x208;
	[sflag:s15] =	ssyncadd.s32 $0xFFFFEC00  }
.LBB2_4:
0xcb: {  	[tilespmem:s1], [sflag:$0x4] =	stream.indirect.gather [hbm4b:s4+s31], $0x80, s25, s31, $0xb8;
	[tilespmem:$0x1EF00] =	vst v63  }
0xcc: {  	s25 =	smov.u32 s18  }
0xcd: {  	p0 =	sne.s32 s18, $0x92E0;
	s18 =	sadd.s32 $0x320, s18;
	_ =	swait.ge [sflag:s6], $0x1400  }
0xce: {  	s25 =	sshra.s32 s25, $0x2;
	[sflag:s6] =	ssyncset.done $0x0  }
0xcf: {  	s19 =	sadd.s32 $0x2848, s25;
	[sflag:s6] =	ssyncadd.s32 $0xFFFFEC00  }
0xd0: {  	[spmem:s2] =	stream.indirect.scatter.add.f32 [tilespmem:s30], [sflag:$0x6], $0x80, s19, s31, $0xb8;
	[tilespmem:$0x1EF00] =	vst v63  }
0xd1: {  	_ =	swait.ge [sflag:s16], $0x1400  }
0xd2: {  	[sflag:s16] =	ssyncset.done $0x0  }
0xd3: {  	s19 =	sadd.s32 $0x168, s25;
	[sflag:s16] =	ssyncadd.s32 $0xFFFFEC00  }
0xd4: {  	[tilespmem:s7], [sflag:$0x5] =	stream.indirect.gather [hbm4b:s4+s31], $0x80, s19, s31, $0xb8;
	[tilespmem:$0x1EF00] =	vst v63  }
0xd5: {  	_ =	swait.ge [sflag:s8], $0x1400  }
0xd6: {  	[sflag:s8] =	ssyncset.done $0x0  }
0xd7: {  	s19 =	sadd.s32 $0x2870, s25;
	[sflag:s8] =	ssyncadd.s32 $0xFFFFEC00  }
0xd8: {  	[spmem:s2] =	stream.indirect.scatter.add.f32 [tilespmem:s0], [sflag:$0x7], $0x80, s19, s31, $0xb8;
	[tilespmem:$0x1EF00] =	vst v63  }
0xd9: {  	_ =	swait.ge [sflag:s9], $0x1400  }
0xda: {  	[sflag:s9] =	ssyncset.done $0x0  }
0xdb: {  	s19 =	sadd.s32 $0x190, s25;
	[sflag:s9] =	ssyncadd.s32 $0xFFFFEC00  }
0xdc: {  	[tilespmem:s30], [sflag:$0x1] =	stream.indirect.gather [hbm4b:s4+s31], $0x80, s19, s31, $0xb8;
	[tilespmem:$0x1EF00] =	vst v63  }
0xdd: {  	_ =	swait.ge [sflag:s10], $0x1400  }
0xde: {  	[sflag:s10] =	ssyncset.done $0x0  }
0xdf: {  	s19 =	sadd.s32 $0x2898, s25;
	[sflag:s10] =	ssyncadd.s32 $0xFFFFEC00  }
0xe0: {  	[spmem:s2] =	stream.indirect.scatter.add.f32 [tilespmem:s3], [sflag:$0x8], $0x80, s19, s31, $0xb8;
	[tilespmem:$0x1EF00] =	vst v63  }
0xe1: {  	_ =	swait.ge [sflag:s11], $0x1400  }
0xe2: {  	[sflag:s11] =	ssyncset.done $0x0  }
0xe3: {  	s19 =	sadd.s32 $0x1B8, s25;
	[sflag:s11] =	ssyncadd.s32 $0xFFFFEC00  }
0xe4: {  	[tilespmem:s0], [sflag:$0x2] =	stream.indirect.gather [hbm4b:s4+s31], $0x80, s19, s31, $0xb8;
	[tilespmem:$0x1EF00] =	vst v63  }
0xe5: {  	_ =	swait.ge [sflag:s12], $0x1400  }
0xe6: {  	[sflag:s12] =	ssyncset.done $0x0  }
0xe7: {  	s19 =	sadd.s32 $0x28C0, s25;
	[sflag:s12] =	ssyncadd.s32 $0xFFFFEC00  }
0xe8: {  	[spmem:s2] =	stream.indirect.scatter.add.f32 [tilespmem:s1], [sflag:$0x9], $0x80, s19, s31, $0xb8;
	[tilespmem:$0x1EF00] =	vst v63  }
0xe9: {  	_ =	swait.ge [sflag:s13], $0x1400  }
0xea: {  	[sflag:s13] =	ssyncset.done $0x0  }
0xeb: {  	s19 =	sadd.s32 $0x1E0, s25;
	[sflag:s13] =	ssyncadd.s32 $0xFFFFEC00  }
0xec: {  	[tilespmem:s3], [sflag:$0x3] =	stream.indirect.gather [hbm4b:s4+s31], $0x80, s19, s31, $0xb8;
	[tilespmem:$0x1EF00] =	vst v63  }
0xed: {  	_ =	swait.ge [sflag:s14], $0x1400  }
0xee: {  	[sflag:s14] =	ssyncset.done $0x0  }
.Ltmp1:
0xef: {  	s19 =	sadd.s32 $0x28E8, s25;
	[sflag:s14] =	ssyncadd.s32 $0xFFFFEC00;
	(pc) =	sbr.rel @p0 .LBB2_4-.Ltmp1, $4  }
0xf0: {  	[spmem:s2] =	stream.indirect.scatter.add.f32 [tilespmem:s7], [sflag:$0xA], $0x80, s19, s31, $0xb8;
	[tilespmem:$0x1EF00] =	vst v63  }
0xf1: {  	_ =	swait.ge [sflag:s15], $0x1400  }
0xf2: {  	[sflag:s15] =	ssyncset.done $0x0  }
0xf3: {  	s25 =	sadd.s32 $0x208, s25;
	[sflag:s15] =	ssyncadd.s32 $0xFFFFEC00  }
0xf4: {  	[tilespmem:s1], [sflag:$0x4] =	stream.indirect.gather [hbm4b:s4+s31], $0x80, s25, s31, $0xb8;
	[tilespmem:$0x1EF00] =	vst v63  }
0xf5: {  	_ =	swait.ge [sflag:s6], $0x1400  }
0xf6: {  	[sflag:s6] =	ssyncset.done $0x0  }
0xf7: {  	s18 =	simm.s32 $0x4DC8;
	[sflag:s6] =	ssyncadd.s32 $0xFFFFEC00  }
0xf8: {  	[spmem:s2] =	stream.indirect.scatter.add.f32 [tilespmem:s30], [sflag:$0x6], $0x80, s18, s31, $0xb8;
	[tilespmem:$0x1EF00] =	vst v63  }
0xf9: {  	_ =	swait.ge [sflag:s16], $0x1400  }
0xfa: {  	[sflag:s16] =	ssyncset.done $0x0  }
0xfb: {  	s25 =	simm.s32 $0x26E8;
	[sflag:s16] =	ssyncadd.s32 $0xFFFFEC00  }
0xfc: {  	[tilespmem:s7], [sflag:$0x5] =	stream.indirect.gather [hbm4b:s4+s31], $0x80, s25, s31, $0xb8;
	[tilespmem:$0x1EF00] =	vst v63  }
0xfd: {  	_ =	swait.ge [sflag:s8], $0x1400  }
0xfe: {  	[sflag:s8] =	ssyncset.done $0x0  }
0xff: {  	s19 =	simm.s32 $0x4DF0;
	[sflag:s8] =	ssyncadd.s32 $0xFFFFEC00  }
0x100: {  	[spmem:s2] =	stream.indirect.scatter.add.f32 [tilespmem:s0], [sflag:$0x7], $0x80, s19, s31, $0xb8;
	[tilespmem:$0x1EF00] =	vst v63  }
0x101: {  	_ =	swait.ge [sflag:s10], $0x1400  }
0x102: {  	[sflag:s10] =	ssyncset.done $0x0  }
0x103: {  	s25 =	simm.s32 $0x4E18;
	[sflag:s10] =	ssyncadd.s32 $0xFFFFEC00  }
0x104: {  	[spmem:s2] =	stream.indirect.scatter.add.f32 [tilespmem:s3], [sflag:$0x8], $0x80, s25, s31, $0xb8;
	[tilespmem:$0x1EF00] =	vst v63  }
0x105: {  	_ =	swait.ge [sflag:s12], $0x1400  }
0x106: {  	[sflag:s12] =	ssyncset.done $0x0  }
0x107: {  	s19 =	simm.s32 $0x4E40;
	[sflag:s12] =	ssyncadd.s32 $0xFFFFEC00  }
0x108: {  	[spmem:s2] =	stream.indirect.scatter.add.f32 [tilespmem:s1], [sflag:$0x9], $0x80, s19, s31, $0xb8;
	[tilespmem:$0x1EF00] =	vst v63  }
0x109: {  	_ =	swait.ge [sflag:s14], $0x1400  }
0x10a: {  	[sflag:s14] =	ssyncset.done $0x0  }
0x10b: {  	s25 =	simm.s32 $0x4E68;
	[sflag:s14] =	ssyncadd.s32 $0xFFFFEC00  }
0x10c: {  	[spmem:s2] =	stream.indirect.scatter.add.f32 [tilespmem:s7], [sflag:$0xA], $0x80, s25, s31, $0xb8;
	[tilespmem:$0x1EF00] =	vst v63  }
0x10d: {  	_ =	swait.ge [sflag:s9], $0x1400  }
0x10e: {  	[sflag:s9] =	ssyncset.done $0x0  }
0x10f: {  	[sflag:s9] =	ssyncadd.s32 $0xFFFFEC00  }
0x110: {  	_ =	swait.ge [sflag:s11], $0x1400  }
0x111: {  	[sflag:s11] =	ssyncset.done $0x0  }
0x112: {  	[sflag:s11] =	ssyncadd.s32 $0xFFFFEC00  }
0x113: {  	_ =	swait.ge [sflag:s13], $0x1400  }
0x114: {  	[sflag:s13] =	ssyncset.done $0x0  }
0x115: {  	[sflag:s13] =	ssyncadd.s32 $0xFFFFEC00  }
0x116: {  	_ =	swait.ge [sflag:s15], $0x1400  }
0x117: {  	[sflag:s15] =	ssyncset.done $0x0  }
0x118: {  	[sflag:s15] =	ssyncadd.s32 $0xFFFFEC00  }
0x119: {  	_ =	swait.ge [sflag:s16], $0x1400  }
0x11a: {  	[sflag:s16] =	ssyncset.done $0x0  }
0x11b: {  	s19 =	stileid.u32;
	[sflag:s16] =	ssyncadd.s32 $0xFFFFEC00  }
0x11c: {  	s18 =	sshll.u32 s19, $0x6;
	[bflag:$0x0] =	sbarrier.arrive $0xFFFF  }
0x11d: {  	s19 =	sshrl.u32 s5, $0x3;
	s18 =	sor.u32 $0x1C0B, s18;
	s25 =	rddreg [dreg:$0x6]  }
0x11e: {  	[hbm:s25], [sflag:s18] =	dma.local [spmem:s19], $0x2780  }
0x11f: {  	_ =	swait.ge [sflag:s28], $0x2780  }
0x120: {  	s17 =	sadd.s32 $0x1, s17;
	s25 =	rddreg [dreg:$0x7]  }
0x121: {  	p0 =	sne.s32 s17, s25  }
.Ltmp2:
0x122: {  	_ = 	snop;
	(pc) =	sbr.rel @p0 .LBB2_1-.Ltmp2, $3  }
0x123: {  	_ =	sdelay $0x1  }
0x124: {  	[sflag:s28] =	ssyncset.done $0x0  }
0x125: {  	[sflag:s28] =	ssyncadd.s32 $0xFFFFD880  }
0x126: {  	_ =	sfence.sel $0x180000  }
0x127: {  	[bflag:$0x0] =	sbarrier.arrive $0xFFFF  }
0x128: {  	_ =	strace $0x90000050  }
0x129: {  	s0 =	stileid.u32;
	[bflag:$0x2] =	sbarrier.arrive $0xFFFF  }
0x12a: {  	p0 =	sne.s32 s0, $0x0;
	s0 =	rddreg [dreg:$0x2]  }
0x12b: {  	s0 =	sadd.s32 @!p0 $0x100000, s0  }
0x12c: {  	[sflag:s0] =	ssyncadd.tile.s32 @!p0 $0x1;
	_ =	shalt  }
.Lfunc_end2:
_tile_overlayer_lowered:
.L_overlay_start_2:
0x12d: {  	(tag) =	ssettag $0x2  }
0x12e: {  	s0 =	rddreg [dreg:$0x0];
	s2 =	stileid.u32  }
0x12f: {  	s1 =	rddreg [dreg:$0x1];
	p0 =	sne.s32 s2, $0x0  }
0x130: {  	s3 =	rddreg [dreg:$0x2];
	[bflag:$0x3] =	sbarrier.arrive $0xFFFF;
	s2 =	simm.s32 @!p0 $0x1C0B  }
0x131: {  	[timem:s3], [sflag:s2] =	dma.local @!p0 [hbm:s0], s1  }
0x132: {  	s0 =	simm.s32 @!p0 $0xB  }
0x133: {  	_ =	swait.ge @!p0 [sflag:s0], s1  }
0x134: {  	s1 =	ssub.s32 @!p0 $0x0, s1;
	[sflag:s0] =	ssyncset.done @!p0 $0x0  }
0x135: {  	[sflag:s0] =	ssyncadd.s32 @!p0 s1  }
0x136: {  	[bflag:$0x3] =	sbarrier.arrive $0xFFFF  }
0x137: {  	_ =	shalt  }

</sc_bundles>
